<compile_context>
chip_gen: v7x
topology: tpu7x:2x2x1
jax: 0.10.2.dev20260603
libtpu: 0.0.44.dev20260713+nightly
codegen_flags: <defaults>
</compile_context>

<pallas_src>
import functools

import jax
import jax.numpy as jnp
from jax import lax
from jax.experimental import pallas as pl
from jax.experimental.pallas import tpu as pltpu
from jax.experimental.pallas import tpu_sc as plsc

N = 10000
D = 128
E = 320000
NC = 2
NS = 16
NT = NC * NS
EPT = E // NT
CHUNK = 125
NCHUNK = 80
HALF = NCHUNK // 2
NP = N
RPT = NP // NS
PADN = 640 * NS

_mesh = plsc.VectorSubcoreMesh(core_axis_name="c", subcore_axis_name="s")


def _deg_body(col3, row3, eq3, ones_h, zer_h,
              degp, selfp, degq, selfq,
              colbuf, rowbuf, onesb, eqbuf, zb, deg_s, self_s, dsem):
    cc = lax.axis_index("c")
    ss = lax.axis_index("s")
    tile = cc * NS + ss
    pltpu.sync_copy(zer_h, zb)
    pltpu.sync_copy(ones_h, onesb)
    pltpu.sync_copy(zb, deg_s.at[pl.ds(ss * 640, 640)])
    pltpu.sync_copy(zb, self_s.at[pl.ds(ss * 640, 640)])
    pltpu.sync_copy(col3.at[tile], colbuf)
    pltpu.sync_copy(row3.at[tile], rowbuf)
    pltpu.sync_copy(eq3.at[tile], eqbuf)
    plsc.subcore_barrier()

    GRP = 8

    def body(g, _):
        for i in range(GRP):
            j = g * GRP + i
            pltpu.async_copy(onesb, deg_s.at[colbuf.at[j]], dsem, add=True)
            pltpu.async_copy(eqbuf.at[j], self_s.at[rowbuf.at[j]], dsem,
                             add=True)
        for i in range(GRP):
            pltpu.make_async_copy(onesb, deg_s.at[colbuf.at[0]], dsem).wait()
            pltpu.make_async_copy(eqbuf.at[0], self_s.at[rowbuf.at[0]],
                                  dsem).wait()
        return _

    lax.fori_loop(0, NCHUNK // GRP, body, None)
    plsc.subcore_barrier()

    @pl.when(cc == 0)
    def _():
        pltpu.sync_copy(deg_s.at[pl.ds(ss * 640, 640)],
                        degp.at[pl.ds(ss * 640, 640)])
        pltpu.sync_copy(self_s.at[pl.ds(ss * 640, 640)],
                        selfp.at[pl.ds(ss * 640, 640)])

    @pl.when(cc == 1)
    def _():
        pltpu.sync_copy(deg_s.at[pl.ds(ss * 640, 640)],
                        degq.at[pl.ds(ss * 640, 640)])
        pltpu.sync_copy(self_s.at[pl.ds(ss * 640, 640)],
                        selfq.at[pl.ds(ss * 640, 640)])


_deg_kernel = pl.kernel(
    _deg_body,
    out_type=(jax.ShapeDtypeStruct((PADN,), jnp.float32),
              jax.ShapeDtypeStruct((PADN,), jnp.float32),
              jax.ShapeDtypeStruct((PADN,), jnp.float32),
              jax.ShapeDtypeStruct((PADN,), jnp.float32)),
    mesh=_mesh,
    scratch_types=[
        pltpu.VMEM((NCHUNK, CHUNK), jnp.int32),
        pltpu.VMEM((NCHUNK, CHUNK), jnp.int32),
        pltpu.VMEM((CHUNK,), jnp.float32),
        pltpu.VMEM((NCHUNK, CHUNK), jnp.float32),
        pltpu.VMEM((640,), jnp.float32),
        pltpu.VMEM_SHARED((PADN,), jnp.float32),
        pltpu.VMEM_SHARED((PADN,), jnp.float32),
        pltpu.SemaphoreType.DMA,
    ],
)


def _spmm_body(xp, col3, row3, zrows,
               tp,
               colbuf, rowbuf, bufa, bufb, ys, gsa, gsb, ssa, ssb):
    cc = lax.axis_index("c")
    ss = lax.axis_index("s")
    tile = cc * NS + ss
    pltpu.sync_copy(zrows, bufa)
    base = ss * RPT
    for i in range(RPT // CHUNK):
        pltpu.async_copy(bufa, ys.at[pl.ds(base + i * CHUNK, CHUNK)], gsa)
    for i in range(RPT // CHUNK):
        pltpu.make_async_copy(bufa, ys.at[pl.ds(base, CHUNK)], gsa).wait()
    plsc.subcore_barrier()

    def wait_gather(buf, sem):
        pltpu.make_async_copy(xp.at[colbuf.at[0]], buf, sem).wait()

    def wait_scatter(buf, sem):
        pltpu.make_async_copy(buf, ys.at[rowbuf.at[0]], sem).wait()

    for p in range(NCHUNK // HALF):
        pltpu.sync_copy(col3.at[tile, pl.ds(p * HALF, HALF)], colbuf)
        pltpu.sync_copy(row3.at[tile, pl.ds(p * HALF, HALF)], rowbuf)
        pltpu.async_copy(xp.at[colbuf.at[0]], bufa, gsa)

        def body(k, _):
            ja = 2 * k
            jb = 2 * k + 1

            @pl.when(k > 0)
            def _():
                wait_scatter(bufb, ssb)

            wait_gather(bufa, gsa)
            pltpu.async_copy(xp.at[colbuf.at[jb]], bufb, gsb)
            pltpu.async_copy(bufa, ys.at[rowbuf.at[ja]], ssa, add=True)

            @pl.when(k < HALF // 2 - 1)
            def _():
                wait_scatter(bufa, ssa)
                pltpu.async_copy(xp.at[colbuf.at[ja + 2]], bufa, gsa)

            wait_gather(bufb, gsb)
            pltpu.async_copy(bufb, ys.at[rowbuf.at[jb]], ssb, add=True)
            return _

        lax.fori_loop(0, HALF // 2, body, None)
        wait_scatter(bufa, ssa)
        wait_scatter(bufb, ssb)

    plsc.subcore_barrier()
    pltpu.sync_copy(ys.at[pl.ds(base, RPT)], tp.at[cc, ss])


_spmm_kernel = pl.kernel(
    _spmm_body,
    out_type=jax.ShapeDtypeStruct((NC, NS, RPT, D), jnp.float32),
    mesh=_mesh,
    scratch_types=[
        pltpu.VMEM((HALF, CHUNK), jnp.int32),
        pltpu.VMEM((HALF, CHUNK), jnp.int32),
        pltpu.VMEM((CHUNK, D), jnp.float32),
        pltpu.VMEM((CHUNK, D), jnp.float32),
        pltpu.VMEM_SHARED((NP, D), jnp.float32),
        pltpu.SemaphoreType.DMA,
        pltpu.SemaphoreType.DMA,
        pltpu.SemaphoreType.DMA,
        pltpu.SemaphoreType.DMA,
    ],
)


BR = 1000


def _dense_body(x_ref, t_ref, c_ref, d_ref, phi_ref, w_ref, b_ref,
                out_ref, outp_ref, *, relu):
    t = t_ref[0] + t_ref[1]
    phi = phi_ref[...]
    u = x_ref[...] * (1.0 - c_ref[...] * phi) + t * (d_ref[...] * phi)
    h = jnp.dot(u, w_ref[...], preferred_element_type=jnp.float32) + b_ref[...]
    if relu:
        h = jnp.maximum(h, 0.0)
    out_ref[...] = h
    if outp_ref is not None:
        outp_ref[...] = h * d_ref[...]


_bs_x = pl.BlockSpec((BR, D), lambda i: (i, 0))
_bs_t = pl.BlockSpec((NC, BR, D), lambda i: (0, i, 0))
_bs_n1 = pl.BlockSpec((BR, 1), lambda i: (i, 0))
_bs_row = pl.BlockSpec((1, D), lambda i: (0, 0))
_bs_w = pl.BlockSpec((D, D), lambda i: (0, 0))

_dense1 = pl.pallas_call(
    functools.partial(_dense_body, relu=True),
    grid=(N // BR,),
    in_specs=[_bs_x, _bs_t, _bs_n1, _bs_n1, _bs_row, _bs_w, _bs_row],
    out_specs=(_bs_x, _bs_x),
    out_shape=(jax.ShapeDtypeStruct((N, D), jnp.float32),
               jax.ShapeDtypeStruct((N, D), jnp.float32)),
)


def _dense_final_body(x_ref, t_ref, c_ref, d_ref, phi_ref, w_ref, b_ref,
                      out_ref):
    _dense_body(x_ref, t_ref, c_ref, d_ref, phi_ref, w_ref, b_ref,
                out_ref, None, relu=False)


_dense2 = pl.pallas_call(
    _dense_final_body,
    grid=(N // BR,),
    in_specs=[_bs_x, _bs_t, _bs_n1, _bs_n1, _bs_row, _bs_w, _bs_row],
    out_specs=_bs_x,
    out_shape=jax.ShapeDtypeStruct((N, D), jnp.float32),
)

def kernel(node_feat, edge_index, phi1, W1, b1, phi_hidden, phi2, W2, b2):
    row3 = edge_index[0].reshape(NT, NCHUNK, CHUNK)
    col3 = edge_index[1].reshape(NT, NCHUNK, CHUNK)
    eq3 = (row3 == col3).astype(jnp.float32)
    ones_h = jnp.ones((CHUNK,), jnp.float32)
    zer_h = jnp.zeros((640,), jnp.float32)
    zrows = jnp.zeros((CHUNK, D), jnp.float32)

    degp, selfp, degq, selfq = _deg_kernel(col3, row3, eq3, ones_h, zer_h)
    deg = degp[:N] + degq[:N] + 1.0
    selfcnt = selfp[:N] + selfq[:N]
    dvec = lax.rsqrt(deg)
    cvec = (deg - 1.0) / deg + selfcnt
    c2 = cvec[:, None]
    d2 = dvec[:, None]

    x0 = node_feat
    x0p = x0 * d2

    def spmm_t(xp):
        return _spmm_kernel(xp, col3, row3, zrows).reshape(NC, NP, D)

    def mid(x, t, phi):
        h = x * (1.0 - c2 * phi[None, :]) + (t[0] + t[1]) * (d2 * phi[None, :])
        return h, h * d2

    t0 = spmm_t(x0p)
    x1, x1p = _dense1(x0, t0, c2, d2, phi1[None, :], W1, b1[None, :])
    t1 = spmm_t(x1p)
    x2, x2p = mid(x1, t1, phi_hidden[0])
    t2 = spmm_t(x2p)
    x3, x3p = mid(x2, t2, phi_hidden[1])
    t3 = spmm_t(x3p)
    out = _dense2(x3, t3, c2, d2, phi2[None, :], W2, b2[None, :])
    return out

# --- scband reference (transcript-rebuilt; emitter-appended) ---
"""Pipeline reference for scband-ada-gnn-16604343566805 (READ-ONLY COPY).

The authoritative reference and input builder live on the scoring server;
editing this copy changes nothing except your own understanding.
"""

import jax, jax.numpy as jnp
import numpy as np

N = 10000
D_IN = 128
D_HID = 128
D_OUT = 128
E = 320000
N_HIDDEN = 2  # num_layers - 2


def setup_inputs(seed: int = 0) -> dict:
    key = jax.random.key(seed)
    ks = jax.random.split(key, 8)
    node_feat = jax.random.normal(ks[0], (N, D_IN), dtype=jnp.float32)
    edge_index = jax.random.randint(ks[1], (2, E), 0, N, dtype=jnp.int32)
    s_in = 1.0 / np.sqrt(D_IN)
    s_hid = 1.0 / np.sqrt(D_HID)
    phi1 = jax.random.uniform(ks[2], (D_IN,), minval=-s_in, maxval=s_in, dtype=jnp.float32)
    W1 = jax.random.uniform(ks[3], (D_IN, D_HID), minval=-s_in, maxval=s_in, dtype=jnp.float32)
    b1 = jnp.zeros((D_HID,), dtype=jnp.float32)
    phi_hidden = jax.random.uniform(ks[4], (N_HIDDEN, D_HID), minval=-s_hid, maxval=s_hid, dtype=jnp.float32)
    phi2 = jax.random.uniform(ks[5], (D_HID,), minval=-s_hid, maxval=s_hid, dtype=jnp.float32)
    W2 = jax.random.uniform(ks[6], (D_HID, D_OUT), minval=-s_hid, maxval=s_hid, dtype=jnp.float32)
    b2 = jnp.zeros((D_OUT,), dtype=jnp.float32)
    return {"node_feat": node_feat, "edge_index": edge_index, "phi1": phi1, "W1": W1,
            "b1": b1, "phi_hidden": phi_hidden, "phi2": phi2, "W2": W2, "b2": b2}


def _build_lsym(edge_index):
    # add_self_loops, then l_sym = D_norm * (D - A) elementwise (mode 's')
    loop = jnp.arange(N, dtype=edge_index.dtype)
    row = jnp.concatenate([edge_index[0], loop])
    col = jnp.concatenate([edge_index[1], loop])
    deg = jax.ops.segment_sum(jnp.ones_like(col, dtype=jnp.float32), col, num_segments=N)
    deg_inv_sqrt = jnp.where(deg > 0, deg ** -0.5, 0.0)
    norm = deg_inv_sqrt[row] * deg_inv_sqrt[col]
    # L = D - A: diagonal entry deg_i - 1 (self loop in A), off-diagonal -1
    l_entry = jnp.where(row == col, deg[row] - 1.0, -1.0)
    vals = norm * l_entry
    return row, col, vals


def reference(node_feat, edge_index, phi1, W1, b1, phi_hidden, phi2, W2, b2):
    row, col, vals = _build_lsym(edge_index)

    def spmm(x):
        # sparse.mm(l_sym, x): gather x rows by col, scale, scatter-add into row
        return jax.ops.segment_sum(vals[:, None] * x[col], row, num_segments=N)

    x = node_feat
    # Adagnn_with_weight layer 1: (x - L x diag(phi1)) W1 + b1, then relu
    x = (x - spmm(x) * phi1[None, :]) @ W1 + b1
    x = jax.nn.relu(x)
    # dropout is identity in eval mode
    for i in range(N_HIDDEN):
        # Adagnn_without_weight: x - L x diag(phi)
        x = x - spmm(x) * phi_hidden[i][None, :]
    # Adagnn_with_weight layer 2
    x = (x - spmm(x) * phi2[None, :]) @ W2 + b2
    return x

if __name__ == "__main__":
    import jax
    _d = setup_inputs()
    print(jax.jit(kernel)(*tuple(_d.values())))

</pallas_src>

<mosaic_0001>
#map = affine_map<(d0, d1) -> (0, 0)>
#map1 = affine_map<(d0, d1) -> (0, 0, 0)>
#map2 = affine_map<(d0, d1) -> (0, 0, 0, 0)>
module attributes {stable_mosaic.version = 14 : i64} {
  func.func @_spmm_body(%arg0: i32, %arg1: i32, %arg2: memref<10000x128xf32, #tpu.memory_space<hbm>>, %arg3: memref<32x80x125xi32, #tpu.memory_space<hbm>>, %arg4: memref<32x80x125xi32, #tpu.memory_space<hbm>>, %arg5: memref<125x128xf32, #tpu.memory_space<hbm>>, %arg6: memref<2x16x625x128xf32, #tpu.memory_space<hbm>>, %arg7: memref<40x125xi32, #tpu.memory_space<vmem>>, %arg8: memref<40x125xi32, #tpu.memory_space<vmem>>, %arg9: memref<125x128xf32, #tpu.memory_space<vmem>>, %arg10: memref<125x128xf32, #tpu.memory_space<vmem>>, %arg11: memref<10000x128xf32, #tpu.memory_space<vmem_shared>>, %arg12: memref<!tpu.dma_semaphore, #tpu.memory_space<semaphore_mem>>, %arg13: memref<!tpu.dma_semaphore, #tpu.memory_space<semaphore_mem>>, %arg14: memref<!tpu.dma_semaphore, #tpu.memory_space<semaphore_mem>>, %arg15: memref<!tpu.dma_semaphore, #tpu.memory_space<semaphore_mem>>) attributes {dimension_semantics = [#tpu.dimension_semantics<core_parallel>, #tpu.dimension_semantics<subcore_parallel>], iteration_bounds = array<i64: 2, 16>, scalar_prefetch = 0 : i64, scratch_operands = 9 : i64, tpu.core_type = #tpu.core_type<sc_vector_subcore>, window_params = [{transform_indices = #map}, {transform_indices = #map1}, {transform_indices = #map1}, {transform_indices = #map}, {transform_indices = #map2}]} {
    %mul3A = arith.constant 16 : i32
    %mul3A_0 = arith.muli %arg0, %mul3A : i32
    %add3A = arith.addi %mul3A_0, %arg1 : i32
    "tpu.region"() ({
      %run_scoped3A = tpu.sem_alloc : memref<!tpu.dma_semaphore, #tpu.memory_space<semaphore_mem>>
      tpu.enqueue_dma source(%arg5 : memref<125x128xf32, #tpu.memory_space<hbm>>) target(%arg9 : memref<125x128xf32, #tpu.memory_space<vmem>>) target_semaphore(%run_scoped3A : memref<!tpu.dma_semaphore, #tpu.memory_space<semaphore_mem>>)
      tpu.wait_dma2 semaphore(%run_scoped3A : memref<!tpu.dma_semaphore, #tpu.memory_space<semaphore_mem>>) src(%arg5 : memref<125x128xf32, #tpu.memory_space<hbm>>) dst(%arg9 : memref<125x128xf32, #tpu.memory_space<vmem>>)
      tpu.yield
    }) : () -> ()
    %mul3A_1 = arith.constant 625 : i32
    %mul3A_2 = arith.muli %arg1, %mul3A_1 : i32
    %add3A_3 = arith.constant 0 : i32
    %add3A_4 = arith.addi %mul3A_2, %add3A_3 : i32
    %dma_start3A = arith.constant 0 : i32
    %dma_start3A_5 = tpu.memref_slice %arg11[%add3A_4, %dma_start3A] : memref<10000x128xf32, #tpu.memory_space<vmem_shared>> -> memref<125x128xf32, #tpu.memory_space<vmem_shared>>
    %dma_start3A_6 = arith.constant 0 : i32
    %dma_start3A_7 = tpu.memref_slice %arg11[%add3A_4, %dma_start3A_6] : memref<10000x128xf32, #tpu.memory_space<vmem_shared>> -> memref<125x128xf32, #tpu.memory_space<vmem_shared>>
    tpu.enqueue_dma source(%arg9 : memref<125x128xf32, #tpu.memory_space<vmem>>) target(%dma_start3A_7 : memref<125x128xf32, #tpu.memory_space<vmem_shared>>) target_semaphore(%arg12 : memref<!tpu.dma_semaphore, #tpu.memory_space<semaphore_mem>>)
    %add3A_8 = arith.constant 125 : i32
    %add3A_9 = arith.addi %mul3A_2, %add3A_8 : i32
    %dma_start3A_10 = arith.constant 0 : i32
    %dma_start3A_11 = tpu.memref_slice %arg11[%add3A_9, %dma_start3A_10] : memref<10000x128xf32, #tpu.memory_space<vmem_shared>> -> memref<125x128xf32, #tpu.memory_space<vmem_shared>>
    %dma_start3A_12 = arith.constant 0 : i32
    %dma_start3A_13 = tpu.memref_slice %arg11[%add3A_9, %dma_start3A_12] : memref<10000x128xf32, #tpu.memory_space<vmem_shared>> -> memref<125x128xf32, #tpu.memory_space<vmem_shared>>
    tpu.enqueue_dma source(%arg9 : memref<125x128xf32, #tpu.memory_space<vmem>>) target(%dma_start3A_13 : memref<125x128xf32, #tpu.memory_space<vmem_shared>>) target_semaphore(%arg12 : memref<!tpu.dma_semaphore, #tpu.memory_space<semaphore_mem>>)
    %add3A_14 = arith.constant 250 : i32
    %add3A_15 = arith.addi %mul3A_2, %add3A_14 : i32
    %dma_start3A_16 = arith.constant 0 : i32
    %dma_start3A_17 = tpu.memref_slice %arg11[%add3A_15, %dma_start3A_16] : memref<10000x128xf32, #tpu.memory_space<vmem_shared>> -> memref<125x128xf32, #tpu.memory_space<vmem_shared>>
    %dma_start3A_18 = arith.constant 0 : i32
    %dma_start3A_19 = tpu.memref_slice %arg11[%add3A_15, %dma_start3A_18] : memref<10000x128xf32, #tpu.memory_space<vmem_shared>> -> memref<125x128xf32, #tpu.memory_space<vmem_shared>>
    tpu.enqueue_dma source(%arg9 : memref<125x128xf32, #tpu.memory_space<vmem>>) target(%dma_start3A_19 : memref<125x128xf32, #tpu.memory_space<vmem_shared>>) target_semaphore(%arg12 : memref<!tpu.dma_semaphore, #tpu.memory_space<semaphore_mem>>)
    %add3A_20 = arith.constant 375 : i32
    %add3A_21 = arith.addi %mul3A_2, %add3A_20 : i32
    %dma_start3A_22 = arith.constant 0 : i32
    %dma_start3A_23 = tpu.memref_slice %arg11[%add3A_21, %dma_start3A_22] : memref<10000x128xf32, #tpu.memory_space<vmem_shared>> -> memref<125x128xf32, #tpu.memory_space<vmem_shared>>
    %dma_start3A_24 = arith.constant 0 : i32
    %dma_start3A_25 = tpu.memref_slice %arg11[%add3A_21, %dma_start3A_24] : memref<10000x128xf32, #tpu.memory_space<vmem_shared>> -> memref<125x128xf32, #tpu.memory_space<vmem_shared>>
    tpu.enqueue_dma source(%arg9 : memref<125x128xf32, #tpu.memory_space<vmem>>) target(%dma_start3A_25 : memref<125x128xf32, #tpu.memory_space<vmem_shared>>) target_semaphore(%arg12 : memref<!tpu.dma_semaphore, #tpu.memory_space<semaphore_mem>>)
    %add3A_26 = arith.constant 500 : i32
    %add3A_27 = arith.addi %mul3A_2, %add3A_26 : i32
    %dma_start3A_28 = arith.constant 0 : i32
    %dma_start3A_29 = tpu.memref_slice %arg11[%add3A_27, %dma_start3A_28] : memref<10000x128xf32, #tpu.memory_space<vmem_shared>> -> memref<125x128xf32, #tpu.memory_space<vmem_shared>>
    %dma_start3A_30 = arith.constant 0 : i32
    %dma_start3A_31 = tpu.memref_slice %arg11[%add3A_27, %dma_start3A_30] : memref<10000x128xf32, #tpu.memory_space<vmem_shared>> -> memref<125x128xf32, #tpu.memory_space<vmem_shared>>
    tpu.enqueue_dma source(%arg9 : memref<125x128xf32, #tpu.memory_space<vmem>>) target(%dma_start3A_31 : memref<125x128xf32, #tpu.memory_space<vmem_shared>>) target_semaphore(%arg12 : memref<!tpu.dma_semaphore, #tpu.memory_space<semaphore_mem>>)
    %dma_wait3A = arith.constant 0 : i32
    %dma_wait3A_32 = tpu.memref_slice %arg11[%mul3A_2, %dma_wait3A] : memref<10000x128xf32, #tpu.memory_space<vmem_shared>> -> memref<125x128xf32, #tpu.memory_space<vmem_shared>>
    %dma_wait3A_33 = arith.constant 0 : i32
    %dma_wait3A_34 = tpu.memref_slice %arg11[%mul3A_2, %dma_wait3A_33] : memref<10000x128xf32, #tpu.memory_space<vmem_shared>> -> memref<125x128xf32, #tpu.memory_space<vmem_shared>>
    tpu.wait_dma2 semaphore(%arg12 : memref<!tpu.dma_semaphore, #tpu.memory_space<semaphore_mem>>) src(%arg9 : memref<125x128xf32, #tpu.memory_space<vmem>>) dst(%dma_wait3A_34 : memref<125x128xf32, #tpu.memory_space<vmem_shared>>)
    %dma_wait3A_35 = arith.constant 0 : i32
    %dma_wait3A_36 = tpu.memref_slice %arg11[%mul3A_2, %dma_wait3A_35] : memref<10000x128xf32, #tpu.memory_space<vmem_shared>> -> memref<125x128xf32, #tpu.memory_space<vmem_shared>>
    %dma_wait3A_37 = arith.constant 0 : i32
    %dma_wait3A_38 = tpu.memref_slice %arg11[%mul3A_2, %dma_wait3A_37] : memref<10000x128xf32, #tpu.memory_space<vmem_shared>> -> memref<125x128xf32, #tpu.memory_space<vmem_shared>>
    tpu.wait_dma2 semaphore(%arg12 : memref<!tpu.dma_semaphore, #tpu.memory_space<semaphore_mem>>) src(%arg9 : memref<125x128xf32, #tpu.memory_space<vmem>>) dst(%dma_wait3A_38 : memref<125x128xf32, #tpu.memory_space<vmem_shared>>)
    %dma_wait3A_39 = arith.constant 0 : i32
    %dma_wait3A_40 = tpu.memref_slice %arg11[%mul3A_2, %dma_wait3A_39] : memref<10000x128xf32, #tpu.memory_space<vmem_shared>> -> memref<125x128xf32, #tpu.memory_space<vmem_shared>>
    %dma_wait3A_41 = arith.constant 0 : i32
    %dma_wait3A_42 = tpu.memref_slice %arg11[%mul3A_2, %dma_wait3A_41] : memref<10000x128xf32, #tpu.memory_space<vmem_shared>> -> memref<125x128xf32, #tpu.memory_space<vmem_shared>>
    tpu.wait_dma2 semaphore(%arg12 : memref<!tpu.dma_semaphore, #tpu.memory_space<semaphore_mem>>) src(%arg9 : memref<125x128xf32, #tpu.memory_space<vmem>>) dst(%dma_wait3A_42 : memref<125x128xf32, #tpu.memory_space<vmem_shared>>)
    %dma_wait3A_43 = arith.constant 0 : i32
    %dma_wait3A_44 = tpu.memref_slice %arg11[%mul3A_2, %dma_wait3A_43] : memref<10000x128xf32, #tpu.memory_space<vmem_shared>> -> memref<125x128xf32, #tpu.memory_space<vmem_shared>>
    %dma_wait3A_45 = arith.constant 0 : i32
    %dma_wait3A_46 = tpu.memref_slice %arg11[%mul3A_2, %dma_wait3A_45] : memref<10000x128xf32, #tpu.memory_space<vmem_shared>> -> memref<125x128xf32, #tpu.memory_space<vmem_shared>>
    tpu.wait_dma2 semaphore(%arg12 : memref<!tpu.dma_semaphore, #tpu.memory_space<semaphore_mem>>) src(%arg9 : memref<125x128xf32, #tpu.memory_space<vmem>>) dst(%dma_wait3A_46 : memref<125x128xf32, #tpu.memory_space<vmem_shared>>)
    %dma_wait3A_47 = arith.constant 0 : i32
    %dma_wait3A_48 = tpu.memref_slice %arg11[%mul3A_2, %dma_wait3A_47] : memref<10000x128xf32, #tpu.memory_space<vmem_shared>> -> memref<125x128xf32, #tpu.memory_space<vmem_shared>>
    %dma_wait3A_49 = arith.constant 0 : i32
    %dma_wait3A_50 = tpu.memref_slice %arg11[%mul3A_2, %dma_wait3A_49] : memref<10000x128xf32, #tpu.memory_space<vmem_shared>> -> memref<125x128xf32, #tpu.memory_space<vmem_shared>>
    tpu.wait_dma2 semaphore(%arg12 : memref<!tpu.dma_semaphore, #tpu.memory_space<semaphore_mem>>) src(%arg9 : memref<125x128xf32, #tpu.memory_space<vmem>>) dst(%dma_wait3A_50 : memref<125x128xf32, #tpu.memory_space<vmem_shared>>)
    %barrier3A = arith.constant 0 : index
    tpu.barrier barrier_id(%barrier3A)
    "tpu.region"() ({
      %run_scoped3A = tpu.sem_alloc : memref<!tpu.dma_semaphore, #tpu.memory_space<semaphore_mem>>
      %dma_start3A_103 = arith.constant 0 : i32
      %dma_start3A_104 = arith.constant 0 : i32
      %dma_start3A_105 = tpu.memref_slice %arg3[%add3A, %dma_start3A_103, %dma_start3A_104] : memref<32x80x125xi32, #tpu.memory_space<hbm>> -> memref<1x40x125xi32, #tpu.memory_space<hbm>>
      %dma_start3A_106 = tpu.memref_squeeze %dma_start3A_105 : memref<1x40x125xi32, #tpu.memory_space<hbm>> -> memref<40x125xi32, #tpu.memory_space<hbm>>
      %dma_start3A_107 = arith.constant 0 : i32
      %dma_start3A_108 = arith.constant 0 : i32
      %dma_start3A_109 = tpu.memref_slice %arg3[%add3A, %dma_start3A_107, %dma_start3A_108] : memref<32x80x125xi32, #tpu.memory_space<hbm>> -> memref<1x40x125xi32, #tpu.memory_space<hbm>>
      %dma_start3A_110 = tpu.memref_squeeze %dma_start3A_109 : memref<1x40x125xi32, #tpu.memory_space<hbm>> -> memref<40x125xi32, #tpu.memory_space<hbm>>
      tpu.enqueue_dma source(%dma_start3A_110 : memref<40x125xi32, #tpu.memory_space<hbm>>) target(%arg7 : memref<40x125xi32, #tpu.memory_space<vmem>>) target_semaphore(%run_scoped3A : memref<!tpu.dma_semaphore, #tpu.memory_space<semaphore_mem>>)
      %dma_wait3A_111 = arith.constant 0 : i32
      %dma_wait3A_112 = arith.constant 0 : i32
      %dma_wait3A_113 = tpu.memref_slice %arg3[%add3A, %dma_wait3A_111, %dma_wait3A_112] : memref<32x80x125xi32, #tpu.memory_space<hbm>> -> memref<1x40x125xi32, #tpu.memory_space<hbm>>
      %dma_wait3A_114 = tpu.memref_squeeze %dma_wait3A_113 : memref<1x40x125xi32, #tpu.memory_space<hbm>> -> memref<40x125xi32, #tpu.memory_space<hbm>>
      %dma_wait3A_115 = arith.constant 0 : i32
      %dma_wait3A_116 = arith.constant 0 : i32
      %dma_wait3A_117 = tpu.memref_slice %arg3[%add3A, %dma_wait3A_115, %dma_wait3A_116] : memref<32x80x125xi32, #tpu.memory_space<hbm>> -> memref<1x40x125xi32, #tpu.memory_space<hbm>>
      %dma_wait3A_118 = tpu.memref_squeeze %dma_wait3A_117 : memref<1x40x125xi32, #tpu.memory_space<hbm>> -> memref<40x125xi32, #tpu.memory_space<hbm>>
      tpu.wait_dma2 semaphore(%run_scoped3A : memref<!tpu.dma_semaphore, #tpu.memory_space<semaphore_mem>>) src(%dma_wait3A_118 : memref<40x125xi32, #tpu.memory_space<hbm>>) dst(%arg7 : memref<40x125xi32, #tpu.memory_space<vmem>>)
      tpu.yield
    }) : () -> ()
    "tpu.region"() ({
      %run_scoped3A = tpu.sem_alloc : memref<!tpu.dma_semaphore, #tpu.memory_space<semaphore_mem>>
      %dma_start3A_103 = arith.constant 0 : i32
      %dma_start3A_104 = arith.constant 0 : i32
      %dma_start3A_105 = tpu.memref_slice %arg4[%add3A, %dma_start3A_103, %dma_start3A_104] : memref<32x80x125xi32, #tpu.memory_space<hbm>> -> memref<1x40x125xi32, #tpu.memory_space<hbm>>
      %dma_start3A_106 = tpu.memref_squeeze %dma_start3A_105 : memref<1x40x125xi32, #tpu.memory_space<hbm>> -> memref<40x125xi32, #tpu.memory_space<hbm>>
      %dma_start3A_107 = arith.constant 0 : i32
      %dma_start3A_108 = arith.constant 0 : i32
      %dma_start3A_109 = tpu.memref_slice %arg4[%add3A, %dma_start3A_107, %dma_start3A_108] : memref<32x80x125xi32, #tpu.memory_space<hbm>> -> memref<1x40x125xi32, #tpu.memory_space<hbm>>
      %dma_start3A_110 = tpu.memref_squeeze %dma_start3A_109 : memref<1x40x125xi32, #tpu.memory_space<hbm>> -> memref<40x125xi32, #tpu.memory_space<hbm>>
      tpu.enqueue_dma source(%dma_start3A_110 : memref<40x125xi32, #tpu.memory_space<hbm>>) target(%arg8 : memref<40x125xi32, #tpu.memory_space<vmem>>) target_semaphore(%run_scoped3A : memref<!tpu.dma_semaphore, #tpu.memory_space<semaphore_mem>>)
      %dma_wait3A_111 = arith.constant 0 : i32
      %dma_wait3A_112 = arith.constant 0 : i32
      %dma_wait3A_113 = tpu.memref_slice %arg4[%add3A, %dma_wait3A_111, %dma_wait3A_112] : memref<32x80x125xi32, #tpu.memory_space<hbm>> -> memref<1x40x125xi32, #tpu.memory_space<hbm>>
      %dma_wait3A_114 = tpu.memref_squeeze %dma_wait3A_113 : memref<1x40x125xi32, #tpu.memory_space<hbm>> -> memref<40x125xi32, #tpu.memory_space<hbm>>
      %dma_wait3A_115 = arith.constant 0 : i32
      %dma_wait3A_116 = arith.constant 0 : i32
      %dma_wait3A_117 = tpu.memref_slice %arg4[%add3A, %dma_wait3A_115, %dma_wait3A_116] : memref<32x80x125xi32, #tpu.memory_space<hbm>> -> memref<1x40x125xi32, #tpu.memory_space<hbm>>
      %dma_wait3A_118 = tpu.memref_squeeze %dma_wait3A_117 : memref<1x40x125xi32, #tpu.memory_space<hbm>> -> memref<40x125xi32, #tpu.memory_space<hbm>>
      tpu.wait_dma2 semaphore(%run_scoped3A : memref<!tpu.dma_semaphore, #tpu.memory_space<semaphore_mem>>) src(%dma_wait3A_118 : memref<40x125xi32, #tpu.memory_space<hbm>>) dst(%arg8 : memref<40x125xi32, #tpu.memory_space<vmem>>)
      tpu.yield
    }) : () -> ()
    %dma_start3A_51 = arith.constant 0 : i32
    %dma_start3A_52 = arith.constant 0 : i32
    %dma_start3A_53 = tpu.memref_slice %arg7[%dma_start3A_51, %dma_start3A_52] : memref<40x125xi32, #tpu.memory_space<vmem>> -> memref<1x125xi32, #tpu.memory_space<vmem>>
    %dma_start3A_54 = tpu.memref_squeeze %dma_start3A_53 : memref<1x125xi32, #tpu.memory_space<vmem>> -> memref<125xi32, #tpu.memory_space<vmem>>
    %dma_start3A_55 = arith.constant 0 : i32
    %dma_start3A_56 = arith.constant 0 : i32
    %dma_start3A_57 = tpu.memref_slice %arg2[%dma_start3A_55, %dma_start3A_56] : memref<10000x128xf32, #tpu.memory_space<hbm>> -> memref<10000x128xf32, #tpu.memory_space<hbm>>
    tpu.enqueue_indirect_dma source(%dma_start3A_57 : memref<10000x128xf32, #tpu.memory_space<hbm>>) target(%arg9 : memref<125x128xf32, #tpu.memory_space<vmem>>) offsets(%dma_start3A_54 : memref<125xi32, #tpu.memory_space<vmem>>) semaphore(%arg12 : memref<!tpu.dma_semaphore, #tpu.memory_space<semaphore_mem>>)
    %scan3A = arith.constant 0 : i32
    %scan3A_58 = arith.constant 20 : i32
    %scan3A_59 = arith.addi %scan3A, %scan3A_58 : i32
    %scan3A_60 = arith.constant 1 : i32
    scf.for %scan3A_103 = %scan3A to %scan3A_59 step %scan3A_60  : i32 {
      %mul3A_104 = arith.constant 2 : i32
      %mul3A_105 = arith.muli %mul3A_104, %scan3A_103 : i32
      %mul3A_106 = arith.constant 2 : i32
      %mul3A_107 = arith.muli %mul3A_106, %scan3A_103 : i32
      %add3A_108 = arith.constant 1 : i32
      %add3A_109 = arith.addi %mul3A_107, %add3A_108 : i32
      %gt3A = arith.constant 0 : i32
      %gt3A_110 = arith.cmpi sgt, %scan3A_103, %gt3A : i32
      %convert_element_type3A = arith.extui %gt3A_110 : i1 to i32
      %cond3A = arith.constant 0 : i32
      %cond3A_111 = arith.cmpi ne, %convert_element_type3A, %cond3A : i32
      scf.if %cond3A_111 {
        %dma_wait3A_148 = arith.constant 0 : i32
        %dma_wait3A_149 = arith.constant 0 : i32
        %dma_wait3A_150 = tpu.memref_slice %arg8[%dma_wait3A_148, %dma_wait3A_149] : memref<40x125xi32, #tpu.memory_space<vmem>> -> memref<1x125xi32, #tpu.memory_space<vmem>>
        %dma_wait3A_151 = tpu.memref_squeeze %dma_wait3A_150 : memref<1x125xi32, #tpu.memory_space<vmem>> -> memref<125xi32, #tpu.memory_space<vmem>>
        %dma_wait3A_152 = arith.constant 0 : i32
        %dma_wait3A_153 = arith.constant 0 : i32
        %dma_wait3A_154 = tpu.memref_slice %arg11[%dma_wait3A_152, %dma_wait3A_153] : memref<10000x128xf32, #tpu.memory_space<vmem_shared>> -> memref<10000x128xf32, #tpu.memory_space<vmem_shared>>
        tpu.wait_indirect_dma semaphore(%arg15 : memref<!tpu.dma_semaphore, #tpu.memory_space<semaphore_mem>>) src(%arg10 : memref<125x128xf32, #tpu.memory_space<vmem>>) dst(%dma_wait3A_154 : memref<10000x128xf32, #tpu.memory_space<vmem_shared>>)
      } else {
      }
      %dma_wait3A_112 = arith.constant 0 : i32
      %dma_wait3A_113 = arith.constant 0 : i32
      %dma_wait3A_114 = tpu.memref_slice %arg7[%dma_wait3A_112, %dma_wait3A_113] : memref<40x125xi32, #tpu.memory_space<vmem>> -> memref<1x125xi32, #tpu.memory_space<vmem>>
      %dma_wait3A_115 = tpu.memref_squeeze %dma_wait3A_114 : memref<1x125xi32, #tpu.memory_space<vmem>> -> memref<125xi32, #tpu.memory_space<vmem>>
      %dma_wait3A_116 = arith.constant 0 : i32
      %dma_wait3A_117 = arith.constant 0 : i32
      %dma_wait3A_118 = tpu.memref_slice %arg2[%dma_wait3A_116, %dma_wait3A_117] : memref<10000x128xf32, #tpu.memory_space<hbm>> -> memref<10000x128xf32, #tpu.memory_space<hbm>>
      tpu.wait_indirect_dma semaphore(%arg12 : memref<!tpu.dma_semaphore, #tpu.memory_space<semaphore_mem>>) src(%dma_wait3A_118 : memref<10000x128xf32, #tpu.memory_space<hbm>>) dst(%arg9 : memref<125x128xf32, #tpu.memory_space<vmem>>)
      %dma_start3A_119 = arith.constant 0 : i32
      %dma_start3A_120 = tpu.memref_slice %arg7[%add3A_109, %dma_start3A_119] : memref<40x125xi32, #tpu.memory_space<vmem>> -> memref<1x125xi32, #tpu.memory_space<vmem>>
      %dma_start3A_121 = tpu.memref_squeeze %dma_start3A_120 : memref<1x125xi32, #tpu.memory_space<vmem>> -> memref<125xi32, #tpu.memory_space<vmem>>
      %dma_start3A_122 = arith.constant 0 : i32
      %dma_start3A_123 = arith.constant 0 : i32
      %dma_start3A_124 = tpu.memref_slice %arg2[%dma_start3A_122, %dma_start3A_123] : memref<10000x128xf32, #tpu.memory_space<hbm>> -> memref<10000x128xf32, #tpu.memory_space<hbm>>
      tpu.enqueue_indirect_dma source(%dma_start3A_124 : memref<10000x128xf32, #tpu.memory_space<hbm>>) target(%arg10 : memref<125x128xf32, #tpu.memory_space<vmem>>) offsets(%dma_start3A_121 : memref<125xi32, #tpu.memory_space<vmem>>) semaphore(%arg13 : memref<!tpu.dma_semaphore, #tpu.memory_space<semaphore_mem>>)
      %dma_start3A_125 = arith.constant 0 : i32
      %dma_start3A_126 = tpu.memref_slice %arg8[%mul3A_105, %dma_start3A_125] : memref<40x125xi32, #tpu.memory_space<vmem>> -> memref<1x125xi32, #tpu.memory_space<vmem>>
      %dma_start3A_127 = tpu.memref_squeeze %dma_start3A_126 : memref<1x125xi32, #tpu.memory_space<vmem>> -> memref<125xi32, #tpu.memory_space<vmem>>
      %dma_start3A_128 = arith.constant 0 : i32
      %dma_start3A_129 = arith.constant 0 : i32
      %dma_start3A_130 = tpu.memref_slice %arg11[%dma_start3A_128, %dma_start3A_129] : memref<10000x128xf32, #tpu.memory_space<vmem_shared>> -> memref<10000x128xf32, #tpu.memory_space<vmem_shared>>
      tpu.enqueue_indirect_dma source(%arg9 : memref<125x128xf32, #tpu.memory_space<vmem>>) target(%dma_start3A_130 : memref<10000x128xf32, #tpu.memory_space<vmem_shared>>) offsets(%dma_start3A_127 : memref<125xi32, #tpu.memory_space<vmem>>) semaphore(%arg14 : memref<!tpu.dma_semaphore, #tpu.memory_space<semaphore_mem>>) {add = true}
      %lt3A = arith.constant 19 : i32
      %lt3A_131 = arith.cmpi slt, %scan3A_103, %lt3A : i32
      %convert_element_type3A_132 = arith.extui %lt3A_131 : i1 to i32
      %cond3A_133 = arith.constant 0 : i32
      %cond3A_134 = arith.cmpi ne, %convert_element_type3A_132, %cond3A_133 : i32
      scf.if %cond3A_134 {
        %dma_wait3A_148 = arith.constant 0 : i32
        %dma_wait3A_149 = arith.constant 0 : i32
        %dma_wait3A_150 = tpu.memref_slice %arg8[%dma_wait3A_148, %dma_wait3A_149] : memref<40x125xi32, #tpu.memory_space<vmem>> -> memref<1x125xi32, #tpu.memory_space<vmem>>
        %dma_wait3A_151 = tpu.memref_squeeze %dma_wait3A_150 : memref<1x125xi32, #tpu.memory_space<vmem>> -> memref<125xi32, #tpu.memory_space<vmem>>
        %dma_wait3A_152 = arith.constant 0 : i32
        %dma_wait3A_153 = arith.constant 0 : i32
        %dma_wait3A_154 = tpu.memref_slice %arg11[%dma_wait3A_152, %dma_wait3A_153] : memref<10000x128xf32, #tpu.memory_space<vmem_shared>> -> memref<10000x128xf32, #tpu.memory_space<vmem_shared>>
        tpu.wait_indirect_dma semaphore(%arg14 : memref<!tpu.dma_semaphore, #tpu.memory_space<semaphore_mem>>) src(%arg9 : memref<125x128xf32, #tpu.memory_space<vmem>>) dst(%dma_wait3A_154 : memref<10000x128xf32, #tpu.memory_space<vmem_shared>>)
        %add3A_155 = arith.constant 2 : i32
        %add3A_156 = arith.addi %mul3A_105, %add3A_155 : i32
        %dma_start3A_157 = arith.constant 0 : i32
        %dma_start3A_158 = tpu.memref_slice %arg7[%add3A_156, %dma_start3A_157] : memref<40x125xi32, #tpu.memory_space<vmem>> -> memref<1x125xi32, #tpu.memory_space<vmem>>
        %dma_start3A_159 = tpu.memref_squeeze %dma_start3A_158 : memref<1x125xi32, #tpu.memory_space<vmem>> -> memref<125xi32, #tpu.memory_space<vmem>>
        %dma_start3A_160 = arith.constant 0 : i32
        %dma_start3A_161 = arith.constant 0 : i32
        %dma_start3A_162 = tpu.memref_slice %arg2[%dma_start3A_160, %dma_start3A_161] : memref<10000x128xf32, #tpu.memory_space<hbm>> -> memref<10000x128xf32, #tpu.memory_space<hbm>>
        tpu.enqueue_indirect_dma source(%dma_start3A_162 : memref<10000x128xf32, #tpu.memory_space<hbm>>) target(%arg9 : memref<125x128xf32, #tpu.memory_space<vmem>>) offsets(%dma_start3A_159 : memref<125xi32, #tpu.memory_space<vmem>>) semaphore(%arg12 : memref<!tpu.dma_semaphore, #tpu.memory_space<semaphore_mem>>)
      } else {
      }
      %dma_wait3A_135 = arith.constant 0 : i32
      %dma_wait3A_136 = arith.constant 0 : i32
      %dma_wait3A_137 = tpu.memref_slice %arg7[%dma_wait3A_135, %dma_wait3A_136] : memref<40x125xi32, #tpu.memory_space<vmem>> -> memref<1x125xi32, #tpu.memory_space<vmem>>
      %dma_wait3A_138 = tpu.memref_squeeze %dma_wait3A_137 : memref<1x125xi32, #tpu.memory_space<vmem>> -> memref<125xi32, #tpu.memory_space<vmem>>
      %dma_wait3A_139 = arith.constant 0 : i32
      %dma_wait3A_140 = arith.constant 0 : i32
      %dma_wait3A_141 = tpu.memref_slice %arg2[%dma_wait3A_139, %dma_wait3A_140] : memref<10000x128xf32, #tpu.memory_space<hbm>> -> memref<10000x128xf32, #tpu.memory_space<hbm>>
      tpu.wait_indirect_dma semaphore(%arg13 : memref<!tpu.dma_semaphore, #tpu.memory_space<semaphore_mem>>) src(%dma_wait3A_141 : memref<10000x128xf32, #tpu.memory_space<hbm>>) dst(%arg10 : memref<125x128xf32, #tpu.memory_space<vmem>>)
      %dma_start3A_142 = arith.constant 0 : i32
      %dma_start3A_143 = tpu.memref_slice %arg8[%add3A_109, %dma_start3A_142] : memref<40x125xi32, #tpu.memory_space<vmem>> -> memref<1x125xi32, #tpu.memory_space<vmem>>
      %dma_start3A_144 = tpu.memref_squeeze %dma_start3A_143 : memref<1x125xi32, #tpu.memory_space<vmem>> -> memref<125xi32, #tpu.memory_space<vmem>>
      %dma_start3A_145 = arith.constant 0 : i32
      %dma_start3A_146 = arith.constant 0 : i32
      %dma_start3A_147 = tpu.memref_slice %arg11[%dma_start3A_145, %dma_start3A_146] : memref<10000x128xf32, #tpu.memory_space<vmem_shared>> -> memref<10000x128xf32, #tpu.memory_space<vmem_shared>>
      tpu.enqueue_indirect_dma source(%arg10 : memref<125x128xf32, #tpu.memory_space<vmem>>) target(%dma_start3A_147 : memref<10000x128xf32, #tpu.memory_space<vmem_shared>>) offsets(%dma_start3A_144 : memref<125xi32, #tpu.memory_space<vmem>>) semaphore(%arg15 : memref<!tpu.dma_semaphore, #tpu.memory_space<semaphore_mem>>) {add = true}
    }
    %scan3A_61 = arith.constant 20 : i32
    %dma_wait3A_62 = arith.constant 0 : i32
    %dma_wait3A_63 = arith.constant 0 : i32
    %dma_wait3A_64 = tpu.memref_slice %arg8[%dma_wait3A_62, %dma_wait3A_63] : memref<40x125xi32, #tpu.memory_space<vmem>> -> memref<1x125xi32, #tpu.memory_space<vmem>>
    %dma_wait3A_65 = tpu.memref_squeeze %dma_wait3A_64 : memref<1x125xi32, #tpu.memory_space<vmem>> -> memref<125xi32, #tpu.memory_space<vmem>>
    %dma_wait3A_66 = arith.constant 0 : i32
    %dma_wait3A_67 = arith.constant 0 : i32
    %dma_wait3A_68 = tpu.memref_slice %arg11[%dma_wait3A_66, %dma_wait3A_67] : memref<10000x128xf32, #tpu.memory_space<vmem_shared>> -> memref<10000x128xf32, #tpu.memory_space<vmem_shared>>
    tpu.wait_indirect_dma semaphore(%arg14 : memref<!tpu.dma_semaphore, #tpu.memory_space<semaphore_mem>>) src(%arg9 : memref<125x128xf32, #tpu.memory_space<vmem>>) dst(%dma_wait3A_68 : memref<10000x128xf32, #tpu.memory_space<vmem_shared>>)
    %dma_wait3A_69 = arith.constant 0 : i32
    %dma_wait3A_70 = arith.constant 0 : i32
    %dma_wait3A_71 = tpu.memref_slice %arg8[%dma_wait3A_69, %dma_wait3A_70] : memref<40x125xi32, #tpu.memory_space<vmem>> -> memref<1x125xi32, #tpu.memory_space<vmem>>
    %dma_wait3A_72 = tpu.memref_squeeze %dma_wait3A_71 : memref<1x125xi32, #tpu.memory_space<vmem>> -> memref<125xi32, #tpu.memory_space<vmem>>
    %dma_wait3A_73 = arith.constant 0 : i32
    %dma_wait3A_74 = arith.constant 0 : i32
    %dma_wait3A_75 = tpu.memref_slice %arg11[%dma_wait3A_73, %dma_wait3A_74] : memref<10000x128xf32, #tpu.memory_space<vmem_shared>> -> memref<10000x128xf32, #tpu.memory_space<vmem_shared>>
    tpu.wait_indirect_dma semaphore(%arg15 : memref<!tpu.dma_semaphore, #tpu.memory_space<semaphore_mem>>) src(%arg10 : memref<125x128xf32, #tpu.memory_space<vmem>>) dst(%dma_wait3A_75 : memref<10000x128xf32, #tpu.memory_space<vmem_shared>>)
    "tpu.region"() ({
      %run_scoped3A = tpu.sem_alloc : memref<!tpu.dma_semaphore, #tpu.memory_space<semaphore_mem>>
      %dma_start3A_103 = arith.constant 40 : i32
      %dma_start3A_104 = arith.constant 0 : i32
      %dma_start3A_105 = tpu.memref_slice %arg3[%add3A, %dma_start3A_103, %dma_start3A_104] : memref<32x80x125xi32, #tpu.memory_space<hbm>> -> memref<1x40x125xi32, #tpu.memory_space<hbm>>
      %dma_start3A_106 = tpu.memref_squeeze %dma_start3A_105 : memref<1x40x125xi32, #tpu.memory_space<hbm>> -> memref<40x125xi32, #tpu.memory_space<hbm>>
      %dma_start3A_107 = arith.constant 40 : i32
      %dma_start3A_108 = arith.constant 0 : i32
      %dma_start3A_109 = tpu.memref_slice %arg3[%add3A, %dma_start3A_107, %dma_start3A_108] : memref<32x80x125xi32, #tpu.memory_space<hbm>> -> memref<1x40x125xi32, #tpu.memory_space<hbm>>
      %dma_start3A_110 = tpu.memref_squeeze %dma_start3A_109 : memref<1x40x125xi32, #tpu.memory_space<hbm>> -> memref<40x125xi32, #tpu.memory_space<hbm>>
      tpu.enqueue_dma source(%dma_start3A_110 : memref<40x125xi32, #tpu.memory_space<hbm>>) target(%arg7 : memref<40x125xi32, #tpu.memory_space<vmem>>) target_semaphore(%run_scoped3A : memref<!tpu.dma_semaphore, #tpu.memory_space<semaphore_mem>>)
      %dma_wait3A_111 = arith.constant 40 : i32
      %dma_wait3A_112 = arith.constant 0 : i32
      %dma_wait3A_113 = tpu.memref_slice %arg3[%add3A, %dma_wait3A_111, %dma_wait3A_112] : memref<32x80x125xi32, #tpu.memory_space<hbm>> -> memref<1x40x125xi32, #tpu.memory_space<hbm>>
      %dma_wait3A_114 = tpu.memref_squeeze %dma_wait3A_113 : memref<1x40x125xi32, #tpu.memory_space<hbm>> -> memref<40x125xi32, #tpu.memory_space<hbm>>
      %dma_wait3A_115 = arith.constant 40 : i32
      %dma_wait3A_116 = arith.constant 0 : i32
      %dma_wait3A_117 = tpu.memref_slice %arg3[%add3A, %dma_wait3A_115, %dma_wait3A_116] : memref<32x80x125xi32, #tpu.memory_space<hbm>> -> memref<1x40x125xi32, #tpu.memory_space<hbm>>
      %dma_wait3A_118 = tpu.memref_squeeze %dma_wait3A_117 : memref<1x40x125xi32, #tpu.memory_space<hbm>> -> memref<40x125xi32, #tpu.memory_space<hbm>>
      tpu.wait_dma2 semaphore(%run_scoped3A : memref<!tpu.dma_semaphore, #tpu.memory_space<semaphore_mem>>) src(%dma_wait3A_118 : memref<40x125xi32, #tpu.memory_space<hbm>>) dst(%arg7 : memref<40x125xi32, #tpu.memory_space<vmem>>)
      tpu.yield
    }) : () -> ()
    "tpu.region"() ({
      %run_scoped3A = tpu.sem_alloc : memref<!tpu.dma_semaphore, #tpu.memory_space<semaphore_mem>>
      %dma_start3A_103 = arith.constant 40 : i32
      %dma_start3A_104 = arith.constant 0 : i32
      %dma_start3A_105 = tpu.memref_slice %arg4[%add3A, %dma_start3A_103, %dma_start3A_104] : memref<32x80x125xi32, #tpu.memory_space<hbm>> -> memref<1x40x125xi32, #tpu.memory_space<hbm>>
      %dma_start3A_106 = tpu.memref_squeeze %dma_start3A_105 : memref<1x40x125xi32, #tpu.memory_space<hbm>> -> memref<40x125xi32, #tpu.memory_space<hbm>>
      %dma_start3A_107 = arith.constant 40 : i32
      %dma_start3A_108 = arith.constant 0 : i32
      %dma_start3A_109 = tpu.memref_slice %arg4[%add3A, %dma_start3A_107, %dma_start3A_108] : memref<32x80x125xi32, #tpu.memory_space<hbm>> -> memref<1x40x125xi32, #tpu.memory_space<hbm>>
      %dma_start3A_110 = tpu.memref_squeeze %dma_start3A_109 : memref<1x40x125xi32, #tpu.memory_space<hbm>> -> memref<40x125xi32, #tpu.memory_space<hbm>>
      tpu.enqueue_dma source(%dma_start3A_110 : memref<40x125xi32, #tpu.memory_space<hbm>>) target(%arg8 : memref<40x125xi32, #tpu.memory_space<vmem>>) target_semaphore(%run_scoped3A : memref<!tpu.dma_semaphore, #tpu.memory_space<semaphore_mem>>)
      %dma_wait3A_111 = arith.constant 40 : i32
      %dma_wait3A_112 = arith.constant 0 : i32
      %dma_wait3A_113 = tpu.memref_slice %arg4[%add3A, %dma_wait3A_111, %dma_wait3A_112] : memref<32x80x125xi32, #tpu.memory_space<hbm>> -> memref<1x40x125xi32, #tpu.memory_space<hbm>>
      %dma_wait3A_114 = tpu.memref_squeeze %dma_wait3A_113 : memref<1x40x125xi32, #tpu.memory_space<hbm>> -> memref<40x125xi32, #tpu.memory_space<hbm>>
      %dma_wait3A_115 = arith.constant 40 : i32
      %dma_wait3A_116 = arith.constant 0 : i32
      %dma_wait3A_117 = tpu.memref_slice %arg4[%add3A, %dma_wait3A_115, %dma_wait3A_116] : memref<32x80x125xi32, #tpu.memory_space<hbm>> -> memref<1x40x125xi32, #tpu.memory_space<hbm>>
      %dma_wait3A_118 = tpu.memref_squeeze %dma_wait3A_117 : memref<1x40x125xi32, #tpu.memory_space<hbm>> -> memref<40x125xi32, #tpu.memory_space<hbm>>
      tpu.wait_dma2 semaphore(%run_scoped3A : memref<!tpu.dma_semaphore, #tpu.memory_space<semaphore_mem>>) src(%dma_wait3A_118 : memref<40x125xi32, #tpu.memory_space<hbm>>) dst(%arg8 : memref<40x125xi32, #tpu.memory_space<vmem>>)
      tpu.yield
    }) : () -> ()
    %dma_start3A_76 = arith.constant 0 : i32
    %dma_start3A_77 = arith.constant 0 : i32
    %dma_start3A_78 = tpu.memref_slice %arg7[%dma_start3A_76, %dma_start3A_77] : memref<40x125xi32, #tpu.memory_space<vmem>> -> memref<1x125xi32, #tpu.memory_space<vmem>>
    %dma_start3A_79 = tpu.memref_squeeze %dma_start3A_78 : memref<1x125xi32, #tpu.memory_space<vmem>> -> memref<125xi32, #tpu.memory_space<vmem>>
    %dma_start3A_80 = arith.constant 0 : i32
    %dma_start3A_81 = arith.constant 0 : i32
    %dma_start3A_82 = tpu.memref_slice %arg2[%dma_start3A_80, %dma_start3A_81] : memref<10000x128xf32, #tpu.memory_space<hbm>> -> memref<10000x128xf32, #tpu.memory_space<hbm>>
    tpu.enqueue_indirect_dma source(%dma_start3A_82 : memref<10000x128xf32, #tpu.memory_space<hbm>>) target(%arg9 : memref<125x128xf32, #tpu.memory_space<vmem>>) offsets(%dma_start3A_79 : memref<125xi32, #tpu.memory_space<vmem>>) semaphore(%arg12 : memref<!tpu.dma_semaphore, #tpu.memory_space<semaphore_mem>>)
    %scan3A_83 = arith.constant 0 : i32
    %scan3A_84 = arith.constant 20 : i32
    %scan3A_85 = arith.addi %scan3A_83, %scan3A_84 : i32
    %scan3A_86 = arith.constant 1 : i32
    scf.for %scan3A_103 = %scan3A_83 to %scan3A_85 step %scan3A_86  : i32 {
      %mul3A_104 = arith.constant 2 : i32
      %mul3A_105 = arith.muli %mul3A_104, %scan3A_103 : i32
      %mul3A_106 = arith.constant 2 : i32
      %mul3A_107 = arith.muli %mul3A_106, %scan3A_103 : i32
      %add3A_108 = arith.constant 1 : i32
      %add3A_109 = arith.addi %mul3A_107, %add3A_108 : i32
      %gt3A = arith.constant 0 : i32
      %gt3A_110 = arith.cmpi sgt, %scan3A_103, %gt3A : i32
      %convert_element_type3A = arith.extui %gt3A_110 : i1 to i32
      %cond3A = arith.constant 0 : i32
      %cond3A_111 = arith.cmpi ne, %convert_element_type3A, %cond3A : i32
      scf.if %cond3A_111 {
        %dma_wait3A_148 = arith.constant 0 : i32
        %dma_wait3A_149 = arith.constant 0 : i32
        %dma_wait3A_150 = tpu.memref_slice %arg8[%dma_wait3A_148, %dma_wait3A_149] : memref<40x125xi32, #tpu.memory_space<vmem>> -> memref<1x125xi32, #tpu.memory_space<vmem>>
        %dma_wait3A_151 = tpu.memref_squeeze %dma_wait3A_150 : memref<1x125xi32, #tpu.memory_space<vmem>> -> memref<125xi32, #tpu.memory_space<vmem>>
        %dma_wait3A_152 = arith.constant 0 : i32
        %dma_wait3A_153 = arith.constant 0 : i32
        %dma_wait3A_154 = tpu.memref_slice %arg11[%dma_wait3A_152, %dma_wait3A_153] : memref<10000x128xf32, #tpu.memory_space<vmem_shared>> -> memref<10000x128xf32, #tpu.memory_space<vmem_shared>>
        tpu.wait_indirect_dma semaphore(%arg15 : memref<!tpu.dma_semaphore, #tpu.memory_space<semaphore_mem>>) src(%arg10 : memref<125x128xf32, #tpu.memory_space<vmem>>) dst(%dma_wait3A_154 : memref<10000x128xf32, #tpu.memory_space<vmem_shared>>)
      } else {
      }
      %dma_wait3A_112 = arith.constant 0 : i32
      %dma_wait3A_113 = arith.constant 0 : i32
      %dma_wait3A_114 = tpu.memref_slice %arg7[%dma_wait3A_112, %dma_wait3A_113] : memref<40x125xi32, #tpu.memory_space<vmem>> -> memref<1x125xi32, #tpu.memory_space<vmem>>
      %dma_wait3A_115 = tpu.memref_squeeze %dma_wait3A_114 : memref<1x125xi32, #tpu.memory_space<vmem>> -> memref<125xi32, #tpu.memory_space<vmem>>
      %dma_wait3A_116 = arith.constant 0 : i32
      %dma_wait3A_117 = arith.constant 0 : i32
      %dma_wait3A_118 = tpu.memref_slice %arg2[%dma_wait3A_116, %dma_wait3A_117] : memref<10000x128xf32, #tpu.memory_space<hbm>> -> memref<10000x128xf32, #tpu.memory_space<hbm>>
      tpu.wait_indirect_dma semaphore(%arg12 : memref<!tpu.dma_semaphore, #tpu.memory_space<semaphore_mem>>) src(%dma_wait3A_118 : memref<10000x128xf32, #tpu.memory_space<hbm>>) dst(%arg9 : memref<125x128xf32, #tpu.memory_space<vmem>>)
      %dma_start3A_119 = arith.constant 0 : i32
      %dma_start3A_120 = tpu.memref_slice %arg7[%add3A_109, %dma_start3A_119] : memref<40x125xi32, #tpu.memory_space<vmem>> -> memref<1x125xi32, #tpu.memory_space<vmem>>
      %dma_start3A_121 = tpu.memref_squeeze %dma_start3A_120 : memref<1x125xi32, #tpu.memory_space<vmem>> -> memref<125xi32, #tpu.memory_space<vmem>>
      %dma_start3A_122 = arith.constant 0 : i32
      %dma_start3A_123 = arith.constant 0 : i32
      %dma_start3A_124 = tpu.memref_slice %arg2[%dma_start3A_122, %dma_start3A_123] : memref<10000x128xf32, #tpu.memory_space<hbm>> -> memref<10000x128xf32, #tpu.memory_space<hbm>>
      tpu.enqueue_indirect_dma source(%dma_start3A_124 : memref<10000x128xf32, #tpu.memory_space<hbm>>) target(%arg10 : memref<125x128xf32, #tpu.memory_space<vmem>>) offsets(%dma_start3A_121 : memref<125xi32, #tpu.memory_space<vmem>>) semaphore(%arg13 : memref<!tpu.dma_semaphore, #tpu.memory_space<semaphore_mem>>)
      %dma_start3A_125 = arith.constant 0 : i32
      %dma_start3A_126 = tpu.memref_slice %arg8[%mul3A_105, %dma_start3A_125] : memref<40x125xi32, #tpu.memory_space<vmem>> -> memref<1x125xi32, #tpu.memory_space<vmem>>
      %dma_start3A_127 = tpu.memref_squeeze %dma_start3A_126 : memref<1x125xi32, #tpu.memory_space<vmem>> -> memref<125xi32, #tpu.memory_space<vmem>>
      %dma_start3A_128 = arith.constant 0 : i32
      %dma_start3A_129 = arith.constant 0 : i32
      %dma_start3A_130 = tpu.memref_slice %arg11[%dma_start3A_128, %dma_start3A_129] : memref<10000x128xf32, #tpu.memory_space<vmem_shared>> -> memref<10000x128xf32, #tpu.memory_space<vmem_shared>>
      tpu.enqueue_indirect_dma source(%arg9 : memref<125x128xf32, #tpu.memory_space<vmem>>) target(%dma_start3A_130 : memref<10000x128xf32, #tpu.memory_space<vmem_shared>>) offsets(%dma_start3A_127 : memref<125xi32, #tpu.memory_space<vmem>>) semaphore(%arg14 : memref<!tpu.dma_semaphore, #tpu.memory_space<semaphore_mem>>) {add = true}
      %lt3A = arith.constant 19 : i32
      %lt3A_131 = arith.cmpi slt, %scan3A_103, %lt3A : i32
      %convert_element_type3A_132 = arith.extui %lt3A_131 : i1 to i32
      %cond3A_133 = arith.constant 0 : i32
      %cond3A_134 = arith.cmpi ne, %convert_element_type3A_132, %cond3A_133 : i32
      scf.if %cond3A_134 {
        %dma_wait3A_148 = arith.constant 0 : i32
        %dma_wait3A_149 = arith.constant 0 : i32
        %dma_wait3A_150 = tpu.memref_slice %arg8[%dma_wait3A_148, %dma_wait3A_149] : memref<40x125xi32, #tpu.memory_space<vmem>> -> memref<1x125xi32, #tpu.memory_space<vmem>>
        %dma_wait3A_151 = tpu.memref_squeeze %dma_wait3A_150 : memref<1x125xi32, #tpu.memory_space<vmem>> -> memref<125xi32, #tpu.memory_space<vmem>>
        %dma_wait3A_152 = arith.constant 0 : i32
        %dma_wait3A_153 = arith.constant 0 : i32
        %dma_wait3A_154 = tpu.memref_slice %arg11[%dma_wait3A_152, %dma_wait3A_153] : memref<10000x128xf32, #tpu.memory_space<vmem_shared>> -> memref<10000x128xf32, #tpu.memory_space<vmem_shared>>
        tpu.wait_indirect_dma semaphore(%arg14 : memref<!tpu.dma_semaphore, #tpu.memory_space<semaphore_mem>>) src(%arg9 : memref<125x128xf32, #tpu.memory_space<vmem>>) dst(%dma_wait3A_154 : memref<10000x128xf32, #tpu.memory_space<vmem_shared>>)
        %add3A_155 = arith.constant 2 : i32
        %add3A_156 = arith.addi %mul3A_105, %add3A_155 : i32
        %dma_start3A_157 = arith.constant 0 : i32
        %dma_start3A_158 = tpu.memref_slice %arg7[%add3A_156, %dma_start3A_157] : memref<40x125xi32, #tpu.memory_space<vmem>> -> memref<1x125xi32, #tpu.memory_space<vmem>>
        %dma_start3A_159 = tpu.memref_squeeze %dma_start3A_158 : memref<1x125xi32, #tpu.memory_space<vmem>> -> memref<125xi32, #tpu.memory_space<vmem>>
        %dma_start3A_160 = arith.constant 0 : i32
        %dma_start3A_161 = arith.constant 0 : i32
        %dma_start3A_162 = tpu.memref_slice %arg2[%dma_start3A_160, %dma_start3A_161] : memref<10000x128xf32, #tpu.memory_space<hbm>> -> memref<10000x128xf32, #tpu.memory_space<hbm>>
        tpu.enqueue_indirect_dma source(%dma_start3A_162 : memref<10000x128xf32, #tpu.memory_space<hbm>>) target(%arg9 : memref<125x128xf32, #tpu.memory_space<vmem>>) offsets(%dma_start3A_159 : memref<125xi32, #tpu.memory_space<vmem>>) semaphore(%arg12 : memref<!tpu.dma_semaphore, #tpu.memory_space<semaphore_mem>>)
      } else {
      }
      %dma_wait3A_135 = arith.constant 0 : i32
      %dma_wait3A_136 = arith.constant 0 : i32
      %dma_wait3A_137 = tpu.memref_slice %arg7[%dma_wait3A_135, %dma_wait3A_136] : memref<40x125xi32, #tpu.memory_space<vmem>> -> memref<1x125xi32, #tpu.memory_space<vmem>>
      %dma_wait3A_138 = tpu.memref_squeeze %dma_wait3A_137 : memref<1x125xi32, #tpu.memory_space<vmem>> -> memref<125xi32, #tpu.memory_space<vmem>>
      %dma_wait3A_139 = arith.constant 0 : i32
      %dma_wait3A_140 = arith.constant 0 : i32
      %dma_wait3A_141 = tpu.memref_slice %arg2[%dma_wait3A_139, %dma_wait3A_140] : memref<10000x128xf32, #tpu.memory_space<hbm>> -> memref<10000x128xf32, #tpu.memory_space<hbm>>
      tpu.wait_indirect_dma semaphore(%arg13 : memref<!tpu.dma_semaphore, #tpu.memory_space<semaphore_mem>>) src(%dma_wait3A_141 : memref<10000x128xf32, #tpu.memory_space<hbm>>) dst(%arg10 : memref<125x128xf32, #tpu.memory_space<vmem>>)
      %dma_start3A_142 = arith.constant 0 : i32
      %dma_start3A_143 = tpu.memref_slice %arg8[%add3A_109, %dma_start3A_142] : memref<40x125xi32, #tpu.memory_space<vmem>> -> memref<1x125xi32, #tpu.memory_space<vmem>>
      %dma_start3A_144 = tpu.memref_squeeze %dma_start3A_143 : memref<1x125xi32, #tpu.memory_space<vmem>> -> memref<125xi32, #tpu.memory_space<vmem>>
      %dma_start3A_145 = arith.constant 0 : i32
      %dma_start3A_146 = arith.constant 0 : i32
      %dma_start3A_147 = tpu.memref_slice %arg11[%dma_start3A_145, %dma_start3A_146] : memref<10000x128xf32, #tpu.memory_space<vmem_shared>> -> memref<10000x128xf32, #tpu.memory_space<vmem_shared>>
      tpu.enqueue_indirect_dma source(%arg10 : memref<125x128xf32, #tpu.memory_space<vmem>>) target(%dma_start3A_147 : memref<10000x128xf32, #tpu.memory_space<vmem_shared>>) offsets(%dma_start3A_144 : memref<125xi32, #tpu.memory_space<vmem>>) semaphore(%arg15 : memref<!tpu.dma_semaphore, #tpu.memory_space<semaphore_mem>>) {add = true}
    }
    %scan3A_87 = arith.constant 20 : i32
    %dma_wait3A_88 = arith.constant 0 : i32
    %dma_wait3A_89 = arith.constant 0 : i32
    %dma_wait3A_90 = tpu.memref_slice %arg8[%dma_wait3A_88, %dma_wait3A_89] : memref<40x125xi32, #tpu.memory_space<vmem>> -> memref<1x125xi32, #tpu.memory_space<vmem>>
    %dma_wait3A_91 = tpu.memref_squeeze %dma_wait3A_90 : memref<1x125xi32, #tpu.memory_space<vmem>> -> memref<125xi32, #tpu.memory_space<vmem>>
    %dma_wait3A_92 = arith.constant 0 : i32
    %dma_wait3A_93 = arith.constant 0 : i32
    %dma_wait3A_94 = tpu.memref_slice %arg11[%dma_wait3A_92, %dma_wait3A_93] : memref<10000x128xf32, #tpu.memory_space<vmem_shared>> -> memref<10000x128xf32, #tpu.memory_space<vmem_shared>>
    tpu.wait_indirect_dma semaphore(%arg14 : memref<!tpu.dma_semaphore, #tpu.memory_space<semaphore_mem>>) src(%arg9 : memref<125x128xf32, #tpu.memory_space<vmem>>) dst(%dma_wait3A_94 : memref<10000x128xf32, #tpu.memory_space<vmem_shared>>)
    %dma_wait3A_95 = arith.constant 0 : i32
    %dma_wait3A_96 = arith.constant 0 : i32
    %dma_wait3A_97 = tpu.memref_slice %arg8[%dma_wait3A_95, %dma_wait3A_96] : memref<40x125xi32, #tpu.memory_space<vmem>> -> memref<1x125xi32, #tpu.memory_space<vmem>>
    %dma_wait3A_98 = tpu.memref_squeeze %dma_wait3A_97 : memref<1x125xi32, #tpu.memory_space<vmem>> -> memref<125xi32, #tpu.memory_space<vmem>>
    %dma_wait3A_99 = arith.constant 0 : i32
    %dma_wait3A_100 = arith.constant 0 : i32
    %dma_wait3A_101 = tpu.memref_slice %arg11[%dma_wait3A_99, %dma_wait3A_100] : memref<10000x128xf32, #tpu.memory_space<vmem_shared>> -> memref<10000x128xf32, #tpu.memory_space<vmem_shared>>
    tpu.wait_indirect_dma semaphore(%arg15 : memref<!tpu.dma_semaphore, #tpu.memory_space<semaphore_mem>>) src(%arg10 : memref<125x128xf32, #tpu.memory_space<vmem>>) dst(%dma_wait3A_101 : memref<10000x128xf32, #tpu.memory_space<vmem_shared>>)
    %barrier3A_102 = arith.constant 0 : index
    tpu.barrier barrier_id(%barrier3A_102)
    "tpu.region"() ({
      %run_scoped3A = tpu.sem_alloc : memref<!tpu.dma_semaphore, #tpu.memory_space<semaphore_mem>>
      %dma_start3A_103 = arith.constant 0 : i32
      %dma_start3A_104 = arith.constant 0 : i32
      %dma_start3A_105 = tpu.memref_slice %arg6[%arg0, %arg1, %dma_start3A_103, %dma_start3A_104] : memref<2x16x625x128xf32, #tpu.memory_space<hbm>> -> memref<1x1x625x128xf32, #tpu.memory_space<hbm>>
      %dma_start3A_106 = tpu.memref_squeeze %dma_start3A_105 : memref<1x1x625x128xf32, #tpu.memory_space<hbm>> -> memref<625x128xf32, #tpu.memory_space<hbm>>
      %dma_start3A_107 = arith.constant 0 : i32
      %dma_start3A_108 = tpu.memref_slice %arg11[%mul3A_2, %dma_start3A_107] : memref<10000x128xf32, #tpu.memory_space<vmem_shared>> -> memref<625x128xf32, #tpu.memory_space<vmem_shared>>
      tpu.enqueue_dma source(%dma_start3A_108 : memref<625x128xf32, #tpu.memory_space<vmem_shared>>) target(%dma_start3A_106 : memref<625x128xf32, #tpu.memory_space<hbm>>) target_semaphore(%run_scoped3A : memref<!tpu.dma_semaphore, #tpu.memory_space<semaphore_mem>>)
      %dma_wait3A_109 = arith.constant 0 : i32
      %dma_wait3A_110 = arith.constant 0 : i32
      %dma_wait3A_111 = tpu.memref_slice %arg6[%arg0, %arg1, %dma_wait3A_109, %dma_wait3A_110] : memref<2x16x625x128xf32, #tpu.memory_space<hbm>> -> memref<1x1x625x128xf32, #tpu.memory_space<hbm>>
      %dma_wait3A_112 = tpu.memref_squeeze %dma_wait3A_111 : memref<1x1x625x128xf32, #tpu.memory_space<hbm>> -> memref<625x128xf32, #tpu.memory_space<hbm>>
      %dma_wait3A_113 = arith.constant 0 : i32
      %dma_wait3A_114 = tpu.memref_slice %arg11[%mul3A_2, %dma_wait3A_113] : memref<10000x128xf32, #tpu.memory_space<vmem_shared>> -> memref<625x128xf32, #tpu.memory_space<vmem_shared>>
      tpu.wait_dma2 semaphore(%run_scoped3A : memref<!tpu.dma_semaphore, #tpu.memory_space<semaphore_mem>>) src(%dma_wait3A_114 : memref<625x128xf32, #tpu.memory_space<vmem_shared>>) dst(%dma_wait3A_112 : memref<625x128xf32, #tpu.memory_space<hbm>>)
      tpu.yield
    }) : () -> ()
    return
  }
}

#map = affine_map<(d0, d1) -> (0, 0, 0)>
#map1 = affine_map<(d0, d1) -> (0)>
module attributes {stable_mosaic.version = 14 : i64} {
  func.func @_deg_body(%arg0: i32, %arg1: i32, %arg2: memref<32x80x125xi32, #tpu.memory_space<hbm>>, %arg3: memref<32x80x125xi32, #tpu.memory_space<hbm>>, %arg4: memref<32x80x125xf32, #tpu.memory_space<hbm>>, %arg5: memref<125xf32, #tpu.memory_space<hbm>>, %arg6: memref<640xf32, #tpu.memory_space<hbm>>, %arg7: memref<10240xf32, #tpu.memory_space<hbm>>, %arg8: memref<10240xf32, #tpu.memory_space<hbm>>, %arg9: memref<10240xf32, #tpu.memory_space<hbm>>, %arg10: memref<10240xf32, #tpu.memory_space<hbm>>, %arg11: memref<80x125xi32, #tpu.memory_space<vmem>>, %arg12: memref<80x125xi32, #tpu.memory_space<vmem>>, %arg13: memref<125xf32, #tpu.memory_space<vmem>>, %arg14: memref<80x125xf32, #tpu.memory_space<vmem>>, %arg15: memref<640xf32, #tpu.memory_space<vmem>>, %arg16: memref<10240xf32, #tpu.memory_space<vmem_shared>>, %arg17: memref<10240xf32, #tpu.memory_space<vmem_shared>>, %arg18: memref<!tpu.dma_semaphore, #tpu.memory_space<semaphore_mem>>) attributes {dimension_semantics = [#tpu.dimension_semantics<core_parallel>, #tpu.dimension_semantics<subcore_parallel>], iteration_bounds = array<i64: 2, 16>, scalar_prefetch = 0 : i64, scratch_operands = 8 : i64, tpu.core_type = #tpu.core_type<sc_vector_subcore>, window_params = [{transform_indices = #map}, {transform_indices = #map}, {transform_indices = #map}, {transform_indices = #map1}, {transform_indices = #map1}, {transform_indices = #map1}, {transform_indices = #map1}, {transform_indices = #map1}, {transform_indices = #map1}]} {
    %mul3A = arith.constant 16 : i32
    %mul3A_0 = arith.muli %arg0, %mul3A : i32
    %add3A = arith.addi %mul3A_0, %arg1 : i32
    "tpu.region"() ({
      %run_scoped3A = tpu.sem_alloc : memref<!tpu.dma_semaphore, #tpu.memory_space<semaphore_mem>>
      tpu.enqueue_dma source(%arg6 : memref<640xf32, #tpu.memory_space<hbm>>) target(%arg15 : memref<640xf32, #tpu.memory_space<vmem>>) target_semaphore(%run_scoped3A : memref<!tpu.dma_semaphore, #tpu.memory_space<semaphore_mem>>)
      tpu.wait_dma2 semaphore(%run_scoped3A : memref<!tpu.dma_semaphore, #tpu.memory_space<semaphore_mem>>) src(%arg6 : memref<640xf32, #tpu.memory_space<hbm>>) dst(%arg15 : memref<640xf32, #tpu.memory_space<vmem>>)
      tpu.yield
    }) : () -> ()
    "tpu.region"() ({
      %run_scoped3A = tpu.sem_alloc : memref<!tpu.dma_semaphore, #tpu.memory_space<semaphore_mem>>
      tpu.enqueue_dma source(%arg5 : memref<125xf32, #tpu.memory_space<hbm>>) target(%arg13 : memref<125xf32, #tpu.memory_space<vmem>>) target_semaphore(%run_scoped3A : memref<!tpu.dma_semaphore, #tpu.memory_space<semaphore_mem>>)
      tpu.wait_dma2 semaphore(%run_scoped3A : memref<!tpu.dma_semaphore, #tpu.memory_space<semaphore_mem>>) src(%arg5 : memref<125xf32, #tpu.memory_space<hbm>>) dst(%arg13 : memref<125xf32, #tpu.memory_space<vmem>>)
      tpu.yield
    }) : () -> ()
    %mul3A_1 = arith.constant 640 : i32
    %mul3A_2 = arith.muli %arg1, %mul3A_1 : i32
    "tpu.region"() ({
      %run_scoped3A = tpu.sem_alloc : memref<!tpu.dma_semaphore, #tpu.memory_space<semaphore_mem>>
      %dma_start3A = tpu.memref_slice %arg16[%mul3A_2] : memref<10240xf32, #tpu.memory_space<vmem_shared>> -> memref<640xf32, #tpu.memory_space<vmem_shared>>
      %dma_start3A_17 = tpu.memref_slice %arg16[%mul3A_2] : memref<10240xf32, #tpu.memory_space<vmem_shared>> -> memref<640xf32, #tpu.memory_space<vmem_shared>>
      tpu.enqueue_dma source(%arg15 : memref<640xf32, #tpu.memory_space<vmem>>) target(%dma_start3A_17 : memref<640xf32, #tpu.memory_space<vmem_shared>>) target_semaphore(%run_scoped3A : memref<!tpu.dma_semaphore, #tpu.memory_space<semaphore_mem>>)
      %dma_wait3A = tpu.memref_slice %arg16[%mul3A_2] : memref<10240xf32, #tpu.memory_space<vmem_shared>> -> memref<640xf32, #tpu.memory_space<vmem_shared>>
      %dma_wait3A_18 = tpu.memref_slice %arg16[%mul3A_2] : memref<10240xf32, #tpu.memory_space<vmem_shared>> -> memref<640xf32, #tpu.memory_space<vmem_shared>>
      tpu.wait_dma2 semaphore(%run_scoped3A : memref<!tpu.dma_semaphore, #tpu.memory_space<semaphore_mem>>) src(%arg15 : memref<640xf32, #tpu.memory_space<vmem>>) dst(%dma_wait3A_18 : memref<640xf32, #tpu.memory_space<vmem_shared>>)
      tpu.yield
    }) : () -> ()
    %mul3A_3 = arith.constant 640 : i32
    %mul3A_4 = arith.muli %arg1, %mul3A_3 : i32
    "tpu.region"() ({
      %run_scoped3A = tpu.sem_alloc : memref<!tpu.dma_semaphore, #tpu.memory_space<semaphore_mem>>
      %dma_start3A = tpu.memref_slice %arg17[%mul3A_4] : memref<10240xf32, #tpu.memory_space<vmem_shared>> -> memref<640xf32, #tpu.memory_space<vmem_shared>>
      %dma_start3A_17 = tpu.memref_slice %arg17[%mul3A_4] : memref<10240xf32, #tpu.memory_space<vmem_shared>> -> memref<640xf32, #tpu.memory_space<vmem_shared>>
      tpu.enqueue_dma source(%arg15 : memref<640xf32, #tpu.memory_space<vmem>>) target(%dma_start3A_17 : memref<640xf32, #tpu.memory_space<vmem_shared>>) target_semaphore(%run_scoped3A : memref<!tpu.dma_semaphore, #tpu.memory_space<semaphore_mem>>)
      %dma_wait3A = tpu.memref_slice %arg17[%mul3A_4] : memref<10240xf32, #tpu.memory_space<vmem_shared>> -> memref<640xf32, #tpu.memory_space<vmem_shared>>
      %dma_wait3A_18 = tpu.memref_slice %arg17[%mul3A_4] : memref<10240xf32, #tpu.memory_space<vmem_shared>> -> memref<640xf32, #tpu.memory_space<vmem_shared>>
      tpu.wait_dma2 semaphore(%run_scoped3A : memref<!tpu.dma_semaphore, #tpu.memory_space<semaphore_mem>>) src(%arg15 : memref<640xf32, #tpu.memory_space<vmem>>) dst(%dma_wait3A_18 : memref<640xf32, #tpu.memory_space<vmem_shared>>)
      tpu.yield
    }) : () -> ()
    "tpu.region"() ({
      %run_scoped3A = tpu.sem_alloc : memref<!tpu.dma_semaphore, #tpu.memory_space<semaphore_mem>>
      %dma_start3A = arith.constant 0 : i32
      %dma_start3A_17 = arith.constant 0 : i32
      %dma_start3A_18 = tpu.memref_slice %arg2[%add3A, %dma_start3A, %dma_start3A_17] : memref<32x80x125xi32, #tpu.memory_space<hbm>> -> memref<1x80x125xi32, #tpu.memory_space<hbm>>
      %dma_start3A_19 = tpu.memref_squeeze %dma_start3A_18 : memref<1x80x125xi32, #tpu.memory_space<hbm>> -> memref<80x125xi32, #tpu.memory_space<hbm>>
      %dma_start3A_20 = arith.constant 0 : i32
      %dma_start3A_21 = arith.constant 0 : i32
      %dma_start3A_22 = tpu.memref_slice %arg2[%add3A, %dma_start3A_20, %dma_start3A_21] : memref<32x80x125xi32, #tpu.memory_space<hbm>> -> memref<1x80x125xi32, #tpu.memory_space<hbm>>
      %dma_start3A_23 = tpu.memref_squeeze %dma_start3A_22 : memref<1x80x125xi32, #tpu.memory_space<hbm>> -> memref<80x125xi32, #tpu.memory_space<hbm>>
      tpu.enqueue_dma source(%dma_start3A_23 : memref<80x125xi32, #tpu.memory_space<hbm>>) target(%arg11 : memref<80x125xi32, #tpu.memory_space<vmem>>) target_semaphore(%run_scoped3A : memref<!tpu.dma_semaphore, #tpu.memory_space<semaphore_mem>>)
      %dma_wait3A = arith.constant 0 : i32
      %dma_wait3A_24 = arith.constant 0 : i32
      %dma_wait3A_25 = tpu.memref_slice %arg2[%add3A, %dma_wait3A, %dma_wait3A_24] : memref<32x80x125xi32, #tpu.memory_space<hbm>> -> memref<1x80x125xi32, #tpu.memory_space<hbm>>
      %dma_wait3A_26 = tpu.memref_squeeze %dma_wait3A_25 : memref<1x80x125xi32, #tpu.memory_space<hbm>> -> memref<80x125xi32, #tpu.memory_space<hbm>>
      %dma_wait3A_27 = arith.constant 0 : i32
      %dma_wait3A_28 = arith.constant 0 : i32
      %dma_wait3A_29 = tpu.memref_slice %arg2[%add3A, %dma_wait3A_27, %dma_wait3A_28] : memref<32x80x125xi32, #tpu.memory_space<hbm>> -> memref<1x80x125xi32, #tpu.memory_space<hbm>>
      %dma_wait3A_30 = tpu.memref_squeeze %dma_wait3A_29 : memref<1x80x125xi32, #tpu.memory_space<hbm>> -> memref<80x125xi32, #tpu.memory_space<hbm>>
      tpu.wait_dma2 semaphore(%run_scoped3A : memref<!tpu.dma_semaphore, #tpu.memory_space<semaphore_mem>>) src(%dma_wait3A_30 : memref<80x125xi32, #tpu.memory_space<hbm>>) dst(%arg11 : memref<80x125xi32, #tpu.memory_space<vmem>>)
      tpu.yield
    }) : () -> ()
    "tpu.region"() ({
      %run_scoped3A = tpu.sem_alloc : memref<!tpu.dma_semaphore, #tpu.memory_space<semaphore_mem>>
      %dma_start3A = arith.constant 0 : i32
      %dma_start3A_17 = arith.constant 0 : i32
      %dma_start3A_18 = tpu.memref_slice %arg3[%add3A, %dma_start3A, %dma_start3A_17] : memref<32x80x125xi32, #tpu.memory_space<hbm>> -> memref<1x80x125xi32, #tpu.memory_space<hbm>>
      %dma_start3A_19 = tpu.memref_squeeze %dma_start3A_18 : memref<1x80x125xi32, #tpu.memory_space<hbm>> -> memref<80x125xi32, #tpu.memory_space<hbm>>
      %dma_start3A_20 = arith.constant 0 : i32
      %dma_start3A_21 = arith.constant 0 : i32
      %dma_start3A_22 = tpu.memref_slice %arg3[%add3A, %dma_start3A_20, %dma_start3A_21] : memref<32x80x125xi32, #tpu.memory_space<hbm>> -> memref<1x80x125xi32, #tpu.memory_space<hbm>>
      %dma_start3A_23 = tpu.memref_squeeze %dma_start3A_22 : memref<1x80x125xi32, #tpu.memory_space<hbm>> -> memref<80x125xi32, #tpu.memory_space<hbm>>
      tpu.enqueue_dma source(%dma_start3A_23 : memref<80x125xi32, #tpu.memory_space<hbm>>) target(%arg12 : memref<80x125xi32, #tpu.memory_space<vmem>>) target_semaphore(%run_scoped3A : memref<!tpu.dma_semaphore, #tpu.memory_space<semaphore_mem>>)
      %dma_wait3A = arith.constant 0 : i32
      %dma_wait3A_24 = arith.constant 0 : i32
      %dma_wait3A_25 = tpu.memref_slice %arg3[%add3A, %dma_wait3A, %dma_wait3A_24] : memref<32x80x125xi32, #tpu.memory_space<hbm>> -> memref<1x80x125xi32, #tpu.memory_space<hbm>>
      %dma_wait3A_26 = tpu.memref_squeeze %dma_wait3A_25 : memref<1x80x125xi32, #tpu.memory_space<hbm>> -> memref<80x125xi32, #tpu.memory_space<hbm>>
      %dma_wait3A_27 = arith.constant 0 : i32
      %dma_wait3A_28 = arith.constant 0 : i32
      %dma_wait3A_29 = tpu.memref_slice %arg3[%add3A, %dma_wait3A_27, %dma_wait3A_28] : memref<32x80x125xi32, #tpu.memory_space<hbm>> -> memref<1x80x125xi32, #tpu.memory_space<hbm>>
      %dma_wait3A_30 = tpu.memref_squeeze %dma_wait3A_29 : memref<1x80x125xi32, #tpu.memory_space<hbm>> -> memref<80x125xi32, #tpu.memory_space<hbm>>
      tpu.wait_dma2 semaphore(%run_scoped3A : memref<!tpu.dma_semaphore, #tpu.memory_space<semaphore_mem>>) src(%dma_wait3A_30 : memref<80x125xi32, #tpu.memory_space<hbm>>) dst(%arg12 : memref<80x125xi32, #tpu.memory_space<vmem>>)
      tpu.yield
    }) : () -> ()
    "tpu.region"() ({
      %run_scoped3A = tpu.sem_alloc : memref<!tpu.dma_semaphore, #tpu.memory_space<semaphore_mem>>
      %dma_start3A = arith.constant 0 : i32
      %dma_start3A_17 = arith.constant 0 : i32
      %dma_start3A_18 = tpu.memref_slice %arg4[%add3A, %dma_start3A, %dma_start3A_17] : memref<32x80x125xf32, #tpu.memory_space<hbm>> -> memref<1x80x125xf32, #tpu.memory_space<hbm>>
      %dma_start3A_19 = tpu.memref_squeeze %dma_start3A_18 : memref<1x80x125xf32, #tpu.memory_space<hbm>> -> memref<80x125xf32, #tpu.memory_space<hbm>>
      %dma_start3A_20 = arith.constant 0 : i32
      %dma_start3A_21 = arith.constant 0 : i32
      %dma_start3A_22 = tpu.memref_slice %arg4[%add3A, %dma_start3A_20, %dma_start3A_21] : memref<32x80x125xf32, #tpu.memory_space<hbm>> -> memref<1x80x125xf32, #tpu.memory_space<hbm>>
      %dma_start3A_23 = tpu.memref_squeeze %dma_start3A_22 : memref<1x80x125xf32, #tpu.memory_space<hbm>> -> memref<80x125xf32, #tpu.memory_space<hbm>>
      tpu.enqueue_dma source(%dma_start3A_23 : memref<80x125xf32, #tpu.memory_space<hbm>>) target(%arg14 : memref<80x125xf32, #tpu.memory_space<vmem>>) target_semaphore(%run_scoped3A : memref<!tpu.dma_semaphore, #tpu.memory_space<semaphore_mem>>)
      %dma_wait3A = arith.constant 0 : i32
      %dma_wait3A_24 = arith.constant 0 : i32
      %dma_wait3A_25 = tpu.memref_slice %arg4[%add3A, %dma_wait3A, %dma_wait3A_24] : memref<32x80x125xf32, #tpu.memory_space<hbm>> -> memref<1x80x125xf32, #tpu.memory_space<hbm>>
      %dma_wait3A_26 = tpu.memref_squeeze %dma_wait3A_25 : memref<1x80x125xf32, #tpu.memory_space<hbm>> -> memref<80x125xf32, #tpu.memory_space<hbm>>
      %dma_wait3A_27 = arith.constant 0 : i32
      %dma_wait3A_28 = arith.constant 0 : i32
      %dma_wait3A_29 = tpu.memref_slice %arg4[%add3A, %dma_wait3A_27, %dma_wait3A_28] : memref<32x80x125xf32, #tpu.memory_space<hbm>> -> memref<1x80x125xf32, #tpu.memory_space<hbm>>
      %dma_wait3A_30 = tpu.memref_squeeze %dma_wait3A_29 : memref<1x80x125xf32, #tpu.memory_space<hbm>> -> memref<80x125xf32, #tpu.memory_space<hbm>>
      tpu.wait_dma2 semaphore(%run_scoped3A : memref<!tpu.dma_semaphore, #tpu.memory_space<semaphore_mem>>) src(%dma_wait3A_30 : memref<80x125xf32, #tpu.memory_space<hbm>>) dst(%arg14 : memref<80x125xf32, #tpu.memory_space<vmem>>)
      tpu.yield
    }) : () -> ()
    %barrier3A = arith.constant 0 : index
    tpu.barrier barrier_id(%barrier3A)
    %scan3A = arith.constant 0 : i32
    %scan3A_5 = arith.constant 10 : i32
    %scan3A_6 = arith.addi %scan3A, %scan3A_5 : i32
    %scan3A_7 = arith.constant 1 : i32
    scf.for %scan3A_17 = %scan3A to %scan3A_6 step %scan3A_7  : i32 {
      %mul3A_18 = arith.constant 8 : i32
      %mul3A_19 = arith.muli %scan3A_17, %mul3A_18 : i32
      %add3A_20 = arith.constant 0 : i32
      %add3A_21 = arith.addi %mul3A_19, %add3A_20 : i32
      %dma_start3A = arith.constant 0 : i32
      %dma_start3A_22 = tpu.memref_slice %arg11[%add3A_21, %dma_start3A] : memref<80x125xi32, #tpu.memory_space<vmem>> -> memref<1x125xi32, #tpu.memory_space<vmem>>
      %dma_start3A_23 = tpu.memref_squeeze %dma_start3A_22 : memref<1x125xi32, #tpu.memory_space<vmem>> -> memref<125xi32, #tpu.memory_space<vmem>>
      %dma_start3A_24 = arith.constant 0 : i32
      %dma_start3A_25 = tpu.memref_slice %arg16[%dma_start3A_24] : memref<10240xf32, #tpu.memory_space<vmem_shared>> -> memref<10240xf32, #tpu.memory_space<vmem_shared>>
      tpu.enqueue_indirect_dma source(%arg13 : memref<125xf32, #tpu.memory_space<vmem>>) target(%dma_start3A_25 : memref<10240xf32, #tpu.memory_space<vmem_shared>>) offsets(%dma_start3A_23 : memref<125xi32, #tpu.memory_space<vmem>>) semaphore(%arg18 : memref<!tpu.dma_semaphore, #tpu.memory_space<semaphore_mem>>) {add = true}
      %dma_start3A_26 = arith.constant 0 : i32
      %dma_start3A_27 = tpu.memref_slice %arg14[%add3A_21, %dma_start3A_26] : memref<80x125xf32, #tpu.memory_space<vmem>> -> memref<1x125xf32, #tpu.memory_space<vmem>>
      %dma_start3A_28 = tpu.memref_squeeze %dma_start3A_27 : memref<1x125xf32, #tpu.memory_space<vmem>> -> memref<125xf32, #tpu.memory_space<vmem>>
      %dma_start3A_29 = arith.constant 0 : i32
      %dma_start3A_30 = tpu.memref_slice %arg12[%add3A_21, %dma_start3A_29] : memref<80x125xi32, #tpu.memory_space<vmem>> -> memref<1x125xi32, #tpu.memory_space<vmem>>
      %dma_start3A_31 = tpu.memref_squeeze %dma_start3A_30 : memref<1x125xi32, #tpu.memory_space<vmem>> -> memref<125xi32, #tpu.memory_space<vmem>>
      %dma_start3A_32 = arith.constant 0 : i32
      %dma_start3A_33 = tpu.memref_slice %arg17[%dma_start3A_32] : memref<10240xf32, #tpu.memory_space<vmem_shared>> -> memref<10240xf32, #tpu.memory_space<vmem_shared>>
      tpu.enqueue_indirect_dma source(%dma_start3A_28 : memref<125xf32, #tpu.memory_space<vmem>>) target(%dma_start3A_33 : memref<10240xf32, #tpu.memory_space<vmem_shared>>) offsets(%dma_start3A_31 : memref<125xi32, #tpu.memory_space<vmem>>) semaphore(%arg18 : memref<!tpu.dma_semaphore, #tpu.memory_space<semaphore_mem>>) {add = true}
      %mul3A_34 = arith.constant 8 : i32
      %mul3A_35 = arith.muli %scan3A_17, %mul3A_34 : i32
      %add3A_36 = arith.constant 1 : i32
      %add3A_37 = arith.addi %mul3A_35, %add3A_36 : i32
      %dma_start3A_38 = arith.constant 0 : i32
      %dma_start3A_39 = tpu.memref_slice %arg11[%add3A_37, %dma_start3A_38] : memref<80x125xi32, #tpu.memory_space<vmem>> -> memref<1x125xi32, #tpu.memory_space<vmem>>
      %dma_start3A_40 = tpu.memref_squeeze %dma_start3A_39 : memref<1x125xi32, #tpu.memory_space<vmem>> -> memref<125xi32, #tpu.memory_space<vmem>>
      %dma_start3A_41 = arith.constant 0 : i32
      %dma_start3A_42 = tpu.memref_slice %arg16[%dma_start3A_41] : memref<10240xf32, #tpu.memory_space<vmem_shared>> -> memref<10240xf32, #tpu.memory_space<vmem_shared>>
      tpu.enqueue_indirect_dma source(%arg13 : memref<125xf32, #tpu.memory_space<vmem>>) target(%dma_start3A_42 : memref<10240xf32, #tpu.memory_space<vmem_shared>>) offsets(%dma_start3A_40 : memref<125xi32, #tpu.memory_space<vmem>>) semaphore(%arg18 : memref<!tpu.dma_semaphore, #tpu.memory_space<semaphore_mem>>) {add = true}
      %dma_start3A_43 = arith.constant 0 : i32
      %dma_start3A_44 = tpu.memref_slice %arg14[%add3A_37, %dma_start3A_43] : memref<80x125xf32, #tpu.memory_space<vmem>> -> memref<1x125xf32, #tpu.memory_space<vmem>>
      %dma_start3A_45 = tpu.memref_squeeze %dma_start3A_44 : memref<1x125xf32, #tpu.memory_space<vmem>> -> memref<125xf32, #tpu.memory_space<vmem>>
      %dma_start3A_46 = arith.constant 0 : i32
      %dma_start3A_47 = tpu.memref_slice %arg12[%add3A_37, %dma_start3A_46] : memref<80x125xi32, #tpu.memory_space<vmem>> -> memref<1x125xi32, #tpu.memory_space<vmem>>
      %dma_start3A_48 = tpu.memref_squeeze %dma_start3A_47 : memref<1x125xi32, #tpu.memory_space<vmem>> -> memref<125xi32, #tpu.memory_space<vmem>>
      %dma_start3A_49 = arith.constant 0 : i32
      %dma_start3A_50 = tpu.memref_slice %arg17[%dma_start3A_49] : memref<10240xf32, #tpu.memory_space<vmem_shared>> -> memref<10240xf32, #tpu.memory_space<vmem_shared>>
      tpu.enqueue_indirect_dma source(%dma_start3A_45 : memref<125xf32, #tpu.memory_space<vmem>>) target(%dma_start3A_50 : memref<10240xf32, #tpu.memory_space<vmem_shared>>) offsets(%dma_start3A_48 : memref<125xi32, #tpu.memory_space<vmem>>) semaphore(%arg18 : memref<!tpu.dma_semaphore, #tpu.memory_space<semaphore_mem>>) {add = true}
      %mul3A_51 = arith.constant 8 : i32
      %mul3A_52 = arith.muli %scan3A_17, %mul3A_51 : i32
      %add3A_53 = arith.constant 2 : i32
      %add3A_54 = arith.addi %mul3A_52, %add3A_53 : i32
      %dma_start3A_55 = arith.constant 0 : i32
      %dma_start3A_56 = tpu.memref_slice %arg11[%add3A_54, %dma_start3A_55] : memref<80x125xi32, #tpu.memory_space<vmem>> -> memref<1x125xi32, #tpu.memory_space<vmem>>
      %dma_start3A_57 = tpu.memref_squeeze %dma_start3A_56 : memref<1x125xi32, #tpu.memory_space<vmem>> -> memref<125xi32, #tpu.memory_space<vmem>>
      %dma_start3A_58 = arith.constant 0 : i32
      %dma_start3A_59 = tpu.memref_slice %arg16[%dma_start3A_58] : memref<10240xf32, #tpu.memory_space<vmem_shared>> -> memref<10240xf32, #tpu.memory_space<vmem_shared>>
      tpu.enqueue_indirect_dma source(%arg13 : memref<125xf32, #tpu.memory_space<vmem>>) target(%dma_start3A_59 : memref<10240xf32, #tpu.memory_space<vmem_shared>>) offsets(%dma_start3A_57 : memref<125xi32, #tpu.memory_space<vmem>>) semaphore(%arg18 : memref<!tpu.dma_semaphore, #tpu.memory_space<semaphore_mem>>) {add = true}
      %dma_start3A_60 = arith.constant 0 : i32
      %dma_start3A_61 = tpu.memref_slice %arg14[%add3A_54, %dma_start3A_60] : memref<80x125xf32, #tpu.memory_space<vmem>> -> memref<1x125xf32, #tpu.memory_space<vmem>>
      %dma_start3A_62 = tpu.memref_squeeze %dma_start3A_61 : memref<1x125xf32, #tpu.memory_space<vmem>> -> memref<125xf32, #tpu.memory_space<vmem>>
      %dma_start3A_63 = arith.constant 0 : i32
      %dma_start3A_64 = tpu.memref_slice %arg12[%add3A_54, %dma_start3A_63] : memref<80x125xi32, #tpu.memory_space<vmem>> -> memref<1x125xi32, #tpu.memory_space<vmem>>
      %dma_start3A_65 = tpu.memref_squeeze %dma_start3A_64 : memref<1x125xi32, #tpu.memory_space<vmem>> -> memref<125xi32, #tpu.memory_space<vmem>>
      %dma_start3A_66 = arith.constant 0 : i32
      %dma_start3A_67 = tpu.memref_slice %arg17[%dma_start3A_66] : memref<10240xf32, #tpu.memory_space<vmem_shared>> -> memref<10240xf32, #tpu.memory_space<vmem_shared>>
      tpu.enqueue_indirect_dma source(%dma_start3A_62 : memref<125xf32, #tpu.memory_space<vmem>>) target(%dma_start3A_67 : memref<10240xf32, #tpu.memory_space<vmem_shared>>) offsets(%dma_start3A_65 : memref<125xi32, #tpu.memory_space<vmem>>) semaphore(%arg18 : memref<!tpu.dma_semaphore, #tpu.memory_space<semaphore_mem>>) {add = true}
      %mul3A_68 = arith.constant 8 : i32
      %mul3A_69 = arith.muli %scan3A_17, %mul3A_68 : i32
      %add3A_70 = arith.constant 3 : i32
      %add3A_71 = arith.addi %mul3A_69, %add3A_70 : i32
      %dma_start3A_72 = arith.constant 0 : i32
      %dma_start3A_73 = tpu.memref_slice %arg11[%add3A_71, %dma_start3A_72] : memref<80x125xi32, #tpu.memory_space<vmem>> -> memref<1x125xi32, #tpu.memory_space<vmem>>
      %dma_start3A_74 = tpu.memref_squeeze %dma_start3A_73 : memref<1x125xi32, #tpu.memory_space<vmem>> -> memref<125xi32, #tpu.memory_space<vmem>>
      %dma_start3A_75 = arith.constant 0 : i32
      %dma_start3A_76 = tpu.memref_slice %arg16[%dma_start3A_75] : memref<10240xf32, #tpu.memory_space<vmem_shared>> -> memref<10240xf32, #tpu.memory_space<vmem_shared>>
      tpu.enqueue_indirect_dma source(%arg13 : memref<125xf32, #tpu.memory_space<vmem>>) target(%dma_start3A_76 : memref<10240xf32, #tpu.memory_space<vmem_shared>>) offsets(%dma_start3A_74 : memref<125xi32, #tpu.memory_space<vmem>>) semaphore(%arg18 : memref<!tpu.dma_semaphore, #tpu.memory_space<semaphore_mem>>) {add = true}
      %dma_start3A_77 = arith.constant 0 : i32
      %dma_start3A_78 = tpu.memref_slice %arg14[%add3A_71, %dma_start3A_77] : memref<80x125xf32, #tpu.memory_space<vmem>> -> memref<1x125xf32, #tpu.memory_space<vmem>>
      %dma_start3A_79 = tpu.memref_squeeze %dma_start3A_78 : memref<1x125xf32, #tpu.memory_space<vmem>> -> memref<125xf32, #tpu.memory_space<vmem>>
      %dma_start3A_80 = arith.constant 0 : i32
      %dma_start3A_81 = tpu.memref_slice %arg12[%add3A_71, %dma_start3A_80] : memref<80x125xi32, #tpu.memory_space<vmem>> -> memref<1x125xi32, #tpu.memory_space<vmem>>
      %dma_start3A_82 = tpu.memref_squeeze %dma_start3A_81 : memref<1x125xi32, #tpu.memory_space<vmem>> -> memref<125xi32, #tpu.memory_space<vmem>>
      %dma_start3A_83 = arith.constant 0 : i32
      %dma_start3A_84 = tpu.memref_slice %arg17[%dma_start3A_83] : memref<10240xf32, #tpu.memory_space<vmem_shared>> -> memref<10240xf32, #tpu.memory_space<vmem_shared>>
      tpu.enqueue_indirect_dma source(%dma_start3A_79 : memref<125xf32, #tpu.memory_space<vmem>>) target(%dma_start3A_84 : memref<10240xf32, #tpu.memory_space<vmem_shared>>) offsets(%dma_start3A_82 : memref<125xi32, #tpu.memory_space<vmem>>) semaphore(%arg18 : memref<!tpu.dma_semaphore, #tpu.memory_space<semaphore_mem>>) {add = true}
      %mul3A_85 = arith.constant 8 : i32
      %mul3A_86 = arith.muli %scan3A_17, %mul3A_85 : i32
      %add3A_87 = arith.constant 4 : i32
      %add3A_88 = arith.addi %mul3A_86, %add3A_87 : i32
      %dma_start3A_89 = arith.constant 0 : i32
      %dma_start3A_90 = tpu.memref_slice %arg11[%add3A_88, %dma_start3A_89] : memref<80x125xi32, #tpu.memory_space<vmem>> -> memref<1x125xi32, #tpu.memory_space<vmem>>
      %dma_start3A_91 = tpu.memref_squeeze %dma_start3A_90 : memref<1x125xi32, #tpu.memory_space<vmem>> -> memref<125xi32, #tpu.memory_space<vmem>>
      %dma_start3A_92 = arith.constant 0 : i32
      %dma_start3A_93 = tpu.memref_slice %arg16[%dma_start3A_92] : memref<10240xf32, #tpu.memory_space<vmem_shared>> -> memref<10240xf32, #tpu.memory_space<vmem_shared>>
      tpu.enqueue_indirect_dma source(%arg13 : memref<125xf32, #tpu.memory_space<vmem>>) target(%dma_start3A_93 : memref<10240xf32, #tpu.memory_space<vmem_shared>>) offsets(%dma_start3A_91 : memref<125xi32, #tpu.memory_space<vmem>>) semaphore(%arg18 : memref<!tpu.dma_semaphore, #tpu.memory_space<semaphore_mem>>) {add = true}
      %dma_start3A_94 = arith.constant 0 : i32
      %dma_start3A_95 = tpu.memref_slice %arg14[%add3A_88, %dma_start3A_94] : memref<80x125xf32, #tpu.memory_space<vmem>> -> memref<1x125xf32, #tpu.memory_space<vmem>>
      %dma_start3A_96 = tpu.memref_squeeze %dma_start3A_95 : memref<1x125xf32, #tpu.memory_space<vmem>> -> memref<125xf32, #tpu.memory_space<vmem>>
      %dma_start3A_97 = arith.constant 0 : i32
      %dma_start3A_98 = tpu.memref_slice %arg12[%add3A_88, %dma_start3A_97] : memref<80x125xi32, #tpu.memory_space<vmem>> -> memref<1x125xi32, #tpu.memory_space<vmem>>
      %dma_start3A_99 = tpu.memref_squeeze %dma_start3A_98 : memref<1x125xi32, #tpu.memory_space<vmem>> -> memref<125xi32, #tpu.memory_space<vmem>>
      %dma_start3A_100 = arith.constant 0 : i32
      %dma_start3A_101 = tpu.memref_slice %arg17[%dma_start3A_100] : memref<10240xf32, #tpu.memory_space<vmem_shared>> -> memref<10240xf32, #tpu.memory_space<vmem_shared>>
      tpu.enqueue_indirect_dma source(%dma_start3A_96 : memref<125xf32, #tpu.memory_space<vmem>>) target(%dma_start3A_101 : memref<10240xf32, #tpu.memory_space<vmem_shared>>) offsets(%dma_start3A_99 : memref<125xi32, #tpu.memory_space<vmem>>) semaphore(%arg18 : memref<!tpu.dma_semaphore, #tpu.memory_space<semaphore_mem>>) {add = true}
      %mul3A_102 = arith.constant 8 : i32
      %mul3A_103 = arith.muli %scan3A_17, %mul3A_102 : i32
      %add3A_104 = arith.constant 5 : i32
      %add3A_105 = arith.addi %mul3A_103, %add3A_104 : i32
      %dma_start3A_106 = arith.constant 0 : i32
      %dma_start3A_107 = tpu.memref_slice %arg11[%add3A_105, %dma_start3A_106] : memref<80x125xi32, #tpu.memory_space<vmem>> -> memref<1x125xi32, #tpu.memory_space<vmem>>
      %dma_start3A_108 = tpu.memref_squeeze %dma_start3A_107 : memref<1x125xi32, #tpu.memory_space<vmem>> -> memref<125xi32, #tpu.memory_space<vmem>>
      %dma_start3A_109 = arith.constant 0 : i32
      %dma_start3A_110 = tpu.memref_slice %arg16[%dma_start3A_109] : memref<10240xf32, #tpu.memory_space<vmem_shared>> -> memref<10240xf32, #tpu.memory_space<vmem_shared>>
      tpu.enqueue_indirect_dma source(%arg13 : memref<125xf32, #tpu.memory_space<vmem>>) target(%dma_start3A_110 : memref<10240xf32, #tpu.memory_space<vmem_shared>>) offsets(%dma_start3A_108 : memref<125xi32, #tpu.memory_space<vmem>>) semaphore(%arg18 : memref<!tpu.dma_semaphore, #tpu.memory_space<semaphore_mem>>) {add = true}
      %dma_start3A_111 = arith.constant 0 : i32
      %dma_start3A_112 = tpu.memref_slice %arg14[%add3A_105, %dma_start3A_111] : memref<80x125xf32, #tpu.memory_space<vmem>> -> memref<1x125xf32, #tpu.memory_space<vmem>>
      %dma_start3A_113 = tpu.memref_squeeze %dma_start3A_112 : memref<1x125xf32, #tpu.memory_space<vmem>> -> memref<125xf32, #tpu.memory_space<vmem>>
      %dma_start3A_114 = arith.constant 0 : i32
      %dma_start3A_115 = tpu.memref_slice %arg12[%add3A_105, %dma_start3A_114] : memref<80x125xi32, #tpu.memory_space<vmem>> -> memref<1x125xi32, #tpu.memory_space<vmem>>
      %dma_start3A_116 = tpu.memref_squeeze %dma_start3A_115 : memref<1x125xi32, #tpu.memory_space<vmem>> -> memref<125xi32, #tpu.memory_space<vmem>>
      %dma_start3A_117 = arith.constant 0 : i32
      %dma_start3A_118 = tpu.memref_slice %arg17[%dma_start3A_117] : memref<10240xf32, #tpu.memory_space<vmem_shared>> -> memref<10240xf32, #tpu.memory_space<vmem_shared>>
      tpu.enqueue_indirect_dma source(%dma_start3A_113 : memref<125xf32, #tpu.memory_space<vmem>>) target(%dma_start3A_118 : memref<10240xf32, #tpu.memory_space<vmem_shared>>) offsets(%dma_start3A_116 : memref<125xi32, #tpu.memory_space<vmem>>) semaphore(%arg18 : memref<!tpu.dma_semaphore, #tpu.memory_space<semaphore_mem>>) {add = true}
      %mul3A_119 = arith.constant 8 : i32
      %mul3A_120 = arith.muli %scan3A_17, %mul3A_119 : i32
      %add3A_121 = arith.constant 6 : i32
      %add3A_122 = arith.addi %mul3A_120, %add3A_121 : i32
      %dma_start3A_123 = arith.constant 0 : i32
      %dma_start3A_124 = tpu.memref_slice %arg11[%add3A_122, %dma_start3A_123] : memref<80x125xi32, #tpu.memory_space<vmem>> -> memref<1x125xi32, #tpu.memory_space<vmem>>
      %dma_start3A_125 = tpu.memref_squeeze %dma_start3A_124 : memref<1x125xi32, #tpu.memory_space<vmem>> -> memref<125xi32, #tpu.memory_space<vmem>>
      %dma_start3A_126 = arith.constant 0 : i32
      %dma_start3A_127 = tpu.memref_slice %arg16[%dma_start3A_126] : memref<10240xf32, #tpu.memory_space<vmem_shared>> -> memref<10240xf32, #tpu.memory_space<vmem_shared>>
      tpu.enqueue_indirect_dma source(%arg13 : memref<125xf32, #tpu.memory_space<vmem>>) target(%dma_start3A_127 : memref<10240xf32, #tpu.memory_space<vmem_shared>>) offsets(%dma_start3A_125 : memref<125xi32, #tpu.memory_space<vmem>>) semaphore(%arg18 : memref<!tpu.dma_semaphore, #tpu.memory_space<semaphore_mem>>) {add = true}
      %dma_start3A_128 = arith.constant 0 : i32
      %dma_start3A_129 = tpu.memref_slice %arg14[%add3A_122, %dma_start3A_128] : memref<80x125xf32, #tpu.memory_space<vmem>> -> memref<1x125xf32, #tpu.memory_space<vmem>>
      %dma_start3A_130 = tpu.memref_squeeze %dma_start3A_129 : memref<1x125xf32, #tpu.memory_space<vmem>> -> memref<125xf32, #tpu.memory_space<vmem>>
      %dma_start3A_131 = arith.constant 0 : i32
      %dma_start3A_132 = tpu.memref_slice %arg12[%add3A_122, %dma_start3A_131] : memref<80x125xi32, #tpu.memory_space<vmem>> -> memref<1x125xi32, #tpu.memory_space<vmem>>
      %dma_start3A_133 = tpu.memref_squeeze %dma_start3A_132 : memref<1x125xi32, #tpu.memory_space<vmem>> -> memref<125xi32, #tpu.memory_space<vmem>>
      %dma_start3A_134 = arith.constant 0 : i32
      %dma_start3A_135 = tpu.memref_slice %arg17[%dma_start3A_134] : memref<10240xf32, #tpu.memory_space<vmem_shared>> -> memref<10240xf32, #tpu.memory_space<vmem_shared>>
      tpu.enqueue_indirect_dma source(%dma_start3A_130 : memref<125xf32, #tpu.memory_space<vmem>>) target(%dma_start3A_135 : memref<10240xf32, #tpu.memory_space<vmem_shared>>) offsets(%dma_start3A_133 : memref<125xi32, #tpu.memory_space<vmem>>) semaphore(%arg18 : memref<!tpu.dma_semaphore, #tpu.memory_space<semaphore_mem>>) {add = true}
      %mul3A_136 = arith.constant 8 : i32
      %mul3A_137 = arith.muli %scan3A_17, %mul3A_136 : i32
      %add3A_138 = arith.constant 7 : i32
      %add3A_139 = arith.addi %mul3A_137, %add3A_138 : i32
      %dma_start3A_140 = arith.constant 0 : i32
      %dma_start3A_141 = tpu.memref_slice %arg11[%add3A_139, %dma_start3A_140] : memref<80x125xi32, #tpu.memory_space<vmem>> -> memref<1x125xi32, #tpu.memory_space<vmem>>
      %dma_start3A_142 = tpu.memref_squeeze %dma_start3A_141 : memref<1x125xi32, #tpu.memory_space<vmem>> -> memref<125xi32, #tpu.memory_space<vmem>>
      %dma_start3A_143 = arith.constant 0 : i32
      %dma_start3A_144 = tpu.memref_slice %arg16[%dma_start3A_143] : memref<10240xf32, #tpu.memory_space<vmem_shared>> -> memref<10240xf32, #tpu.memory_space<vmem_shared>>
      tpu.enqueue_indirect_dma source(%arg13 : memref<125xf32, #tpu.memory_space<vmem>>) target(%dma_start3A_144 : memref<10240xf32, #tpu.memory_space<vmem_shared>>) offsets(%dma_start3A_142 : memref<125xi32, #tpu.memory_space<vmem>>) semaphore(%arg18 : memref<!tpu.dma_semaphore, #tpu.memory_space<semaphore_mem>>) {add = true}
      %dma_start3A_145 = arith.constant 0 : i32
      %dma_start3A_146 = tpu.memref_slice %arg14[%add3A_139, %dma_start3A_145] : memref<80x125xf32, #tpu.memory_space<vmem>> -> memref<1x125xf32, #tpu.memory_space<vmem>>
      %dma_start3A_147 = tpu.memref_squeeze %dma_start3A_146 : memref<1x125xf32, #tpu.memory_space<vmem>> -> memref<125xf32, #tpu.memory_space<vmem>>
      %dma_start3A_148 = arith.constant 0 : i32
      %dma_start3A_149 = tpu.memref_slice %arg12[%add3A_139, %dma_start3A_148] : memref<80x125xi32, #tpu.memory_space<vmem>> -> memref<1x125xi32, #tpu.memory_space<vmem>>
      %dma_start3A_150 = tpu.memref_squeeze %dma_start3A_149 : memref<1x125xi32, #tpu.memory_space<vmem>> -> memref<125xi32, #tpu.memory_space<vmem>>
      %dma_start3A_151 = arith.constant 0 : i32
      %dma_start3A_152 = tpu.memref_slice %arg17[%dma_start3A_151] : memref<10240xf32, #tpu.memory_space<vmem_shared>> -> memref<10240xf32, #tpu.memory_space<vmem_shared>>
      tpu.enqueue_indirect_dma source(%dma_start3A_147 : memref<125xf32, #tpu.memory_space<vmem>>) target(%dma_start3A_152 : memref<10240xf32, #tpu.memory_space<vmem_shared>>) offsets(%dma_start3A_150 : memref<125xi32, #tpu.memory_space<vmem>>) semaphore(%arg18 : memref<!tpu.dma_semaphore, #tpu.memory_space<semaphore_mem>>) {add = true}
      %dma_wait3A = arith.constant 0 : i32
      %dma_wait3A_153 = arith.constant 0 : i32
      %dma_wait3A_154 = tpu.memref_slice %arg11[%dma_wait3A, %dma_wait3A_153] : memref<80x125xi32, #tpu.memory_space<vmem>> -> memref<1x125xi32, #tpu.memory_space<vmem>>
      %dma_wait3A_155 = tpu.memref_squeeze %dma_wait3A_154 : memref<1x125xi32, #tpu.memory_space<vmem>> -> memref<125xi32, #tpu.memory_space<vmem>>
      %dma_wait3A_156 = arith.constant 0 : i32
      %dma_wait3A_157 = tpu.memref_slice %arg16[%dma_wait3A_156] : memref<10240xf32, #tpu.memory_space<vmem_shared>> -> memref<10240xf32, #tpu.memory_space<vmem_shared>>
      tpu.wait_indirect_dma semaphore(%arg18 : memref<!tpu.dma_semaphore, #tpu.memory_space<semaphore_mem>>) src(%arg13 : memref<125xf32, #tpu.memory_space<vmem>>) dst(%dma_wait3A_157 : memref<10240xf32, #tpu.memory_space<vmem_shared>>)
      %dma_wait3A_158 = arith.constant 0 : i32
      %dma_wait3A_159 = arith.constant 0 : i32
      %dma_wait3A_160 = arith.constant 0 : i32
      %dma_wait3A_161 = tpu.memref_slice %arg14[%dma_wait3A_158, %dma_wait3A_160] : memref<80x125xf32, #tpu.memory_space<vmem>> -> memref<1x125xf32, #tpu.memory_space<vmem>>
      %dma_wait3A_162 = tpu.memref_squeeze %dma_wait3A_161 : memref<1x125xf32, #tpu.memory_space<vmem>> -> memref<125xf32, #tpu.memory_space<vmem>>
      %dma_wait3A_163 = arith.constant 0 : i32
      %dma_wait3A_164 = tpu.memref_slice %arg12[%dma_wait3A_159, %dma_wait3A_163] : memref<80x125xi32, #tpu.memory_space<vmem>> -> memref<1x125xi32, #tpu.memory_space<vmem>>
      %dma_wait3A_165 = tpu.memref_squeeze %dma_wait3A_164 : memref<1x125xi32, #tpu.memory_space<vmem>> -> memref<125xi32, #tpu.memory_space<vmem>>
      %dma_wait3A_166 = arith.constant 0 : i32
      %dma_wait3A_167 = tpu.memref_slice %arg17[%dma_wait3A_166] : memref<10240xf32, #tpu.memory_space<vmem_shared>> -> memref<10240xf32, #tpu.memory_space<vmem_shared>>
      tpu.wait_indirect_dma semaphore(%arg18 : memref<!tpu.dma_semaphore, #tpu.memory_space<semaphore_mem>>) src(%dma_wait3A_162 : memref<125xf32, #tpu.memory_space<vmem>>) dst(%dma_wait3A_167 : memref<10240xf32, #tpu.memory_space<vmem_shared>>)
      %dma_wait3A_168 = arith.constant 0 : i32
      %dma_wait3A_169 = arith.constant 0 : i32
      %dma_wait3A_170 = tpu.memref_slice %arg11[%dma_wait3A_168, %dma_wait3A_169] : memref<80x125xi32, #tpu.memory_space<vmem>> -> memref<1x125xi32, #tpu.memory_space<vmem>>
      %dma_wait3A_171 = tpu.memref_squeeze %dma_wait3A_170 : memref<1x125xi32, #tpu.memory_space<vmem>> -> memref<125xi32, #tpu.memory_space<vmem>>
      %dma_wait3A_172 = arith.constant 0 : i32
      %dma_wait3A_173 = tpu.memref_slice %arg16[%dma_wait3A_172] : memref<10240xf32, #tpu.memory_space<vmem_shared>> -> memref<10240xf32, #tpu.memory_space<vmem_shared>>
      tpu.wait_indirect_dma semaphore(%arg18 : memref<!tpu.dma_semaphore, #tpu.memory_space<semaphore_mem>>) src(%arg13 : memref<125xf32, #tpu.memory_space<vmem>>) dst(%dma_wait3A_173 : memref<10240xf32, #tpu.memory_space<vmem_shared>>)
      %dma_wait3A_174 = arith.constant 0 : i32
      %dma_wait3A_175 = arith.constant 0 : i32
      %dma_wait3A_176 = arith.constant 0 : i32
      %dma_wait3A_177 = tpu.memref_slice %arg14[%dma_wait3A_174, %dma_wait3A_176] : memref<80x125xf32, #tpu.memory_space<vmem>> -> memref<1x125xf32, #tpu.memory_space<vmem>>
      %dma_wait3A_178 = tpu.memref_squeeze %dma_wait3A_177 : memref<1x125xf32, #tpu.memory_space<vmem>> -> memref<125xf32, #tpu.memory_space<vmem>>
      %dma_wait3A_179 = arith.constant 0 : i32
      %dma_wait3A_180 = tpu.memref_slice %arg12[%dma_wait3A_175, %dma_wait3A_179] : memref<80x125xi32, #tpu.memory_space<vmem>> -> memref<1x125xi32, #tpu.memory_space<vmem>>
      %dma_wait3A_181 = tpu.memref_squeeze %dma_wait3A_180 : memref<1x125xi32, #tpu.memory_space<vmem>> -> memref<125xi32, #tpu.memory_space<vmem>>
      %dma_wait3A_182 = arith.constant 0 : i32
      %dma_wait3A_183 = tpu.memref_slice %arg17[%dma_wait3A_182] : memref<10240xf32, #tpu.memory_space<vmem_shared>> -> memref<10240xf32, #tpu.memory_space<vmem_shared>>
      tpu.wait_indirect_dma semaphore(%arg18 : memref<!tpu.dma_semaphore, #tpu.memory_space<semaphore_mem>>) src(%dma_wait3A_178 : memref<125xf32, #tpu.memory_space<vmem>>) dst(%dma_wait3A_183 : memref<10240xf32, #tpu.memory_space<vmem_shared>>)
      %dma_wait3A_184 = arith.constant 0 : i32
      %dma_wait3A_185 = arith.constant 0 : i32
      %dma_wait3A_186 = tpu.memref_slice %arg11[%dma_wait3A_184, %dma_wait3A_185] : memref<80x125xi32, #tpu.memory_space<vmem>> -> memref<1x125xi32, #tpu.memory_space<vmem>>
      %dma_wait3A_187 = tpu.memref_squeeze %dma_wait3A_186 : memref<1x125xi32, #tpu.memory_space<vmem>> -> memref<125xi32, #tpu.memory_space<vmem>>
      %dma_wait3A_188 = arith.constant 0 : i32
      %dma_wait3A_189 = tpu.memref_slice %arg16[%dma_wait3A_188] : memref<10240xf32, #tpu.memory_space<vmem_shared>> -> memref<10240xf32, #tpu.memory_space<vmem_shared>>
      tpu.wait_indirect_dma semaphore(%arg18 : memref<!tpu.dma_semaphore, #tpu.memory_space<semaphore_mem>>) src(%arg13 : memref<125xf32, #tpu.memory_space<vmem>>) dst(%dma_wait3A_189 : memref<10240xf32, #tpu.memory_space<vmem_shared>>)
      %dma_wait3A_190 = arith.constant 0 : i32
      %dma_wait3A_191 = arith.constant 0 : i32
      %dma_wait3A_192 = arith.constant 0 : i32
      %dma_wait3A_193 = tpu.memref_slice %arg14[%dma_wait3A_190, %dma_wait3A_192] : memref<80x125xf32, #tpu.memory_space<vmem>> -> memref<1x125xf32, #tpu.memory_space<vmem>>
      %dma_wait3A_194 = tpu.memref_squeeze %dma_wait3A_193 : memref<1x125xf32, #tpu.memory_space<vmem>> -> memref<125xf32, #tpu.memory_space<vmem>>
      %dma_wait3A_195 = arith.constant 0 : i32
      %dma_wait3A_196 = tpu.memref_slice %arg12[%dma_wait3A_191, %dma_wait3A_195] : memref<80x125xi32, #tpu.memory_space<vmem>> -> memref<1x125xi32, #tpu.memory_space<vmem>>
      %dma_wait3A_197 = tpu.memref_squeeze %dma_wait3A_196 : memref<1x125xi32, #tpu.memory_space<vmem>> -> memref<125xi32, #tpu.memory_space<vmem>>
      %dma_wait3A_198 = arith.constant 0 : i32
      %dma_wait3A_199 = tpu.memref_slice %arg17[%dma_wait3A_198] : memref<10240xf32, #tpu.memory_space<vmem_shared>> -> memref<10240xf32, #tpu.memory_space<vmem_shared>>
      tpu.wait_indirect_dma semaphore(%arg18 : memref<!tpu.dma_semaphore, #tpu.memory_space<semaphore_mem>>) src(%dma_wait3A_194 : memref<125xf32, #tpu.memory_space<vmem>>) dst(%dma_wait3A_199 : memref<10240xf32, #tpu.memory_space<vmem_shared>>)
      %dma_wait3A_200 = arith.constant 0 : i32
      %dma_wait3A_201 = arith.constant 0 : i32
      %dma_wait3A_202 = tpu.memref_slice %arg11[%dma_wait3A_200, %dma_wait3A_201] : memref<80x125xi32, #tpu.memory_space<vmem>> -> memref<1x125xi32, #tpu.memory_space<vmem>>
      %dma_wait3A_203 = tpu.memref_squeeze %dma_wait3A_202 : memref<1x125xi32, #tpu.memory_space<vmem>> -> memref<125xi32, #tpu.memory_space<vmem>>
      %dma_wait3A_204 = arith.constant 0 : i32
      %dma_wait3A_205 = tpu.memref_slice %arg16[%dma_wait3A_204] : memref<10240xf32, #tpu.memory_space<vmem_shared>> -> memref<10240xf32, #tpu.memory_space<vmem_shared>>
      tpu.wait_indirect_dma semaphore(%arg18 : memref<!tpu.dma_semaphore, #tpu.memory_space<semaphore_mem>>) src(%arg13 : memref<125xf32, #tpu.memory_space<vmem>>) dst(%dma_wait3A_205 : memref<10240xf32, #tpu.memory_space<vmem_shared>>)
      %dma_wait3A_206 = arith.constant 0 : i32
      %dma_wait3A_207 = arith.constant 0 : i32
      %dma_wait3A_208 = arith.constant 0 : i32
      %dma_wait3A_209 = tpu.memref_slice %arg14[%dma_wait3A_206, %dma_wait3A_208] : memref<80x125xf32, #tpu.memory_space<vmem>> -> memref<1x125xf32, #tpu.memory_space<vmem>>
      %dma_wait3A_210 = tpu.memref_squeeze %dma_wait3A_209 : memref<1x125xf32, #tpu.memory_space<vmem>> -> memref<125xf32, #tpu.memory_space<vmem>>
      %dma_wait3A_211 = arith.constant 0 : i32
      %dma_wait3A_212 = tpu.memref_slice %arg12[%dma_wait3A_207, %dma_wait3A_211] : memref<80x125xi32, #tpu.memory_space<vmem>> -> memref<1x125xi32, #tpu.memory_space<vmem>>
      %dma_wait3A_213 = tpu.memref_squeeze %dma_wait3A_212 : memref<1x125xi32, #tpu.memory_space<vmem>> -> memref<125xi32, #tpu.memory_space<vmem>>
      %dma_wait3A_214 = arith.constant 0 : i32
      %dma_wait3A_215 = tpu.memref_slice %arg17[%dma_wait3A_214] : memref<10240xf32, #tpu.memory_space<vmem_shared>> -> memref<10240xf32, #tpu.memory_space<vmem_shared>>
      tpu.wait_indirect_dma semaphore(%arg18 : memref<!tpu.dma_semaphore, #tpu.memory_space<semaphore_mem>>) src(%dma_wait3A_210 : memref<125xf32, #tpu.memory_space<vmem>>) dst(%dma_wait3A_215 : memref<10240xf32, #tpu.memory_space<vmem_shared>>)
      %dma_wait3A_216 = arith.constant 0 : i32
      %dma_wait3A_217 = arith.constant 0 : i32
      %dma_wait3A_218 = tpu.memref_slice %arg11[%dma_wait3A_216, %dma_wait3A_217] : memref<80x125xi32, #tpu.memory_space<vmem>> -> memref<1x125xi32, #tpu.memory_space<vmem>>
      %dma_wait3A_219 = tpu.memref_squeeze %dma_wait3A_218 : memref<1x125xi32, #tpu.memory_space<vmem>> -> memref<125xi32, #tpu.memory_space<vmem>>
      %dma_wait3A_220 = arith.constant 0 : i32
      %dma_wait3A_221 = tpu.memref_slice %arg16[%dma_wait3A_220] : memref<10240xf32, #tpu.memory_space<vmem_shared>> -> memref<10240xf32, #tpu.memory_space<vmem_shared>>
      tpu.wait_indirect_dma semaphore(%arg18 : memref<!tpu.dma_semaphore, #tpu.memory_space<semaphore_mem>>) src(%arg13 : memref<125xf32, #tpu.memory_space<vmem>>) dst(%dma_wait3A_221 : memref<10240xf32, #tpu.memory_space<vmem_shared>>)
      %dma_wait3A_222 = arith.constant 0 : i32
      %dma_wait3A_223 = arith.constant 0 : i32
      %dma_wait3A_224 = arith.constant 0 : i32
      %dma_wait3A_225 = tpu.memref_slice %arg14[%dma_wait3A_222, %dma_wait3A_224] : memref<80x125xf32, #tpu.memory_space<vmem>> -> memref<1x125xf32, #tpu.memory_space<vmem>>
      %dma_wait3A_226 = tpu.memref_squeeze %dma_wait3A_225 : memref<1x125xf32, #tpu.memory_space<vmem>> -> memref<125xf32, #tpu.memory_space<vmem>>
      %dma_wait3A_227 = arith.constant 0 : i32
      %dma_wait3A_228 = tpu.memref_slice %arg12[%dma_wait3A_223, %dma_wait3A_227] : memref<80x125xi32, #tpu.memory_space<vmem>> -> memref<1x125xi32, #tpu.memory_space<vmem>>
      %dma_wait3A_229 = tpu.memref_squeeze %dma_wait3A_228 : memref<1x125xi32, #tpu.memory_space<vmem>> -> memref<125xi32, #tpu.memory_space<vmem>>
      %dma_wait3A_230 = arith.constant 0 : i32
      %dma_wait3A_231 = tpu.memref_slice %arg17[%dma_wait3A_230] : memref<10240xf32, #tpu.memory_space<vmem_shared>> -> memref<10240xf32, #tpu.memory_space<vmem_shared>>
      tpu.wait_indirect_dma semaphore(%arg18 : memref<!tpu.dma_semaphore, #tpu.memory_space<semaphore_mem>>) src(%dma_wait3A_226 : memref<125xf32, #tpu.memory_space<vmem>>) dst(%dma_wait3A_231 : memref<10240xf32, #tpu.memory_space<vmem_shared>>)
      %dma_wait3A_232 = arith.constant 0 : i32
      %dma_wait3A_233 = arith.constant 0 : i32
      %dma_wait3A_234 = tpu.memref_slice %arg11[%dma_wait3A_232, %dma_wait3A_233] : memref<80x125xi32, #tpu.memory_space<vmem>> -> memref<1x125xi32, #tpu.memory_space<vmem>>
      %dma_wait3A_235 = tpu.memref_squeeze %dma_wait3A_234 : memref<1x125xi32, #tpu.memory_space<vmem>> -> memref<125xi32, #tpu.memory_space<vmem>>
      %dma_wait3A_236 = arith.constant 0 : i32
      %dma_wait3A_237 = tpu.memref_slice %arg16[%dma_wait3A_236] : memref<10240xf32, #tpu.memory_space<vmem_shared>> -> memref<10240xf32, #tpu.memory_space<vmem_shared>>
      tpu.wait_indirect_dma semaphore(%arg18 : memref<!tpu.dma_semaphore, #tpu.memory_space<semaphore_mem>>) src(%arg13 : memref<125xf32, #tpu.memory_space<vmem>>) dst(%dma_wait3A_237 : memref<10240xf32, #tpu.memory_space<vmem_shared>>)
      %dma_wait3A_238 = arith.constant 0 : i32
      %dma_wait3A_239 = arith.constant 0 : i32
      %dma_wait3A_240 = arith.constant 0 : i32
      %dma_wait3A_241 = tpu.memref_slice %arg14[%dma_wait3A_238, %dma_wait3A_240] : memref<80x125xf32, #tpu.memory_space<vmem>> -> memref<1x125xf32, #tpu.memory_space<vmem>>
      %dma_wait3A_242 = tpu.memref_squeeze %dma_wait3A_241 : memref<1x125xf32, #tpu.memory_space<vmem>> -> memref<125xf32, #tpu.memory_space<vmem>>
      %dma_wait3A_243 = arith.constant 0 : i32
      %dma_wait3A_244 = tpu.memref_slice %arg12[%dma_wait3A_239, %dma_wait3A_243] : memref<80x125xi32, #tpu.memory_space<vmem>> -> memref<1x125xi32, #tpu.memory_space<vmem>>
      %dma_wait3A_245 = tpu.memref_squeeze %dma_wait3A_244 : memref<1x125xi32, #tpu.memory_space<vmem>> -> memref<125xi32, #tpu.memory_space<vmem>>
      %dma_wait3A_246 = arith.constant 0 : i32
      %dma_wait3A_247 = tpu.memref_slice %arg17[%dma_wait3A_246] : memref<10240xf32, #tpu.memory_space<vmem_shared>> -> memref<10240xf32, #tpu.memory_space<vmem_shared>>
      tpu.wait_indirect_dma semaphore(%arg18 : memref<!tpu.dma_semaphore, #tpu.memory_space<semaphore_mem>>) src(%dma_wait3A_242 : memref<125xf32, #tpu.memory_space<vmem>>) dst(%dma_wait3A_247 : memref<10240xf32, #tpu.memory_space<vmem_shared>>)
      %dma_wait3A_248 = arith.constant 0 : i32
      %dma_wait3A_249 = arith.constant 0 : i32
      %dma_wait3A_250 = tpu.memref_slice %arg11[%dma_wait3A_248, %dma_wait3A_249] : memref<80x125xi32, #tpu.memory_space<vmem>> -> memref<1x125xi32, #tpu.memory_space<vmem>>
      %dma_wait3A_251 = tpu.memref_squeeze %dma_wait3A_250 : memref<1x125xi32, #tpu.memory_space<vmem>> -> memref<125xi32, #tpu.memory_space<vmem>>
      %dma_wait3A_252 = arith.constant 0 : i32
      %dma_wait3A_253 = tpu.memref_slice %arg16[%dma_wait3A_252] : memref<10240xf32, #tpu.memory_space<vmem_shared>> -> memref<10240xf32, #tpu.memory_space<vmem_shared>>
      tpu.wait_indirect_dma semaphore(%arg18 : memref<!tpu.dma_semaphore, #tpu.memory_space<semaphore_mem>>) src(%arg13 : memref<125xf32, #tpu.memory_space<vmem>>) dst(%dma_wait3A_253 : memref<10240xf32, #tpu.memory_space<vmem_shared>>)
      %dma_wait3A_254 = arith.constant 0 : i32
      %dma_wait3A_255 = arith.constant 0 : i32
      %dma_wait3A_256 = arith.constant 0 : i32
      %dma_wait3A_257 = tpu.memref_slice %arg14[%dma_wait3A_254, %dma_wait3A_256] : memref<80x125xf32, #tpu.memory_space<vmem>> -> memref<1x125xf32, #tpu.memory_space<vmem>>
      %dma_wait3A_258 = tpu.memref_squeeze %dma_wait3A_257 : memref<1x125xf32, #tpu.memory_space<vmem>> -> memref<125xf32, #tpu.memory_space<vmem>>
      %dma_wait3A_259 = arith.constant 0 : i32
      %dma_wait3A_260 = tpu.memref_slice %arg12[%dma_wait3A_255, %dma_wait3A_259] : memref<80x125xi32, #tpu.memory_space<vmem>> -> memref<1x125xi32, #tpu.memory_space<vmem>>
      %dma_wait3A_261 = tpu.memref_squeeze %dma_wait3A_260 : memref<1x125xi32, #tpu.memory_space<vmem>> -> memref<125xi32, #tpu.memory_space<vmem>>
      %dma_wait3A_262 = arith.constant 0 : i32
      %dma_wait3A_263 = tpu.memref_slice %arg17[%dma_wait3A_262] : memref<10240xf32, #tpu.memory_space<vmem_shared>> -> memref<10240xf32, #tpu.memory_space<vmem_shared>>
      tpu.wait_indirect_dma semaphore(%arg18 : memref<!tpu.dma_semaphore, #tpu.memory_space<semaphore_mem>>) src(%dma_wait3A_258 : memref<125xf32, #tpu.memory_space<vmem>>) dst(%dma_wait3A_263 : memref<10240xf32, #tpu.memory_space<vmem_shared>>)
      %dma_wait3A_264 = arith.constant 0 : i32
      %dma_wait3A_265 = arith.constant 0 : i32
      %dma_wait3A_266 = tpu.memref_slice %arg11[%dma_wait3A_264, %dma_wait3A_265] : memref<80x125xi32, #tpu.memory_space<vmem>> -> memref<1x125xi32, #tpu.memory_space<vmem>>
      %dma_wait3A_267 = tpu.memref_squeeze %dma_wait3A_266 : memref<1x125xi32, #tpu.memory_space<vmem>> -> memref<125xi32, #tpu.memory_space<vmem>>
      %dma_wait3A_268 = arith.constant 0 : i32
      %dma_wait3A_269 = tpu.memref_slice %arg16[%dma_wait3A_268] : memref<10240xf32, #tpu.memory_space<vmem_shared>> -> memref<10240xf32, #tpu.memory_space<vmem_shared>>
      tpu.wait_indirect_dma semaphore(%arg18 : memref<!tpu.dma_semaphore, #tpu.memory_space<semaphore_mem>>) src(%arg13 : memref<125xf32, #tpu.memory_space<vmem>>) dst(%dma_wait3A_269 : memref<10240xf32, #tpu.memory_space<vmem_shared>>)
      %dma_wait3A_270 = arith.constant 0 : i32
      %dma_wait3A_271 = arith.constant 0 : i32
      %dma_wait3A_272 = arith.constant 0 : i32
      %dma_wait3A_273 = tpu.memref_slice %arg14[%dma_wait3A_270, %dma_wait3A_272] : memref<80x125xf32, #tpu.memory_space<vmem>> -> memref<1x125xf32, #tpu.memory_space<vmem>>
      %dma_wait3A_274 = tpu.memref_squeeze %dma_wait3A_273 : memref<1x125xf32, #tpu.memory_space<vmem>> -> memref<125xf32, #tpu.memory_space<vmem>>
      %dma_wait3A_275 = arith.constant 0 : i32
      %dma_wait3A_276 = tpu.memref_slice %arg12[%dma_wait3A_271, %dma_wait3A_275] : memref<80x125xi32, #tpu.memory_space<vmem>> -> memref<1x125xi32, #tpu.memory_space<vmem>>
      %dma_wait3A_277 = tpu.memref_squeeze %dma_wait3A_276 : memref<1x125xi32, #tpu.memory_space<vmem>> -> memref<125xi32, #tpu.memory_space<vmem>>
      %dma_wait3A_278 = arith.constant 0 : i32
      %dma_wait3A_279 = tpu.memref_slice %arg17[%dma_wait3A_278] : memref<10240xf32, #tpu.memory_space<vmem_shared>> -> memref<10240xf32, #tpu.memory_space<vmem_shared>>
      tpu.wait_indirect_dma semaphore(%arg18 : memref<!tpu.dma_semaphore, #tpu.memory_space<semaphore_mem>>) src(%dma_wait3A_274 : memref<125xf32, #tpu.memory_space<vmem>>) dst(%dma_wait3A_279 : memref<10240xf32, #tpu.memory_space<vmem_shared>>)
    }
    %scan3A_8 = arith.constant 10 : i32
    %barrier3A_9 = arith.constant 0 : index
    tpu.barrier barrier_id(%barrier3A_9)
    %eq3A = arith.constant 0 : i32
    %eq3A_10 = arith.cmpi eq, %arg0, %eq3A : i32
    %convert_element_type3A = arith.extui %eq3A_10 : i1 to i32
    %cond3A = arith.constant 0 : i32
    %cond3A_11 = arith.cmpi ne, %convert_element_type3A, %cond3A : i32
    scf.if %cond3A_11 {
      %mul3A_17 = arith.constant 640 : i32
      %mul3A_18 = arith.muli %arg1, %mul3A_17 : i32
      %mul3A_19 = arith.constant 640 : i32
      %mul3A_20 = arith.muli %arg1, %mul3A_19 : i32
      "tpu.region"() ({
        %run_scoped3A = tpu.sem_alloc : memref<!tpu.dma_semaphore, #tpu.memory_space<semaphore_mem>>
        %dma_start3A = tpu.memref_slice %arg7[%mul3A_20] : memref<10240xf32, #tpu.memory_space<hbm>> -> memref<640xf32, #tpu.memory_space<hbm>>
        %dma_start3A_25 = tpu.memref_slice %arg16[%mul3A_18] : memref<10240xf32, #tpu.memory_space<vmem_shared>> -> memref<640xf32, #tpu.memory_space<vmem_shared>>
        tpu.enqueue_dma source(%dma_start3A_25 : memref<640xf32, #tpu.memory_space<vmem_shared>>) target(%dma_start3A : memref<640xf32, #tpu.memory_space<hbm>>) target_semaphore(%run_scoped3A : memref<!tpu.dma_semaphore, #tpu.memory_space<semaphore_mem>>)
        %dma_wait3A = tpu.memref_slice %arg7[%mul3A_20] : memref<10240xf32, #tpu.memory_space<hbm>> -> memref<640xf32, #tpu.memory_space<hbm>>
        %dma_wait3A_26 = tpu.memref_slice %arg16[%mul3A_18] : memref<10240xf32, #tpu.memory_space<vmem_shared>> -> memref<640xf32, #tpu.memory_space<vmem_shared>>
        tpu.wait_dma2 semaphore(%run_scoped3A : memref<!tpu.dma_semaphore, #tpu.memory_space<semaphore_mem>>) src(%dma_wait3A_26 : memref<640xf32, #tpu.memory_space<vmem_shared>>) dst(%dma_wait3A : memref<640xf32, #tpu.memory_space<hbm>>)
        tpu.yield
      }) : () -> ()
      %mul3A_21 = arith.constant 640 : i32
      %mul3A_22 = arith.muli %arg1, %mul3A_21 : i32
      %mul3A_23 = arith.constant 640 : i32
      %mul3A_24 = arith.muli %arg1, %mul3A_23 : i32
      "tpu.region"() ({
        %run_scoped3A = tpu.sem_alloc : memref<!tpu.dma_semaphore, #tpu.memory_space<semaphore_mem>>
        %dma_start3A = tpu.memref_slice %arg8[%mul3A_24] : memref<10240xf32, #tpu.memory_space<hbm>> -> memref<640xf32, #tpu.memory_space<hbm>>
        %dma_start3A_25 = tpu.memref_slice %arg17[%mul3A_22] : memref<10240xf32, #tpu.memory_space<vmem_shared>> -> memref<640xf32, #tpu.memory_space<vmem_shared>>
        tpu.enqueue_dma source(%dma_start3A_25 : memref<640xf32, #tpu.memory_space<vmem_shared>>) target(%dma_start3A : memref<640xf32, #tpu.memory_space<hbm>>) target_semaphore(%run_scoped3A : memref<!tpu.dma_semaphore, #tpu.memory_space<semaphore_mem>>)
        %dma_wait3A = tpu.memref_slice %arg8[%mul3A_24] : memref<10240xf32, #tpu.memory_space<hbm>> -> memref<640xf32, #tpu.memory_space<hbm>>
        %dma_wait3A_26 = tpu.memref_slice %arg17[%mul3A_22] : memref<10240xf32, #tpu.memory_space<vmem_shared>> -> memref<640xf32, #tpu.memory_space<vmem_shared>>
        tpu.wait_dma2 semaphore(%run_scoped3A : memref<!tpu.dma_semaphore, #tpu.memory_space<semaphore_mem>>) src(%dma_wait3A_26 : memref<640xf32, #tpu.memory_space<vmem_shared>>) dst(%dma_wait3A : memref<640xf32, #tpu.memory_space<hbm>>)
        tpu.yield
      }) : () -> ()
    } else {
    }
    %eq3A_12 = arith.constant 1 : i32
    %eq3A_13 = arith.cmpi eq, %arg0, %eq3A_12 : i32
    %convert_element_type3A_14 = arith.extui %eq3A_13 : i1 to i32
    %cond3A_15 = arith.constant 0 : i32
    %cond3A_16 = arith.cmpi ne, %convert_element_type3A_14, %cond3A_15 : i32
    scf.if %cond3A_16 {
      %mul3A_17 = arith.constant 640 : i32
      %mul3A_18 = arith.muli %arg1, %mul3A_17 : i32
      %mul3A_19 = arith.constant 640 : i32
      %mul3A_20 = arith.muli %arg1, %mul3A_19 : i32
      "tpu.region"() ({
        %run_scoped3A = tpu.sem_alloc : memref<!tpu.dma_semaphore, #tpu.memory_space<semaphore_mem>>
        %dma_start3A = tpu.memref_slice %arg9[%mul3A_20] : memref<10240xf32, #tpu.memory_space<hbm>> -> memref<640xf32, #tpu.memory_space<hbm>>
        %dma_start3A_25 = tpu.memref_slice %arg16[%mul3A_18] : memref<10240xf32, #tpu.memory_space<vmem_shared>> -> memref<640xf32, #tpu.memory_space<vmem_shared>>
        tpu.enqueue_dma source(%dma_start3A_25 : memref<640xf32, #tpu.memory_space<vmem_shared>>) target(%dma_start3A : memref<640xf32, #tpu.memory_space<hbm>>) target_semaphore(%run_scoped3A : memref<!tpu.dma_semaphore, #tpu.memory_space<semaphore_mem>>)
        %dma_wait3A = tpu.memref_slice %arg9[%mul3A_20] : memref<10240xf32, #tpu.memory_space<hbm>> -> memref<640xf32, #tpu.memory_space<hbm>>
        %dma_wait3A_26 = tpu.memref_slice %arg16[%mul3A_18] : memref<10240xf32, #tpu.memory_space<vmem_shared>> -> memref<640xf32, #tpu.memory_space<vmem_shared>>
        tpu.wait_dma2 semaphore(%run_scoped3A : memref<!tpu.dma_semaphore, #tpu.memory_space<semaphore_mem>>) src(%dma_wait3A_26 : memref<640xf32, #tpu.memory_space<vmem_shared>>) dst(%dma_wait3A : memref<640xf32, #tpu.memory_space<hbm>>)
        tpu.yield
      }) : () -> ()
      %mul3A_21 = arith.constant 640 : i32
      %mul3A_22 = arith.muli %arg1, %mul3A_21 : i32
      %mul3A_23 = arith.constant 640 : i32
      %mul3A_24 = arith.muli %arg1, %mul3A_23 : i32
      "tpu.region"() ({
        %run_scoped3A = tpu.sem_alloc : memref<!tpu.dma_semaphore, #tpu.memory_space<semaphore_mem>>
        %dma_start3A = tpu.memref_slice %arg10[%mul3A_24] : memref<10240xf32, #tpu.memory_space<hbm>> -> memref<640xf32, #tpu.memory_space<hbm>>
        %dma_start3A_25 = tpu.memref_slice %arg17[%mul3A_22] : memref<10240xf32, #tpu.memory_space<vmem_shared>> -> memref<640xf32, #tpu.memory_space<vmem_shared>>
        tpu.enqueue_dma source(%dma_start3A_25 : memref<640xf32, #tpu.memory_space<vmem_shared>>) target(%dma_start3A : memref<640xf32, #tpu.memory_space<hbm>>) target_semaphore(%run_scoped3A : memref<!tpu.dma_semaphore, #tpu.memory_space<semaphore_mem>>)
        %dma_wait3A = tpu.memref_slice %arg10[%mul3A_24] : memref<10240xf32, #tpu.memory_space<hbm>> -> memref<640xf32, #tpu.memory_space<hbm>>
        %dma_wait3A_26 = tpu.memref_slice %arg17[%mul3A_22] : memref<10240xf32, #tpu.memory_space<vmem_shared>> -> memref<640xf32, #tpu.memory_space<vmem_shared>>
        tpu.wait_dma2 semaphore(%run_scoped3A : memref<!tpu.dma_semaphore, #tpu.memory_space<semaphore_mem>>) src(%dma_wait3A_26 : memref<640xf32, #tpu.memory_space<vmem_shared>>) dst(%dma_wait3A : memref<640xf32, #tpu.memory_space<hbm>>)
        tpu.yield
      }) : () -> ()
    } else {
    }
    return
  }
}

#map = affine_map<(d0, d1) -> (0, 0)>
#map1 = affine_map<(d0, d1) -> (0, 0, 0)>
#map2 = affine_map<(d0, d1) -> (0, 0, 0, 0)>
module attributes {stable_mosaic.version = 14 : i64} {
  func.func @_spmm_body(%arg0: i32, %arg1: i32, %arg2: memref<10000x128xf32, #tpu.memory_space<hbm>>, %arg3: memref<32x80x125xi32, #tpu.memory_space<hbm>>, %arg4: memref<32x80x125xi32, #tpu.memory_space<hbm>>, %arg5: memref<125x128xf32, #tpu.memory_space<hbm>>, %arg6: memref<2x16x625x128xf32, #tpu.memory_space<hbm>>, %arg7: memref<40x125xi32, #tpu.memory_space<vmem>>, %arg8: memref<40x125xi32, #tpu.memory_space<vmem>>, %arg9: memref<125x128xf32, #tpu.memory_space<vmem>>, %arg10: memref<125x128xf32, #tpu.memory_space<vmem>>, %arg11: memref<10000x128xf32, #tpu.memory_space<vmem_shared>>, %arg12: memref<!tpu.dma_semaphore, #tpu.memory_space<semaphore_mem>>, %arg13: memref<!tpu.dma_semaphore, #tpu.memory_space<semaphore_mem>>, %arg14: memref<!tpu.dma_semaphore, #tpu.memory_space<semaphore_mem>>, %arg15: memref<!tpu.dma_semaphore, #tpu.memory_space<semaphore_mem>>) attributes {dimension_semantics = [#tpu.dimension_semantics<core_parallel>, #tpu.dimension_semantics<subcore_parallel>], iteration_bounds = array<i64: 2, 16>, scalar_prefetch = 0 : i64, scratch_operands = 9 : i64, tpu.core_type = #tpu.core_type<sc_vector_subcore>, window_params = [{transform_indices = #map}, {transform_indices = #map1}, {transform_indices = #map1}, {transform_indices = #map}, {transform_indices = #map2}]} {
    %mul3A = arith.constant 16 : i32
    %mul3A_0 = arith.muli %arg0, %mul3A : i32
    %add3A = arith.addi %mul3A_0, %arg1 : i32
    "tpu.region"() ({
      %run_scoped3A = tpu.sem_alloc : memref<!tpu.dma_semaphore, #tpu.memory_space<semaphore_mem>>
      tpu.enqueue_dma source(%arg5 : memref<125x128xf32, #tpu.memory_space<hbm>>) target(%arg9 : memref<125x128xf32, #tpu.memory_space<vmem>>) target_semaphore(%run_scoped3A : memref<!tpu.dma_semaphore, #tpu.memory_space<semaphore_mem>>)
      tpu.wait_dma2 semaphore(%run_scoped3A : memref<!tpu.dma_semaphore, #tpu.memory_space<semaphore_mem>>) src(%arg5 : memref<125x128xf32, #tpu.memory_space<hbm>>) dst(%arg9 : memref<125x128xf32, #tpu.memory_space<vmem>>)
      tpu.yield
    }) : () -> ()
    %mul3A_1 = arith.constant 625 : i32
    %mul3A_2 = arith.muli %arg1, %mul3A_1 : i32
    %add3A_3 = arith.constant 0 : i32
    %add3A_4 = arith.addi %mul3A_2, %add3A_3 : i32
    %dma_start3A = arith.constant 0 : i32
    %dma_start3A_5 = tpu.memref_slice %arg11[%add3A_4, %dma_start3A] : memref<10000x128xf32, #tpu.memory_space<vmem_shared>> -> memref<125x128xf32, #tpu.memory_space<vmem_shared>>
    %dma_start3A_6 = arith.constant 0 : i32
    %dma_start3A_7 = tpu.memref_slice %arg11[%add3A_4, %dma_start3A_6] : memref<10000x128xf32, #tpu.memory_space<vmem_shared>> -> memref<125x128xf32, #tpu.memory_space<vmem_shared>>
    tpu.enqueue_dma source(%arg9 : memref<125x128xf32, #tpu.memory_space<vmem>>) target(%dma_start3A_7 : memref<125x128xf32, #tpu.memory_space<vmem_shared>>) target_semaphore(%arg12 : memref<!tpu.dma_semaphore, #tpu.memory_space<semaphore_mem>>)
    %add3A_8 = arith.constant 125 : i32
    %add3A_9 = arith.addi %mul3A_2, %add3A_8 : i32
    %dma_start3A_10 = arith.constant 0 : i32
    %dma_start3A_11 = tpu.memref_slice %arg11[%add3A_9, %dma_start3A_10] : memref<10000x128xf32, #tpu.memory_space<vmem_shared>> -> memref<125x128xf32, #tpu.memory_space<vmem_shared>>
    %dma_start3A_12 = arith.constant 0 : i32
    %dma_start3A_13 = tpu.memref_slice %arg11[%add3A_9, %dma_start3A_12] : memref<10000x128xf32, #tpu.memory_space<vmem_shared>> -> memref<125x128xf32, #tpu.memory_space<vmem_shared>>
    tpu.enqueue_dma source(%arg9 : memref<125x128xf32, #tpu.memory_space<vmem>>) target(%dma_start3A_13 : memref<125x128xf32, #tpu.memory_space<vmem_shared>>) target_semaphore(%arg12 : memref<!tpu.dma_semaphore, #tpu.memory_space<semaphore_mem>>)
    %add3A_14 = arith.constant 250 : i32
    %add3A_15 = arith.addi %mul3A_2, %add3A_14 : i32
    %dma_start3A_16 = arith.constant 0 : i32
    %dma_start3A_17 = tpu.memref_slice %arg11[%add3A_15, %dma_start3A_16] : memref<10000x128xf32, #tpu.memory_space<vmem_shared>> -> memref<125x128xf32, #tpu.memory_space<vmem_shared>>
    %dma_start3A_18 = arith.constant 0 : i32
    %dma_start3A_19 = tpu.memref_slice %arg11[%add3A_15, %dma_start3A_18] : memref<10000x128xf32, #tpu.memory_space<vmem_shared>> -> memref<125x128xf32, #tpu.memory_space<vmem_shared>>
    tpu.enqueue_dma source(%arg9 : memref<125x128xf32, #tpu.memory_space<vmem>>) target(%dma_start3A_19 : memref<125x128xf32, #tpu.memory_space<vmem_shared>>) target_semaphore(%arg12 : memref<!tpu.dma_semaphore, #tpu.memory_space<semaphore_mem>>)
    %add3A_20 = arith.constant 375 : i32
    %add3A_21 = arith.addi %mul3A_2, %add3A_20 : i32
    %dma_start3A_22 = arith.constant 0 : i32
    %dma_start3A_23 = tpu.memref_slice %arg11[%add3A_21, %dma_start3A_22] : memref<10000x128xf32, #tpu.memory_space<vmem_shared>> -> memref<125x128xf32, #tpu.memory_space<vmem_shared>>
    %dma_start3A_24 = arith.constant 0 : i32
    %dma_start3A_25 = tpu.memref_slice %arg11[%add3A_21, %dma_start3A_24] : memref<10000x128xf32, #tpu.memory_space<vmem_shared>> -> memref<125x128xf32, #tpu.memory_space<vmem_shared>>
    tpu.enqueue_dma source(%arg9 : memref<125x128xf32, #tpu.memory_space<vmem>>) target(%dma_start3A_25 : memref<125x128xf32, #tpu.memory_space<vmem_shared>>) target_semaphore(%arg12 : memref<!tpu.dma_semaphore, #tpu.memory_space<semaphore_mem>>)
    %add3A_26 = arith.constant 500 : i32
    %add3A_27 = arith.addi %mul3A_2, %add3A_26 : i32
    %dma_start3A_28 = arith.constant 0 : i32
    %dma_start3A_29 = tpu.memref_slice %arg11[%add3A_27, %dma_start3A_28] : memref<10000x128xf32, #tpu.memory_space<vmem_shared>> -> memref<125x128xf32, #tpu.memory_space<vmem_shared>>
    %dma_start3A_30 = arith.constant 0 : i32
    %dma_start3A_31 = tpu.memref_slice %arg11[%add3A_27, %dma_start3A_30] : memref<10000x128xf32, #tpu.memory_space<vmem_shared>> -> memref<125x128xf32, #tpu.memory_space<vmem_shared>>
    tpu.enqueue_dma source(%arg9 : memref<125x128xf32, #tpu.memory_space<vmem>>) target(%dma_start3A_31 : memref<125x128xf32, #tpu.memory_space<vmem_shared>>) target_semaphore(%arg12 : memref<!tpu.dma_semaphore, #tpu.memory_space<semaphore_mem>>)
    %dma_wait3A = arith.constant 0 : i32
    %dma_wait3A_32 = tpu.memref_slice %arg11[%mul3A_2, %dma_wait3A] : memref<10000x128xf32, #tpu.memory_space<vmem_shared>> -> memref<125x128xf32, #tpu.memory_space<vmem_shared>>
    %dma_wait3A_33 = arith.constant 0 : i32
    %dma_wait3A_34 = tpu.memref_slice %arg11[%mul3A_2, %dma_wait3A_33] : memref<10000x128xf32, #tpu.memory_space<vmem_shared>> -> memref<125x128xf32, #tpu.memory_space<vmem_shared>>
    tpu.wait_dma2 semaphore(%arg12 : memref<!tpu.dma_semaphore, #tpu.memory_space<semaphore_mem>>) src(%arg9 : memref<125x128xf32, #tpu.memory_space<vmem>>) dst(%dma_wait3A_34 : memref<125x128xf32, #tpu.memory_space<vmem_shared>>)
    %dma_wait3A_35 = arith.constant 0 : i32
    %dma_wait3A_36 = tpu.memref_slice %arg11[%mul3A_2, %dma_wait3A_35] : memref<10000x128xf32, #tpu.memory_space<vmem_shared>> -> memref<125x128xf32, #tpu.memory_space<vmem_shared>>
    %dma_wait3A_37 = arith.constant 0 : i32
    %dma_wait3A_38 = tpu.memref_slice %arg11[%mul3A_2, %dma_wait3A_37] : memref<10000x128xf32, #tpu.memory_space<vmem_shared>> -> memref<125x128xf32, #tpu.memory_space<vmem_shared>>
    tpu.wait_dma2 semaphore(%arg12 : memref<!tpu.dma_semaphore, #tpu.memory_space<semaphore_mem>>) src(%arg9 : memref<125x128xf32, #tpu.memory_space<vmem>>) dst(%dma_wait3A_38 : memref<125x128xf32, #tpu.memory_space<vmem_shared>>)
    %dma_wait3A_39 = arith.constant 0 : i32
    %dma_wait3A_40 = tpu.memref_slice %arg11[%mul3A_2, %dma_wait3A_39] : memref<10000x128xf32, #tpu.memory_space<vmem_shared>> -> memref<125x128xf32, #tpu.memory_space<vmem_shared>>
    %dma_wait3A_41 = arith.constant 0 : i32
    %dma_wait3A_42 = tpu.memref_slice %arg11[%mul3A_2, %dma_wait3A_41] : memref<10000x128xf32, #tpu.memory_space<vmem_shared>> -> memref<125x128xf32, #tpu.memory_space<vmem_shared>>
    tpu.wait_dma2 semaphore(%arg12 : memref<!tpu.dma_semaphore, #tpu.memory_space<semaphore_mem>>) src(%arg9 : memref<125x128xf32, #tpu.memory_space<vmem>>) dst(%dma_wait3A_42 : memref<125x128xf32, #tpu.memory_space<vmem_shared>>)
    %dma_wait3A_43 = arith.constant 0 : i32
    %dma_wait3A_44 = tpu.memref_slice %arg11[%mul3A_2, %dma_wait3A_43] : memref<10000x128xf32, #tpu.memory_space<vmem_shared>> -> memref<125x128xf32, #tpu.memory_space<vmem_shared>>
    %dma_wait3A_45 = arith.constant 0 : i32
    %dma_wait3A_46 = tpu.memref_slice %arg11[%mul3A_2, %dma_wait3A_45] : memref<10000x128xf32, #tpu.memory_space<vmem_shared>> -> memref<125x128xf32, #tpu.memory_space<vmem_shared>>
    tpu.wait_dma2 semaphore(%arg12 : memref<!tpu.dma_semaphore, #tpu.memory_space<semaphore_mem>>) src(%arg9 : memref<125x128xf32, #tpu.memory_space<vmem>>) dst(%dma_wait3A_46 : memref<125x128xf32, #tpu.memory_space<vmem_shared>>)
    %dma_wait3A_47 = arith.constant 0 : i32
    %dma_wait3A_48 = tpu.memref_slice %arg11[%mul3A_2, %dma_wait3A_47] : memref<10000x128xf32, #tpu.memory_space<vmem_shared>> -> memref<125x128xf32, #tpu.memory_space<vmem_shared>>
    %dma_wait3A_49 = arith.constant 0 : i32
    %dma_wait3A_50 = tpu.memref_slice %arg11[%mul3A_2, %dma_wait3A_49] : memref<10000x128xf32, #tpu.memory_space<vmem_shared>> -> memref<125x128xf32, #tpu.memory_space<vmem_shared>>
    tpu.wait_dma2 semaphore(%arg12 : memref<!tpu.dma_semaphore, #tpu.memory_space<semaphore_mem>>) src(%arg9 : memref<125x128xf32, #tpu.memory_space<vmem>>) dst(%dma_wait3A_50 : memref<125x128xf32, #tpu.memory_space<vmem_shared>>)
    %barrier3A = arith.constant 0 : index
    tpu.barrier barrier_id(%barrier3A)
    "tpu.region"() ({
      %run_scoped3A = tpu.sem_alloc : memref<!tpu.dma_semaphore, #tpu.memory_space<semaphore_mem>>
      %dma_start3A_103 = arith.constant 0 : i32
      %dma_start3A_104 = arith.constant 0 : i32
      %dma_start3A_105 = tpu.memref_slice %arg3[%add3A, %dma_start3A_103, %dma_start3A_104] : memref<32x80x125xi32, #tpu.memory_space<hbm>> -> memref<1x40x125xi32, #tpu.memory_space<hbm>>
      %dma_start3A_106 = tpu.memref_squeeze %dma_start3A_105 : memref<1x40x125xi32, #tpu.memory_space<hbm>> -> memref<40x125xi32, #tpu.memory_space<hbm>>
      %dma_start3A_107 = arith.constant 0 : i32
      %dma_start3A_108 = arith.constant 0 : i32
      %dma_start3A_109 = tpu.memref_slice %arg3[%add3A, %dma_start3A_107, %dma_start3A_108] : memref<32x80x125xi32, #tpu.memory_space<hbm>> -> memref<1x40x125xi32, #tpu.memory_space<hbm>>
      %dma_start3A_110 = tpu.memref_squeeze %dma_start3A_109 : memref<1x40x125xi32, #tpu.memory_space<hbm>> -> memref<40x125xi32, #tpu.memory_space<hbm>>
      tpu.enqueue_dma source(%dma_start3A_110 : memref<40x125xi32, #tpu.memory_space<hbm>>) target(%arg7 : memref<40x125xi32, #tpu.memory_space<vmem>>) target_semaphore(%run_scoped3A : memref<!tpu.dma_semaphore, #tpu.memory_space<semaphore_mem>>)
      %dma_wait3A_111 = arith.constant 0 : i32
      %dma_wait3A_112 = arith.constant 0 : i32
      %dma_wait3A_113 = tpu.memref_slice %arg3[%add3A, %dma_wait3A_111, %dma_wait3A_112] : memref<32x80x125xi32, #tpu.memory_space<hbm>> -> memref<1x40x125xi32, #tpu.memory_space<hbm>>
      %dma_wait3A_114 = tpu.memref_squeeze %dma_wait3A_113 : memref<1x40x125xi32, #tpu.memory_space<hbm>> -> memref<40x125xi32, #tpu.memory_space<hbm>>
      %dma_wait3A_115 = arith.constant 0 : i32
      %dma_wait3A_116 = arith.constant 0 : i32
      %dma_wait3A_117 = tpu.memref_slice %arg3[%add3A, %dma_wait3A_115, %dma_wait3A_116] : memref<32x80x125xi32, #tpu.memory_space<hbm>> -> memref<1x40x125xi32, #tpu.memory_space<hbm>>
      %dma_wait3A_118 = tpu.memref_squeeze %dma_wait3A_117 : memref<1x40x125xi32, #tpu.memory_space<hbm>> -> memref<40x125xi32, #tpu.memory_space<hbm>>
      tpu.wait_dma2 semaphore(%run_scoped3A : memref<!tpu.dma_semaphore, #tpu.memory_space<semaphore_mem>>) src(%dma_wait3A_118 : memref<40x125xi32, #tpu.memory_space<hbm>>) dst(%arg7 : memref<40x125xi32, #tpu.memory_space<vmem>>)
      tpu.yield
    }) : () -> ()
    "tpu.region"() ({
      %run_scoped3A = tpu.sem_alloc : memref<!tpu.dma_semaphore, #tpu.memory_space<semaphore_mem>>
      %dma_start3A_103 = arith.constant 0 : i32
      %dma_start3A_104 = arith.constant 0 : i32
      %dma_start3A_105 = tpu.memref_slice %arg4[%add3A, %dma_start3A_103, %dma_start3A_104] : memref<32x80x125xi32, #tpu.memory_space<hbm>> -> memref<1x40x125xi32, #tpu.memory_space<hbm>>
      %dma_start3A_106 = tpu.memref_squeeze %dma_start3A_105 : memref<1x40x125xi32, #tpu.memory_space<hbm>> -> memref<40x125xi32, #tpu.memory_space<hbm>>
      %dma_start3A_107 = arith.constant 0 : i32
      %dma_start3A_108 = arith.constant 0 : i32
      %dma_start3A_109 = tpu.memref_slice %arg4[%add3A, %dma_start3A_107, %dma_start3A_108] : memref<32x80x125xi32, #tpu.memory_space<hbm>> -> memref<1x40x125xi32, #tpu.memory_space<hbm>>
      %dma_start3A_110 = tpu.memref_squeeze %dma_start3A_109 : memref<1x40x125xi32, #tpu.memory_space<hbm>> -> memref<40x125xi32, #tpu.memory_space<hbm>>
      tpu.enqueue_dma source(%dma_start3A_110 : memref<40x125xi32, #tpu.memory_space<hbm>>) target(%arg8 : memref<40x125xi32, #tpu.memory_space<vmem>>) target_semaphore(%run_scoped3A : memref<!tpu.dma_semaphore, #tpu.memory_space<semaphore_mem>>)
      %dma_wait3A_111 = arith.constant 0 : i32
      %dma_wait3A_112 = arith.constant 0 : i32
      %dma_wait3A_113 = tpu.memref_slice %arg4[%add3A, %dma_wait3A_111, %dma_wait3A_112] : memref<32x80x125xi32, #tpu.memory_space<hbm>> -> memref<1x40x125xi32, #tpu.memory_space<hbm>>
      %dma_wait3A_114 = tpu.memref_squeeze %dma_wait3A_113 : memref<1x40x125xi32, #tpu.memory_space<hbm>> -> memref<40x125xi32, #tpu.memory_space<hbm>>
      %dma_wait3A_115 = arith.constant 0 : i32
      %dma_wait3A_116 = arith.constant 0 : i32
      %dma_wait3A_117 = tpu.memref_slice %arg4[%add3A, %dma_wait3A_115, %dma_wait3A_116] : memref<32x80x125xi32, #tpu.memory_space<hbm>> -> memref<1x40x125xi32, #tpu.memory_space<hbm>>
      %dma_wait3A_118 = tpu.memref_squeeze %dma_wait3A_117 : memref<1x40x125xi32, #tpu.memory_space<hbm>> -> memref<40x125xi32, #tpu.memory_space<hbm>>
      tpu.wait_dma2 semaphore(%run_scoped3A : memref<!tpu.dma_semaphore, #tpu.memory_space<semaphore_mem>>) src(%dma_wait3A_118 : memref<40x125xi32, #tpu.memory_space<hbm>>) dst(%arg8 : memref<40x125xi32, #tpu.memory_space<vmem>>)
      tpu.yield
    }) : () -> ()
    %dma_start3A_51 = arith.constant 0 : i32
    %dma_start3A_52 = arith.constant 0 : i32
    %dma_start3A_53 = tpu.memref_slice %arg7[%dma_start3A_51, %dma_start3A_52] : memref<40x125xi32, #tpu.memory_space<vmem>> -> memref<1x125xi32, #tpu.memory_space<vmem>>
    %dma_start3A_54 = tpu.memref_squeeze %dma_start3A_53 : memref<1x125xi32, #tpu.memory_space<vmem>> -> memref<125xi32, #tpu.memory_space<vmem>>
    %dma_start3A_55 = arith.constant 0 : i32
    %dma_start3A_56 = arith.constant 0 : i32
    %dma_start3A_57 = tpu.memref_slice %arg2[%dma_start3A_55, %dma_start3A_56] : memref<10000x128xf32, #tpu.memory_space<hbm>> -> memref<10000x128xf32, #tpu.memory_space<hbm>>
    tpu.enqueue_indirect_dma source(%dma_start3A_57 : memref<10000x128xf32, #tpu.memory_space<hbm>>) target(%arg9 : memref<125x128xf32, #tpu.memory_space<vmem>>) offsets(%dma_start3A_54 : memref<125xi32, #tpu.memory_space<vmem>>) semaphore(%arg12 : memref<!tpu.dma_semaphore, #tpu.memory_space<semaphore_mem>>)
    %scan3A = arith.constant 0 : i32
    %scan3A_58 = arith.constant 20 : i32
    %scan3A_59 = arith.addi %scan3A, %scan3A_58 : i32
    %scan3A_60 = arith.constant 1 : i32
    scf.for %scan3A_103 = %scan3A to %scan3A_59 step %scan3A_60  : i32 {
      %mul3A_104 = arith.constant 2 : i32
      %mul3A_105 = arith.muli %mul3A_104, %scan3A_103 : i32
      %mul3A_106 = arith.constant 2 : i32
      %mul3A_107 = arith.muli %mul3A_106, %scan3A_103 : i32
      %add3A_108 = arith.constant 1 : i32
      %add3A_109 = arith.addi %mul3A_107, %add3A_108 : i32
      %gt3A = arith.constant 0 : i32
      %gt3A_110 = arith.cmpi sgt, %scan3A_103, %gt3A : i32
      %convert_element_type3A = arith.extui %gt3A_110 : i1 to i32
      %cond3A = arith.constant 0 : i32
      %cond3A_111 = arith.cmpi ne, %convert_element_type3A, %cond3A : i32
      scf.if %cond3A_111 {
        %dma_wait3A_148 = arith.constant 0 : i32
        %dma_wait3A_149 = arith.constant 0 : i32
        %dma_wait3A_150 = tpu.memref_slice %arg8[%dma_wait3A_148, %dma_wait3A_149] : memref<40x125xi32, #tpu.memory_space<vmem>> -> memref<1x125xi32, #tpu.memory_space<vmem>>
        %dma_wait3A_151 = tpu.memref_squeeze %dma_wait3A_150 : memref<1x125xi32, #tpu.memory_space<vmem>> -> memref<125xi32, #tpu.memory_space<vmem>>
        %dma_wait3A_152 = arith.constant 0 : i32
        %dma_wait3A_153 = arith.constant 0 : i32
        %dma_wait3A_154 = tpu.memref_slice %arg11[%dma_wait3A_152, %dma_wait3A_153] : memref<10000x128xf32, #tpu.memory_space<vmem_shared>> -> memref<10000x128xf32, #tpu.memory_space<vmem_shared>>
        tpu.wait_indirect_dma semaphore(%arg15 : memref<!tpu.dma_semaphore, #tpu.memory_space<semaphore_mem>>) src(%arg10 : memref<125x128xf32, #tpu.memory_space<vmem>>) dst(%dma_wait3A_154 : memref<10000x128xf32, #tpu.memory_space<vmem_shared>>)
      } else {
      }
      %dma_wait3A_112 = arith.constant 0 : i32
      %dma_wait3A_113 = arith.constant 0 : i32
      %dma_wait3A_114 = tpu.memref_slice %arg7[%dma_wait3A_112, %dma_wait3A_113] : memref<40x125xi32, #tpu.memory_space<vmem>> -> memref<1x125xi32, #tpu.memory_space<vmem>>
      %dma_wait3A_115 = tpu.memref_squeeze %dma_wait3A_114 : memref<1x125xi32, #tpu.memory_space<vmem>> -> memref<125xi32, #tpu.memory_space<vmem>>
      %dma_wait3A_116 = arith.constant 0 : i32
      %dma_wait3A_117 = arith.constant 0 : i32
      %dma_wait3A_118 = tpu.memref_slice %arg2[%dma_wait3A_116, %dma_wait3A_117] : memref<10000x128xf32, #tpu.memory_space<hbm>> -> memref<10000x128xf32, #tpu.memory_space<hbm>>
      tpu.wait_indirect_dma semaphore(%arg12 : memref<!tpu.dma_semaphore, #tpu.memory_space<semaphore_mem>>) src(%dma_wait3A_118 : memref<10000x128xf32, #tpu.memory_space<hbm>>) dst(%arg9 : memref<125x128xf32, #tpu.memory_space<vmem>>)
      %dma_start3A_119 = arith.constant 0 : i32
      %dma_start3A_120 = tpu.memref_slice %arg7[%add3A_109, %dma_start3A_119] : memref<40x125xi32, #tpu.memory_space<vmem>> -> memref<1x125xi32, #tpu.memory_space<vmem>>
      %dma_start3A_121 = tpu.memref_squeeze %dma_start3A_120 : memref<1x125xi32, #tpu.memory_space<vmem>> -> memref<125xi32, #tpu.memory_space<vmem>>
      %dma_start3A_122 = arith.constant 0 : i32
      %dma_start3A_123 = arith.constant 0 : i32
      %dma_start3A_124 = tpu.memref_slice %arg2[%dma_start3A_122, %dma_start3A_123] : memref<10000x128xf32, #tpu.memory_space<hbm>> -> memref<10000x128xf32, #tpu.memory_space<hbm>>
      tpu.enqueue_indirect_dma source(%dma_start3A_124 : memref<10000x128xf32, #tpu.memory_space<hbm>>) target(%arg10 : memref<125x128xf32, #tpu.memory_space<vmem>>) offsets(%dma_start3A_121 : memref<125xi32, #tpu.memory_space<vmem>>) semaphore(%arg13 : memref<!tpu.dma_semaphore, #tpu.memory_space<semaphore_mem>>)
      %dma_start3A_125 = arith.constant 0 : i32
      %dma_start3A_126 = tpu.memref_slice %arg8[%mul3A_105, %dma_start3A_125] : memref<40x125xi32, #tpu.memory_space<vmem>> -> memref<1x125xi32, #tpu.memory_space<vmem>>
      %dma_start3A_127 = tpu.memref_squeeze %dma_start3A_126 : memref<1x125xi32, #tpu.memory_space<vmem>> -> memref<125xi32, #tpu.memory_space<vmem>>
      %dma_start3A_128 = arith.constant 0 : i32
      %dma_start3A_129 = arith.constant 0 : i32
      %dma_start3A_130 = tpu.memref_slice %arg11[%dma_start3A_128, %dma_start3A_129] : memref<10000x128xf32, #tpu.memory_space<vmem_shared>> -> memref<10000x128xf32, #tpu.memory_space<vmem_shared>>
      tpu.enqueue_indirect_dma source(%arg9 : memref<125x128xf32, #tpu.memory_space<vmem>>) target(%dma_start3A_130 : memref<10000x128xf32, #tpu.memory_space<vmem_shared>>) offsets(%dma_start3A_127 : memref<125xi32, #tpu.memory_space<vmem>>) semaphore(%arg14 : memref<!tpu.dma_semaphore, #tpu.memory_space<semaphore_mem>>) {add = true}
      %lt3A = arith.constant 19 : i32
      %lt3A_131 = arith.cmpi slt, %scan3A_103, %lt3A : i32
      %convert_element_type3A_132 = arith.extui %lt3A_131 : i1 to i32
      %cond3A_133 = arith.constant 0 : i32
      %cond3A_134 = arith.cmpi ne, %convert_element_type3A_132, %cond3A_133 : i32
      scf.if %cond3A_134 {
        %dma_wait3A_148 = arith.constant 0 : i32
        %dma_wait3A_149 = arith.constant 0 : i32
        %dma_wait3A_150 = tpu.memref_slice %arg8[%dma_wait3A_148, %dma_wait3A_149] : memref<40x125xi32, #tpu.memory_space<vmem>> -> memref<1x125xi32, #tpu.memory_space<vmem>>
        %dma_wait3A_151 = tpu.memref_squeeze %dma_wait3A_150 : memref<1x125xi32, #tpu.memory_space<vmem>> -> memref<125xi32, #tpu.memory_space<vmem>>
        %dma_wait3A_152 = arith.constant 0 : i32
        %dma_wait3A_153 = arith.constant 0 : i32
        %dma_wait3A_154 = tpu.memref_slice %arg11[%dma_wait3A_152, %dma_wait3A_153] : memref<10000x128xf32, #tpu.memory_space<vmem_shared>> -> memref<10000x128xf32, #tpu.memory_space<vmem_shared>>
        tpu.wait_indirect_dma semaphore(%arg14 : memref<!tpu.dma_semaphore, #tpu.memory_space<semaphore_mem>>) src(%arg9 : memref<125x128xf32, #tpu.memory_space<vmem>>) dst(%dma_wait3A_154 : memref<10000x128xf32, #tpu.memory_space<vmem_shared>>)
        %add3A_155 = arith.constant 2 : i32
        %add3A_156 = arith.addi %mul3A_105, %add3A_155 : i32
        %dma_start3A_157 = arith.constant 0 : i32
        %dma_start3A_158 = tpu.memref_slice %arg7[%add3A_156, %dma_start3A_157] : memref<40x125xi32, #tpu.memory_space<vmem>> -> memref<1x125xi32, #tpu.memory_space<vmem>>
        %dma_start3A_159 = tpu.memref_squeeze %dma_start3A_158 : memref<1x125xi32, #tpu.memory_space<vmem>> -> memref<125xi32, #tpu.memory_space<vmem>>
        %dma_start3A_160 = arith.constant 0 : i32
        %dma_start3A_161 = arith.constant 0 : i32
        %dma_start3A_162 = tpu.memref_slice %arg2[%dma_start3A_160, %dma_start3A_161] : memref<10000x128xf32, #tpu.memory_space<hbm>> -> memref<10000x128xf32, #tpu.memory_space<hbm>>
        tpu.enqueue_indirect_dma source(%dma_start3A_162 : memref<10000x128xf32, #tpu.memory_space<hbm>>) target(%arg9 : memref<125x128xf32, #tpu.memory_space<vmem>>) offsets(%dma_start3A_159 : memref<125xi32, #tpu.memory_space<vmem>>) semaphore(%arg12 : memref<!tpu.dma_semaphore, #tpu.memory_space<semaphore_mem>>)
      } else {
      }
      %dma_wait3A_135 = arith.constant 0 : i32
      %dma_wait3A_136 = arith.constant 0 : i32
      %dma_wait3A_137 = tpu.memref_slice %arg7[%dma_wait3A_135, %dma_wait3A_136] : memref<40x125xi32, #tpu.memory_space<vmem>> -> memref<1x125xi32, #tpu.memory_space<vmem>>
      %dma_wait3A_138 = tpu.memref_squeeze %dma_wait3A_137 : memref<1x125xi32, #tpu.memory_space<vmem>> -> memref<125xi32, #tpu.memory_space<vmem>>
      %dma_wait3A_139 = arith.constant 0 : i32
      %dma_wait3A_140 = arith.constant 0 : i32
      %dma_wait3A_141 = tpu.memref_slice %arg2[%dma_wait3A_139, %dma_wait3A_140] : memref<10000x128xf32, #tpu.memory_space<hbm>> -> memref<10000x128xf32, #tpu.memory_space<hbm>>
      tpu.wait_indirect_dma semaphore(%arg13 : memref<!tpu.dma_semaphore, #tpu.memory_space<semaphore_mem>>) src(%dma_wait3A_141 : memref<10000x128xf32, #tpu.memory_space<hbm>>) dst(%arg10 : memref<125x128xf32, #tpu.memory_space<vmem>>)
      %dma_start3A_142 = arith.constant 0 : i32
      %dma_start3A_143 = tpu.memref_slice %arg8[%add3A_109, %dma_start3A_142] : memref<40x125xi32, #tpu.memory_space<vmem>> -> memref<1x125xi32, #tpu.memory_space<vmem>>
      %dma_start3A_144 = tpu.memref_squeeze %dma_start3A_143 : memref<1x125xi32, #tpu.memory_space<vmem>> -> memref<125xi32, #tpu.memory_space<vmem>>
      %dma_start3A_145 = arith.constant 0 : i32
      %dma_start3A_146 = arith.constant 0 : i32
      %dma_start3A_147 = tpu.memref_slice %arg11[%dma_start3A_145, %dma_start3A_146] : memref<10000x128xf32, #tpu.memory_space<vmem_shared>> -> memref<10000x128xf32, #tpu.memory_space<vmem_shared>>
      tpu.enqueue_indirect_dma source(%arg10 : memref<125x128xf32, #tpu.memory_space<vmem>>) target(%dma_start3A_147 : memref<10000x128xf32, #tpu.memory_space<vmem_shared>>) offsets(%dma_start3A_144 : memref<125xi32, #tpu.memory_space<vmem>>) semaphore(%arg15 : memref<!tpu.dma_semaphore, #tpu.memory_space<semaphore_mem>>) {add = true}
    }
    %scan3A_61 = arith.constant 20 : i32
    %dma_wait3A_62 = arith.constant 0 : i32
    %dma_wait3A_63 = arith.constant 0 : i32
    %dma_wait3A_64 = tpu.memref_slice %arg8[%dma_wait3A_62, %dma_wait3A_63] : memref<40x125xi32, #tpu.memory_space<vmem>> -> memref<1x125xi32, #tpu.memory_space<vmem>>
    %dma_wait3A_65 = tpu.memref_squeeze %dma_wait3A_64 : memref<1x125xi32, #tpu.memory_space<vmem>> -> memref<125xi32, #tpu.memory_space<vmem>>
    %dma_wait3A_66 = arith.constant 0 : i32
    %dma_wait3A_67 = arith.constant 0 : i32
    %dma_wait3A_68 = tpu.memref_slice %arg11[%dma_wait3A_66, %dma_wait3A_67] : memref<10000x128xf32, #tpu.memory_space<vmem_shared>> -> memref<10000x128xf32, #tpu.memory_space<vmem_shared>>
    tpu.wait_indirect_dma semaphore(%arg14 : memref<!tpu.dma_semaphore, #tpu.memory_space<semaphore_mem>>) src(%arg9 : memref<125x128xf32, #tpu.memory_space<vmem>>) dst(%dma_wait3A_68 : memref<10000x128xf32, #tpu.memory_space<vmem_shared>>)
    %dma_wait3A_69 = arith.constant 0 : i32
    %dma_wait3A_70 = arith.constant 0 : i32
    %dma_wait3A_71 = tpu.memref_slice %arg8[%dma_wait3A_69, %dma_wait3A_70] : memref<40x125xi32, #tpu.memory_space<vmem>> -> memref<1x125xi32, #tpu.memory_space<vmem>>
    %dma_wait3A_72 = tpu.memref_squeeze %dma_wait3A_71 : memref<1x125xi32, #tpu.memory_space<vmem>> -> memref<125xi32, #tpu.memory_space<vmem>>
    %dma_wait3A_73 = arith.constant 0 : i32
    %dma_wait3A_74 = arith.constant 0 : i32
    %dma_wait3A_75 = tpu.memref_slice %arg11[%dma_wait3A_73, %dma_wait3A_74] : memref<10000x128xf32, #tpu.memory_space<vmem_shared>> -> memref<10000x128xf32, #tpu.memory_space<vmem_shared>>
    tpu.wait_indirect_dma semaphore(%arg15 : memref<!tpu.dma_semaphore, #tpu.memory_space<semaphore_mem>>) src(%arg10 : memref<125x128xf32, #tpu.memory_space<vmem>>) dst(%dma_wait3A_75 : memref<10000x128xf32, #tpu.memory_space<vmem_shared>>)
    "tpu.region"() ({
      %run_scoped3A = tpu.sem_alloc : memref<!tpu.dma_semaphore, #tpu.memory_space<semaphore_mem>>
      %dma_start3A_103 = arith.constant 40 : i32
      %dma_start3A_104 = arith.constant 0 : i32
      %dma_start3A_105 = tpu.memref_slice %arg3[%add3A, %dma_start3A_103, %dma_start3A_104] : memref<32x80x125xi32, #tpu.memory_space<hbm>> -> memref<1x40x125xi32, #tpu.memory_space<hbm>>
      %dma_start3A_106 = tpu.memref_squeeze %dma_start3A_105 : memref<1x40x125xi32, #tpu.memory_space<hbm>> -> memref<40x125xi32, #tpu.memory_space<hbm>>
      %dma_start3A_107 = arith.constant 40 : i32
      %dma_start3A_108 = arith.constant 0 : i32
      %dma_start3A_109 = tpu.memref_slice %arg3[%add3A, %dma_start3A_107, %dma_start3A_108] : memref<32x80x125xi32, #tpu.memory_space<hbm>> -> memref<1x40x125xi32, #tpu.memory_space<hbm>>
      %dma_start3A_110 = tpu.memref_squeeze %dma_start3A_109 : memref<1x40x125xi32, #tpu.memory_space<hbm>> -> memref<40x125xi32, #tpu.memory_space<hbm>>
      tpu.enqueue_dma source(%dma_start3A_110 : memref<40x125xi32, #tpu.memory_space<hbm>>) target(%arg7 : memref<40x125xi32, #tpu.memory_space<vmem>>) target_semaphore(%run_scoped3A : memref<!tpu.dma_semaphore, #tpu.memory_space<semaphore_mem>>)
      %dma_wait3A_111 = arith.constant 40 : i32
      %dma_wait3A_112 = arith.constant 0 : i32
      %dma_wait3A_113 = tpu.memref_slice %arg3[%add3A, %dma_wait3A_111, %dma_wait3A_112] : memref<32x80x125xi32, #tpu.memory_space<hbm>> -> memref<1x40x125xi32, #tpu.memory_space<hbm>>
      %dma_wait3A_114 = tpu.memref_squeeze %dma_wait3A_113 : memref<1x40x125xi32, #tpu.memory_space<hbm>> -> memref<40x125xi32, #tpu.memory_space<hbm>>
      %dma_wait3A_115 = arith.constant 40 : i32
      %dma_wait3A_116 = arith.constant 0 : i32
      %dma_wait3A_117 = tpu.memref_slice %arg3[%add3A, %dma_wait3A_115, %dma_wait3A_116] : memref<32x80x125xi32, #tpu.memory_space<hbm>> -> memref<1x40x125xi32, #tpu.memory_space<hbm>>
      %dma_wait3A_118 = tpu.memref_squeeze %dma_wait3A_117 : memref<1x40x125xi32, #tpu.memory_space<hbm>> -> memref<40x125xi32, #tpu.memory_space<hbm>>
      tpu.wait_dma2 semaphore(%run_scoped3A : memref<!tpu.dma_semaphore, #tpu.memory_space<semaphore_mem>>) src(%dma_wait3A_118 : memref<40x125xi32, #tpu.memory_space<hbm>>) dst(%arg7 : memref<40x125xi32, #tpu.memory_space<vmem>>)
      tpu.yield
    }) : () -> ()
    "tpu.region"() ({
      %run_scoped3A = tpu.sem_alloc : memref<!tpu.dma_semaphore, #tpu.memory_space<semaphore_mem>>
      %dma_start3A_103 = arith.constant 40 : i32
      %dma_start3A_104 = arith.constant 0 : i32
      %dma_start3A_105 = tpu.memref_slice %arg4[%add3A, %dma_start3A_103, %dma_start3A_104] : memref<32x80x125xi32, #tpu.memory_space<hbm>> -> memref<1x40x125xi32, #tpu.memory_space<hbm>>
      %dma_start3A_106 = tpu.memref_squeeze %dma_start3A_105 : memref<1x40x125xi32, #tpu.memory_space<hbm>> -> memref<40x125xi32, #tpu.memory_space<hbm>>
      %dma_start3A_107 = arith.constant 40 : i32
      %dma_start3A_108 = arith.constant 0 : i32
      %dma_start3A_109 = tpu.memref_slice %arg4[%add3A, %dma_start3A_107, %dma_start3A_108] : memref<32x80x125xi32, #tpu.memory_space<hbm>> -> memref<1x40x125xi32, #tpu.memory_space<hbm>>
      %dma_start3A_110 = tpu.memref_squeeze %dma_start3A_109 : memref<1x40x125xi32, #tpu.memory_space<hbm>> -> memref<40x125xi32, #tpu.memory_space<hbm>>
      tpu.enqueue_dma source(%dma_start3A_110 : memref<40x125xi32, #tpu.memory_space<hbm>>) target(%arg8 : memref<40x125xi32, #tpu.memory_space<vmem>>) target_semaphore(%run_scoped3A : memref<!tpu.dma_semaphore, #tpu.memory_space<semaphore_mem>>)
      %dma_wait3A_111 = arith.constant 40 : i32
      %dma_wait3A_112 = arith.constant 0 : i32
      %dma_wait3A_113 = tpu.memref_slice %arg4[%add3A, %dma_wait3A_111, %dma_wait3A_112] : memref<32x80x125xi32, #tpu.memory_space<hbm>> -> memref<1x40x125xi32, #tpu.memory_space<hbm>>
      %dma_wait3A_114 = tpu.memref_squeeze %dma_wait3A_113 : memref<1x40x125xi32, #tpu.memory_space<hbm>> -> memref<40x125xi32, #tpu.memory_space<hbm>>
      %dma_wait3A_115 = arith.constant 40 : i32
      %dma_wait3A_116 = arith.constant 0 : i32
      %dma_wait3A_117 = tpu.memref_slice %arg4[%add3A, %dma_wait3A_115, %dma_wait3A_116] : memref<32x80x125xi32, #tpu.memory_space<hbm>> -> memref<1x40x125xi32, #tpu.memory_space<hbm>>
      %dma_wait3A_118 = tpu.memref_squeeze %dma_wait3A_117 : memref<1x40x125xi32, #tpu.memory_space<hbm>> -> memref<40x125xi32, #tpu.memory_space<hbm>>
      tpu.wait_dma2 semaphore(%run_scoped3A : memref<!tpu.dma_semaphore, #tpu.memory_space<semaphore_mem>>) src(%dma_wait3A_118 : memref<40x125xi32, #tpu.memory_space<hbm>>) dst(%arg8 : memref<40x125xi32, #tpu.memory_space<vmem>>)
      tpu.yield
    }) : () -> ()
    %dma_start3A_76 = arith.constant 0 : i32
    %dma_start3A_77 = arith.constant 0 : i32
    %dma_start3A_78 = tpu.memref_slice %arg7[%dma_start3A_76, %dma_start3A_77] : memref<40x125xi32, #tpu.memory_space<vmem>> -> memref<1x125xi32, #tpu.memory_space<vmem>>
    %dma_start3A_79 = tpu.memref_squeeze %dma_start3A_78 : memref<1x125xi32, #tpu.memory_space<vmem>> -> memref<125xi32, #tpu.memory_space<vmem>>
    %dma_start3A_80 = arith.constant 0 : i32
    %dma_start3A_81 = arith.constant 0 : i32
    %dma_start3A_82 = tpu.memref_slice %arg2[%dma_start3A_80, %dma_start3A_81] : memref<10000x128xf32, #tpu.memory_space<hbm>> -> memref<10000x128xf32, #tpu.memory_space<hbm>>
    tpu.enqueue_indirect_dma source(%dma_start3A_82 : memref<10000x128xf32, #tpu.memory_space<hbm>>) target(%arg9 : memref<125x128xf32, #tpu.memory_space<vmem>>) offsets(%dma_start3A_79 : memref<125xi32, #tpu.memory_space<vmem>>) semaphore(%arg12 : memref<!tpu.dma_semaphore, #tpu.memory_space<semaphore_mem>>)
    %scan3A_83 = arith.constant 0 : i32
    %scan3A_84 = arith.constant 20 : i32
    %scan3A_85 = arith.addi %scan3A_83, %scan3A_84 : i32
    %scan3A_86 = arith.constant 1 : i32
    scf.for %scan3A_103 = %scan3A_83 to %scan3A_85 step %scan3A_86  : i32 {
      %mul3A_104 = arith.constant 2 : i32
      %mul3A_105 = arith.muli %mul3A_104, %scan3A_103 : i32
      %mul3A_106 = arith.constant 2 : i32
      %mul3A_107 = arith.muli %mul3A_106, %scan3A_103 : i32
      %add3A_108 = arith.constant 1 : i32
      %add3A_109 = arith.addi %mul3A_107, %add3A_108 : i32
      %gt3A = arith.constant 0 : i32
      %gt3A_110 = arith.cmpi sgt, %scan3A_103, %gt3A : i32
      %convert_element_type3A = arith.extui %gt3A_110 : i1 to i32
      %cond3A = arith.constant 0 : i32
      %cond3A_111 = arith.cmpi ne, %convert_element_type3A, %cond3A : i32
      scf.if %cond3A_111 {
        %dma_wait3A_148 = arith.constant 0 : i32
        %dma_wait3A_149 = arith.constant 0 : i32
        %dma_wait3A_150 = tpu.memref_slice %arg8[%dma_wait3A_148, %dma_wait3A_149] : memref<40x125xi32, #tpu.memory_space<vmem>> -> memref<1x125xi32, #tpu.memory_space<vmem>>
        %dma_wait3A_151 = tpu.memref_squeeze %dma_wait3A_150 : memref<1x125xi32, #tpu.memory_space<vmem>> -> memref<125xi32, #tpu.memory_space<vmem>>
        %dma_wait3A_152 = arith.constant 0 : i32
        %dma_wait3A_153 = arith.constant 0 : i32
        %dma_wait3A_154 = tpu.memref_slice %arg11[%dma_wait3A_152, %dma_wait3A_153] : memref<10000x128xf32, #tpu.memory_space<vmem_shared>> -> memref<10000x128xf32, #tpu.memory_space<vmem_shared>>
        tpu.wait_indirect_dma semaphore(%arg15 : memref<!tpu.dma_semaphore, #tpu.memory_space<semaphore_mem>>) src(%arg10 : memref<125x128xf32, #tpu.memory_space<vmem>>) dst(%dma_wait3A_154 : memref<10000x128xf32, #tpu.memory_space<vmem_shared>>)
      } else {
      }
      %dma_wait3A_112 = arith.constant 0 : i32
      %dma_wait3A_113 = arith.constant 0 : i32
      %dma_wait3A_114 = tpu.memref_slice %arg7[%dma_wait3A_112, %dma_wait3A_113] : memref<40x125xi32, #tpu.memory_space<vmem>> -> memref<1x125xi32, #tpu.memory_space<vmem>>
      %dma_wait3A_115 = tpu.memref_squeeze %dma_wait3A_114 : memref<1x125xi32, #tpu.memory_space<vmem>> -> memref<125xi32, #tpu.memory_space<vmem>>
      %dma_wait3A_116 = arith.constant 0 : i32
      %dma_wait3A_117 = arith.constant 0 : i32
      %dma_wait3A_118 = tpu.memref_slice %arg2[%dma_wait3A_116, %dma_wait3A_117] : memref<10000x128xf32, #tpu.memory_space<hbm>> -> memref<10000x128xf32, #tpu.memory_space<hbm>>
      tpu.wait_indirect_dma semaphore(%arg12 : memref<!tpu.dma_semaphore, #tpu.memory_space<semaphore_mem>>) src(%dma_wait3A_118 : memref<10000x128xf32, #tpu.memory_space<hbm>>) dst(%arg9 : memref<125x128xf32, #tpu.memory_space<vmem>>)
      %dma_start3A_119 = arith.constant 0 : i32
      %dma_start3A_120 = tpu.memref_slice %arg7[%add3A_109, %dma_start3A_119] : memref<40x125xi32, #tpu.memory_space<vmem>> -> memref<1x125xi32, #tpu.memory_space<vmem>>
      %dma_start3A_121 = tpu.memref_squeeze %dma_start3A_120 : memref<1x125xi32, #tpu.memory_space<vmem>> -> memref<125xi32, #tpu.memory_space<vmem>>
      %dma_start3A_122 = arith.constant 0 : i32
      %dma_start3A_123 = arith.constant 0 : i32
      %dma_start3A_124 = tpu.memref_slice %arg2[%dma_start3A_122, %dma_start3A_123] : memref<10000x128xf32, #tpu.memory_space<hbm>> -> memref<10000x128xf32, #tpu.memory_space<hbm>>
      tpu.enqueue_indirect_dma source(%dma_start3A_124 : memref<10000x128xf32, #tpu.memory_space<hbm>>) target(%arg10 : memref<125x128xf32, #tpu.memory_space<vmem>>) offsets(%dma_start3A_121 : memref<125xi32, #tpu.memory_space<vmem>>) semaphore(%arg13 : memref<!tpu.dma_semaphore, #tpu.memory_space<semaphore_mem>>)
      %dma_start3A_125 = arith.constant 0 : i32
      %dma_start3A_126 = tpu.memref_slice %arg8[%mul3A_105, %dma_start3A_125] : memref<40x125xi32, #tpu.memory_space<vmem>> -> memref<1x125xi32, #tpu.memory_space<vmem>>
      %dma_start3A_127 = tpu.memref_squeeze %dma_start3A_126 : memref<1x125xi32, #tpu.memory_space<vmem>> -> memref<125xi32, #tpu.memory_space<vmem>>
      %dma_start3A_128 = arith.constant 0 : i32
      %dma_start3A_129 = arith.constant 0 : i32
      %dma_start3A_130 = tpu.memref_slice %arg11[%dma_start3A_128, %dma_start3A_129] : memref<10000x128xf32, #tpu.memory_space<vmem_shared>> -> memref<10000x128xf32, #tpu.memory_space<vmem_shared>>
      tpu.enqueue_indirect_dma source(%arg9 : memref<125x128xf32, #tpu.memory_space<vmem>>) target(%dma_start3A_130 : memref<10000x128xf32, #tpu.memory_space<vmem_shared>>) offsets(%dma_start3A_127 : memref<125xi32, #tpu.memory_space<vmem>>) semaphore(%arg14 : memref<!tpu.dma_semaphore, #tpu.memory_space<semaphore_mem>>) {add = true}
      %lt3A = arith.constant 19 : i32
      %lt3A_131 = arith.cmpi slt, %scan3A_103, %lt3A : i32
      %convert_element_type3A_132 = arith.extui %lt3A_131 : i1 to i32
      %cond3A_133 = arith.constant 0 : i32
      %cond3A_134 = arith.cmpi ne, %convert_element_type3A_132, %cond3A_133 : i32
      scf.if %cond3A_134 {
        %dma_wait3A_148 = arith.constant 0 : i32
        %dma_wait3A_149 = arith.constant 0 : i32
        %dma_wait3A_150 = tpu.memref_slice %arg8[%dma_wait3A_148, %dma_wait3A_149] : memref<40x125xi32, #tpu.memory_space<vmem>> -> memref<1x125xi32, #tpu.memory_space<vmem>>
        %dma_wait3A_151 = tpu.memref_squeeze %dma_wait3A_150 : memref<1x125xi32, #tpu.memory_space<vmem>> -> memref<125xi32, #tpu.memory_space<vmem>>
        %dma_wait3A_152 = arith.constant 0 : i32
        %dma_wait3A_153 = arith.constant 0 : i32
        %dma_wait3A_154 = tpu.memref_slice %arg11[%dma_wait3A_152, %dma_wait3A_153] : memref<10000x128xf32, #tpu.memory_space<vmem_shared>> -> memref<10000x128xf32, #tpu.memory_space<vmem_shared>>
        tpu.wait_indirect_dma semaphore(%arg14 : memref<!tpu.dma_semaphore, #tpu.memory_space<semaphore_mem>>) src(%arg9 : memref<125x128xf32, #tpu.memory_space<vmem>>) dst(%dma_wait3A_154 : memref<10000x128xf32, #tpu.memory_space<vmem_shared>>)
        %add3A_155 = arith.constant 2 : i32
        %add3A_156 = arith.addi %mul3A_105, %add3A_155 : i32
        %dma_start3A_157 = arith.constant 0 : i32
        %dma_start3A_158 = tpu.memref_slice %arg7[%add3A_156, %dma_start3A_157] : memref<40x125xi32, #tpu.memory_space<vmem>> -> memref<1x125xi32, #tpu.memory_space<vmem>>
        %dma_start3A_159 = tpu.memref_squeeze %dma_start3A_158 : memref<1x125xi32, #tpu.memory_space<vmem>> -> memref<125xi32, #tpu.memory_space<vmem>>
        %dma_start3A_160 = arith.constant 0 : i32
        %dma_start3A_161 = arith.constant 0 : i32
        %dma_start3A_162 = tpu.memref_slice %arg2[%dma_start3A_160, %dma_start3A_161] : memref<10000x128xf32, #tpu.memory_space<hbm>> -> memref<10000x128xf32, #tpu.memory_space<hbm>>
        tpu.enqueue_indirect_dma source(%dma_start3A_162 : memref<10000x128xf32, #tpu.memory_space<hbm>>) target(%arg9 : memref<125x128xf32, #tpu.memory_space<vmem>>) offsets(%dma_start3A_159 : memref<125xi32, #tpu.memory_space<vmem>>) semaphore(%arg12 : memref<!tpu.dma_semaphore, #tpu.memory_space<semaphore_mem>>)
      } else {
      }
      %dma_wait3A_135 = arith.constant 0 : i32
      %dma_wait3A_136 = arith.constant 0 : i32
      %dma_wait3A_137 = tpu.memref_slice %arg7[%dma_wait3A_135, %dma_wait3A_136] : memref<40x125xi32, #tpu.memory_space<vmem>> -> memref<1x125xi32, #tpu.memory_space<vmem>>
      %dma_wait3A_138 = tpu.memref_squeeze %dma_wait3A_137 : memref<1x125xi32, #tpu.memory_space<vmem>> -> memref<125xi32, #tpu.memory_space<vmem>>
      %dma_wait3A_139 = arith.constant 0 : i32
      %dma_wait3A_140 = arith.constant 0 : i32
      %dma_wait3A_141 = tpu.memref_slice %arg2[%dma_wait3A_139, %dma_wait3A_140] : memref<10000x128xf32, #tpu.memory_space<hbm>> -> memref<10000x128xf32, #tpu.memory_space<hbm>>
      tpu.wait_indirect_dma semaphore(%arg13 : memref<!tpu.dma_semaphore, #tpu.memory_space<semaphore_mem>>) src(%dma_wait3A_141 : memref<10000x128xf32, #tpu.memory_space<hbm>>) dst(%arg10 : memref<125x128xf32, #tpu.memory_space<vmem>>)
      %dma_start3A_142 = arith.constant 0 : i32
      %dma_start3A_143 = tpu.memref_slice %arg8[%add3A_109, %dma_start3A_142] : memref<40x125xi32, #tpu.memory_space<vmem>> -> memref<1x125xi32, #tpu.memory_space<vmem>>
      %dma_start3A_144 = tpu.memref_squeeze %dma_start3A_143 : memref<1x125xi32, #tpu.memory_space<vmem>> -> memref<125xi32, #tpu.memory_space<vmem>>
      %dma_start3A_145 = arith.constant 0 : i32
      %dma_start3A_146 = arith.constant 0 : i32
      %dma_start3A_147 = tpu.memref_slice %arg11[%dma_start3A_145, %dma_start3A_146] : memref<10000x128xf32, #tpu.memory_space<vmem_shared>> -> memref<10000x128xf32, #tpu.memory_space<vmem_shared>>
      tpu.enqueue_indirect_dma source(%arg10 : memref<125x128xf32, #tpu.memory_space<vmem>>) target(%dma_start3A_147 : memref<10000x128xf32, #tpu.memory_space<vmem_shared>>) offsets(%dma_start3A_144 : memref<125xi32, #tpu.memory_space<vmem>>) semaphore(%arg15 : memref<!tpu.dma_semaphore, #tpu.memory_space<semaphore_mem>>) {add = true}
    }
    %scan3A_87 = arith.constant 20 : i32
    %dma_wait3A_88 = arith.constant 0 : i32
    %dma_wait3A_89 = arith.constant 0 : i32
    %dma_wait3A_90 = tpu.memref_slice %arg8[%dma_wait3A_88, %dma_wait3A_89] : memref<40x125xi32, #tpu.memory_space<vmem>> -> memref<1x125xi32, #tpu.memory_space<vmem>>
    %dma_wait3A_91 = tpu.memref_squeeze %dma_wait3A_90 : memref<1x125xi32, #tpu.memory_space<vmem>> -> memref<125xi32, #tpu.memory_space<vmem>>
    %dma_wait3A_92 = arith.constant 0 : i32
    %dma_wait3A_93 = arith.constant 0 : i32
    %dma_wait3A_94 = tpu.memref_slice %arg11[%dma_wait3A_92, %dma_wait3A_93] : memref<10000x128xf32, #tpu.memory_space<vmem_shared>> -> memref<10000x128xf32, #tpu.memory_space<vmem_shared>>
    tpu.wait_indirect_dma semaphore(%arg14 : memref<!tpu.dma_semaphore, #tpu.memory_space<semaphore_mem>>) src(%arg9 : memref<125x128xf32, #tpu.memory_space<vmem>>) dst(%dma_wait3A_94 : memref<10000x128xf32, #tpu.memory_space<vmem_shared>>)
    %dma_wait3A_95 = arith.constant 0 : i32
    %dma_wait3A_96 = arith.constant 0 : i32
    %dma_wait3A_97 = tpu.memref_slice %arg8[%dma_wait3A_95, %dma_wait3A_96] : memref<40x125xi32, #tpu.memory_space<vmem>> -> memref<1x125xi32, #tpu.memory_space<vmem>>
    %dma_wait3A_98 = tpu.memref_squeeze %dma_wait3A_97 : memref<1x125xi32, #tpu.memory_space<vmem>> -> memref<125xi32, #tpu.memory_space<vmem>>
    %dma_wait3A_99 = arith.constant 0 : i32
    %dma_wait3A_100 = arith.constant 0 : i32
    %dma_wait3A_101 = tpu.memref_slice %arg11[%dma_wait3A_99, %dma_wait3A_100] : memref<10000x128xf32, #tpu.memory_space<vmem_shared>> -> memref<10000x128xf32, #tpu.memory_space<vmem_shared>>
    tpu.wait_indirect_dma semaphore(%arg15 : memref<!tpu.dma_semaphore, #tpu.memory_space<semaphore_mem>>) src(%arg10 : memref<125x128xf32, #tpu.memory_space<vmem>>) dst(%dma_wait3A_101 : memref<10000x128xf32, #tpu.memory_space<vmem_shared>>)
    %barrier3A_102 = arith.constant 0 : index
    tpu.barrier barrier_id(%barrier3A_102)
    "tpu.region"() ({
      %run_scoped3A = tpu.sem_alloc : memref<!tpu.dma_semaphore, #tpu.memory_space<semaphore_mem>>
      %dma_start3A_103 = arith.constant 0 : i32
      %dma_start3A_104 = arith.constant 0 : i32
      %dma_start3A_105 = tpu.memref_slice %arg6[%arg0, %arg1, %dma_start3A_103, %dma_start3A_104] : memref<2x16x625x128xf32, #tpu.memory_space<hbm>> -> memref<1x1x625x128xf32, #tpu.memory_space<hbm>>
      %dma_start3A_106 = tpu.memref_squeeze %dma_start3A_105 : memref<1x1x625x128xf32, #tpu.memory_space<hbm>> -> memref<625x128xf32, #tpu.memory_space<hbm>>
      %dma_start3A_107 = arith.constant 0 : i32
      %dma_start3A_108 = tpu.memref_slice %arg11[%mul3A_2, %dma_start3A_107] : memref<10000x128xf32, #tpu.memory_space<vmem_shared>> -> memref<625x128xf32, #tpu.memory_space<vmem_shared>>
      tpu.enqueue_dma source(%dma_start3A_108 : memref<625x128xf32, #tpu.memory_space<vmem_shared>>) target(%dma_start3A_106 : memref<625x128xf32, #tpu.memory_space<hbm>>) target_semaphore(%run_scoped3A : memref<!tpu.dma_semaphore, #tpu.memory_space<semaphore_mem>>)
      %dma_wait3A_109 = arith.constant 0 : i32
      %dma_wait3A_110 = arith.constant 0 : i32
      %dma_wait3A_111 = tpu.memref_slice %arg6[%arg0, %arg1, %dma_wait3A_109, %dma_wait3A_110] : memref<2x16x625x128xf32, #tpu.memory_space<hbm>> -> memref<1x1x625x128xf32, #tpu.memory_space<hbm>>
      %dma_wait3A_112 = tpu.memref_squeeze %dma_wait3A_111 : memref<1x1x625x128xf32, #tpu.memory_space<hbm>> -> memref<625x128xf32, #tpu.memory_space<hbm>>
      %dma_wait3A_113 = arith.constant 0 : i32
      %dma_wait3A_114 = tpu.memref_slice %arg11[%mul3A_2, %dma_wait3A_113] : memref<10000x128xf32, #tpu.memory_space<vmem_shared>> -> memref<625x128xf32, #tpu.memory_space<vmem_shared>>
      tpu.wait_dma2 semaphore(%run_scoped3A : memref<!tpu.dma_semaphore, #tpu.memory_space<semaphore_mem>>) src(%dma_wait3A_114 : memref<625x128xf32, #tpu.memory_space<vmem_shared>>) dst(%dma_wait3A_112 : memref<625x128xf32, #tpu.memory_space<hbm>>)
      tpu.yield
    }) : () -> ()
    return
  }
}

#map = affine_map<(d0, d1) -> (0, 0)>
#map1 = affine_map<(d0, d1) -> (0, 0, 0)>
#map2 = affine_map<(d0, d1) -> (0, 0, 0, 0)>
module attributes {stable_mosaic.version = 14 : i64} {
  func.func @_spmm_body(%arg0: i32, %arg1: i32, %arg2: memref<10000x128xf32, #tpu.memory_space<hbm>>, %arg3: memref<32x80x125xi32, #tpu.memory_space<hbm>>, %arg4: memref<32x80x125xi32, #tpu.memory_space<hbm>>, %arg5: memref<125x128xf32, #tpu.memory_space<hbm>>, %arg6: memref<2x16x625x128xf32, #tpu.memory_space<hbm>>, %arg7: memref<40x125xi32, #tpu.memory_space<vmem>>, %arg8: memref<40x125xi32, #tpu.memory_space<vmem>>, %arg9: memref<125x128xf32, #tpu.memory_space<vmem>>, %arg10: memref<125x128xf32, #tpu.memory_space<vmem>>, %arg11: memref<10000x128xf32, #tpu.memory_space<vmem_shared>>, %arg12: memref<!tpu.dma_semaphore, #tpu.memory_space<semaphore_mem>>, %arg13: memref<!tpu.dma_semaphore, #tpu.memory_space<semaphore_mem>>, %arg14: memref<!tpu.dma_semaphore, #tpu.memory_space<semaphore_mem>>, %arg15: memref<!tpu.dma_semaphore, #tpu.memory_space<semaphore_mem>>) attributes {dimension_semantics = [#tpu.dimension_semantics<core_parallel>, #tpu.dimension_semantics<subcore_parallel>], iteration_bounds = array<i64: 2, 16>, scalar_prefetch = 0 : i64, scratch_operands = 9 : i64, tpu.core_type = #tpu.core_type<sc_vector_subcore>, window_params = [{transform_indices = #map}, {transform_indices = #map1}, {transform_indices = #map1}, {transform_indices = #map}, {transform_indices = #map2}]} {
    %mul3A = arith.constant 16 : i32
    %mul3A_0 = arith.muli %arg0, %mul3A : i32
    %add3A = arith.addi %mul3A_0, %arg1 : i32
    "tpu.region"() ({
      %run_scoped3A = tpu.sem_alloc : memref<!tpu.dma_semaphore, #tpu.memory_space<semaphore_mem>>
      tpu.enqueue_dma source(%arg5 : memref<125x128xf32, #tpu.memory_space<hbm>>) target(%arg9 : memref<125x128xf32, #tpu.memory_space<vmem>>) target_semaphore(%run_scoped3A : memref<!tpu.dma_semaphore, #tpu.memory_space<semaphore_mem>>)
      tpu.wait_dma2 semaphore(%run_scoped3A : memref<!tpu.dma_semaphore, #tpu.memory_space<semaphore_mem>>) src(%arg5 : memref<125x128xf32, #tpu.memory_space<hbm>>) dst(%arg9 : memref<125x128xf32, #tpu.memory_space<vmem>>)
      tpu.yield
    }) : () -> ()
    %mul3A_1 = arith.constant 625 : i32
    %mul3A_2 = arith.muli %arg1, %mul3A_1 : i32
    %add3A_3 = arith.constant 0 : i32
    %add3A_4 = arith.addi %mul3A_2, %add3A_3 : i32
    %dma_start3A = arith.constant 0 : i32
    %dma_start3A_5 = tpu.memref_slice %arg11[%add3A_4, %dma_start3A] : memref<10000x128xf32, #tpu.memory_space<vmem_shared>> -> memref<125x128xf32, #tpu.memory_space<vmem_shared>>
    %dma_start3A_6 = arith.constant 0 : i32
    %dma_start3A_7 = tpu.memref_slice %arg11[%add3A_4, %dma_start3A_6] : memref<10000x128xf32, #tpu.memory_space<vmem_shared>> -> memref<125x128xf32, #tpu.memory_space<vmem_shared>>
    tpu.enqueue_dma source(%arg9 : memref<125x128xf32, #tpu.memory_space<vmem>>) target(%dma_start3A_7 : memref<125x128xf32, #tpu.memory_space<vmem_shared>>) target_semaphore(%arg12 : memref<!tpu.dma_semaphore, #tpu.memory_space<semaphore_mem>>)
    %add3A_8 = arith.constant 125 : i32
    %add3A_9 = arith.addi %mul3A_2, %add3A_8 : i32
    %dma_start3A_10 = arith.constant 0 : i32
    %dma_start3A_11 = tpu.memref_slice %arg11[%add3A_9, %dma_start3A_10] : memref<10000x128xf32, #tpu.memory_space<vmem_shared>> -> memref<125x128xf32, #tpu.memory_space<vmem_shared>>
    %dma_start3A_12 = arith.constant 0 : i32
    %dma_start3A_13 = tpu.memref_slice %arg11[%add3A_9, %dma_start3A_12] : memref<10000x128xf32, #tpu.memory_space<vmem_shared>> -> memref<125x128xf32, #tpu.memory_space<vmem_shared>>
    tpu.enqueue_dma source(%arg9 : memref<125x128xf32, #tpu.memory_space<vmem>>) target(%dma_start3A_13 : memref<125x128xf32, #tpu.memory_space<vmem_shared>>) target_semaphore(%arg12 : memref<!tpu.dma_semaphore, #tpu.memory_space<semaphore_mem>>)
    %add3A_14 = arith.constant 250 : i32
    %add3A_15 = arith.addi %mul3A_2, %add3A_14 : i32
    %dma_start3A_16 = arith.constant 0 : i32
    %dma_start3A_17 = tpu.memref_slice %arg11[%add3A_15, %dma_start3A_16] : memref<10000x128xf32, #tpu.memory_space<vmem_shared>> -> memref<125x128xf32, #tpu.memory_space<vmem_shared>>
    %dma_start3A_18 = arith.constant 0 : i32
    %dma_start3A_19 = tpu.memref_slice %arg11[%add3A_15, %dma_start3A_18] : memref<10000x128xf32, #tpu.memory_space<vmem_shared>> -> memref<125x128xf32, #tpu.memory_space<vmem_shared>>
    tpu.enqueue_dma source(%arg9 : memref<125x128xf32, #tpu.memory_space<vmem>>) target(%dma_start3A_19 : memref<125x128xf32, #tpu.memory_space<vmem_shared>>) target_semaphore(%arg12 : memref<!tpu.dma_semaphore, #tpu.memory_space<semaphore_mem>>)
    %add3A_20 = arith.constant 375 : i32
    %add3A_21 = arith.addi %mul3A_2, %add3A_20 : i32
    %dma_start3A_22 = arith.constant 0 : i32
    %dma_start3A_23 = tpu.memref_slice %arg11[%add3A_21, %dma_start3A_22] : memref<10000x128xf32, #tpu.memory_space<vmem_shared>> -> memref<125x128xf32, #tpu.memory_space<vmem_shared>>
    %dma_start3A_24 = arith.constant 0 : i32
    %dma_start3A_25 = tpu.memref_slice %arg11[%add3A_21, %dma_start3A_24] : memref<10000x128xf32, #tpu.memory_space<vmem_shared>> -> memref<125x128xf32, #tpu.memory_space<vmem_shared>>
    tpu.enqueue_dma source(%arg9 : memref<125x128xf32, #tpu.memory_space<vmem>>) target(%dma_start3A_25 : memref<125x128xf32, #tpu.memory_space<vmem_shared>>) target_semaphore(%arg12 : memref<!tpu.dma_semaphore, #tpu.memory_space<semaphore_mem>>)
    %add3A_26 = arith.constant 500 : i32
    %add3A_27 = arith.addi %mul3A_2, %add3A_26 : i32
    %dma_start3A_28 = arith.constant 0 : i32
    %dma_start3A_29 = tpu.memref_slice %arg11[%add3A_27, %dma_start3A_28] : memref<10000x128xf32, #tpu.memory_space<vmem_shared>> -> memref<125x128xf32, #tpu.memory_space<vmem_shared>>
    %dma_start3A_30 = arith.constant 0 : i32
    %dma_start3A_31 = tpu.memref_slice %arg11[%add3A_27, %dma_start3A_30] : memref<10000x128xf32, #tpu.memory_space<vmem_shared>> -> memref<125x128xf32, #tpu.memory_space<vmem_shared>>
    tpu.enqueue_dma source(%arg9 : memref<125x128xf32, #tpu.memory_space<vmem>>) target(%dma_start3A_31 : memref<125x128xf32, #tpu.memory_space<vmem_shared>>) target_semaphore(%arg12 : memref<!tpu.dma_semaphore, #tpu.memory_space<semaphore_mem>>)
    %dma_wait3A = arith.constant 0 : i32
    %dma_wait3A_32 = tpu.memref_slice %arg11[%mul3A_2, %dma_wait3A] : memref<10000x128xf32, #tpu.memory_space<vmem_shared>> -> memref<125x128xf32, #tpu.memory_space<vmem_shared>>
    %dma_wait3A_33 = arith.constant 0 : i32
    %dma_wait3A_34 = tpu.memref_slice %arg11[%mul3A_2, %dma_wait3A_33] : memref<10000x128xf32, #tpu.memory_space<vmem_shared>> -> memref<125x128xf32, #tpu.memory_space<vmem_shared>>
    tpu.wait_dma2 semaphore(%arg12 : memref<!tpu.dma_semaphore, #tpu.memory_space<semaphore_mem>>) src(%arg9 : memref<125x128xf32, #tpu.memory_space<vmem>>) dst(%dma_wait3A_34 : memref<125x128xf32, #tpu.memory_space<vmem_shared>>)
    %dma_wait3A_35 = arith.constant 0 : i32
    %dma_wait3A_36 = tpu.memref_slice %arg11[%mul3A_2, %dma_wait3A_35] : memref<10000x128xf32, #tpu.memory_space<vmem_shared>> -> memref<125x128xf32, #tpu.memory_space<vmem_shared>>
    %dma_wait3A_37 = arith.constant 0 : i32
    %dma_wait3A_38 = tpu.memref_slice %arg11[%mul3A_2, %dma_wait3A_37] : memref<10000x128xf32, #tpu.memory_space<vmem_shared>> -> memref<125x128xf32, #tpu.memory_space<vmem_shared>>
    tpu.wait_dma2 semaphore(%arg12 : memref<!tpu.dma_semaphore, #tpu.memory_space<semaphore_mem>>) src(%arg9 : memref<125x128xf32, #tpu.memory_space<vmem>>) dst(%dma_wait3A_38 : memref<125x128xf32, #tpu.memory_space<vmem_shared>>)
    %dma_wait3A_39 = arith.constant 0 : i32
    %dma_wait3A_40 = tpu.memref_slice %arg11[%mul3A_2, %dma_wait3A_39] : memref<10000x128xf32, #tpu.memory_space<vmem_shared>> -> memref<125x128xf32, #tpu.memory_space<vmem_shared>>
    %dma_wait3A_41 = arith.constant 0 : i32
    %dma_wait3A_42 = tpu.memref_slice %arg11[%mul3A_2, %dma_wait3A_41] : memref<10000x128xf32, #tpu.memory_space<vmem_shared>> -> memref<125x128xf32, #tpu.memory_space<vmem_shared>>
    tpu.wait_dma2 semaphore(%arg12 : memref<!tpu.dma_semaphore, #tpu.memory_space<semaphore_mem>>) src(%arg9 : memref<125x128xf32, #tpu.memory_space<vmem>>) dst(%dma_wait3A_42 : memref<125x128xf32, #tpu.memory_space<vmem_shared>>)
    %dma_wait3A_43 = arith.constant 0 : i32
    %dma_wait3A_44 = tpu.memref_slice %arg11[%mul3A_2, %dma_wait3A_43] : memref<10000x128xf32, #tpu.memory_space<vmem_shared>> -> memref<125x128xf32, #tpu.memory_space<vmem_shared>>
    %dma_wait3A_45 = arith.constant 0 : i32
    %dma_wait3A_46 = tpu.memref_slice %arg11[%mul3A_2, %dma_wait3A_45] : memref<10000x128xf32, #tpu.memory_space<vmem_shared>> -> memref<125x128xf32, #tpu.memory_space<vmem_shared>>
    tpu.wait_dma2 semaphore(%arg12 : memref<!tpu.dma_semaphore, #tpu.memory_space<semaphore_mem>>) src(%arg9 : memref<125x128xf32, #tpu.memory_space<vmem>>) dst(%dma_wait3A_46 : memref<125x128xf32, #tpu.memory_space<vmem_shared>>)
    %dma_wait3A_47 = arith.constant 0 : i32
    %dma_wait3A_48 = tpu.memref_slice %arg11[%mul3A_2, %dma_wait3A_47] : memref<10000x128xf32, #tpu.memory_space<vmem_shared>> -> memref<125x128xf32, #tpu.memory_space<vmem_shared>>
    %dma_wait3A_49 = arith.constant 0 : i32
    %dma_wait3A_50 = tpu.memref_slice %arg11[%mul3A_2, %dma_wait3A_49] : memref<10000x128xf32, #tpu.memory_space<vmem_shared>> -> memref<125x128xf32, #tpu.memory_space<vmem_shared>>
    tpu.wait_dma2 semaphore(%arg12 : memref<!tpu.dma_semaphore, #tpu.memory_space<semaphore_mem>>) src(%arg9 : memref<125x128xf32, #tpu.memory_space<vmem>>) dst(%dma_wait3A_50 : memref<125x128xf32, #tpu.memory_space<vmem_shared>>)
    %barrier3A = arith.constant 0 : index
    tpu.barrier barrier_id(%barrier3A)
    "tpu.region"() ({
      %run_scoped3A = tpu.sem_alloc : memref<!tpu.dma_semaphore, #tpu.memory_space<semaphore_mem>>
      %dma_start3A_103 = arith.constant 0 : i32
      %dma_start3A_104 = arith.constant 0 : i32
      %dma_start3A_105 = tpu.memref_slice %arg3[%add3A, %dma_start3A_103, %dma_start3A_104] : memref<32x80x125xi32, #tpu.memory_space<hbm>> -> memref<1x40x125xi32, #tpu.memory_space<hbm>>
      %dma_start3A_106 = tpu.memref_squeeze %dma_start3A_105 : memref<1x40x125xi32, #tpu.memory_space<hbm>> -> memref<40x125xi32, #tpu.memory_space<hbm>>
      %dma_start3A_107 = arith.constant 0 : i32
      %dma_start3A_108 = arith.constant 0 : i32
      %dma_start3A_109 = tpu.memref_slice %arg3[%add3A, %dma_start3A_107, %dma_start3A_108] : memref<32x80x125xi32, #tpu.memory_space<hbm>> -> memref<1x40x125xi32, #tpu.memory_space<hbm>>
      %dma_start3A_110 = tpu.memref_squeeze %dma_start3A_109 : memref<1x40x125xi32, #tpu.memory_space<hbm>> -> memref<40x125xi32, #tpu.memory_space<hbm>>
      tpu.enqueue_dma source(%dma_start3A_110 : memref<40x125xi32, #tpu.memory_space<hbm>>) target(%arg7 : memref<40x125xi32, #tpu.memory_space<vmem>>) target_semaphore(%run_scoped3A : memref<!tpu.dma_semaphore, #tpu.memory_space<semaphore_mem>>)
      %dma_wait3A_111 = arith.constant 0 : i32
      %dma_wait3A_112 = arith.constant 0 : i32
      %dma_wait3A_113 = tpu.memref_slice %arg3[%add3A, %dma_wait3A_111, %dma_wait3A_112] : memref<32x80x125xi32, #tpu.memory_space<hbm>> -> memref<1x40x125xi32, #tpu.memory_space<hbm>>
      %dma_wait3A_114 = tpu.memref_squeeze %dma_wait3A_113 : memref<1x40x125xi32, #tpu.memory_space<hbm>> -> memref<40x125xi32, #tpu.memory_space<hbm>>
      %dma_wait3A_115 = arith.constant 0 : i32
      %dma_wait3A_116 = arith.constant 0 : i32
      %dma_wait3A_117 = tpu.memref_slice %arg3[%add3A, %dma_wait3A_115, %dma_wait3A_116] : memref<32x80x125xi32, #tpu.memory_space<hbm>> -> memref<1x40x125xi32, #tpu.memory_space<hbm>>
      %dma_wait3A_118 = tpu.memref_squeeze %dma_wait3A_117 : memref<1x40x125xi32, #tpu.memory_space<hbm>> -> memref<40x125xi32, #tpu.memory_space<hbm>>
      tpu.wait_dma2 semaphore(%run_scoped3A : memref<!tpu.dma_semaphore, #tpu.memory_space<semaphore_mem>>) src(%dma_wait3A_118 : memref<40x125xi32, #tpu.memory_space<hbm>>) dst(%arg7 : memref<40x125xi32, #tpu.memory_space<vmem>>)
      tpu.yield
    }) : () -> ()
    "tpu.region"() ({
      %run_scoped3A = tpu.sem_alloc : memref<!tpu.dma_semaphore, #tpu.memory_space<semaphore_mem>>
      %dma_start3A_103 = arith.constant 0 : i32
      %dma_start3A_104 = arith.constant 0 : i32
      %dma_start3A_105 = tpu.memref_slice %arg4[%add3A, %dma_start3A_103, %dma_start3A_104] : memref<32x80x125xi32, #tpu.memory_space<hbm>> -> memref<1x40x125xi32, #tpu.memory_space<hbm>>
      %dma_start3A_106 = tpu.memref_squeeze %dma_start3A_105 : memref<1x40x125xi32, #tpu.memory_space<hbm>> -> memref<40x125xi32, #tpu.memory_space<hbm>>
      %dma_start3A_107 = arith.constant 0 : i32
      %dma_start3A_108 = arith.constant 0 : i32
      %dma_start3A_109 = tpu.memref_slice %arg4[%add3A, %dma_start3A_107, %dma_start3A_108] : memref<32x80x125xi32, #tpu.memory_space<hbm>> -> memref<1x40x125xi32, #tpu.memory_space<hbm>>
      %dma_start3A_110 = tpu.memref_squeeze %dma_start3A_109 : memref<1x40x125xi32, #tpu.memory_space<hbm>> -> memref<40x125xi32, #tpu.memory_space<hbm>>
      tpu.enqueue_dma source(%dma_start3A_110 : memref<40x125xi32, #tpu.memory_space<hbm>>) target(%arg8 : memref<40x125xi32, #tpu.memory_space<vmem>>) target_semaphore(%run_scoped3A : memref<!tpu.dma_semaphore, #tpu.memory_space<semaphore_mem>>)
      %dma_wait3A_111 = arith.constant 0 : i32
      %dma_wait3A_112 = arith.constant 0 : i32
      %dma_wait3A_113 = tpu.memref_slice %arg4[%add3A, %dma_wait3A_111, %dma_wait3A_112] : memref<32x80x125xi32, #tpu.memory_space<hbm>> -> memref<1x40x125xi32, #tpu.memory_space<hbm>>
      %dma_wait3A_114 = tpu.memref_squeeze %dma_wait3A_113 : memref<1x40x125xi32, #tpu.memory_space<hbm>> -> memref<40x125xi32, #tpu.memory_space<hbm>>
      %dma_wait3A_115 = arith.constant 0 : i32
      %dma_wait3A_116 = arith.constant 0 : i32
      %dma_wait3A_117 = tpu.memref_slice %arg4[%add3A, %dma_wait3A_115, %dma_wait3A_116] : memref<32x80x125xi32, #tpu.memory_space<hbm>> -> memref<1x40x125xi32, #tpu.memory_space<hbm>>
      %dma_wait3A_118 = tpu.memref_squeeze %dma_wait3A_117 : memref<1x40x125xi32, #tpu.memory_space<hbm>> -> memref<40x125xi32, #tpu.memory_space<hbm>>
      tpu.wait_dma2 semaphore(%run_scoped3A : memref<!tpu.dma_semaphore, #tpu.memory_space<semaphore_mem>>) src(%dma_wait3A_118 : memref<40x125xi32, #tpu.memory_space<hbm>>) dst(%arg8 : memref<40x125xi32, #tpu.memory_space<vmem>>)
      tpu.yield
    }) : () -> ()
    %dma_start3A_51 = arith.constant 0 : i32
    %dma_start3A_52 = arith.constant 0 : i32
    %dma_start3A_53 = tpu.memref_slice %arg7[%dma_start3A_51, %dma_start3A_52] : memref<40x125xi32, #tpu.memory_space<vmem>> -> memref<1x125xi32, #tpu.memory_space<vmem>>
    %dma_start3A_54 = tpu.memref_squeeze %dma_start3A_53 : memref<1x125xi32, #tpu.memory_space<vmem>> -> memref<125xi32, #tpu.memory_space<vmem>>
    %dma_start3A_55 = arith.constant 0 : i32
    %dma_start3A_56 = arith.constant 0 : i32
    %dma_start3A_57 = tpu.memref_slice %arg2[%dma_start3A_55, %dma_start3A_56] : memref<10000x128xf32, #tpu.memory_space<hbm>> -> memref<10000x128xf32, #tpu.memory_space<hbm>>
    tpu.enqueue_indirect_dma source(%dma_start3A_57 : memref<10000x128xf32, #tpu.memory_space<hbm>>) target(%arg9 : memref<125x128xf32, #tpu.memory_space<vmem>>) offsets(%dma_start3A_54 : memref<125xi32, #tpu.memory_space<vmem>>) semaphore(%arg12 : memref<!tpu.dma_semaphore, #tpu.memory_space<semaphore_mem>>)
    %scan3A = arith.constant 0 : i32
    %scan3A_58 = arith.constant 20 : i32
    %scan3A_59 = arith.addi %scan3A, %scan3A_58 : i32
    %scan3A_60 = arith.constant 1 : i32
    scf.for %scan3A_103 = %scan3A to %scan3A_59 step %scan3A_60  : i32 {
      %mul3A_104 = arith.constant 2 : i32
      %mul3A_105 = arith.muli %mul3A_104, %scan3A_103 : i32
      %mul3A_106 = arith.constant 2 : i32
      %mul3A_107 = arith.muli %mul3A_106, %scan3A_103 : i32
      %add3A_108 = arith.constant 1 : i32
      %add3A_109 = arith.addi %mul3A_107, %add3A_108 : i32
      %gt3A = arith.constant 0 : i32
      %gt3A_110 = arith.cmpi sgt, %scan3A_103, %gt3A : i32
      %convert_element_type3A = arith.extui %gt3A_110 : i1 to i32
      %cond3A = arith.constant 0 : i32
      %cond3A_111 = arith.cmpi ne, %convert_element_type3A, %cond3A : i32
      scf.if %cond3A_111 {
        %dma_wait3A_148 = arith.constant 0 : i32
        %dma_wait3A_149 = arith.constant 0 : i32
        %dma_wait3A_150 = tpu.memref_slice %arg8[%dma_wait3A_148, %dma_wait3A_149] : memref<40x125xi32, #tpu.memory_space<vmem>> -> memref<1x125xi32, #tpu.memory_space<vmem>>
        %dma_wait3A_151 = tpu.memref_squeeze %dma_wait3A_150 : memref<1x125xi32, #tpu.memory_space<vmem>> -> memref<125xi32, #tpu.memory_space<vmem>>
        %dma_wait3A_152 = arith.constant 0 : i32
        %dma_wait3A_153 = arith.constant 0 : i32
        %dma_wait3A_154 = tpu.memref_slice %arg11[%dma_wait3A_152, %dma_wait3A_153] : memref<10000x128xf32, #tpu.memory_space<vmem_shared>> -> memref<10000x128xf32, #tpu.memory_space<vmem_shared>>
        tpu.wait_indirect_dma semaphore(%arg15 : memref<!tpu.dma_semaphore, #tpu.memory_space<semaphore_mem>>) src(%arg10 : memref<125x128xf32, #tpu.memory_space<vmem>>) dst(%dma_wait3A_154 : memref<10000x128xf32, #tpu.memory_space<vmem_shared>>)
      } else {
      }
      %dma_wait3A_112 = arith.constant 0 : i32
      %dma_wait3A_113 = arith.constant 0 : i32
      %dma_wait3A_114 = tpu.memref_slice %arg7[%dma_wait3A_112, %dma_wait3A_113] : memref<40x125xi32, #tpu.memory_space<vmem>> -> memref<1x125xi32, #tpu.memory_space<vmem>>
      %dma_wait3A_115 = tpu.memref_squeeze %dma_wait3A_114 : memref<1x125xi32, #tpu.memory_space<vmem>> -> memref<125xi32, #tpu.memory_space<vmem>>
      %dma_wait3A_116 = arith.constant 0 : i32
      %dma_wait3A_117 = arith.constant 0 : i32
      %dma_wait3A_118 = tpu.memref_slice %arg2[%dma_wait3A_116, %dma_wait3A_117] : memref<10000x128xf32, #tpu.memory_space<hbm>> -> memref<10000x128xf32, #tpu.memory_space<hbm>>
      tpu.wait_indirect_dma semaphore(%arg12 : memref<!tpu.dma_semaphore, #tpu.memory_space<semaphore_mem>>) src(%dma_wait3A_118 : memref<10000x128xf32, #tpu.memory_space<hbm>>) dst(%arg9 : memref<125x128xf32, #tpu.memory_space<vmem>>)
      %dma_start3A_119 = arith.constant 0 : i32
      %dma_start3A_120 = tpu.memref_slice %arg7[%add3A_109, %dma_start3A_119] : memref<40x125xi32, #tpu.memory_space<vmem>> -> memref<1x125xi32, #tpu.memory_space<vmem>>
      %dma_start3A_121 = tpu.memref_squeeze %dma_start3A_120 : memref<1x125xi32, #tpu.memory_space<vmem>> -> memref<125xi32, #tpu.memory_space<vmem>>
      %dma_start3A_122 = arith.constant 0 : i32
      %dma_start3A_123 = arith.constant 0 : i32
      %dma_start3A_124 = tpu.memref_slice %arg2[%dma_start3A_122, %dma_start3A_123] : memref<10000x128xf32, #tpu.memory_space<hbm>> -> memref<10000x128xf32, #tpu.memory_space<hbm>>
      tpu.enqueue_indirect_dma source(%dma_start3A_124 : memref<10000x128xf32, #tpu.memory_space<hbm>>) target(%arg10 : memref<125x128xf32, #tpu.memory_space<vmem>>) offsets(%dma_start3A_121 : memref<125xi32, #tpu.memory_space<vmem>>) semaphore(%arg13 : memref<!tpu.dma_semaphore, #tpu.memory_space<semaphore_mem>>)
      %dma_start3A_125 = arith.constant 0 : i32
      %dma_start3A_126 = tpu.memref_slice %arg8[%mul3A_105, %dma_start3A_125] : memref<40x125xi32, #tpu.memory_space<vmem>> -> memref<1x125xi32, #tpu.memory_space<vmem>>
      %dma_start3A_127 = tpu.memref_squeeze %dma_start3A_126 : memref<1x125xi32, #tpu.memory_space<vmem>> -> memref<125xi32, #tpu.memory_space<vmem>>
      %dma_start3A_128 = arith.constant 0 : i32
      %dma_start3A_129 = arith.constant 0 : i32
      %dma_start3A_130 = tpu.memref_slice %arg11[%dma_start3A_128, %dma_start3A_129] : memref<10000x128xf32, #tpu.memory_space<vmem_shared>> -> memref<10000x128xf32, #tpu.memory_space<vmem_shared>>
      tpu.enqueue_indirect_dma source(%arg9 : memref<125x128xf32, #tpu.memory_space<vmem>>) target(%dma_start3A_130 : memref<10000x128xf32, #tpu.memory_space<vmem_shared>>) offsets(%dma_start3A_127 : memref<125xi32, #tpu.memory_space<vmem>>) semaphore(%arg14 : memref<!tpu.dma_semaphore, #tpu.memory_space<semaphore_mem>>) {add = true}
      %lt3A = arith.constant 19 : i32
      %lt3A_131 = arith.cmpi slt, %scan3A_103, %lt3A : i32
      %convert_element_type3A_132 = arith.extui %lt3A_131 : i1 to i32
      %cond3A_133 = arith.constant 0 : i32
      %cond3A_134 = arith.cmpi ne, %convert_element_type3A_132, %cond3A_133 : i32
      scf.if %cond3A_134 {
        %dma_wait3A_148 = arith.constant 0 : i32
        %dma_wait3A_149 = arith.constant 0 : i32
        %dma_wait3A_150 = tpu.memref_slice %arg8[%dma_wait3A_148, %dma_wait3A_149] : memref<40x125xi32, #tpu.memory_space<vmem>> -> memref<1x125xi32, #tpu.memory_space<vmem>>
        %dma_wait3A_151 = tpu.memref_squeeze %dma_wait3A_150 : memref<1x125xi32, #tpu.memory_space<vmem>> -> memref<125xi32, #tpu.memory_space<vmem>>
        %dma_wait3A_152 = arith.constant 0 : i32
        %dma_wait3A_153 = arith.constant 0 : i32
        %dma_wait3A_154 = tpu.memref_slice %arg11[%dma_wait3A_152, %dma_wait3A_153] : memref<10000x128xf32, #tpu.memory_space<vmem_shared>> -> memref<10000x128xf32, #tpu.memory_space<vmem_shared>>
        tpu.wait_indirect_dma semaphore(%arg14 : memref<!tpu.dma_semaphore, #tpu.memory_space<semaphore_mem>>) src(%arg9 : memref<125x128xf32, #tpu.memory_space<vmem>>) dst(%dma_wait3A_154 : memref<10000x128xf32, #tpu.memory_space<vmem_shared>>)
        %add3A_155 = arith.constant 2 : i32
        %add3A_156 = arith.addi %mul3A_105, %add3A_155 : i32
        %dma_start3A_157 = arith.constant 0 : i32
        %dma_start3A_158 = tpu.memref_slice %arg7[%add3A_156, %dma_start3A_157] : memref<40x125xi32, #tpu.memory_space<vmem>> -> memref<1x125xi32, #tpu.memory_space<vmem>>
        %dma_start3A_159 = tpu.memref_squeeze %dma_start3A_158 : memref<1x125xi32, #tpu.memory_space<vmem>> -> memref<125xi32, #tpu.memory_space<vmem>>
        %dma_start3A_160 = arith.constant 0 : i32
        %dma_start3A_161 = arith.constant 0 : i32
        %dma_start3A_162 = tpu.memref_slice %arg2[%dma_start3A_160, %dma_start3A_161] : memref<10000x128xf32, #tpu.memory_space<hbm>> -> memref<10000x128xf32, #tpu.memory_space<hbm>>
        tpu.enqueue_indirect_dma source(%dma_start3A_162 : memref<10000x128xf32, #tpu.memory_space<hbm>>) target(%arg9 : memref<125x128xf32, #tpu.memory_space<vmem>>) offsets(%dma_start3A_159 : memref<125xi32, #tpu.memory_space<vmem>>) semaphore(%arg12 : memref<!tpu.dma_semaphore, #tpu.memory_space<semaphore_mem>>)
      } else {
      }
      %dma_wait3A_135 = arith.constant 0 : i32
      %dma_wait3A_136 = arith.constant 0 : i32
      %dma_wait3A_137 = tpu.memref_slice %arg7[%dma_wait3A_135, %dma_wait3A_136] : memref<40x125xi32, #tpu.memory_space<vmem>> -> memref<1x125xi32, #tpu.memory_space<vmem>>
      %dma_wait3A_138 = tpu.memref_squeeze %dma_wait3A_137 : memref<1x125xi32, #tpu.memory_space<vmem>> -> memref<125xi32, #tpu.memory_space<vmem>>
      %dma_wait3A_139 = arith.constant 0 : i32
      %dma_wait3A_140 = arith.constant 0 : i32
      %dma_wait3A_141 = tpu.memref_slice %arg2[%dma_wait3A_139, %dma_wait3A_140] : memref<10000x128xf32, #tpu.memory_space<hbm>> -> memref<10000x128xf32, #tpu.memory_space<hbm>>
      tpu.wait_indirect_dma semaphore(%arg13 : memref<!tpu.dma_semaphore, #tpu.memory_space<semaphore_mem>>) src(%dma_wait3A_141 : memref<10000x128xf32, #tpu.memory_space<hbm>>) dst(%arg10 : memref<125x128xf32, #tpu.memory_space<vmem>>)
      %dma_start3A_142 = arith.constant 0 : i32
      %dma_start3A_143 = tpu.memref_slice %arg8[%add3A_109, %dma_start3A_142] : memref<40x125xi32, #tpu.memory_space<vmem>> -> memref<1x125xi32, #tpu.memory_space<vmem>>
      %dma_start3A_144 = tpu.memref_squeeze %dma_start3A_143 : memref<1x125xi32, #tpu.memory_space<vmem>> -> memref<125xi32, #tpu.memory_space<vmem>>
      %dma_start3A_145 = arith.constant 0 : i32
      %dma_start3A_146 = arith.constant 0 : i32
      %dma_start3A_147 = tpu.memref_slice %arg11[%dma_start3A_145, %dma_start3A_146] : memref<10000x128xf32, #tpu.memory_space<vmem_shared>> -> memref<10000x128xf32, #tpu.memory_space<vmem_shared>>
      tpu.enqueue_indirect_dma source(%arg10 : memref<125x128xf32, #tpu.memory_space<vmem>>) target(%dma_start3A_147 : memref<10000x128xf32, #tpu.memory_space<vmem_shared>>) offsets(%dma_start3A_144 : memref<125xi32, #tpu.memory_space<vmem>>) semaphore(%arg15 : memref<!tpu.dma_semaphore, #tpu.memory_space<semaphore_mem>>) {add = true}
    }
    %scan3A_61 = arith.constant 20 : i32
    %dma_wait3A_62 = arith.constant 0 : i32
    %dma_wait3A_63 = arith.constant 0 : i32
    %dma_wait3A_64 = tpu.memref_slice %arg8[%dma_wait3A_62, %dma_wait3A_63] : memref<40x125xi32, #tpu.memory_space<vmem>> -> memref<1x125xi32, #tpu.memory_space<vmem>>
    %dma_wait3A_65 = tpu.memref_squeeze %dma_wait3A_64 : memref<1x125xi32, #tpu.memory_space<vmem>> -> memref<125xi32, #tpu.memory_space<vmem>>
    %dma_wait3A_66 = arith.constant 0 : i32
    %dma_wait3A_67 = arith.constant 0 : i32
    %dma_wait3A_68 = tpu.memref_slice %arg11[%dma_wait3A_66, %dma_wait3A_67] : memref<10000x128xf32, #tpu.memory_space<vmem_shared>> -> memref<10000x128xf32, #tpu.memory_space<vmem_shared>>
    tpu.wait_indirect_dma semaphore(%arg14 : memref<!tpu.dma_semaphore, #tpu.memory_space<semaphore_mem>>) src(%arg9 : memref<125x128xf32, #tpu.memory_space<vmem>>) dst(%dma_wait3A_68 : memref<10000x128xf32, #tpu.memory_space<vmem_shared>>)
    %dma_wait3A_69 = arith.constant 0 : i32
    %dma_wait3A_70 = arith.constant 0 : i32
    %dma_wait3A_71 = tpu.memref_slice %arg8[%dma_wait3A_69, %dma_wait3A_70] : memref<40x125xi32, #tpu.memory_space<vmem>> -> memref<1x125xi32, #tpu.memory_space<vmem>>
    %dma_wait3A_72 = tpu.memref_squeeze %dma_wait3A_71 : memref<1x125xi32, #tpu.memory_space<vmem>> -> memref<125xi32, #tpu.memory_space<vmem>>
    %dma_wait3A_73 = arith.constant 0 : i32
    %dma_wait3A_74 = arith.constant 0 : i32
    %dma_wait3A_75 = tpu.memref_slice %arg11[%dma_wait3A_73, %dma_wait3A_74] : memref<10000x128xf32, #tpu.memory_space<vmem_shared>> -> memref<10000x128xf32, #tpu.memory_space<vmem_shared>>
    tpu.wait_indirect_dma semaphore(%arg15 : memref<!tpu.dma_semaphore, #tpu.memory_space<semaphore_mem>>) src(%arg10 : memref<125x128xf32, #tpu.memory_space<vmem>>) dst(%dma_wait3A_75 : memref<10000x128xf32, #tpu.memory_space<vmem_shared>>)
    "tpu.region"() ({
      %run_scoped3A = tpu.sem_alloc : memref<!tpu.dma_semaphore, #tpu.memory_space<semaphore_mem>>
      %dma_start3A_103 = arith.constant 40 : i32
      %dma_start3A_104 = arith.constant 0 : i32
      %dma_start3A_105 = tpu.memref_slice %arg3[%add3A, %dma_start3A_103, %dma_start3A_104] : memref<32x80x125xi32, #tpu.memory_space<hbm>> -> memref<1x40x125xi32, #tpu.memory_space<hbm>>
      %dma_start3A_106 = tpu.memref_squeeze %dma_start3A_105 : memref<1x40x125xi32, #tpu.memory_space<hbm>> -> memref<40x125xi32, #tpu.memory_space<hbm>>
      %dma_start3A_107 = arith.constant 40 : i32
      %dma_start3A_108 = arith.constant 0 : i32
      %dma_start3A_109 = tpu.memref_slice %arg3[%add3A, %dma_start3A_107, %dma_start3A_108] : memref<32x80x125xi32, #tpu.memory_space<hbm>> -> memref<1x40x125xi32, #tpu.memory_space<hbm>>
      %dma_start3A_110 = tpu.memref_squeeze %dma_start3A_109 : memref<1x40x125xi32, #tpu.memory_space<hbm>> -> memref<40x125xi32, #tpu.memory_space<hbm>>
      tpu.enqueue_dma source(%dma_start3A_110 : memref<40x125xi32, #tpu.memory_space<hbm>>) target(%arg7 : memref<40x125xi32, #tpu.memory_space<vmem>>) target_semaphore(%run_scoped3A : memref<!tpu.dma_semaphore, #tpu.memory_space<semaphore_mem>>)
      %dma_wait3A_111 = arith.constant 40 : i32
      %dma_wait3A_112 = arith.constant 0 : i32
      %dma_wait3A_113 = tpu.memref_slice %arg3[%add3A, %dma_wait3A_111, %dma_wait3A_112] : memref<32x80x125xi32, #tpu.memory_space<hbm>> -> memref<1x40x125xi32, #tpu.memory_space<hbm>>
      %dma_wait3A_114 = tpu.memref_squeeze %dma_wait3A_113 : memref<1x40x125xi32, #tpu.memory_space<hbm>> -> memref<40x125xi32, #tpu.memory_space<hbm>>
      %dma_wait3A_115 = arith.constant 40 : i32
      %dma_wait3A_116 = arith.constant 0 : i32
      %dma_wait3A_117 = tpu.memref_slice %arg3[%add3A, %dma_wait3A_115, %dma_wait3A_116] : memref<32x80x125xi32, #tpu.memory_space<hbm>> -> memref<1x40x125xi32, #tpu.memory_space<hbm>>
      %dma_wait3A_118 = tpu.memref_squeeze %dma_wait3A_117 : memref<1x40x125xi32, #tpu.memory_space<hbm>> -> memref<40x125xi32, #tpu.memory_space<hbm>>
      tpu.wait_dma2 semaphore(%run_scoped3A : memref<!tpu.dma_semaphore, #tpu.memory_space<semaphore_mem>>) src(%dma_wait3A_118 : memref<40x125xi32, #tpu.memory_space<hbm>>) dst(%arg7 : memref<40x125xi32, #tpu.memory_space<vmem>>)
      tpu.yield
    }) : () -> ()
    "tpu.region"() ({
      %run_scoped3A = tpu.sem_alloc : memref<!tpu.dma_semaphore, #tpu.memory_space<semaphore_mem>>
      %dma_start3A_103 = arith.constant 40 : i32
      %dma_start3A_104 = arith.constant 0 : i32
      %dma_start3A_105 = tpu.memref_slice %arg4[%add3A, %dma_start3A_103, %dma_start3A_104] : memref<32x80x125xi32, #tpu.memory_space<hbm>> -> memref<1x40x125xi32, #tpu.memory_space<hbm>>
      %dma_start3A_106 = tpu.memref_squeeze %dma_start3A_105 : memref<1x40x125xi32, #tpu.memory_space<hbm>> -> memref<40x125xi32, #tpu.memory_space<hbm>>
      %dma_start3A_107 = arith.constant 40 : i32
      %dma_start3A_108 = arith.constant 0 : i32
      %dma_start3A_109 = tpu.memref_slice %arg4[%add3A, %dma_start3A_107, %dma_start3A_108] : memref<32x80x125xi32, #tpu.memory_space<hbm>> -> memref<1x40x125xi32, #tpu.memory_space<hbm>>
      %dma_start3A_110 = tpu.memref_squeeze %dma_start3A_109 : memref<1x40x125xi32, #tpu.memory_space<hbm>> -> memref<40x125xi32, #tpu.memory_space<hbm>>
      tpu.enqueue_dma source(%dma_start3A_110 : memref<40x125xi32, #tpu.memory_space<hbm>>) target(%arg8 : memref<40x125xi32, #tpu.memory_space<vmem>>) target_semaphore(%run_scoped3A : memref<!tpu.dma_semaphore, #tpu.memory_space<semaphore_mem>>)
      %dma_wait3A_111 = arith.constant 40 : i32
      %dma_wait3A_112 = arith.constant 0 : i32
      %dma_wait3A_113 = tpu.memref_slice %arg4[%add3A, %dma_wait3A_111, %dma_wait3A_112] : memref<32x80x125xi32, #tpu.memory_space<hbm>> -> memref<1x40x125xi32, #tpu.memory_space<hbm>>
      %dma_wait3A_114 = tpu.memref_squeeze %dma_wait3A_113 : memref<1x40x125xi32, #tpu.memory_space<hbm>> -> memref<40x125xi32, #tpu.memory_space<hbm>>
      %dma_wait3A_115 = arith.constant 40 : i32
      %dma_wait3A_116 = arith.constant 0 : i32
      %dma_wait3A_117 = tpu.memref_slice %arg4[%add3A, %dma_wait3A_115, %dma_wait3A_116] : memref<32x80x125xi32, #tpu.memory_space<hbm>> -> memref<1x40x125xi32, #tpu.memory_space<hbm>>
      %dma_wait3A_118 = tpu.memref_squeeze %dma_wait3A_117 : memref<1x40x125xi32, #tpu.memory_space<hbm>> -> memref<40x125xi32, #tpu.memory_space<hbm>>
      tpu.wait_dma2 semaphore(%run_scoped3A : memref<!tpu.dma_semaphore, #tpu.memory_space<semaphore_mem>>) src(%dma_wait3A_118 : memref<40x125xi32, #tpu.memory_space<hbm>>) dst(%arg8 : memref<40x125xi32, #tpu.memory_space<vmem>>)
      tpu.yield
    }) : () -> ()
    %dma_start3A_76 = arith.constant 0 : i32
    %dma_start3A_77 = arith.constant 0 : i32
    %dma_start3A_78 = tpu.memref_slice %arg7[%dma_start3A_76, %dma_start3A_77] : memref<40x125xi32, #tpu.memory_space<vmem>> -> memref<1x125xi32, #tpu.memory_space<vmem>>
    %dma_start3A_79 = tpu.memref_squeeze %dma_start3A_78 : memref<1x125xi32, #tpu.memory_space<vmem>> -> memref<125xi32, #tpu.memory_space<vmem>>
    %dma_start3A_80 = arith.constant 0 : i32
    %dma_start3A_81 = arith.constant 0 : i32
    %dma_start3A_82 = tpu.memref_slice %arg2[%dma_start3A_80, %dma_start3A_81] : memref<10000x128xf32, #tpu.memory_space<hbm>> -> memref<10000x128xf32, #tpu.memory_space<hbm>>
    tpu.enqueue_indirect_dma source(%dma_start3A_82 : memref<10000x128xf32, #tpu.memory_space<hbm>>) target(%arg9 : memref<125x128xf32, #tpu.memory_space<vmem>>) offsets(%dma_start3A_79 : memref<125xi32, #tpu.memory_space<vmem>>) semaphore(%arg12 : memref<!tpu.dma_semaphore, #tpu.memory_space<semaphore_mem>>)
    %scan3A_83 = arith.constant 0 : i32
    %scan3A_84 = arith.constant 20 : i32
    %scan3A_85 = arith.addi %scan3A_83, %scan3A_84 : i32
    %scan3A_86 = arith.constant 1 : i32
    scf.for %scan3A_103 = %scan3A_83 to %scan3A_85 step %scan3A_86  : i32 {
      %mul3A_104 = arith.constant 2 : i32
      %mul3A_105 = arith.muli %mul3A_104, %scan3A_103 : i32
      %mul3A_106 = arith.constant 2 : i32
      %mul3A_107 = arith.muli %mul3A_106, %scan3A_103 : i32
      %add3A_108 = arith.constant 1 : i32
      %add3A_109 = arith.addi %mul3A_107, %add3A_108 : i32
      %gt3A = arith.constant 0 : i32
      %gt3A_110 = arith.cmpi sgt, %scan3A_103, %gt3A : i32
      %convert_element_type3A = arith.extui %gt3A_110 : i1 to i32
      %cond3A = arith.constant 0 : i32
      %cond3A_111 = arith.cmpi ne, %convert_element_type3A, %cond3A : i32
      scf.if %cond3A_111 {
        %dma_wait3A_148 = arith.constant 0 : i32
        %dma_wait3A_149 = arith.constant 0 : i32
        %dma_wait3A_150 = tpu.memref_slice %arg8[%dma_wait3A_148, %dma_wait3A_149] : memref<40x125xi32, #tpu.memory_space<vmem>> -> memref<1x125xi32, #tpu.memory_space<vmem>>
        %dma_wait3A_151 = tpu.memref_squeeze %dma_wait3A_150 : memref<1x125xi32, #tpu.memory_space<vmem>> -> memref<125xi32, #tpu.memory_space<vmem>>
        %dma_wait3A_152 = arith.constant 0 : i32
        %dma_wait3A_153 = arith.constant 0 : i32
        %dma_wait3A_154 = tpu.memref_slice %arg11[%dma_wait3A_152, %dma_wait3A_153] : memref<10000x128xf32, #tpu.memory_space<vmem_shared>> -> memref<10000x128xf32, #tpu.memory_space<vmem_shared>>
        tpu.wait_indirect_dma semaphore(%arg15 : memref<!tpu.dma_semaphore, #tpu.memory_space<semaphore_mem>>) src(%arg10 : memref<125x128xf32, #tpu.memory_space<vmem>>) dst(%dma_wait3A_154 : memref<10000x128xf32, #tpu.memory_space<vmem_shared>>)
      } else {
      }
      %dma_wait3A_112 = arith.constant 0 : i32
      %dma_wait3A_113 = arith.constant 0 : i32
      %dma_wait3A_114 = tpu.memref_slice %arg7[%dma_wait3A_112, %dma_wait3A_113] : memref<40x125xi32, #tpu.memory_space<vmem>> -> memref<1x125xi32, #tpu.memory_space<vmem>>
      %dma_wait3A_115 = tpu.memref_squeeze %dma_wait3A_114 : memref<1x125xi32, #tpu.memory_space<vmem>> -> memref<125xi32, #tpu.memory_space<vmem>>
      %dma_wait3A_116 = arith.constant 0 : i32
      %dma_wait3A_117 = arith.constant 0 : i32
      %dma_wait3A_118 = tpu.memref_slice %arg2[%dma_wait3A_116, %dma_wait3A_117] : memref<10000x128xf32, #tpu.memory_space<hbm>> -> memref<10000x128xf32, #tpu.memory_space<hbm>>
      tpu.wait_indirect_dma semaphore(%arg12 : memref<!tpu.dma_semaphore, #tpu.memory_space<semaphore_mem>>) src(%dma_wait3A_118 : memref<10000x128xf32, #tpu.memory_space<hbm>>) dst(%arg9 : memref<125x128xf32, #tpu.memory_space<vmem>>)
      %dma_start3A_119 = arith.constant 0 : i32
      %dma_start3A_120 = tpu.memref_slice %arg7[%add3A_109, %dma_start3A_119] : memref<40x125xi32, #tpu.memory_space<vmem>> -> memref<1x125xi32, #tpu.memory_space<vmem>>
      %dma_start3A_121 = tpu.memref_squeeze %dma_start3A_120 : memref<1x125xi32, #tpu.memory_space<vmem>> -> memref<125xi32, #tpu.memory_space<vmem>>
      %dma_start3A_122 = arith.constant 0 : i32
      %dma_start3A_123 = arith.constant 0 : i32
      %dma_start3A_124 = tpu.memref_slice %arg2[%dma_start3A_122, %dma_start3A_123] : memref<10000x128xf32, #tpu.memory_space<hbm>> -> memref<10000x128xf32, #tpu.memory_space<hbm>>
      tpu.enqueue_indirect_dma source(%dma_start3A_124 : memref<10000x128xf32, #tpu.memory_space<hbm>>) target(%arg10 : memref<125x128xf32, #tpu.memory_space<vmem>>) offsets(%dma_start3A_121 : memref<125xi32, #tpu.memory_space<vmem>>) semaphore(%arg13 : memref<!tpu.dma_semaphore, #tpu.memory_space<semaphore_mem>>)
      %dma_start3A_125 = arith.constant 0 : i32
      %dma_start3A_126 = tpu.memref_slice %arg8[%mul3A_105, %dma_start3A_125] : memref<40x125xi32, #tpu.memory_space<vmem>> -> memref<1x125xi32, #tpu.memory_space<vmem>>
      %dma_start3A_127 = tpu.memref_squeeze %dma_start3A_126 : memref<1x125xi32, #tpu.memory_space<vmem>> -> memref<125xi32, #tpu.memory_space<vmem>>
      %dma_start3A_128 = arith.constant 0 : i32
      %dma_start3A_129 = arith.constant 0 : i32
      %dma_start3A_130 = tpu.memref_slice %arg11[%dma_start3A_128, %dma_start3A_129] : memref<10000x128xf32, #tpu.memory_space<vmem_shared>> -> memref<10000x128xf32, #tpu.memory_space<vmem_shared>>
      tpu.enqueue_indirect_dma source(%arg9 : memref<125x128xf32, #tpu.memory_space<vmem>>) target(%dma_start3A_130 : memref<10000x128xf32, #tpu.memory_space<vmem_shared>>) offsets(%dma_start3A_127 : memref<125xi32, #tpu.memory_space<vmem>>) semaphore(%arg14 : memref<!tpu.dma_semaphore, #tpu.memory_space<semaphore_mem>>) {add = true}
      %lt3A = arith.constant 19 : i32
      %lt3A_131 = arith.cmpi slt, %scan3A_103, %lt3A : i32
      %convert_element_type3A_132 = arith.extui %lt3A_131 : i1 to i32
      %cond3A_133 = arith.constant 0 : i32
      %cond3A_134 = arith.cmpi ne, %convert_element_type3A_132, %cond3A_133 : i32
      scf.if %cond3A_134 {
        %dma_wait3A_148 = arith.constant 0 : i32
        %dma_wait3A_149 = arith.constant 0 : i32
        %dma_wait3A_150 = tpu.memref_slice %arg8[%dma_wait3A_148, %dma_wait3A_149] : memref<40x125xi32, #tpu.memory_space<vmem>> -> memref<1x125xi32, #tpu.memory_space<vmem>>
        %dma_wait3A_151 = tpu.memref_squeeze %dma_wait3A_150 : memref<1x125xi32, #tpu.memory_space<vmem>> -> memref<125xi32, #tpu.memory_space<vmem>>
        %dma_wait3A_152 = arith.constant 0 : i32
        %dma_wait3A_153 = arith.constant 0 : i32
        %dma_wait3A_154 = tpu.memref_slice %arg11[%dma_wait3A_152, %dma_wait3A_153] : memref<10000x128xf32, #tpu.memory_space<vmem_shared>> -> memref<10000x128xf32, #tpu.memory_space<vmem_shared>>
        tpu.wait_indirect_dma semaphore(%arg14 : memref<!tpu.dma_semaphore, #tpu.memory_space<semaphore_mem>>) src(%arg9 : memref<125x128xf32, #tpu.memory_space<vmem>>) dst(%dma_wait3A_154 : memref<10000x128xf32, #tpu.memory_space<vmem_shared>>)
        %add3A_155 = arith.constant 2 : i32
        %add3A_156 = arith.addi %mul3A_105, %add3A_155 : i32
        %dma_start3A_157 = arith.constant 0 : i32
        %dma_start3A_158 = tpu.memref_slice %arg7[%add3A_156, %dma_start3A_157] : memref<40x125xi32, #tpu.memory_space<vmem>> -> memref<1x125xi32, #tpu.memory_space<vmem>>
        %dma_start3A_159 = tpu.memref_squeeze %dma_start3A_158 : memref<1x125xi32, #tpu.memory_space<vmem>> -> memref<125xi32, #tpu.memory_space<vmem>>
        %dma_start3A_160 = arith.constant 0 : i32
        %dma_start3A_161 = arith.constant 0 : i32
        %dma_start3A_162 = tpu.memref_slice %arg2[%dma_start3A_160, %dma_start3A_161] : memref<10000x128xf32, #tpu.memory_space<hbm>> -> memref<10000x128xf32, #tpu.memory_space<hbm>>
        tpu.enqueue_indirect_dma source(%dma_start3A_162 : memref<10000x128xf32, #tpu.memory_space<hbm>>) target(%arg9 : memref<125x128xf32, #tpu.memory_space<vmem>>) offsets(%dma_start3A_159 : memref<125xi32, #tpu.memory_space<vmem>>) semaphore(%arg12 : memref<!tpu.dma_semaphore, #tpu.memory_space<semaphore_mem>>)
      } else {
      }
      %dma_wait3A_135 = arith.constant 0 : i32
      %dma_wait3A_136 = arith.constant 0 : i32
      %dma_wait3A_137 = tpu.memref_slice %arg7[%dma_wait3A_135, %dma_wait3A_136] : memref<40x125xi32, #tpu.memory_space<vmem>> -> memref<1x125xi32, #tpu.memory_space<vmem>>
      %dma_wait3A_138 = tpu.memref_squeeze %dma_wait3A_137 : memref<1x125xi32, #tpu.memory_space<vmem>> -> memref<125xi32, #tpu.memory_space<vmem>>
      %dma_wait3A_139 = arith.constant 0 : i32
      %dma_wait3A_140 = arith.constant 0 : i32
      %dma_wait3A_141 = tpu.memref_slice %arg2[%dma_wait3A_139, %dma_wait3A_140] : memref<10000x128xf32, #tpu.memory_space<hbm>> -> memref<10000x128xf32, #tpu.memory_space<hbm>>
      tpu.wait_indirect_dma semaphore(%arg13 : memref<!tpu.dma_semaphore, #tpu.memory_space<semaphore_mem>>) src(%dma_wait3A_141 : memref<10000x128xf32, #tpu.memory_space<hbm>>) dst(%arg10 : memref<125x128xf32, #tpu.memory_space<vmem>>)
      %dma_start3A_142 = arith.constant 0 : i32
      %dma_start3A_143 = tpu.memref_slice %arg8[%add3A_109, %dma_start3A_142] : memref<40x125xi32, #tpu.memory_space<vmem>> -> memref<1x125xi32, #tpu.memory_space<vmem>>
      %dma_start3A_144 = tpu.memref_squeeze %dma_start3A_143 : memref<1x125xi32, #tpu.memory_space<vmem>> -> memref<125xi32, #tpu.memory_space<vmem>>
      %dma_start3A_145 = arith.constant 0 : i32
      %dma_start3A_146 = arith.constant 0 : i32
      %dma_start3A_147 = tpu.memref_slice %arg11[%dma_start3A_145, %dma_start3A_146] : memref<10000x128xf32, #tpu.memory_space<vmem_shared>> -> memref<10000x128xf32, #tpu.memory_space<vmem_shared>>
      tpu.enqueue_indirect_dma source(%arg10 : memref<125x128xf32, #tpu.memory_space<vmem>>) target(%dma_start3A_147 : memref<10000x128xf32, #tpu.memory_space<vmem_shared>>) offsets(%dma_start3A_144 : memref<125xi32, #tpu.memory_space<vmem>>) semaphore(%arg15 : memref<!tpu.dma_semaphore, #tpu.memory_space<semaphore_mem>>) {add = true}
    }
    %scan3A_87 = arith.constant 20 : i32
    %dma_wait3A_88 = arith.constant 0 : i32
    %dma_wait3A_89 = arith.constant 0 : i32
    %dma_wait3A_90 = tpu.memref_slice %arg8[%dma_wait3A_88, %dma_wait3A_89] : memref<40x125xi32, #tpu.memory_space<vmem>> -> memref<1x125xi32, #tpu.memory_space<vmem>>
    %dma_wait3A_91 = tpu.memref_squeeze %dma_wait3A_90 : memref<1x125xi32, #tpu.memory_space<vmem>> -> memref<125xi32, #tpu.memory_space<vmem>>
    %dma_wait3A_92 = arith.constant 0 : i32
    %dma_wait3A_93 = arith.constant 0 : i32
    %dma_wait3A_94 = tpu.memref_slice %arg11[%dma_wait3A_92, %dma_wait3A_93] : memref<10000x128xf32, #tpu.memory_space<vmem_shared>> -> memref<10000x128xf32, #tpu.memory_space<vmem_shared>>
    tpu.wait_indirect_dma semaphore(%arg14 : memref<!tpu.dma_semaphore, #tpu.memory_space<semaphore_mem>>) src(%arg9 : memref<125x128xf32, #tpu.memory_space<vmem>>) dst(%dma_wait3A_94 : memref<10000x128xf32, #tpu.memory_space<vmem_shared>>)
    %dma_wait3A_95 = arith.constant 0 : i32
    %dma_wait3A_96 = arith.constant 0 : i32
    %dma_wait3A_97 = tpu.memref_slice %arg8[%dma_wait3A_95, %dma_wait3A_96] : memref<40x125xi32, #tpu.memory_space<vmem>> -> memref<1x125xi32, #tpu.memory_space<vmem>>
    %dma_wait3A_98 = tpu.memref_squeeze %dma_wait3A_97 : memref<1x125xi32, #tpu.memory_space<vmem>> -> memref<125xi32, #tpu.memory_space<vmem>>
    %dma_wait3A_99 = arith.constant 0 : i32
    %dma_wait3A_100 = arith.constant 0 : i32
    %dma_wait3A_101 = tpu.memref_slice %arg11[%dma_wait3A_99, %dma_wait3A_100] : memref<10000x128xf32, #tpu.memory_space<vmem_shared>> -> memref<10000x128xf32, #tpu.memory_space<vmem_shared>>
    tpu.wait_indirect_dma semaphore(%arg15 : memref<!tpu.dma_semaphore, #tpu.memory_space<semaphore_mem>>) src(%arg10 : memref<125x128xf32, #tpu.memory_space<vmem>>) dst(%dma_wait3A_101 : memref<10000x128xf32, #tpu.memory_space<vmem_shared>>)
    %barrier3A_102 = arith.constant 0 : index
    tpu.barrier barrier_id(%barrier3A_102)
    "tpu.region"() ({
      %run_scoped3A = tpu.sem_alloc : memref<!tpu.dma_semaphore, #tpu.memory_space<semaphore_mem>>
      %dma_start3A_103 = arith.constant 0 : i32
      %dma_start3A_104 = arith.constant 0 : i32
      %dma_start3A_105 = tpu.memref_slice %arg6[%arg0, %arg1, %dma_start3A_103, %dma_start3A_104] : memref<2x16x625x128xf32, #tpu.memory_space<hbm>> -> memref<1x1x625x128xf32, #tpu.memory_space<hbm>>
      %dma_start3A_106 = tpu.memref_squeeze %dma_start3A_105 : memref<1x1x625x128xf32, #tpu.memory_space<hbm>> -> memref<625x128xf32, #tpu.memory_space<hbm>>
      %dma_start3A_107 = arith.constant 0 : i32
      %dma_start3A_108 = tpu.memref_slice %arg11[%mul3A_2, %dma_start3A_107] : memref<10000x128xf32, #tpu.memory_space<vmem_shared>> -> memref<625x128xf32, #tpu.memory_space<vmem_shared>>
      tpu.enqueue_dma source(%dma_start3A_108 : memref<625x128xf32, #tpu.memory_space<vmem_shared>>) target(%dma_start3A_106 : memref<625x128xf32, #tpu.memory_space<hbm>>) target_semaphore(%run_scoped3A : memref<!tpu.dma_semaphore, #tpu.memory_space<semaphore_mem>>)
      %dma_wait3A_109 = arith.constant 0 : i32
      %dma_wait3A_110 = arith.constant 0 : i32
      %dma_wait3A_111 = tpu.memref_slice %arg6[%arg0, %arg1, %dma_wait3A_109, %dma_wait3A_110] : memref<2x16x625x128xf32, #tpu.memory_space<hbm>> -> memref<1x1x625x128xf32, #tpu.memory_space<hbm>>
      %dma_wait3A_112 = tpu.memref_squeeze %dma_wait3A_111 : memref<1x1x625x128xf32, #tpu.memory_space<hbm>> -> memref<625x128xf32, #tpu.memory_space<hbm>>
      %dma_wait3A_113 = arith.constant 0 : i32
      %dma_wait3A_114 = tpu.memref_slice %arg11[%mul3A_2, %dma_wait3A_113] : memref<10000x128xf32, #tpu.memory_space<vmem_shared>> -> memref<625x128xf32, #tpu.memory_space<vmem_shared>>
      tpu.wait_dma2 semaphore(%run_scoped3A : memref<!tpu.dma_semaphore, #tpu.memory_space<semaphore_mem>>) src(%dma_wait3A_114 : memref<625x128xf32, #tpu.memory_space<vmem_shared>>) dst(%dma_wait3A_112 : memref<625x128xf32, #tpu.memory_space<hbm>>)
      tpu.yield
    }) : () -> ()
    return
  }
}

#map = affine_map<(d0, d1) -> (0, 0)>
#map1 = affine_map<(d0, d1) -> (0, 0, 0)>
#map2 = affine_map<(d0, d1) -> (0, 0, 0, 0)>
module attributes {stable_mosaic.version = 14 : i64} {
  func.func @_spmm_body(%arg0: i32, %arg1: i32, %arg2: memref<10000x128xf32, #tpu.memory_space<hbm>>, %arg3: memref<32x80x125xi32, #tpu.memory_space<hbm>>, %arg4: memref<32x80x125xi32, #tpu.memory_space<hbm>>, %arg5: memref<125x128xf32, #tpu.memory_space<hbm>>, %arg6: memref<2x16x625x128xf32, #tpu.memory_space<hbm>>, %arg7: memref<40x125xi32, #tpu.memory_space<vmem>>, %arg8: memref<40x125xi32, #tpu.memory_space<vmem>>, %arg9: memref<125x128xf32, #tpu.memory_space<vmem>>, %arg10: memref<125x128xf32, #tpu.memory_space<vmem>>, %arg11: memref<10000x128xf32, #tpu.memory_space<vmem_shared>>, %arg12: memref<!tpu.dma_semaphore, #tpu.memory_space<semaphore_mem>>, %arg13: memref<!tpu.dma_semaphore, #tpu.memory_space<semaphore_mem>>, %arg14: memref<!tpu.dma_semaphore, #tpu.memory_space<semaphore_mem>>, %arg15: memref<!tpu.dma_semaphore, #tpu.memory_space<semaphore_mem>>) attributes {dimension_semantics = [#tpu.dimension_semantics<core_parallel>, #tpu.dimension_semantics<subcore_parallel>], iteration_bounds = array<i64: 2, 16>, scalar_prefetch = 0 : i64, scratch_operands = 9 : i64, tpu.core_type = #tpu.core_type<sc_vector_subcore>, window_params = [{transform_indices = #map}, {transform_indices = #map1}, {transform_indices = #map1}, {transform_indices = #map}, {transform_indices = #map2}]} {
    %mul3A = arith.constant 16 : i32
    %mul3A_0 = arith.muli %arg0, %mul3A : i32
    %add3A = arith.addi %mul3A_0, %arg1 : i32
    "tpu.region"() ({
      %run_scoped3A = tpu.sem_alloc : memref<!tpu.dma_semaphore, #tpu.memory_space<semaphore_mem>>
      tpu.enqueue_dma source(%arg5 : memref<125x128xf32, #tpu.memory_space<hbm>>) target(%arg9 : memref<125x128xf32, #tpu.memory_space<vmem>>) target_semaphore(%run_scoped3A : memref<!tpu.dma_semaphore, #tpu.memory_space<semaphore_mem>>)
      tpu.wait_dma2 semaphore(%run_scoped3A : memref<!tpu.dma_semaphore, #tpu.memory_space<semaphore_mem>>) src(%arg5 : memref<125x128xf32, #tpu.memory_space<hbm>>) dst(%arg9 : memref<125x128xf32, #tpu.memory_space<vmem>>)
      tpu.yield
    }) : () -> ()
    %mul3A_1 = arith.constant 625 : i32
    %mul3A_2 = arith.muli %arg1, %mul3A_1 : i32
    %add3A_3 = arith.constant 0 : i32
    %add3A_4 = arith.addi %mul3A_2, %add3A_3 : i32
    %dma_start3A = arith.constant 0 : i32
    %dma_start3A_5 = tpu.memref_slice %arg11[%add3A_4, %dma_start3A] : memref<10000x128xf32, #tpu.memory_space<vmem_shared>> -> memref<125x128xf32, #tpu.memory_space<vmem_shared>>
    %dma_start3A_6 = arith.constant 0 : i32
    %dma_start3A_7 = tpu.memref_slice %arg11[%add3A_4, %dma_start3A_6] : memref<10000x128xf32, #tpu.memory_space<vmem_shared>> -> memref<125x128xf32, #tpu.memory_space<vmem_shared>>
    tpu.enqueue_dma source(%arg9 : memref<125x128xf32, #tpu.memory_space<vmem>>) target(%dma_start3A_7 : memref<125x128xf32, #tpu.memory_space<vmem_shared>>) target_semaphore(%arg12 : memref<!tpu.dma_semaphore, #tpu.memory_space<semaphore_mem>>)
    %add3A_8 = arith.constant 125 : i32
    %add3A_9 = arith.addi %mul3A_2, %add3A_8 : i32
    %dma_start3A_10 = arith.constant 0 : i32
    %dma_start3A_11 = tpu.memref_slice %arg11[%add3A_9, %dma_start3A_10] : memref<10000x128xf32, #tpu.memory_space<vmem_shared>> -> memref<125x128xf32, #tpu.memory_space<vmem_shared>>
    %dma_start3A_12 = arith.constant 0 : i32
    %dma_start3A_13 = tpu.memref_slice %arg11[%add3A_9, %dma_start3A_12] : memref<10000x128xf32, #tpu.memory_space<vmem_shared>> -> memref<125x128xf32, #tpu.memory_space<vmem_shared>>
    tpu.enqueue_dma source(%arg9 : memref<125x128xf32, #tpu.memory_space<vmem>>) target(%dma_start3A_13 : memref<125x128xf32, #tpu.memory_space<vmem_shared>>) target_semaphore(%arg12 : memref<!tpu.dma_semaphore, #tpu.memory_space<semaphore_mem>>)
    %add3A_14 = arith.constant 250 : i32
    %add3A_15 = arith.addi %mul3A_2, %add3A_14 : i32
    %dma_start3A_16 = arith.constant 0 : i32
    %dma_start3A_17 = tpu.memref_slice %arg11[%add3A_15, %dma_start3A_16] : memref<10000x128xf32, #tpu.memory_space<vmem_shared>> -> memref<125x128xf32, #tpu.memory_space<vmem_shared>>
    %dma_start3A_18 = arith.constant 0 : i32
    %dma_start3A_19 = tpu.memref_slice %arg11[%add3A_15, %dma_start3A_18] : memref<10000x128xf32, #tpu.memory_space<vmem_shared>> -> memref<125x128xf32, #tpu.memory_space<vmem_shared>>
    tpu.enqueue_dma source(%arg9 : memref<125x128xf32, #tpu.memory_space<vmem>>) target(%dma_start3A_19 : memref<125x128xf32, #tpu.memory_space<vmem_shared>>) target_semaphore(%arg12 : memref<!tpu.dma_semaphore, #tpu.memory_space<semaphore_mem>>)
    %add3A_20 = arith.constant 375 : i32
    %add3A_21 = arith.addi %mul3A_2, %add3A_20 : i32
    %dma_start3A_22 = arith.constant 0 : i32
    %dma_start3A_23 = tpu.memref_slice %arg11[%add3A_21, %dma_start3A_22] : memref<10000x128xf32, #tpu.memory_space<vmem_shared>> -> memref<125x128xf32, #tpu.memory_space<vmem_shared>>
    %dma_start3A_24 = arith.constant 0 : i32
    %dma_start3A_25 = tpu.memref_slice %arg11[%add3A_21, %dma_start3A_24] : memref<10000x128xf32, #tpu.memory_space<vmem_shared>> -> memref<125x128xf32, #tpu.memory_space<vmem_shared>>
    tpu.enqueue_dma source(%arg9 : memref<125x128xf32, #tpu.memory_space<vmem>>) target(%dma_start3A_25 : memref<125x128xf32, #tpu.memory_space<vmem_shared>>) target_semaphore(%arg12 : memref<!tpu.dma_semaphore, #tpu.memory_space<semaphore_mem>>)
    %add3A_26 = arith.constant 500 : i32
    %add3A_27 = arith.addi %mul3A_2, %add3A_26 : i32
    %dma_start3A_28 = arith.constant 0 : i32
    %dma_start3A_29 = tpu.memref_slice %arg11[%add3A_27, %dma_start3A_28] : memref<10000x128xf32, #tpu.memory_space<vmem_shared>> -> memref<125x128xf32, #tpu.memory_space<vmem_shared>>
    %dma_start3A_30 = arith.constant 0 : i32
    %dma_start3A_31 = tpu.memref_slice %arg11[%add3A_27, %dma_start3A_30] : memref<10000x128xf32, #tpu.memory_space<vmem_shared>> -> memref<125x128xf32, #tpu.memory_space<vmem_shared>>
    tpu.enqueue_dma source(%arg9 : memref<125x128xf32, #tpu.memory_space<vmem>>) target(%dma_start3A_31 : memref<125x128xf32, #tpu.memory_space<vmem_shared>>) target_semaphore(%arg12 : memref<!tpu.dma_semaphore, #tpu.memory_space<semaphore_mem>>)
    %dma_wait3A = arith.constant 0 : i32
    %dma_wait3A_32 = tpu.memref_slice %arg11[%mul3A_2, %dma_wait3A] : memref<10000x128xf32, #tpu.memory_space<vmem_shared>> -> memref<125x128xf32, #tpu.memory_space<vmem_shared>>
    %dma_wait3A_33 = arith.constant 0 : i32
    %dma_wait3A_34 = tpu.memref_slice %arg11[%mul3A_2, %dma_wait3A_33] : memref<10000x128xf32, #tpu.memory_space<vmem_shared>> -> memref<125x128xf32, #tpu.memory_space<vmem_shared>>
    tpu.wait_dma2 semaphore(%arg12 : memref<!tpu.dma_semaphore, #tpu.memory_space<semaphore_mem>>) src(%arg9 : memref<125x128xf32, #tpu.memory_space<vmem>>) dst(%dma_wait3A_34 : memref<125x128xf32, #tpu.memory_space<vmem_shared>>)
    %dma_wait3A_35 = arith.constant 0 : i32
    %dma_wait3A_36 = tpu.memref_slice %arg11[%mul3A_2, %dma_wait3A_35] : memref<10000x128xf32, #tpu.memory_space<vmem_shared>> -> memref<125x128xf32, #tpu.memory_space<vmem_shared>>
    %dma_wait3A_37 = arith.constant 0 : i32
    %dma_wait3A_38 = tpu.memref_slice %arg11[%mul3A_2, %dma_wait3A_37] : memref<10000x128xf32, #tpu.memory_space<vmem_shared>> -> memref<125x128xf32, #tpu.memory_space<vmem_shared>>
    tpu.wait_dma2 semaphore(%arg12 : memref<!tpu.dma_semaphore, #tpu.memory_space<semaphore_mem>>) src(%arg9 : memref<125x128xf32, #tpu.memory_space<vmem>>) dst(%dma_wait3A_38 : memref<125x128xf32, #tpu.memory_space<vmem_shared>>)
    %dma_wait3A_39 = arith.constant 0 : i32
    %dma_wait3A_40 = tpu.memref_slice %arg11[%mul3A_2, %dma_wait3A_39] : memref<10000x128xf32, #tpu.memory_space<vmem_shared>> -> memref<125x128xf32, #tpu.memory_space<vmem_shared>>
    %dma_wait3A_41 = arith.constant 0 : i32
    %dma_wait3A_42 = tpu.memref_slice %arg11[%mul3A_2, %dma_wait3A_41] : memref<10000x128xf32, #tpu.memory_space<vmem_shared>> -> memref<125x128xf32, #tpu.memory_space<vmem_shared>>
    tpu.wait_dma2 semaphore(%arg12 : memref<!tpu.dma_semaphore, #tpu.memory_space<semaphore_mem>>) src(%arg9 : memref<125x128xf32, #tpu.memory_space<vmem>>) dst(%dma_wait3A_42 : memref<125x128xf32, #tpu.memory_space<vmem_shared>>)
    %dma_wait3A_43 = arith.constant 0 : i32
    %dma_wait3A_44 = tpu.memref_slice %arg11[%mul3A_2, %dma_wait3A_43] : memref<10000x128xf32, #tpu.memory_space<vmem_shared>> -> memref<125x128xf32, #tpu.memory_space<vmem_shared>>
    %dma_wait3A_45 = arith.constant 0 : i32
    %dma_wait3A_46 = tpu.memref_slice %arg11[%mul3A_2, %dma_wait3A_45] : memref<10000x128xf32, #tpu.memory_space<vmem_shared>> -> memref<125x128xf32, #tpu.memory_space<vmem_shared>>
    tpu.wait_dma2 semaphore(%arg12 : memref<!tpu.dma_semaphore, #tpu.memory_space<semaphore_mem>>) src(%arg9 : memref<125x128xf32, #tpu.memory_space<vmem>>) dst(%dma_wait3A_46 : memref<125x128xf32, #tpu.memory_space<vmem_shared>>)
    %dma_wait3A_47 = arith.constant 0 : i32
    %dma_wait3A_48 = tpu.memref_slice %arg11[%mul3A_2, %dma_wait3A_47] : memref<10000x128xf32, #tpu.memory_space<vmem_shared>> -> memref<125x128xf32, #tpu.memory_space<vmem_shared>>
    %dma_wait3A_49 = arith.constant 0 : i32
    %dma_wait3A_50 = tpu.memref_slice %arg11[%mul3A_2, %dma_wait3A_49] : memref<10000x128xf32, #tpu.memory_space<vmem_shared>> -> memref<125x128xf32, #tpu.memory_space<vmem_shared>>
    tpu.wait_dma2 semaphore(%arg12 : memref<!tpu.dma_semaphore, #tpu.memory_space<semaphore_mem>>) src(%arg9 : memref<125x128xf32, #tpu.memory_space<vmem>>) dst(%dma_wait3A_50 : memref<125x128xf32, #tpu.memory_space<vmem_shared>>)
    %barrier3A = arith.constant 0 : index
    tpu.barrier barrier_id(%barrier3A)
    "tpu.region"() ({
      %run_scoped3A = tpu.sem_alloc : memref<!tpu.dma_semaphore, #tpu.memory_space<semaphore_mem>>
      %dma_start3A_103 = arith.constant 0 : i32
      %dma_start3A_104 = arith.constant 0 : i32
      %dma_start3A_105 = tpu.memref_slice %arg3[%add3A, %dma_start3A_103, %dma_start3A_104] : memref<32x80x125xi32, #tpu.memory_space<hbm>> -> memref<1x40x125xi32, #tpu.memory_space<hbm>>
      %dma_start3A_106 = tpu.memref_squeeze %dma_start3A_105 : memref<1x40x125xi32, #tpu.memory_space<hbm>> -> memref<40x125xi32, #tpu.memory_space<hbm>>
      %dma_start3A_107 = arith.constant 0 : i32
      %dma_start3A_108 = arith.constant 0 : i32
      %dma_start3A_109 = tpu.memref_slice %arg3[%add3A, %dma_start3A_107, %dma_start3A_108] : memref<32x80x125xi32, #tpu.memory_space<hbm>> -> memref<1x40x125xi32, #tpu.memory_space<hbm>>
      %dma_start3A_110 = tpu.memref_squeeze %dma_start3A_109 : memref<1x40x125xi32, #tpu.memory_space<hbm>> -> memref<40x125xi32, #tpu.memory_space<hbm>>
      tpu.enqueue_dma source(%dma_start3A_110 : memref<40x125xi32, #tpu.memory_space<hbm>>) target(%arg7 : memref<40x125xi32, #tpu.memory_space<vmem>>) target_semaphore(%run_scoped3A : memref<!tpu.dma_semaphore, #tpu.memory_space<semaphore_mem>>)
      %dma_wait3A_111 = arith.constant 0 : i32
      %dma_wait3A_112 = arith.constant 0 : i32
      %dma_wait3A_113 = tpu.memref_slice %arg3[%add3A, %dma_wait3A_111, %dma_wait3A_112] : memref<32x80x125xi32, #tpu.memory_space<hbm>> -> memref<1x40x125xi32, #tpu.memory_space<hbm>>
      %dma_wait3A_114 = tpu.memref_squeeze %dma_wait3A_113 : memref<1x40x125xi32, #tpu.memory_space<hbm>> -> memref<40x125xi32, #tpu.memory_space<hbm>>
      %dma_wait3A_115 = arith.constant 0 : i32
      %dma_wait3A_116 = arith.constant 0 : i32
      %dma_wait3A_117 = tpu.memref_slice %arg3[%add3A, %dma_wait3A_115, %dma_wait3A_116] : memref<32x80x125xi32, #tpu.memory_space<hbm>> -> memref<1x40x125xi32, #tpu.memory_space<hbm>>
      %dma_wait3A_118 = tpu.memref_squeeze %dma_wait3A_117 : memref<1x40x125xi32, #tpu.memory_space<hbm>> -> memref<40x125xi32, #tpu.memory_space<hbm>>
      tpu.wait_dma2 semaphore(%run_scoped3A : memref<!tpu.dma_semaphore, #tpu.memory_space<semaphore_mem>>) src(%dma_wait3A_118 : memref<40x125xi32, #tpu.memory_space<hbm>>) dst(%arg7 : memref<40x125xi32, #tpu.memory_space<vmem>>)
      tpu.yield
    }) : () -> ()
    "tpu.region"() ({
      %run_scoped3A = tpu.sem_alloc : memref<!tpu.dma_semaphore, #tpu.memory_space<semaphore_mem>>
      %dma_start3A_103 = arith.constant 0 : i32
      %dma_start3A_104 = arith.constant 0 : i32
      %dma_start3A_105 = tpu.memref_slice %arg4[%add3A, %dma_start3A_103, %dma_start3A_104] : memref<32x80x125xi32, #tpu.memory_space<hbm>> -> memref<1x40x125xi32, #tpu.memory_space<hbm>>
      %dma_start3A_106 = tpu.memref_squeeze %dma_start3A_105 : memref<1x40x125xi32, #tpu.memory_space<hbm>> -> memref<40x125xi32, #tpu.memory_space<hbm>>
      %dma_start3A_107 = arith.constant 0 : i32
      %dma_start3A_108 = arith.constant 0 : i32
      %dma_start3A_109 = tpu.memref_slice %arg4[%add3A, %dma_start3A_107, %dma_start3A_108] : memref<32x80x125xi32, #tpu.memory_space<hbm>> -> memref<1x40x125xi32, #tpu.memory_space<hbm>>
      %dma_start3A_110 = tpu.memref_squeeze %dma_start3A_109 : memref<1x40x125xi32, #tpu.memory_space<hbm>> -> memref<40x125xi32, #tpu.memory_space<hbm>>
      tpu.enqueue_dma source(%dma_start3A_110 : memref<40x125xi32, #tpu.memory_space<hbm>>) target(%arg8 : memref<40x125xi32, #tpu.memory_space<vmem>>) target_semaphore(%run_scoped3A : memref<!tpu.dma_semaphore, #tpu.memory_space<semaphore_mem>>)
      %dma_wait3A_111 = arith.constant 0 : i32
      %dma_wait3A_112 = arith.constant 0 : i32
      %dma_wait3A_113 = tpu.memref_slice %arg4[%add3A, %dma_wait3A_111, %dma_wait3A_112] : memref<32x80x125xi32, #tpu.memory_space<hbm>> -> memref<1x40x125xi32, #tpu.memory_space<hbm>>
      %dma_wait3A_114 = tpu.memref_squeeze %dma_wait3A_113 : memref<1x40x125xi32, #tpu.memory_space<hbm>> -> memref<40x125xi32, #tpu.memory_space<hbm>>
      %dma_wait3A_115 = arith.constant 0 : i32
      %dma_wait3A_116 = arith.constant 0 : i32
      %dma_wait3A_117 = tpu.memref_slice %arg4[%add3A, %dma_wait3A_115, %dma_wait3A_116] : memref<32x80x125xi32, #tpu.memory_space<hbm>> -> memref<1x40x125xi32, #tpu.memory_space<hbm>>
      %dma_wait3A_118 = tpu.memref_squeeze %dma_wait3A_117 : memref<1x40x125xi32, #tpu.memory_space<hbm>> -> memref<40x125xi32, #tpu.memory_space<hbm>>
      tpu.wait_dma2 semaphore(%run_scoped3A : memref<!tpu.dma_semaphore, #tpu.memory_space<semaphore_mem>>) src(%dma_wait3A_118 : memref<40x125xi32, #tpu.memory_space<hbm>>) dst(%arg8 : memref<40x125xi32, #tpu.memory_space<vmem>>)
      tpu.yield
    }) : () -> ()
    %dma_start3A_51 = arith.constant 0 : i32
    %dma_start3A_52 = arith.constant 0 : i32
    %dma_start3A_53 = tpu.memref_slice %arg7[%dma_start3A_51, %dma_start3A_52] : memref<40x125xi32, #tpu.memory_space<vmem>> -> memref<1x125xi32, #tpu.memory_space<vmem>>
    %dma_start3A_54 = tpu.memref_squeeze %dma_start3A_53 : memref<1x125xi32, #tpu.memory_space<vmem>> -> memref<125xi32, #tpu.memory_space<vmem>>
    %dma_start3A_55 = arith.constant 0 : i32
    %dma_start3A_56 = arith.constant 0 : i32
    %dma_start3A_57 = tpu.memref_slice %arg2[%dma_start3A_55, %dma_start3A_56] : memref<10000x128xf32, #tpu.memory_space<hbm>> -> memref<10000x128xf32, #tpu.memory_space<hbm>>
    tpu.enqueue_indirect_dma source(%dma_start3A_57 : memref<10000x128xf32, #tpu.memory_space<hbm>>) target(%arg9 : memref<125x128xf32, #tpu.memory_space<vmem>>) offsets(%dma_start3A_54 : memref<125xi32, #tpu.memory_space<vmem>>) semaphore(%arg12 : memref<!tpu.dma_semaphore, #tpu.memory_space<semaphore_mem>>)
    %scan3A = arith.constant 0 : i32
    %scan3A_58 = arith.constant 20 : i32
    %scan3A_59 = arith.addi %scan3A, %scan3A_58 : i32
    %scan3A_60 = arith.constant 1 : i32
    scf.for %scan3A_103 = %scan3A to %scan3A_59 step %scan3A_60  : i32 {
      %mul3A_104 = arith.constant 2 : i32
      %mul3A_105 = arith.muli %mul3A_104, %scan3A_103 : i32
      %mul3A_106 = arith.constant 2 : i32
      %mul3A_107 = arith.muli %mul3A_106, %scan3A_103 : i32
      %add3A_108 = arith.constant 1 : i32
      %add3A_109 = arith.addi %mul3A_107, %add3A_108 : i32
      %gt3A = arith.constant 0 : i32
      %gt3A_110 = arith.cmpi sgt, %scan3A_103, %gt3A : i32
      %convert_element_type3A = arith.extui %gt3A_110 : i1 to i32
      %cond3A = arith.constant 0 : i32
      %cond3A_111 = arith.cmpi ne, %convert_element_type3A, %cond3A : i32
      scf.if %cond3A_111 {
        %dma_wait3A_148 = arith.constant 0 : i32
        %dma_wait3A_149 = arith.constant 0 : i32
        %dma_wait3A_150 = tpu.memref_slice %arg8[%dma_wait3A_148, %dma_wait3A_149] : memref<40x125xi32, #tpu.memory_space<vmem>> -> memref<1x125xi32, #tpu.memory_space<vmem>>
        %dma_wait3A_151 = tpu.memref_squeeze %dma_wait3A_150 : memref<1x125xi32, #tpu.memory_space<vmem>> -> memref<125xi32, #tpu.memory_space<vmem>>
        %dma_wait3A_152 = arith.constant 0 : i32
        %dma_wait3A_153 = arith.constant 0 : i32
        %dma_wait3A_154 = tpu.memref_slice %arg11[%dma_wait3A_152, %dma_wait3A_153] : memref<10000x128xf32, #tpu.memory_space<vmem_shared>> -> memref<10000x128xf32, #tpu.memory_space<vmem_shared>>
        tpu.wait_indirect_dma semaphore(%arg15 : memref<!tpu.dma_semaphore, #tpu.memory_space<semaphore_mem>>) src(%arg10 : memref<125x128xf32, #tpu.memory_space<vmem>>) dst(%dma_wait3A_154 : memref<10000x128xf32, #tpu.memory_space<vmem_shared>>)
      } else {
      }
      %dma_wait3A_112 = arith.constant 0 : i32
      %dma_wait3A_113 = arith.constant 0 : i32
      %dma_wait3A_114 = tpu.memref_slice %arg7[%dma_wait3A_112, %dma_wait3A_113] : memref<40x125xi32, #tpu.memory_space<vmem>> -> memref<1x125xi32, #tpu.memory_space<vmem>>
      %dma_wait3A_115 = tpu.memref_squeeze %dma_wait3A_114 : memref<1x125xi32, #tpu.memory_space<vmem>> -> memref<125xi32, #tpu.memory_space<vmem>>
      %dma_wait3A_116 = arith.constant 0 : i32
      %dma_wait3A_117 = arith.constant 0 : i32
      %dma_wait3A_118 = tpu.memref_slice %arg2[%dma_wait3A_116, %dma_wait3A_117] : memref<10000x128xf32, #tpu.memory_space<hbm>> -> memref<10000x128xf32, #tpu.memory_space<hbm>>
      tpu.wait_indirect_dma semaphore(%arg12 : memref<!tpu.dma_semaphore, #tpu.memory_space<semaphore_mem>>) src(%dma_wait3A_118 : memref<10000x128xf32, #tpu.memory_space<hbm>>) dst(%arg9 : memref<125x128xf32, #tpu.memory_space<vmem>>)
      %dma_start3A_119 = arith.constant 0 : i32
      %dma_start3A_120 = tpu.memref_slice %arg7[%add3A_109, %dma_start3A_119] : memref<40x125xi32, #tpu.memory_space<vmem>> -> memref<1x125xi32, #tpu.memory_space<vmem>>
      %dma_start3A_121 = tpu.memref_squeeze %dma_start3A_120 : memref<1x125xi32, #tpu.memory_space<vmem>> -> memref<125xi32, #tpu.memory_space<vmem>>
      %dma_start3A_122 = arith.constant 0 : i32
      %dma_start3A_123 = arith.constant 0 : i32
      %dma_start3A_124 = tpu.memref_slice %arg2[%dma_start3A_122, %dma_start3A_123] : memref<10000x128xf32, #tpu.memory_space<hbm>> -> memref<10000x128xf32, #tpu.memory_space<hbm>>
      tpu.enqueue_indirect_dma source(%dma_start3A_124 : memref<10000x128xf32, #tpu.memory_space<hbm>>) target(%arg10 : memref<125x128xf32, #tpu.memory_space<vmem>>) offsets(%dma_start3A_121 : memref<125xi32, #tpu.memory_space<vmem>>) semaphore(%arg13 : memref<!tpu.dma_semaphore, #tpu.memory_space<semaphore_mem>>)
      %dma_start3A_125 = arith.constant 0 : i32
      %dma_start3A_126 = tpu.memref_slice %arg8[%mul3A_105, %dma_start3A_125] : memref<40x125xi32, #tpu.memory_space<vmem>> -> memref<1x125xi32, #tpu.memory_space<vmem>>
      %dma_start3A_127 = tpu.memref_squeeze %dma_start3A_126 : memref<1x125xi32, #tpu.memory_space<vmem>> -> memref<125xi32, #tpu.memory_space<vmem>>
      %dma_start3A_128 = arith.constant 0 : i32
      %dma_start3A_129 = arith.constant 0 : i32
      %dma_start3A_130 = tpu.memref_slice %arg11[%dma_start3A_128, %dma_start3A_129] : memref<10000x128xf32, #tpu.memory_space<vmem_shared>> -> memref<10000x128xf32, #tpu.memory_space<vmem_shared>>
      tpu.enqueue_indirect_dma source(%arg9 : memref<125x128xf32, #tpu.memory_space<vmem>>) target(%dma_start3A_130 : memref<10000x128xf32, #tpu.memory_space<vmem_shared>>) offsets(%dma_start3A_127 : memref<125xi32, #tpu.memory_space<vmem>>) semaphore(%arg14 : memref<!tpu.dma_semaphore, #tpu.memory_space<semaphore_mem>>) {add = true}
      %lt3A = arith.constant 19 : i32
      %lt3A_131 = arith.cmpi slt, %scan3A_103, %lt3A : i32
      %convert_element_type3A_132 = arith.extui %lt3A_131 : i1 to i32
      %cond3A_133 = arith.constant 0 : i32
      %cond3A_134 = arith.cmpi ne, %convert_element_type3A_132, %cond3A_133 : i32
      scf.if %cond3A_134 {
        %dma_wait3A_148 = arith.constant 0 : i32
        %dma_wait3A_149 = arith.constant 0 : i32
        %dma_wait3A_150 = tpu.memref_slice %arg8[%dma_wait3A_148, %dma_wait3A_149] : memref<40x125xi32, #tpu.memory_space<vmem>> -> memref<1x125xi32, #tpu.memory_space<vmem>>
        %dma_wait3A_151 = tpu.memref_squeeze %dma_wait3A_150 : memref<1x125xi32, #tpu.memory_space<vmem>> -> memref<125xi32, #tpu.memory_space<vmem>>
        %dma_wait3A_152 = arith.constant 0 : i32
        %dma_wait3A_153 = arith.constant 0 : i32
        %dma_wait3A_154 = tpu.memref_slice %arg11[%dma_wait3A_152, %dma_wait3A_153] : memref<10000x128xf32, #tpu.memory_space<vmem_shared>> -> memref<10000x128xf32, #tpu.memory_space<vmem_shared>>
        tpu.wait_indirect_dma semaphore(%arg14 : memref<!tpu.dma_semaphore, #tpu.memory_space<semaphore_mem>>) src(%arg9 : memref<125x128xf32, #tpu.memory_space<vmem>>) dst(%dma_wait3A_154 : memref<10000x128xf32, #tpu.memory_space<vmem_shared>>)
        %add3A_155 = arith.constant 2 : i32
        %add3A_156 = arith.addi %mul3A_105, %add3A_155 : i32
        %dma_start3A_157 = arith.constant 0 : i32
        %dma_start3A_158 = tpu.memref_slice %arg7[%add3A_156, %dma_start3A_157] : memref<40x125xi32, #tpu.memory_space<vmem>> -> memref<1x125xi32, #tpu.memory_space<vmem>>
        %dma_start3A_159 = tpu.memref_squeeze %dma_start3A_158 : memref<1x125xi32, #tpu.memory_space<vmem>> -> memref<125xi32, #tpu.memory_space<vmem>>
        %dma_start3A_160 = arith.constant 0 : i32
        %dma_start3A_161 = arith.constant 0 : i32
        %dma_start3A_162 = tpu.memref_slice %arg2[%dma_start3A_160, %dma_start3A_161] : memref<10000x128xf32, #tpu.memory_space<hbm>> -> memref<10000x128xf32, #tpu.memory_space<hbm>>
        tpu.enqueue_indirect_dma source(%dma_start3A_162 : memref<10000x128xf32, #tpu.memory_space<hbm>>) target(%arg9 : memref<125x128xf32, #tpu.memory_space<vmem>>) offsets(%dma_start3A_159 : memref<125xi32, #tpu.memory_space<vmem>>) semaphore(%arg12 : memref<!tpu.dma_semaphore, #tpu.memory_space<semaphore_mem>>)
      } else {
      }
      %dma_wait3A_135 = arith.constant 0 : i32
      %dma_wait3A_136 = arith.constant 0 : i32
      %dma_wait3A_137 = tpu.memref_slice %arg7[%dma_wait3A_135, %dma_wait3A_136] : memref<40x125xi32, #tpu.memory_space<vmem>> -> memref<1x125xi32, #tpu.memory_space<vmem>>
      %dma_wait3A_138 = tpu.memref_squeeze %dma_wait3A_137 : memref<1x125xi32, #tpu.memory_space<vmem>> -> memref<125xi32, #tpu.memory_space<vmem>>
      %dma_wait3A_139 = arith.constant 0 : i32
      %dma_wait3A_140 = arith.constant 0 : i32
      %dma_wait3A_141 = tpu.memref_slice %arg2[%dma_wait3A_139, %dma_wait3A_140] : memref<10000x128xf32, #tpu.memory_space<hbm>> -> memref<10000x128xf32, #tpu.memory_space<hbm>>
      tpu.wait_indirect_dma semaphore(%arg13 : memref<!tpu.dma_semaphore, #tpu.memory_space<semaphore_mem>>) src(%dma_wait3A_141 : memref<10000x128xf32, #tpu.memory_space<hbm>>) dst(%arg10 : memref<125x128xf32, #tpu.memory_space<vmem>>)
      %dma_start3A_142 = arith.constant 0 : i32
      %dma_start3A_143 = tpu.memref_slice %arg8[%add3A_109, %dma_start3A_142] : memref<40x125xi32, #tpu.memory_space<vmem>> -> memref<1x125xi32, #tpu.memory_space<vmem>>
      %dma_start3A_144 = tpu.memref_squeeze %dma_start3A_143 : memref<1x125xi32, #tpu.memory_space<vmem>> -> memref<125xi32, #tpu.memory_space<vmem>>
      %dma_start3A_145 = arith.constant 0 : i32
      %dma_start3A_146 = arith.constant 0 : i32
      %dma_start3A_147 = tpu.memref_slice %arg11[%dma_start3A_145, %dma_start3A_146] : memref<10000x128xf32, #tpu.memory_space<vmem_shared>> -> memref<10000x128xf32, #tpu.memory_space<vmem_shared>>
      tpu.enqueue_indirect_dma source(%arg10 : memref<125x128xf32, #tpu.memory_space<vmem>>) target(%dma_start3A_147 : memref<10000x128xf32, #tpu.memory_space<vmem_shared>>) offsets(%dma_start3A_144 : memref<125xi32, #tpu.memory_space<vmem>>) semaphore(%arg15 : memref<!tpu.dma_semaphore, #tpu.memory_space<semaphore_mem>>) {add = true}
    }
    %scan3A_61 = arith.constant 20 : i32
    %dma_wait3A_62 = arith.constant 0 : i32
    %dma_wait3A_63 = arith.constant 0 : i32
    %dma_wait3A_64 = tpu.memref_slice %arg8[%dma_wait3A_62, %dma_wait3A_63] : memref<40x125xi32, #tpu.memory_space<vmem>> -> memref<1x125xi32, #tpu.memory_space<vmem>>
    %dma_wait3A_65 = tpu.memref_squeeze %dma_wait3A_64 : memref<1x125xi32, #tpu.memory_space<vmem>> -> memref<125xi32, #tpu.memory_space<vmem>>
    %dma_wait3A_66 = arith.constant 0 : i32
    %dma_wait3A_67 = arith.constant 0 : i32
    %dma_wait3A_68 = tpu.memref_slice %arg11[%dma_wait3A_66, %dma_wait3A_67] : memref<10000x128xf32, #tpu.memory_space<vmem_shared>> -> memref<10000x128xf32, #tpu.memory_space<vmem_shared>>
    tpu.wait_indirect_dma semaphore(%arg14 : memref<!tpu.dma_semaphore, #tpu.memory_space<semaphore_mem>>) src(%arg9 : memref<125x128xf32, #tpu.memory_space<vmem>>) dst(%dma_wait3A_68 : memref<10000x128xf32, #tpu.memory_space<vmem_shared>>)
    %dma_wait3A_69 = arith.constant 0 : i32
    %dma_wait3A_70 = arith.constant 0 : i32
    %dma_wait3A_71 = tpu.memref_slice %arg8[%dma_wait3A_69, %dma_wait3A_70] : memref<40x125xi32, #tpu.memory_space<vmem>> -> memref<1x125xi32, #tpu.memory_space<vmem>>
    %dma_wait3A_72 = tpu.memref_squeeze %dma_wait3A_71 : memref<1x125xi32, #tpu.memory_space<vmem>> -> memref<125xi32, #tpu.memory_space<vmem>>
    %dma_wait3A_73 = arith.constant 0 : i32
    %dma_wait3A_74 = arith.constant 0 : i32
    %dma_wait3A_75 = tpu.memref_slice %arg11[%dma_wait3A_73, %dma_wait3A_74] : memref<10000x128xf32, #tpu.memory_space<vmem_shared>> -> memref<10000x128xf32, #tpu.memory_space<vmem_shared>>
    tpu.wait_indirect_dma semaphore(%arg15 : memref<!tpu.dma_semaphore, #tpu.memory_space<semaphore_mem>>) src(%arg10 : memref<125x128xf32, #tpu.memory_space<vmem>>) dst(%dma_wait3A_75 : memref<10000x128xf32, #tpu.memory_space<vmem_shared>>)
    "tpu.region"() ({
      %run_scoped3A = tpu.sem_alloc : memref<!tpu.dma_semaphore, #tpu.memory_space<semaphore_mem>>
      %dma_start3A_103 = arith.constant 40 : i32
      %dma_start3A_104 = arith.constant 0 : i32
      %dma_start3A_105 = tpu.memref_slice %arg3[%add3A, %dma_start3A_103, %dma_start3A_104] : memref<32x80x125xi32, #tpu.memory_space<hbm>> -> memref<1x40x125xi32, #tpu.memory_space<hbm>>
      %dma_start3A_106 = tpu.memref_squeeze %dma_start3A_105 : memref<1x40x125xi32, #tpu.memory_space<hbm>> -> memref<40x125xi32, #tpu.memory_space<hbm>>
      %dma_start3A_107 = arith.constant 40 : i32
      %dma_start3A_108 = arith.constant 0 : i32
      %dma_start3A_109 = tpu.memref_slice %arg3[%add3A, %dma_start3A_107, %dma_start3A_108] : memref<32x80x125xi32, #tpu.memory_space<hbm>> -> memref<1x40x125xi32, #tpu.memory_space<hbm>>
      %dma_start3A_110 = tpu.memref_squeeze %dma_start3A_109 : memref<1x40x125xi32, #tpu.memory_space<hbm>> -> memref<40x125xi32, #tpu.memory_space<hbm>>
      tpu.enqueue_dma source(%dma_start3A_110 : memref<40x125xi32, #tpu.memory_space<hbm>>) target(%arg7 : memref<40x125xi32, #tpu.memory_space<vmem>>) target_semaphore(%run_scoped3A : memref<!tpu.dma_semaphore, #tpu.memory_space<semaphore_mem>>)
      %dma_wait3A_111 = arith.constant 40 : i32
      %dma_wait3A_112 = arith.constant 0 : i32
      %dma_wait3A_113 = tpu.memref_slice %arg3[%add3A, %dma_wait3A_111, %dma_wait3A_112] : memref<32x80x125xi32, #tpu.memory_space<hbm>> -> memref<1x40x125xi32, #tpu.memory_space<hbm>>
      %dma_wait3A_114 = tpu.memref_squeeze %dma_wait3A_113 : memref<1x40x125xi32, #tpu.memory_space<hbm>> -> memref<40x125xi32, #tpu.memory_space<hbm>>
      %dma_wait3A_115 = arith.constant 40 : i32
      %dma_wait3A_116 = arith.constant 0 : i32
      %dma_wait3A_117 = tpu.memref_slice %arg3[%add3A, %dma_wait3A_115, %dma_wait3A_116] : memref<32x80x125xi32, #tpu.memory_space<hbm>> -> memref<1x40x125xi32, #tpu.memory_space<hbm>>
      %dma_wait3A_118 = tpu.memref_squeeze %dma_wait3A_117 : memref<1x40x125xi32, #tpu.memory_space<hbm>> -> memref<40x125xi32, #tpu.memory_space<hbm>>
      tpu.wait_dma2 semaphore(%run_scoped3A : memref<!tpu.dma_semaphore, #tpu.memory_space<semaphore_mem>>) src(%dma_wait3A_118 : memref<40x125xi32, #tpu.memory_space<hbm>>) dst(%arg7 : memref<40x125xi32, #tpu.memory_space<vmem>>)
      tpu.yield
    }) : () -> ()
    "tpu.region"() ({
      %run_scoped3A = tpu.sem_alloc : memref<!tpu.dma_semaphore, #tpu.memory_space<semaphore_mem>>
      %dma_start3A_103 = arith.constant 40 : i32
      %dma_start3A_104 = arith.constant 0 : i32
      %dma_start3A_105 = tpu.memref_slice %arg4[%add3A, %dma_start3A_103, %dma_start3A_104] : memref<32x80x125xi32, #tpu.memory_space<hbm>> -> memref<1x40x125xi32, #tpu.memory_space<hbm>>
      %dma_start3A_106 = tpu.memref_squeeze %dma_start3A_105 : memref<1x40x125xi32, #tpu.memory_space<hbm>> -> memref<40x125xi32, #tpu.memory_space<hbm>>
      %dma_start3A_107 = arith.constant 40 : i32
      %dma_start3A_108 = arith.constant 0 : i32
      %dma_start3A_109 = tpu.memref_slice %arg4[%add3A, %dma_start3A_107, %dma_start3A_108] : memref<32x80x125xi32, #tpu.memory_space<hbm>> -> memref<1x40x125xi32, #tpu.memory_space<hbm>>
      %dma_start3A_110 = tpu.memref_squeeze %dma_start3A_109 : memref<1x40x125xi32, #tpu.memory_space<hbm>> -> memref<40x125xi32, #tpu.memory_space<hbm>>
      tpu.enqueue_dma source(%dma_start3A_110 : memref<40x125xi32, #tpu.memory_space<hbm>>) target(%arg8 : memref<40x125xi32, #tpu.memory_space<vmem>>) target_semaphore(%run_scoped3A : memref<!tpu.dma_semaphore, #tpu.memory_space<semaphore_mem>>)
      %dma_wait3A_111 = arith.constant 40 : i32
      %dma_wait3A_112 = arith.constant 0 : i32
      %dma_wait3A_113 = tpu.memref_slice %arg4[%add3A, %dma_wait3A_111, %dma_wait3A_112] : memref<32x80x125xi32, #tpu.memory_space<hbm>> -> memref<1x40x125xi32, #tpu.memory_space<hbm>>
      %dma_wait3A_114 = tpu.memref_squeeze %dma_wait3A_113 : memref<1x40x125xi32, #tpu.memory_space<hbm>> -> memref<40x125xi32, #tpu.memory_space<hbm>>
      %dma_wait3A_115 = arith.constant 40 : i32
      %dma_wait3A_116 = arith.constant 0 : i32
      %dma_wait3A_117 = tpu.memref_slice %arg4[%add3A, %dma_wait3A_115, %dma_wait3A_116] : memref<32x80x125xi32, #tpu.memory_space<hbm>> -> memref<1x40x125xi32, #tpu.memory_space<hbm>>
      %dma_wait3A_118 = tpu.memref_squeeze %dma_wait3A_117 : memref<1x40x125xi32, #tpu.memory_space<hbm>> -> memref<40x125xi32, #tpu.memory_space<hbm>>
      tpu.wait_dma2 semaphore(%run_scoped3A : memref<!tpu.dma_semaphore, #tpu.memory_space<semaphore_mem>>) src(%dma_wait3A_118 : memref<40x125xi32, #tpu.memory_space<hbm>>) dst(%arg8 : memref<40x125xi32, #tpu.memory_space<vmem>>)
      tpu.yield
    }) : () -> ()
    %dma_start3A_76 = arith.constant 0 : i32
    %dma_start3A_77 = arith.constant 0 : i32
    %dma_start3A_78 = tpu.memref_slice %arg7[%dma_start3A_76, %dma_start3A_77] : memref<40x125xi32, #tpu.memory_space<vmem>> -> memref<1x125xi32, #tpu.memory_space<vmem>>
    %dma_start3A_79 = tpu.memref_squeeze %dma_start3A_78 : memref<1x125xi32, #tpu.memory_space<vmem>> -> memref<125xi32, #tpu.memory_space<vmem>>
    %dma_start3A_80 = arith.constant 0 : i32
    %dma_start3A_81 = arith.constant 0 : i32
    %dma_start3A_82 = tpu.memref_slice %arg2[%dma_start3A_80, %dma_start3A_81] : memref<10000x128xf32, #tpu.memory_space<hbm>> -> memref<10000x128xf32, #tpu.memory_space<hbm>>
    tpu.enqueue_indirect_dma source(%dma_start3A_82 : memref<10000x128xf32, #tpu.memory_space<hbm>>) target(%arg9 : memref<125x128xf32, #tpu.memory_space<vmem>>) offsets(%dma_start3A_79 : memref<125xi32, #tpu.memory_space<vmem>>) semaphore(%arg12 : memref<!tpu.dma_semaphore, #tpu.memory_space<semaphore_mem>>)
    %scan3A_83 = arith.constant 0 : i32
    %scan3A_84 = arith.constant 20 : i32
    %scan3A_85 = arith.addi %scan3A_83, %scan3A_84 : i32
    %scan3A_86 = arith.constant 1 : i32
    scf.for %scan3A_103 = %scan3A_83 to %scan3A_85 step %scan3A_86  : i32 {
      %mul3A_104 = arith.constant 2 : i32
      %mul3A_105 = arith.muli %mul3A_104, %scan3A_103 : i32
      %mul3A_106 = arith.constant 2 : i32
      %mul3A_107 = arith.muli %mul3A_106, %scan3A_103 : i32
      %add3A_108 = arith.constant 1 : i32
      %add3A_109 = arith.addi %mul3A_107, %add3A_108 : i32
      %gt3A = arith.constant 0 : i32
      %gt3A_110 = arith.cmpi sgt, %scan3A_103, %gt3A : i32
      %convert_element_type3A = arith.extui %gt3A_110 : i1 to i32
      %cond3A = arith.constant 0 : i32
      %cond3A_111 = arith.cmpi ne, %convert_element_type3A, %cond3A : i32
      scf.if %cond3A_111 {
        %dma_wait3A_148 = arith.constant 0 : i32
        %dma_wait3A_149 = arith.constant 0 : i32
        %dma_wait3A_150 = tpu.memref_slice %arg8[%dma_wait3A_148, %dma_wait3A_149] : memref<40x125xi32, #tpu.memory_space<vmem>> -> memref<1x125xi32, #tpu.memory_space<vmem>>
        %dma_wait3A_151 = tpu.memref_squeeze %dma_wait3A_150 : memref<1x125xi32, #tpu.memory_space<vmem>> -> memref<125xi32, #tpu.memory_space<vmem>>
        %dma_wait3A_152 = arith.constant 0 : i32
        %dma_wait3A_153 = arith.constant 0 : i32
        %dma_wait3A_154 = tpu.memref_slice %arg11[%dma_wait3A_152, %dma_wait3A_153] : memref<10000x128xf32, #tpu.memory_space<vmem_shared>> -> memref<10000x128xf32, #tpu.memory_space<vmem_shared>>
        tpu.wait_indirect_dma semaphore(%arg15 : memref<!tpu.dma_semaphore, #tpu.memory_space<semaphore_mem>>) src(%arg10 : memref<125x128xf32, #tpu.memory_space<vmem>>) dst(%dma_wait3A_154 : memref<10000x128xf32, #tpu.memory_space<vmem_shared>>)
      } else {
      }
      %dma_wait3A_112 = arith.constant 0 : i32
      %dma_wait3A_113 = arith.constant 0 : i32
      %dma_wait3A_114 = tpu.memref_slice %arg7[%dma_wait3A_112, %dma_wait3A_113] : memref<40x125xi32, #tpu.memory_space<vmem>> -> memref<1x125xi32, #tpu.memory_space<vmem>>
      %dma_wait3A_115 = tpu.memref_squeeze %dma_wait3A_114 : memref<1x125xi32, #tpu.memory_space<vmem>> -> memref<125xi32, #tpu.memory_space<vmem>>
      %dma_wait3A_116 = arith.constant 0 : i32
      %dma_wait3A_117 = arith.constant 0 : i32
      %dma_wait3A_118 = tpu.memref_slice %arg2[%dma_wait3A_116, %dma_wait3A_117] : memref<10000x128xf32, #tpu.memory_space<hbm>> -> memref<10000x128xf32, #tpu.memory_space<hbm>>
      tpu.wait_indirect_dma semaphore(%arg12 : memref<!tpu.dma_semaphore, #tpu.memory_space<semaphore_mem>>) src(%dma_wait3A_118 : memref<10000x128xf32, #tpu.memory_space<hbm>>) dst(%arg9 : memref<125x128xf32, #tpu.memory_space<vmem>>)
      %dma_start3A_119 = arith.constant 0 : i32
      %dma_start3A_120 = tpu.memref_slice %arg7[%add3A_109, %dma_start3A_119] : memref<40x125xi32, #tpu.memory_space<vmem>> -> memref<1x125xi32, #tpu.memory_space<vmem>>
      %dma_start3A_121 = tpu.memref_squeeze %dma_start3A_120 : memref<1x125xi32, #tpu.memory_space<vmem>> -> memref<125xi32, #tpu.memory_space<vmem>>
      %dma_start3A_122 = arith.constant 0 : i32
      %dma_start3A_123 = arith.constant 0 : i32
      %dma_start3A_124 = tpu.memref_slice %arg2[%dma_start3A_122, %dma_start3A_123] : memref<10000x128xf32, #tpu.memory_space<hbm>> -> memref<10000x128xf32, #tpu.memory_space<hbm>>
      tpu.enqueue_indirect_dma source(%dma_start3A_124 : memref<10000x128xf32, #tpu.memory_space<hbm>>) target(%arg10 : memref<125x128xf32, #tpu.memory_space<vmem>>) offsets(%dma_start3A_121 : memref<125xi32, #tpu.memory_space<vmem>>) semaphore(%arg13 : memref<!tpu.dma_semaphore, #tpu.memory_space<semaphore_mem>>)
      %dma_start3A_125 = arith.constant 0 : i32
      %dma_start3A_126 = tpu.memref_slice %arg8[%mul3A_105, %dma_start3A_125] : memref<40x125xi32, #tpu.memory_space<vmem>> -> memref<1x125xi32, #tpu.memory_space<vmem>>
      %dma_start3A_127 = tpu.memref_squeeze %dma_start3A_126 : memref<1x125xi32, #tpu.memory_space<vmem>> -> memref<125xi32, #tpu.memory_space<vmem>>
      %dma_start3A_128 = arith.constant 0 : i32
      %dma_start3A_129 = arith.constant 0 : i32
      %dma_start3A_130 = tpu.memref_slice %arg11[%dma_start3A_128, %dma_start3A_129] : memref<10000x128xf32, #tpu.memory_space<vmem_shared>> -> memref<10000x128xf32, #tpu.memory_space<vmem_shared>>
      tpu.enqueue_indirect_dma source(%arg9 : memref<125x128xf32, #tpu.memory_space<vmem>>) target(%dma_start3A_130 : memref<10000x128xf32, #tpu.memory_space<vmem_shared>>) offsets(%dma_start3A_127 : memref<125xi32, #tpu.memory_space<vmem>>) semaphore(%arg14 : memref<!tpu.dma_semaphore, #tpu.memory_space<semaphore_mem>>) {add = true}
      %lt3A = arith.constant 19 : i32
      %lt3A_131 = arith.cmpi slt, %scan3A_103, %lt3A : i32
      %convert_element_type3A_132 = arith.extui %lt3A_131 : i1 to i32
      %cond3A_133 = arith.constant 0 : i32
      %cond3A_134 = arith.cmpi ne, %convert_element_type3A_132, %cond3A_133 : i32
      scf.if %cond3A_134 {
        %dma_wait3A_148 = arith.constant 0 : i32
        %dma_wait3A_149 = arith.constant 0 : i32
        %dma_wait3A_150 = tpu.memref_slice %arg8[%dma_wait3A_148, %dma_wait3A_149] : memref<40x125xi32, #tpu.memory_space<vmem>> -> memref<1x125xi32, #tpu.memory_space<vmem>>
        %dma_wait3A_151 = tpu.memref_squeeze %dma_wait3A_150 : memref<1x125xi32, #tpu.memory_space<vmem>> -> memref<125xi32, #tpu.memory_space<vmem>>
        %dma_wait3A_152 = arith.constant 0 : i32
        %dma_wait3A_153 = arith.constant 0 : i32
        %dma_wait3A_154 = tpu.memref_slice %arg11[%dma_wait3A_152, %dma_wait3A_153] : memref<10000x128xf32, #tpu.memory_space<vmem_shared>> -> memref<10000x128xf32, #tpu.memory_space<vmem_shared>>
        tpu.wait_indirect_dma semaphore(%arg14 : memref<!tpu.dma_semaphore, #tpu.memory_space<semaphore_mem>>) src(%arg9 : memref<125x128xf32, #tpu.memory_space<vmem>>) dst(%dma_wait3A_154 : memref<10000x128xf32, #tpu.memory_space<vmem_shared>>)
        %add3A_155 = arith.constant 2 : i32
        %add3A_156 = arith.addi %mul3A_105, %add3A_155 : i32
        %dma_start3A_157 = arith.constant 0 : i32
        %dma_start3A_158 = tpu.memref_slice %arg7[%add3A_156, %dma_start3A_157] : memref<40x125xi32, #tpu.memory_space<vmem>> -> memref<1x125xi32, #tpu.memory_space<vmem>>
        %dma_start3A_159 = tpu.memref_squeeze %dma_start3A_158 : memref<1x125xi32, #tpu.memory_space<vmem>> -> memref<125xi32, #tpu.memory_space<vmem>>
        %dma_start3A_160 = arith.constant 0 : i32
        %dma_start3A_161 = arith.constant 0 : i32
        %dma_start3A_162 = tpu.memref_slice %arg2[%dma_start3A_160, %dma_start3A_161] : memref<10000x128xf32, #tpu.memory_space<hbm>> -> memref<10000x128xf32, #tpu.memory_space<hbm>>
        tpu.enqueue_indirect_dma source(%dma_start3A_162 : memref<10000x128xf32, #tpu.memory_space<hbm>>) target(%arg9 : memref<125x128xf32, #tpu.memory_space<vmem>>) offsets(%dma_start3A_159 : memref<125xi32, #tpu.memory_space<vmem>>) semaphore(%arg12 : memref<!tpu.dma_semaphore, #tpu.memory_space<semaphore_mem>>)
      } else {
      }
      %dma_wait3A_135 = arith.constant 0 : i32
      %dma_wait3A_136 = arith.constant 0 : i32
      %dma_wait3A_137 = tpu.memref_slice %arg7[%dma_wait3A_135, %dma_wait3A_136] : memref<40x125xi32, #tpu.memory_space<vmem>> -> memref<1x125xi32, #tpu.memory_space<vmem>>
      %dma_wait3A_138 = tpu.memref_squeeze %dma_wait3A_137 : memref<1x125xi32, #tpu.memory_space<vmem>> -> memref<125xi32, #tpu.memory_space<vmem>>
      %dma_wait3A_139 = arith.constant 0 : i32
      %dma_wait3A_140 = arith.constant 0 : i32
      %dma_wait3A_141 = tpu.memref_slice %arg2[%dma_wait3A_139, %dma_wait3A_140] : memref<10000x128xf32, #tpu.memory_space<hbm>> -> memref<10000x128xf32, #tpu.memory_space<hbm>>
      tpu.wait_indirect_dma semaphore(%arg13 : memref<!tpu.dma_semaphore, #tpu.memory_space<semaphore_mem>>) src(%dma_wait3A_141 : memref<10000x128xf32, #tpu.memory_space<hbm>>) dst(%arg10 : memref<125x128xf32, #tpu.memory_space<vmem>>)
      %dma_start3A_142 = arith.constant 0 : i32
      %dma_start3A_143 = tpu.memref_slice %arg8[%add3A_109, %dma_start3A_142] : memref<40x125xi32, #tpu.memory_space<vmem>> -> memref<1x125xi32, #tpu.memory_space<vmem>>
      %dma_start3A_144 = tpu.memref_squeeze %dma_start3A_143 : memref<1x125xi32, #tpu.memory_space<vmem>> -> memref<125xi32, #tpu.memory_space<vmem>>
      %dma_start3A_145 = arith.constant 0 : i32
      %dma_start3A_146 = arith.constant 0 : i32
      %dma_start3A_147 = tpu.memref_slice %arg11[%dma_start3A_145, %dma_start3A_146] : memref<10000x128xf32, #tpu.memory_space<vmem_shared>> -> memref<10000x128xf32, #tpu.memory_space<vmem_shared>>
      tpu.enqueue_indirect_dma source(%arg10 : memref<125x128xf32, #tpu.memory_space<vmem>>) target(%dma_start3A_147 : memref<10000x128xf32, #tpu.memory_space<vmem_shared>>) offsets(%dma_start3A_144 : memref<125xi32, #tpu.memory_space<vmem>>) semaphore(%arg15 : memref<!tpu.dma_semaphore, #tpu.memory_space<semaphore_mem>>) {add = true}
    }
    %scan3A_87 = arith.constant 20 : i32
    %dma_wait3A_88 = arith.constant 0 : i32
    %dma_wait3A_89 = arith.constant 0 : i32
    %dma_wait3A_90 = tpu.memref_slice %arg8[%dma_wait3A_88, %dma_wait3A_89] : memref<40x125xi32, #tpu.memory_space<vmem>> -> memref<1x125xi32, #tpu.memory_space<vmem>>
    %dma_wait3A_91 = tpu.memref_squeeze %dma_wait3A_90 : memref<1x125xi32, #tpu.memory_space<vmem>> -> memref<125xi32, #tpu.memory_space<vmem>>
    %dma_wait3A_92 = arith.constant 0 : i32
    %dma_wait3A_93 = arith.constant 0 : i32
    %dma_wait3A_94 = tpu.memref_slice %arg11[%dma_wait3A_92, %dma_wait3A_93] : memref<10000x128xf32, #tpu.memory_space<vmem_shared>> -> memref<10000x128xf32, #tpu.memory_space<vmem_shared>>
    tpu.wait_indirect_dma semaphore(%arg14 : memref<!tpu.dma_semaphore, #tpu.memory_space<semaphore_mem>>) src(%arg9 : memref<125x128xf32, #tpu.memory_space<vmem>>) dst(%dma_wait3A_94 : memref<10000x128xf32, #tpu.memory_space<vmem_shared>>)
    %dma_wait3A_95 = arith.constant 0 : i32
    %dma_wait3A_96 = arith.constant 0 : i32
    %dma_wait3A_97 = tpu.memref_slice %arg8[%dma_wait3A_95, %dma_wait3A_96] : memref<40x125xi32, #tpu.memory_space<vmem>> -> memref<1x125xi32, #tpu.memory_space<vmem>>
    %dma_wait3A_98 = tpu.memref_squeeze %dma_wait3A_97 : memref<1x125xi32, #tpu.memory_space<vmem>> -> memref<125xi32, #tpu.memory_space<vmem>>
    %dma_wait3A_99 = arith.constant 0 : i32
    %dma_wait3A_100 = arith.constant 0 : i32
    %dma_wait3A_101 = tpu.memref_slice %arg11[%dma_wait3A_99, %dma_wait3A_100] : memref<10000x128xf32, #tpu.memory_space<vmem_shared>> -> memref<10000x128xf32, #tpu.memory_space<vmem_shared>>
    tpu.wait_indirect_dma semaphore(%arg15 : memref<!tpu.dma_semaphore, #tpu.memory_space<semaphore_mem>>) src(%arg10 : memref<125x128xf32, #tpu.memory_space<vmem>>) dst(%dma_wait3A_101 : memref<10000x128xf32, #tpu.memory_space<vmem_shared>>)
    %barrier3A_102 = arith.constant 0 : index
    tpu.barrier barrier_id(%barrier3A_102)
    "tpu.region"() ({
      %run_scoped3A = tpu.sem_alloc : memref<!tpu.dma_semaphore, #tpu.memory_space<semaphore_mem>>
      %dma_start3A_103 = arith.constant 0 : i32
      %dma_start3A_104 = arith.constant 0 : i32
      %dma_start3A_105 = tpu.memref_slice %arg6[%arg0, %arg1, %dma_start3A_103, %dma_start3A_104] : memref<2x16x625x128xf32, #tpu.memory_space<hbm>> -> memref<1x1x625x128xf32, #tpu.memory_space<hbm>>
      %dma_start3A_106 = tpu.memref_squeeze %dma_start3A_105 : memref<1x1x625x128xf32, #tpu.memory_space<hbm>> -> memref<625x128xf32, #tpu.memory_space<hbm>>
      %dma_start3A_107 = arith.constant 0 : i32
      %dma_start3A_108 = tpu.memref_slice %arg11[%mul3A_2, %dma_start3A_107] : memref<10000x128xf32, #tpu.memory_space<vmem_shared>> -> memref<625x128xf32, #tpu.memory_space<vmem_shared>>
      tpu.enqueue_dma source(%dma_start3A_108 : memref<625x128xf32, #tpu.memory_space<vmem_shared>>) target(%dma_start3A_106 : memref<625x128xf32, #tpu.memory_space<hbm>>) target_semaphore(%run_scoped3A : memref<!tpu.dma_semaphore, #tpu.memory_space<semaphore_mem>>)
      %dma_wait3A_109 = arith.constant 0 : i32
      %dma_wait3A_110 = arith.constant 0 : i32
      %dma_wait3A_111 = tpu.memref_slice %arg6[%arg0, %arg1, %dma_wait3A_109, %dma_wait3A_110] : memref<2x16x625x128xf32, #tpu.memory_space<hbm>> -> memref<1x1x625x128xf32, #tpu.memory_space<hbm>>
      %dma_wait3A_112 = tpu.memref_squeeze %dma_wait3A_111 : memref<1x1x625x128xf32, #tpu.memory_space<hbm>> -> memref<625x128xf32, #tpu.memory_space<hbm>>
      %dma_wait3A_113 = arith.constant 0 : i32
      %dma_wait3A_114 = tpu.memref_slice %arg11[%mul3A_2, %dma_wait3A_113] : memref<10000x128xf32, #tpu.memory_space<vmem_shared>> -> memref<625x128xf32, #tpu.memory_space<vmem_shared>>
      tpu.wait_dma2 semaphore(%run_scoped3A : memref<!tpu.dma_semaphore, #tpu.memory_space<semaphore_mem>>) src(%dma_wait3A_114 : memref<625x128xf32, #tpu.memory_space<vmem_shared>>) dst(%dma_wait3A_112 : memref<625x128xf32, #tpu.memory_space<hbm>>)
      tpu.yield
    }) : () -> ()
    return
  }
}

module attributes {stable_mosaic.version = 14 : i64} {
  func.func @_dense_body(%arg0: i32, %arg1: memref<1000x128xf32, #tpu.memory_space<vmem>>, %arg2: memref<2x1000x128xf32, #tpu.memory_space<vmem>>, %arg3: memref<1000x1xf32, #tpu.memory_space<vmem>>, %arg4: memref<1000x1xf32, #tpu.memory_space<vmem>>, %arg5: memref<1x128xf32, #tpu.memory_space<vmem>>, %arg6: memref<128x128xf32, #tpu.memory_space<vmem>>, %arg7: memref<1x128xf32, #tpu.memory_space<vmem>>, %arg8: memref<1000x128xf32, #tpu.memory_space<vmem>>, %arg9: memref<1000x128xf32, #tpu.memory_space<vmem>>) attributes {dimension_semantics = [#tpu.dimension_semantics<arbitrary>], iteration_bounds = array<i64: 10>, scalar_prefetch = 0 : i64, scratch_operands = 0 : i64, tpu.core_type = #tpu.core_type<tc>, window_params = [{transform_indices = @transform_0, window_bounds = array<i64: 1000, 128>}, {transform_indices = @transform_1, window_bounds = array<i64: 2, 1000, 128>}, {transform_indices = @transform_2, window_bounds = array<i64: 1000, 1>}, {transform_indices = @transform_3, window_bounds = array<i64: 1000, 1>}, {pipeline_mode = #tpu.pipeline_mode<synchronous>, transform_indices = @transform_4, window_bounds = array<i64: 1, 128>}, {pipeline_mode = #tpu.pipeline_mode<synchronous>, transform_indices = @transform_5, window_bounds = array<i64: 128, 128>}, {pipeline_mode = #tpu.pipeline_mode<synchronous>, transform_indices = @transform_6, window_bounds = array<i64: 1, 128>}, {transform_indices = @transform_7, window_bounds = array<i64: 1000, 128>}, {transform_indices = @transform_8, window_bounds = array<i64: 1000, 128>}]} {
    %get3A = arith.constant 0 : index
    %get3A_0 = arith.constant 0 : index
    %get3A_1 = arith.constant 0 : index
    %get3A_2 = vector.load %arg2[%get3A, %get3A_0, %get3A_1] : memref<2x1000x128xf32, #tpu.memory_space<vmem>>, vector<1x1000x128xf32>
    %get3A_3 = vector.shape_cast %get3A_2 : vector<1x1000x128xf32> to vector<1000x128xf32>
    %get3A_4 = arith.constant 1 : index
    %get3A_5 = arith.constant 0 : index
    %get3A_6 = arith.constant 0 : index
    %get3A_7 = vector.load %arg2[%get3A_4, %get3A_5, %get3A_6] : memref<2x1000x128xf32, #tpu.memory_space<vmem>>, vector<1x1000x128xf32>
    %get3A_8 = vector.shape_cast %get3A_7 : vector<1x1000x128xf32> to vector<1000x128xf32>
    %add3A = arith.addf %get3A_3, %get3A_8 : vector<1000x128xf32>
    %get3A_9 = arith.constant 0 : index
    %get3A_10 = arith.constant 0 : index
    %get3A_11 = vector.load %arg5[%get3A_9, %get3A_10] : memref<1x128xf32, #tpu.memory_space<vmem>>, vector<1x128xf32>
    %get3A_12 = arith.constant 0 : index
    %get3A_13 = arith.constant 0 : index
    %get3A_14 = vector.load %arg1[%get3A_12, %get3A_13] : memref<1000x128xf32, #tpu.memory_space<vmem>>, vector<1000x128xf32>
    %get3A_15 = arith.constant 0 : index
    %get3A_16 = arith.constant 0 : index
    %get3A_17 = vector.load %arg3[%get3A_15, %get3A_16] : memref<1000x1xf32, #tpu.memory_space<vmem>>, vector<1000x1xf32>
    %mul3A = vector.broadcast %get3A_17 : vector<1000x1xf32> to vector<1000x128xf32>
    %mul3A_18 = vector.broadcast %get3A_11 : vector<1x128xf32> to vector<1000x128xf32>
    %mul3A_19 = arith.mulf %mul3A, %mul3A_18 : vector<1000x128xf32>
    %sub3A = arith.constant 1.000000e+00 : f32
    %sub3A_20 = vector.broadcast %sub3A : f32 to vector<1000x128xf32>
    %sub3A_21 = arith.subf %sub3A_20, %mul3A_19 : vector<1000x128xf32>
    %mul3A_22 = arith.mulf %get3A_14, %sub3A_21 : vector<1000x128xf32>
    %get3A_23 = arith.constant 0 : index
    %get3A_24 = arith.constant 0 : index
    %get3A_25 = vector.load %arg4[%get3A_23, %get3A_24] : memref<1000x1xf32, #tpu.memory_space<vmem>>, vector<1000x1xf32>
    %mul3A_26 = vector.broadcast %get3A_25 : vector<1000x1xf32> to vector<1000x128xf32>
    %mul3A_27 = vector.broadcast %get3A_11 : vector<1x128xf32> to vector<1000x128xf32>
    %mul3A_28 = arith.mulf %mul3A_26, %mul3A_27 : vector<1000x128xf32>
    %mul3A_29 = arith.mulf %add3A, %mul3A_28 : vector<1000x128xf32>
    %add3A_30 = arith.addf %mul3A_22, %mul3A_29 : vector<1000x128xf32>
    %get3A_31 = arith.constant 0 : index
    %get3A_32 = arith.constant 0 : index
    %get3A_33 = vector.load %arg6[%get3A_31, %get3A_32] : memref<128x128xf32, #tpu.memory_space<vmem>>, vector<128x128xf32>
    %dot_general3A = arith.constant dense<0.000000e+00> : vector<1000x128xf32>
    %dot_general3A_34 = tpu.matmul %add3A_30, %get3A_33, %dot_general3A {dimension_numbers = #tpu.dot_dimension_numbers<[1], [0], [0], [1], [0, 0, 1, 1], [], []>, transpose_lhs_hint = false} : vector<1000x128xf32>, vector<128x128xf32>, vector<1000x128xf32> -> vector<1000x128xf32>
    %get3A_35 = arith.constant 0 : index
    %get3A_36 = arith.constant 0 : index
    %get3A_37 = vector.load %arg7[%get3A_35, %get3A_36] : memref<1x128xf32, #tpu.memory_space<vmem>>, vector<1x128xf32>
    %add3A_38 = vector.broadcast %get3A_37 : vector<1x128xf32> to vector<1000x128xf32>
    %add3A_39 = arith.addf %dot_general3A_34, %add3A_38 : vector<1000x128xf32>
    %max3A = arith.constant 0.000000e+00 : f32
    %max3A_40 = vector.broadcast %max3A : f32 to vector<1000x128xf32>
    %max3A_41 = arith.maximumf %add3A_39, %max3A_40 : vector<1000x128xf32>
    %swap3A = arith.constant 0 : index
    %swap3A_42 = arith.constant 0 : index
    %swap3A_43 = vector.load %arg8[%swap3A, %swap3A_42] : memref<1000x128xf32, #tpu.memory_space<vmem>>, vector<1000x128xf32>
    tpu.vector_store %arg8[%swap3A, %swap3A_42], %max3A_41 {strides = array<i32>} : memref<1000x128xf32, #tpu.memory_space<vmem>>, vector<1000x128xf32>,
    %get3A_44 = arith.constant 0 : index
    %get3A_45 = arith.constant 0 : index
    %get3A_46 = vector.load %arg4[%get3A_44, %get3A_45] : memref<1000x1xf32, #tpu.memory_space<vmem>>, vector<1000x1xf32>
    %mul3A_47 = vector.broadcast %get3A_46 : vector<1000x1xf32> to vector<1000x128xf32>
    %mul3A_48 = arith.mulf %max3A_41, %mul3A_47 : vector<1000x128xf32>
    %swap3A_49 = arith.constant 0 : index
    %swap3A_50 = arith.constant 0 : index
    %swap3A_51 = vector.load %arg9[%swap3A_49, %swap3A_50] : memref<1000x128xf32, #tpu.memory_space<vmem>>, vector<1000x128xf32>
    tpu.vector_store %arg9[%swap3A_49, %swap3A_50], %mul3A_48 {strides = array<i32>} : memref<1000x128xf32, #tpu.memory_space<vmem>>, vector<1000x128xf32>,
    return
  }
  func.func @transform_0(%arg0: i32) -> (i32, i32) {
    %c0_i32 = arith.constant 0 : i32
    %c0_i32_0 = arith.constant 0 : i32
    return %arg0, %c0_i32 : i32, i32
  }
  func.func @transform_1(%arg0: i32) -> (i32, i32, i32) {
    %c0_i32 = arith.constant 0 : i32
    %c0_i32_0 = arith.constant 0 : i32
    %c0_i32_1 = arith.constant 0 : i32
    return %c0_i32, %arg0, %c0_i32_0 : i32, i32, i32
  }
  func.func @transform_2(%arg0: i32) -> (i32, i32) {
    %c0_i32 = arith.constant 0 : i32
    %c0_i32_0 = arith.constant 0 : i32
    return %arg0, %c0_i32 : i32, i32
  }
  func.func @transform_3(%arg0: i32) -> (i32, i32) {
    %c0_i32 = arith.constant 0 : i32
    %c0_i32_0 = arith.constant 0 : i32
    return %arg0, %c0_i32 : i32, i32
  }
  func.func @transform_4(%arg0: i32) -> (i32, i32) {
    %c0_i32 = arith.constant 0 : i32
    %c0_i32_0 = arith.constant 0 : i32
    %c0_i32_1 = arith.constant 0 : i32
    return %c0_i32, %c0_i32_0 : i32, i32
  }
  func.func @transform_5(%arg0: i32) -> (i32, i32) {
    %c0_i32 = arith.constant 0 : i32
    %c0_i32_0 = arith.constant 0 : i32
    %c0_i32_1 = arith.constant 0 : i32
    return %c0_i32, %c0_i32_0 : i32, i32
  }
  func.func @transform_6(%arg0: i32) -> (i32, i32) {
    %c0_i32 = arith.constant 0 : i32
    %c0_i32_0 = arith.constant 0 : i32
    %c0_i32_1 = arith.constant 0 : i32
    return %c0_i32, %c0_i32_0 : i32, i32
  }
  func.func @transform_7(%arg0: i32) -> (i32, i32) {
    %c0_i32 = arith.constant 0 : i32
    %c0_i32_0 = arith.constant 0 : i32
    return %arg0, %c0_i32 : i32, i32
  }
  func.func @transform_8(%arg0: i32) -> (i32, i32) {
    %c0_i32 = arith.constant 0 : i32
    %c0_i32_0 = arith.constant 0 : i32
    return %arg0, %c0_i32 : i32, i32
  }
}

module attributes {stable_mosaic.version = 14 : i64} {
  func.func @_dense_final_body(%arg0: i32, %arg1: memref<1000x128xf32, #tpu.memory_space<vmem>>, %arg2: memref<2x1000x128xf32, #tpu.memory_space<vmem>>, %arg3: memref<1000x1xf32, #tpu.memory_space<vmem>>, %arg4: memref<1000x1xf32, #tpu.memory_space<vmem>>, %arg5: memref<1x128xf32, #tpu.memory_space<vmem>>, %arg6: memref<128x128xf32, #tpu.memory_space<vmem>>, %arg7: memref<1x128xf32, #tpu.memory_space<vmem>>, %arg8: memref<1000x128xf32, #tpu.memory_space<vmem>>) attributes {dimension_semantics = [#tpu.dimension_semantics<arbitrary>], iteration_bounds = array<i64: 10>, scalar_prefetch = 0 : i64, scratch_operands = 0 : i64, tpu.core_type = #tpu.core_type<tc>, window_params = [{transform_indices = @transform_0, window_bounds = array<i64: 1000, 128>}, {transform_indices = @transform_1, window_bounds = array<i64: 2, 1000, 128>}, {transform_indices = @transform_2, window_bounds = array<i64: 1000, 1>}, {transform_indices = @transform_3, window_bounds = array<i64: 1000, 1>}, {pipeline_mode = #tpu.pipeline_mode<synchronous>, transform_indices = @transform_4, window_bounds = array<i64: 1, 128>}, {pipeline_mode = #tpu.pipeline_mode<synchronous>, transform_indices = @transform_5, window_bounds = array<i64: 128, 128>}, {pipeline_mode = #tpu.pipeline_mode<synchronous>, transform_indices = @transform_6, window_bounds = array<i64: 1, 128>}, {transform_indices = @transform_7, window_bounds = array<i64: 1000, 128>}]} {
    %get3A = arith.constant 0 : index
    %get3A_0 = arith.constant 0 : index
    %get3A_1 = arith.constant 0 : index
    %get3A_2 = vector.load %arg2[%get3A, %get3A_0, %get3A_1] : memref<2x1000x128xf32, #tpu.memory_space<vmem>>, vector<1x1000x128xf32>
    %get3A_3 = vector.shape_cast %get3A_2 : vector<1x1000x128xf32> to vector<1000x128xf32>
    %get3A_4 = arith.constant 1 : index
    %get3A_5 = arith.constant 0 : index
    %get3A_6 = arith.constant 0 : index
    %get3A_7 = vector.load %arg2[%get3A_4, %get3A_5, %get3A_6] : memref<2x1000x128xf32, #tpu.memory_space<vmem>>, vector<1x1000x128xf32>
    %get3A_8 = vector.shape_cast %get3A_7 : vector<1x1000x128xf32> to vector<1000x128xf32>
    %add3A = arith.addf %get3A_3, %get3A_8 : vector<1000x128xf32>
    %get3A_9 = arith.constant 0 : index
    %get3A_10 = arith.constant 0 : index
    %get3A_11 = vector.load %arg5[%get3A_9, %get3A_10] : memref<1x128xf32, #tpu.memory_space<vmem>>, vector<1x128xf32>
    %get3A_12 = arith.constant 0 : index
    %get3A_13 = arith.constant 0 : index
    %get3A_14 = vector.load %arg1[%get3A_12, %get3A_13] : memref<1000x128xf32, #tpu.memory_space<vmem>>, vector<1000x128xf32>
    %get3A_15 = arith.constant 0 : index
    %get3A_16 = arith.constant 0 : index
    %get3A_17 = vector.load %arg3[%get3A_15, %get3A_16] : memref<1000x1xf32, #tpu.memory_space<vmem>>, vector<1000x1xf32>
    %mul3A = vector.broadcast %get3A_17 : vector<1000x1xf32> to vector<1000x128xf32>
    %mul3A_18 = vector.broadcast %get3A_11 : vector<1x128xf32> to vector<1000x128xf32>
    %mul3A_19 = arith.mulf %mul3A, %mul3A_18 : vector<1000x128xf32>
    %sub3A = arith.constant 1.000000e+00 : f32
    %sub3A_20 = vector.broadcast %sub3A : f32 to vector<1000x128xf32>
    %sub3A_21 = arith.subf %sub3A_20, %mul3A_19 : vector<1000x128xf32>
    %mul3A_22 = arith.mulf %get3A_14, %sub3A_21 : vector<1000x128xf32>
    %get3A_23 = arith.constant 0 : index
    %get3A_24 = arith.constant 0 : index
    %get3A_25 = vector.load %arg4[%get3A_23, %get3A_24] : memref<1000x1xf32, #tpu.memory_space<vmem>>, vector<1000x1xf32>
    %mul3A_26 = vector.broadcast %get3A_25 : vector<1000x1xf32> to vector<1000x128xf32>
    %mul3A_27 = vector.broadcast %get3A_11 : vector<1x128xf32> to vector<1000x128xf32>
    %mul3A_28 = arith.mulf %mul3A_26, %mul3A_27 : vector<1000x128xf32>
    %mul3A_29 = arith.mulf %add3A, %mul3A_28 : vector<1000x128xf32>
    %add3A_30 = arith.addf %mul3A_22, %mul3A_29 : vector<1000x128xf32>
    %get3A_31 = arith.constant 0 : index
    %get3A_32 = arith.constant 0 : index
    %get3A_33 = vector.load %arg6[%get3A_31, %get3A_32] : memref<128x128xf32, #tpu.memory_space<vmem>>, vector<128x128xf32>
    %dot_general3A = arith.constant dense<0.000000e+00> : vector<1000x128xf32>
    %dot_general3A_34 = tpu.matmul %add3A_30, %get3A_33, %dot_general3A {dimension_numbers = #tpu.dot_dimension_numbers<[1], [0], [0], [1], [0, 0, 1, 1], [], []>, transpose_lhs_hint = false} : vector<1000x128xf32>, vector<128x128xf32>, vector<1000x128xf32> -> vector<1000x128xf32>
    %get3A_35 = arith.constant 0 : index
    %get3A_36 = arith.constant 0 : index
    %get3A_37 = vector.load %arg7[%get3A_35, %get3A_36] : memref<1x128xf32, #tpu.memory_space<vmem>>, vector<1x128xf32>
    %add3A_38 = vector.broadcast %get3A_37 : vector<1x128xf32> to vector<1000x128xf32>
    %add3A_39 = arith.addf %dot_general3A_34, %add3A_38 : vector<1000x128xf32>
    %swap3A = arith.constant 0 : index
    %swap3A_40 = arith.constant 0 : index
    %swap3A_41 = vector.load %arg8[%swap3A, %swap3A_40] : memref<1000x128xf32, #tpu.memory_space<vmem>>, vector<1000x128xf32>
    tpu.vector_store %arg8[%swap3A, %swap3A_40], %add3A_39 {strides = array<i32>} : memref<1000x128xf32, #tpu.memory_space<vmem>>, vector<1000x128xf32>,
    return
  }
  func.func @transform_0(%arg0: i32) -> (i32, i32) {
    %c0_i32 = arith.constant 0 : i32
    %c0_i32_0 = arith.constant 0 : i32
    return %arg0, %c0_i32 : i32, i32
  }
  func.func @transform_1(%arg0: i32) -> (i32, i32, i32) {
    %c0_i32 = arith.constant 0 : i32
    %c0_i32_0 = arith.constant 0 : i32
    %c0_i32_1 = arith.constant 0 : i32
    return %c0_i32, %arg0, %c0_i32_0 : i32, i32, i32
  }
  func.func @transform_2(%arg0: i32) -> (i32, i32) {
    %c0_i32 = arith.constant 0 : i32
    %c0_i32_0 = arith.constant 0 : i32
    return %arg0, %c0_i32 : i32, i32
  }
  func.func @transform_3(%arg0: i32) -> (i32, i32) {
    %c0_i32 = arith.constant 0 : i32
    %c0_i32_0 = arith.constant 0 : i32
    return %arg0, %c0_i32 : i32, i32
  }
  func.func @transform_4(%arg0: i32) -> (i32, i32) {
    %c0_i32 = arith.constant 0 : i32
    %c0_i32_0 = arith.constant 0 : i32
    %c0_i32_1 = arith.constant 0 : i32
    return %c0_i32, %c0_i32_0 : i32, i32
  }
  func.func @transform_5(%arg0: i32) -> (i32, i32) {
    %c0_i32 = arith.constant 0 : i32
    %c0_i32_0 = arith.constant 0 : i32
    %c0_i32_1 = arith.constant 0 : i32
    return %c0_i32, %c0_i32_0 : i32, i32
  }
  func.func @transform_6(%arg0: i32) -> (i32, i32) {
    %c0_i32 = arith.constant 0 : i32
    %c0_i32_0 = arith.constant 0 : i32
    %c0_i32_1 = arith.constant 0 : i32
    return %c0_i32, %c0_i32_0 : i32, i32
  }
  func.func @transform_7(%arg0: i32) -> (i32, i32) {
    %c0_i32 = arith.constant 0 : i32
    %c0_i32_0 = arith.constant 0 : i32
    return %arg0, %c0_i32 : i32, i32
  }
}

</mosaic_0001>

<sc_bundles>
// kernel: kernel.12.cloned.1.call-start
scs
__scs_entry_jumppad:
0x0: {  	(pc) =	sbr.rel $0x88, $3  }
0x1: {  	(tag) =	ssettag $0x0;
	lr =	simm.s32 $0x1  }
0x2: {  	[smem:$0x3F98] =	sst lr;
	_ =	strace $0xD0000000  }
0x3: {  	_ = 	snop  }
0x4: {  	_ = 	snop  }
0x5: {  	_ = 	snop  }
0x6: {  	_ = 	snop  }
0x7: {  	_ = 	snop  }
__scs_overlays_trampoline_lowered:
0x8: {  	[smem:$0x3FA7] =	sst s0  }
0x9: {  	[smem:$0x3FA8] =	sst s1  }
0xa: {  	[smem:$0x3FA9] =	sst s2  }
0xb: {  	[smem:$0x3FAA] =	sst s3  }
0xc: {  	[smem:$0x3FAB] =	sst s4  }
0xd: {  	[smem:$0x3FAC] =	sst s5  }
0xe: {  	[smem:$0x3FAD] =	sst s6  }
0xf: {  	[smem:$0x3FAE] =	sst s7  }
0x10: {  	[smem:$0x3FAF] =	sst s8  }
0x11: {  	[smem:$0x3FB0] =	sst s9;
	s0 =	simm.s32 @!p0 $0x0  }
0x12: {  	s1 =	sld [smem:$0x3F96];
	s0 =	simm.s32 @p0 $0x1  }
0x13: {  	[smem:$0x3FB1] =	sst s0;
	s0 =	simm.s32 @!p1 $0x0  }
0x14: {  	s2 =	sld [smem:$0x3F95];
	s0 =	simm.s32 @p1 $0x1  }
0x15: {  	[smem:$0x3FB2] =	sst s0;
	s0 =	simm.s32 @!p2 $0x0  }
0x16: {  	s3 =	sld [smem:$0x3FDB];
	s0 =	simm.s32 @p2 $0x1  }
0x17: {  	s4 =	simm.s32 $0x1BF5;
	[smem:$0x3FB4] =	sst s0  }
0x18: {  	s0 =	sld [smem:$0x3F97];
	_ =	swait.ge [sflag:s4], $0x0  }
0x19: {  	s7 =	sld [smem:$0x3F98]  }
0x1a: {  	s8 =	sadd.s32 $0xFFFFE003, lr  }
0x1b: {  	s9 =	sadd.s32 $0xFFFFFEF7, lr;
	s5 =	simm.s32 $0xFFFFFFFF;
	p2 =	slt.u32 s8, $0xFFFFF086  }
0x1c: {  	p1 =	slt.u32 s9, $0xF7A;
	s5 =	simm.s32 @!p2 $0x0  }
0x1d: {  	s5 =	simm.s32 @p1 $0x1;
	p0 =	seq.s32 s7, s2  }
0x1e: {  	s7 =	smul.u32 @!p0 $0xF7A, s2;
	p2 =	seq.s32 @!p0 s5, $0x0  }
0x1f: {  	s9 =	smul.u32 $0xF7A, s1;
	s8 =	simm.s32 @!p0 $0x1BF5;
	p2 =	por !p2, p0  }
0x20: {  	[sflag:s8] =	ssyncset.s32 @!p0 $0xFFFFF086;
	s6 =	sadd.s32 @!p0 s3, s7;
	s7 =	simm.s32 @!p0 $0x108  }
0x21: {  	s3 =	sadd.s32 s3, s9;
	s6 =	sadd.s32 @!p0 $0x88, s6;
	s7 =	simm.s32 @p2 $0x1082  }
0x22: {  	[simem:s7], [sflag:s8] =	dma.local @!p0 [hbm:s6], $0xF7A  }
0x23: {  	s9 =	sor.u32 $0xD0000000, s2;
	s6 =	simm.s32 $0x108;
	_ =	swait.ge @!p0 [sflag:s8], $0x0  }
0x24: {  	s3 =	sadd.s32 $0x88, s3;
	s6 =	simm.s32 @!p1 $0x1082;
	[sflag:s4] =	ssyncset.s32 $0xFFFFF086  }
0x25: {  	[simem:s6], [sflag:s4] =	dma.local [hbm:s3], $0xF7A  }
0x26: {  	[smem:$0x3F98] =	sst s1;
	(tag) =	ssettag s2;
	_ =	strace s9  }
0x27: {  	s1 =	sld [smem:$0x3FA8]  }
0x28: {  	s2 =	sld [smem:$0x3FA9]  }
0x29: {  	s4 =	sld [smem:$0x3FAB]  }
0x2a: {  	p0 =	seq.s32 s5, $0x0;
	s5 =	sld [smem:$0x3FAC]  }
0x2b: {  	s6 =	sld [smem:$0x3FAD]  }
0x2c: {  	s7 =	sld [smem:$0x3FAE]  }
0x2d: {  	s3 =	simm.s32 $0x108;
	s8 =	sld [smem:$0x3FAF]  }
0x2e: {  	s3 =	simm.s32 @!p0 $0x1082;
	s9 =	sld [smem:$0x3FB0]  }
0x2f: {  	lr =	sadd.s32 s0, s3;
	s0 =	sld [smem:$0x3FA7]  }
0x30: {  	s3 =	sld [smem:$0x3FAA]  }
0x31: {  	[smem:$0x3FB3] =	sst s10  }
0x32: {  	s10 =	sld [smem:$0x3FB1];
	_ =	sdelay $0x3  }
0x33: {  	p0 =	seq.s32 s10, $0x1;
	s10 =	sld [smem:$0x3FB3];
	_ =	sdelay $0x3  }
0x34: {  	[smem:$0x3FB3] =	sst s10  }
0x35: {  	s10 =	sld [smem:$0x3FB2];
	_ =	sdelay $0x3  }
0x36: {  	p1 =	seq.s32 s10, $0x1;
	s10 =	sld [smem:$0x3FB3];
	_ =	sdelay $0x3  }
0x37: {  	[smem:$0x3FB3] =	sst s10  }
0x38: {  	s10 =	sld [smem:$0x3FB4]  }
0x39: {  	_ = 	snop;
	(pc) =	sbr.ind lr, $3  }
0x3a: {  	_ = 	snop  }
0x3b: {  	_ = 	snop  }
0x3c: {  	p2 =	seq.s32 s10, $0x1;
	s10 =	sld [smem:$0x3FB3]  }
0x3d: {  	_ =	shalt  }
0x3e: {  	_ =	shalt  }
0x3f: {  	_ =	shalt  }
0x40: {  	_ =	shalt  }
0x41: {  	_ =	shalt  }
0x42: {  	_ =	shalt  }
0x43: {  	_ =	shalt  }
0x44: {  	_ =	shalt  }
0x45: {  	_ =	shalt  }
0x46: {  	_ =	shalt  }
0x47: {  	_ =	shalt  }
0x48: {  	_ =	shalt  }
0x49: {  	_ =	shalt  }
0x4a: {  	_ =	shalt  }
0x4b: {  	_ =	shalt  }
0x4c: {  	_ =	shalt  }
0x4d: {  	_ =	shalt  }
0x4e: {  	_ =	shalt  }
0x4f: {  	_ =	shalt  }
0x50: {  	_ =	shalt  }
0x51: {  	_ =	shalt  }
0x52: {  	_ =	shalt  }
0x53: {  	_ =	shalt  }
0x54: {  	_ =	shalt  }
0x55: {  	_ =	shalt  }
0x56: {  	_ =	shalt  }
0x57: {  	_ =	shalt  }
0x58: {  	_ =	shalt  }
0x59: {  	_ =	shalt  }
0x5a: {  	_ =	shalt  }
0x5b: {  	_ =	shalt  }
0x5c: {  	_ =	shalt  }
0x5d: {  	_ =	shalt  }
0x5e: {  	_ =	shalt  }
0x5f: {  	_ =	shalt  }
0x60: {  	_ =	shalt  }
0x61: {  	_ =	shalt  }
0x62: {  	_ =	shalt  }
0x63: {  	_ =	shalt  }
0x64: {  	_ =	shalt  }
0x65: {  	_ =	shalt  }
0x66: {  	_ =	shalt  }
0x67: {  	_ =	shalt  }
0x68: {  	_ =	shalt  }
0x69: {  	_ =	shalt  }
0x6a: {  	_ =	shalt  }
0x6b: {  	_ =	shalt  }
0x6c: {  	_ =	shalt  }
0x6d: {  	_ =	shalt  }
0x6e: {  	_ =	shalt  }
0x6f: {  	_ =	shalt  }
0x70: {  	_ =	shalt  }
0x71: {  	_ =	shalt  }
0x72: {  	_ =	shalt  }
0x73: {  	_ =	shalt  }
0x74: {  	_ =	shalt  }
0x75: {  	_ =	shalt  }
0x76: {  	_ =	shalt  }
0x77: {  	_ =	shalt  }
0x78: {  	_ =	shalt  }
0x79: {  	_ =	shalt  }
0x7a: {  	_ =	shalt  }
0x7b: {  	_ =	shalt  }
0x7c: {  	_ =	shalt  }
0x7d: {  	_ =	shalt  }
0x7e: {  	_ =	shalt  }
0x7f: {  	_ =	shalt  }
0x80: {  	_ =	shalt  }
0x81: {  	_ =	shalt  }
0x82: {  	_ =	shalt  }
0x83: {  	_ =	shalt  }
0x84: {  	_ =	shalt  }
0x85: {  	_ =	shalt  }
0x86: {  	_ =	shalt  }
0x87: {  	_ =	shalt  }
.Lfunc_end0:
.L_simem_size_0:
called_computation.1_lowered:
.L_overlay_start_0:
0x88: {  	s2 =	sld [smem:$0x3FD9]  }
0x89: {  	s3 =	sld [smem:$0x3FFE];
	_ =	sdelay $0x1  }
0x8a: {  	s1 =	srdreg.scid  }
0x8b: {  	s0 =	sand.u32 $0x1, s1  }
0x8c: {  	s17 =	sshll.u32 s0, $0xA;
	s2 =	sadd.s32 s3, s2  }
0x8d: {  	s2 =	sadd.s32 s2, s17  }
0x8e: {  	[smem:$0x3FBF] =	sst s2  }
0x8f: {  	_ = 	snop  }
0x90: {  	s2 =	sld [smem:$0x3FD0];
	(tm) =	ssettm $0x1  }
0x91: {  	s18 =	sld [smem:$0x3FFB];
	_ =	sdelay $0x3  }
0x92: {  	_ =	strace s18  }
0x93: {  	s3 =	sld [smem:$0x3FFC];
	_ =	sdelay $0x3  }
0x94: {  	_ =	strace s3  }
0x95: {  	s3 =	sld [smem:$0x3FFD];
	_ =	sdelay $0x3  }
0x96: {  	_ =	strace s3  }
0x97: {  	_ =	strace $0x8FFFFFFF  }
0x98: {  	s19 =	sld [smem:$0x3FDB];
	_ =	sdelay $0x1  }
0x99: {  	s4 =	simm.s32 $_scs_section_size  }
0x9a: {  	s5 =	simm.s32 $_size__tile_overlayer_lowered;
	s6 =	simm.s32 $_tile_overlayer_lowered  }
0x9b: {  	s22 =	simm.s32 $0x1BFF;
	s21 =	sshll.u32 s6, $0x1;
	s3 =	sadd.s32 s4, s19  }
0x9c: {  	s7 =	simm.s32 $0x0;
	s20 =	sshll.u32 s5, $0x1;
	s5 =	sadd.s32 s21, s3  }
0x9d: {  	[timem:s7], [sflag:s22] =	dma.local [hbm:s5], s20  }
0x9e: {  	_ =	swait.ge [sflag:s22], s20  }
0x9f: {  	s4 =	ssub.s32 $0x0, s20;
	[sflag:s22] =	ssyncset.done $0x0  }
0xa0: {  	[sflag:s22] =	ssyncadd.s32 s4;
	_ =	sdelay $0x1  }
0xa1: {  	s23 =	simm.s32 $0x1B8B  }
0xa2: {  	_ =	swait.ge [sflag:s23], $0x1  }
0xa3: {  	[sflag:s23] =	ssyncset.done $0x0  }
0xa4: {  	s25 =	simm.s32 $0x1B8E;
	s24 =	sld [smem:$0x3FFE];
	[sflag:s23] =	ssyncadd.s32 $0xFFFFFFFF  }
0xa5: {  	s26 =	simm.s32 $execute0_lowered;
	[smem:$0x3FD2] =	sst s25  }
0xa6: {  	s5 =	sshll.u32 s26, $0x1;
	_ =	strace $0x80000049;
	[dreg:$0x1] =	wrdreg $0xFFFFFFFF  }
0xa7: {  	s28 =	simm.s32 $_size_execute0_lowered;
	s3 =	sadd.s32 s3, s5;
	[dreg:$0x0] =	wrdreg $0x0  }
0xa8: {  	s5 =	sshll.u32 s28, $0x1;
	[dreg:$0x2] =	wrdreg s3  }
0xa9: {  	[dreg:$0x3] =	wrdreg s5  }
0xaa: {  	[dreg:$0x4] =	wrdreg $0xC0  }
0xab: {  	_ =	task [dreg:s7], $0x5FFFF  }
0xac: {  	[dreg:$0x1] =	wrdreg $0xFFFFFFFF  }
0xad: {  	[dreg:$0x0] =	wrdreg $0x60  }
0xae: {  	[dreg:$0x2] =	wrdreg s2  }
0xaf: {  	[dreg:$0x3] =	wrdreg s24  }
0xb0: {  	[dreg:$0x4] =	wrdreg $0xA8000  }
0xb1: {  	[dreg:$0x5] =	wrdreg $0x9  }
0xb2: {  	_ =	task.clear_ibuf [dreg:s7], $0x6FFFF;
	_ =	strace $0x90000049  }
0xb3: {  	s29 =	simm.s32 $0x9;
	_ =	strace $0x8000004B  }
0xb4: {  	_ =	swait.ge [sflag:s29], $0x1  }
0xb5: {  	[sflag:s29] =	ssyncadd.s32 $0xFFFFFFFF  }
0xb6: {  	_ =	strace $0x9000004B  }
0xb7: {  	_ =	sfence  }
0xb8: {  	s30 =	sld [smem:$0x0];
	_ =	sdelay $0x2  }
0xb9: {  	s31 =	sshll.u32 s1, $0xD;
	s1 =	sshrl.u32 s1, $0x2  }
0xba: {  	s3 =	sand.u32 $0x4000, s31;
	s1 =	sadd.s32 s1, s30  }
0xbb: {  	s0 =	sor.u32 s3, s0;
	s1 =	sshll.u32 s1, $0x11  }
0xbc: {  	s0 =	sor.u32 s1, s0  }
0xbd: {  	s0 =	sadd.s32 $0x8F2B, s0  }
0xbe: {  	[sflag:s0] =	ssyncadd.remote.s32 $0x1  }
0xbf: {  	_ =	sfence.sel $0xFFFF  }
0xc0: {  	[dreg:$0x0] =	wrdreg $0xFFFFFFFF;
	(pc) =	sbr.abs _section_cstart, $3  }
0xc1: {  	[dreg:$0x1] =	wrdreg $0xFFFFFFFF  }
0xc2: {  	_ =	task.clear_ibuf [dreg:s7], $0x2FFFF;
	_ =	strace $0x9FFFFFFF  }
0xc3: {  	(tm) =	ssettm $0x7FFFFFFF  }
tec
execute0_lowered:
.L_overlay_start_1:
0x0: {  	(tag) =	ssettag $0x1  }
0x1: {  	s1 =	rddreg [dreg:$0x0]  }
0x2: {  	s0 =	rddreg [dreg:$0x1]  }
0x3: {  	s2 =	rddreg [dreg:$0x2]  }
0x4: {  	s3 =	srdreg.scid;
	s4 =	simm.s32 $0x0;
	s9 =	stileid.u32  }
0x5: {  	s17 =	simm.s32 $0x2800;
	s18 =	simm.s32 $0x5;
	s19 =	simm.s32 $0x1  }
0x6: {  	s20 =	simm.s32 $0x1400;
	s28 =	simm.s32 $0x1480;
	s29 =	simm.s32 $0x4  }
0x7: {  	s30 =	simm.s32 $0x1380;
	s31 =	simm.s32 $0x2700;
	s3 =	sand.u32 $0x1, s3  }
0x8: {  	[smem:$0x7FF] =	sst s4;
	s6 =	smul.u32 $0x13C00, s9;
	s7 =	sadd.s32 $0xEA00, s0  }
0x9: {  	s14 =	sadd.s32 $0x4A00, s0;
	s21 =	smul.u32 $0x4E200, s9;
	s8 =	sadd.s32 $0x18A00, s0  }
0xa: {  	s5 =	smul.u32 $0x13C000, s3;
	_ =	strace $0x8000004A;
	s22 =	sshll.u32 s3, $0x4  }
0xb: {  	[dreg:$0x4] =	wrdreg s8;
	s3 =	ssub.s32 $0x2, s3;
	s8 =	sor.u32 s9, s22  }
0xc: {  	s23 =	sshrl.u32 s3, $0x1;
	s22 =	simm.s32 $0x80;
	s5 =	sadd.s32 s6, s5  }
0xd: {  	s6 =	sshrl.u32 s21, $0x2;
	s10 =	smul.u32 $0x2800, s8;
	s3 =	ssub.s32 s3, s23  }
0xe: {  	s21 =	simm.s32 $0x7D;
	s23 =	simm.s32 $0x6800;
	s5 =	sshrl.u32 s5, $0x3  }
0xf: {  	s6 =	sadd.s32 s6, s2;
	s16 =	smax.u32 s3, $0x1;
	s3 =	simm.s32 $0x0  }
0x10: {  	s0 =	sadd.s32 s5, s0;
	s24 =	sadd.s32 $0x3E80, s6;
	s25 =	sadd.s32 $0x7D00, s6  }
0x11: {  	s9 =	sadd.s32 $0xBB80, s6;
	s26 =	sshrl.u32 s10, $0x3;
	[dreg:$0x5] =	wrdreg s24  }
0x12: {  	s10 =	sadd.s32 $0xFA00, s6;
	[dreg:$0x6] =	wrdreg s25;
	s11 =	sadd.s32 s7, s26  }
0x13: {  	s15 =	sadd.s32 $0x280, s26;
	s12 =	sadd.s32 s14, s26;
	s24 =	simm.s32 $0x3  }
0x14: {  	s25 =	simm.s32 $0x100;
	s26 =	simm.s32 $0x2;
	s13 =	sadd.s32 s7, s15  }
0x15: {  	s14 =	sadd.s32 s14, s15;
	s15 =	sadd.s32 $0x19200, s0;
	s0 =	simm.s32 $0x2780  }
.LBB2_1:
0x16: {  	s5 =	rddreg [dreg:$0x4]  }
0x17: {  	[tilespmem:s17], [sflag:$0x5] =	stream.linear.gather [hbm4b:s5+s4], $0x3E80, $0x38;
	[tilespmem:$0x1E080] =	vst v63  }
0x18: {  	_ =	swait.ge [sflag:s18], $0x3E80  }
0x19: {  	[sflag:s18] =	ssyncset.done $0x0  }
0x1a: {  	[sflag:s18] =	ssyncadd.s32 $0xFFFFC180  }
0x1b: {  	[spmem:s6] =	stream.linear.scatter [tilespmem:s17], [sflag:$0x1], $0x3E80, $0x38;
	[tilespmem:$0x1E080] =	vst v63  }
0x1c: {  	s8 =	rddreg [dreg:$0x5]  }
0x1d: {  	[spmem:s8] =	stream.linear.scatter [tilespmem:s17], [sflag:$0x1], $0x3E80, $0x38;
	[tilespmem:$0x1E080] =	vst v63  }
0x1e: {  	s7 =	rddreg [dreg:$0x6]  }
0x1f: {  	[spmem:s7] =	stream.linear.scatter [tilespmem:s17], [sflag:$0x1], $0x3E80, $0x38;
	[tilespmem:$0x1E080] =	vst v63  }
0x20: {  	_ = 	snop  }
0x21: {  	[spmem:s9] =	stream.linear.scatter [tilespmem:s17], [sflag:$0x1], $0x3E80, $0x38;
	[tilespmem:$0x1E080] =	vst v63  }
0x22: {  	_ = 	snop  }
0x23: {  	[spmem:s10] =	stream.linear.scatter [tilespmem:s17], [sflag:$0x1], $0x3E80, $0x38;
	[tilespmem:$0x1E080] =	vst v63  }
0x24: {  	_ =	swait.ge [sflag:s19], $0x3E80  }
0x25: {  	[sflag:s19] =	ssyncset.done $0x0  }
0x26: {  	[sflag:s19] =	ssyncadd.s32 $0xFFFFC180  }
0x27: {  	_ =	swait.ge [sflag:s19], $0x3E80  }
0x28: {  	[sflag:s19] =	ssyncset.done $0x0  }
0x29: {  	[sflag:s19] =	ssyncadd.s32 $0xFFFFC180  }
0x2a: {  	_ =	swait.ge [sflag:s19], $0x3E80  }
0x2b: {  	[sflag:s19] =	ssyncset.done $0x0  }
0x2c: {  	[sflag:s19] =	ssyncadd.s32 $0xFFFFC180  }
0x2d: {  	_ =	swait.ge [sflag:s19], $0x3E80  }
0x2e: {  	[sflag:s19] =	ssyncset.done $0x0  }
0x2f: {  	[sflag:s19] =	ssyncadd.s32 $0xFFFFC180  }
0x30: {  	_ =	swait.ge [sflag:s19], $0x3E80  }
0x31: {  	[sflag:s19] =	ssyncset.done $0x0  }
0x32: {  	[sflag:s19] =	ssyncadd.s32 $0xFFFFC180  }
0x33: {  	[bflag:$0x0] =	sbarrier.arrive $0xFFFF  }
0x34: {  	[tilespmem:s4], [sflag:$0x5] =	stream.linear.gather [hbm4b:s11+s4], $0x1400, $0x38;
	[tilespmem:$0x1E080] =	vst v63  }
0x35: {  	_ =	swait.ge [sflag:s18], $0x1400  }
0x36: {  	[sflag:s18] =	ssyncset.done $0x0  }
0x37: {  	[sflag:s18] =	ssyncadd.s32 $0xFFFFEC00  }
0x38: {  	[tilespmem:s20], [sflag:$0x5] =	stream.linear.gather [hbm4b:s12+s4], $0x1400, $0x38;
	[tilespmem:$0x1E080] =	vst v63  }
0x39: {  	_ =	swait.ge [sflag:s18], $0x1400  }
0x3a: {  	[sflag:s18] =	ssyncset.done $0x0  }
0x3b: {  	[sflag:s18] =	ssyncadd.s32 $0xFFFFEC00  }
0x3c: {  	[tilespmem:s17], [sflag:$0x1] =	stream.indirect.gather [hbm4b:s1+s21], $0x80, s4, s21, $0xb8;
	[tilespmem:$0x1E080] =	vst v63  }
0x3d: {  	_ =	swait.ge [sflag:s19], $0x3E80  }
0x3e: {  	[sflag:s19] =	ssyncset.done $0x0  }
0x3f: {  	[sflag:s19] =	ssyncadd.s32 $0xFFFFC180  }
0x40: {  	[tilespmem:s23], [sflag:$0x2] =	stream.indirect.gather [hbm4b:s1+s21], $0x80, s22, s21, $0xb8;
	[tilespmem:$0x1E080] =	vst v63  }
0x41: {  	_ = 	snop  }
0x42: {  	[spmem:s2] =	stream.indirect.scatter.add.f32 [tilespmem:s17], [sflag:$0x3], $0x80, s20, s21, $0xb8;
	[tilespmem:$0x1E080] =	vst v63  }
0x43: {  	_ =	swait.ge [sflag:s24], $0x3E80  }
0x44: {  	[sflag:s24] =	ssyncset.done $0x0  }
0x45: {  	[sflag:s24] =	ssyncadd.s32 $0xFFFFC180  }
0x46: {  	[tilespmem:s17], [sflag:$0x1] =	stream.indirect.gather [hbm4b:s1+s21], $0x80, s25, s21, $0xb8;
	[tilespmem:$0x1E080] =	vst v63  }
0x47: {  	_ =	swait.ge [sflag:s26], $0x3E80  }
0x48: {  	[sflag:s26] =	ssyncset.done $0x0  }
0x49: {  	[sflag:s26] =	ssyncadd.s32 $0xFFFFC180  }
0x4a: {  	[spmem:s2] =	stream.indirect.scatter.add.f32 [tilespmem:s23], [sflag:$0x4], $0x80, s28, s21, $0xb8;
	[tilespmem:$0x1E080] =	vst v63  }
0x4b: {  	_ =	swait.ge [sflag:s29], $0x3E80  }
0x4c: {  	[sflag:s29] =	ssyncset.done $0x0  }
0x4d: {  	[sflag:s29] =	ssyncadd.s32 $0xFFFFC180  }
0x4e: {  	_ =	swait.ge [sflag:s19], $0x3E80  }
0x4f: {  	[sflag:s19] =	ssyncset.done $0x0  }
0x50: {  	s8 =	simm.s32 $0x180;
	[sflag:s19] =	ssyncadd.s32 $0xFFFFC180  }
0x51: {  	[tilespmem:s23], [sflag:$0x2] =	stream.indirect.gather [hbm4b:s1+s21], $0x80, s8, s21, $0xb8;
	[tilespmem:$0x1E080] =	vst v63  }
0x52: {  	s7 =	simm.s32 $0x1500  }
0x53: {  	[spmem:s2] =	stream.indirect.scatter.add.f32 [tilespmem:s17], [sflag:$0x3], $0x80, s7, s21, $0xb8;
	[tilespmem:$0x1E080] =	vst v63  }
0x54: {  	_ =	swait.ge [sflag:s24], $0x3E80  }
0x55: {  	[sflag:s24] =	ssyncset.done $0x0  }
0x56: {  	s8 =	simm.s32 $0x200;
	[sflag:s24] =	ssyncadd.s32 $0xFFFFC180  }
0x57: {  	[tilespmem:s17], [sflag:$0x1] =	stream.indirect.gather [hbm4b:s1+s21], $0x80, s8, s21, $0xb8;
	[tilespmem:$0x1E080] =	vst v63  }
0x58: {  	_ =	swait.ge [sflag:s26], $0x3E80  }
0x59: {  	[sflag:s26] =	ssyncset.done $0x0  }
0x5a: {  	s5 =	simm.s32 $0xFFFFBC00;
	s7 =	simm.s32 $0x1580;
	[sflag:s26] =	ssyncadd.s32 $0xFFFFC180  }
.LBB2_2:
0x5b: {  	[spmem:s2] =	stream.indirect.scatter.add.f32 [tilespmem:s23], [sflag:$0x4], $0x80, s7, s21, $0xb8;
	[tilespmem:$0x1E080] =	vst v63  }
0x5c: {  	s7 =	smov.u32 s5  }
0x5d: {  	p0 =	sne.s32 s5, $0xFFFFFC00;
	s5 =	sadd.s32 $0x400, s5;
	_ =	swait.ge [sflag:s29], $0x3E80  }
0x5e: {  	[sflag:s29] =	ssyncset.done $0x0  }
0x5f: {  	[sflag:s29] =	ssyncadd.s32 $0xFFFFC180  }
0x60: {  	_ =	swait.ge [sflag:s19], $0x3E80  }
0x61: {  	s7 =	sshra.s32 s7, $0x2;
	[sflag:s19] =	ssyncset.done $0x0  }
0x62: {  	s8 =	sadd.s32 $0x1380, s7;
	[sflag:s19] =	ssyncadd.s32 $0xFFFFC180  }
0x63: {  	[tilespmem:s23], [sflag:$0x2] =	stream.indirect.gather [hbm4b:s1+s21], $0x80, s8, s21, $0xb8;
	[tilespmem:$0x1E080] =	vst v63  }
0x64: {  	s8 =	sadd.s32 $0x2700, s7  }
0x65: {  	[spmem:s2] =	stream.indirect.scatter.add.f32 [tilespmem:s17], [sflag:$0x3], $0x80, s8, s21, $0xb8;
	[tilespmem:$0x1E080] =	vst v63  }
0x66: {  	_ =	swait.ge [sflag:s24], $0x3E80  }
0x67: {  	[sflag:s24] =	ssyncset.done $0x0  }
.Ltmp0:
0x68: {  	s8 =	sadd.s32 $0x1400, s7;
	[sflag:s24] =	ssyncadd.s32 $0xFFFFC180;
	(pc) =	sbr.rel @p0 .LBB2_2-.Ltmp0, $4  }
0x69: {  	[tilespmem:s17], [sflag:$0x1] =	stream.indirect.gather [hbm4b:s1+s21], $0x80, s8, s21, $0xb8;
	[tilespmem:$0x1E080] =	vst v63  }
0x6a: {  	_ =	swait.ge [sflag:s26], $0x3E80  }
0x6b: {  	[sflag:s26] =	ssyncset.done $0x0  }
0x6c: {  	s7 =	sadd.s32 $0x2780, s7;
	[sflag:s26] =	ssyncadd.s32 $0xFFFFC180  }
0x6d: {  	[spmem:s2] =	stream.indirect.scatter.add.f32 [tilespmem:s23], [sflag:$0x4], $0x80, s7, s21, $0xb8;
	[tilespmem:$0x1E080] =	vst v63  }
0x6e: {  	_ =	swait.ge [sflag:s29], $0x3E80  }
0x6f: {  	[sflag:s29] =	ssyncset.done $0x0  }
0x70: {  	[sflag:s29] =	ssyncadd.s32 $0xFFFFC180  }
0x71: {  	_ =	swait.ge [sflag:s19], $0x3E80  }
0x72: {  	[sflag:s19] =	ssyncset.done $0x0  }
0x73: {  	[sflag:s19] =	ssyncadd.s32 $0xFFFFC180  }
0x74: {  	[tilespmem:s23], [sflag:$0x2] =	stream.indirect.gather [hbm4b:s1+s21], $0x80, s30, s21, $0xb8;
	[tilespmem:$0x1E080] =	vst v63  }
0x75: {  	_ = 	snop  }
0x76: {  	[spmem:s2] =	stream.indirect.scatter.add.f32 [tilespmem:s17], [sflag:$0x3], $0x80, s31, s21, $0xb8;
	[tilespmem:$0x1E080] =	vst v63  }
0x77: {  	_ =	swait.ge [sflag:s26], $0x3E80  }
0x78: {  	[sflag:s26] =	ssyncset.done $0x0  }
0x79: {  	[sflag:s26] =	ssyncadd.s32 $0xFFFFC180  }
0x7a: {  	[spmem:s2] =	stream.indirect.scatter.add.f32 [tilespmem:s23], [sflag:$0x4], $0x80, s0, s21, $0xb8;
	[tilespmem:$0x1E080] =	vst v63  }
0x7b: {  	_ =	swait.ge [sflag:s24], $0x3E80  }
0x7c: {  	[sflag:s24] =	ssyncset.done $0x0  }
0x7d: {  	[sflag:s24] =	ssyncadd.s32 $0xFFFFC180  }
0x7e: {  	_ =	swait.ge [sflag:s29], $0x3E80  }
0x7f: {  	[sflag:s29] =	ssyncset.done $0x0  }
0x80: {  	[sflag:s29] =	ssyncadd.s32 $0xFFFFC180  }
0x81: {  	[tilespmem:s4], [sflag:$0x5] =	stream.linear.gather [hbm4b:s13+s4], $0x1400, $0x38;
	[tilespmem:$0x1E080] =	vst v63  }
0x82: {  	_ =	swait.ge [sflag:s18], $0x1400  }
0x83: {  	[sflag:s18] =	ssyncset.done $0x0  }
0x84: {  	[sflag:s18] =	ssyncadd.s32 $0xFFFFEC00  }
0x85: {  	[tilespmem:s20], [sflag:$0x5] =	stream.linear.gather [hbm4b:s14+s4], $0x1400, $0x38;
	[tilespmem:$0x1E080] =	vst v63  }
0x86: {  	_ =	swait.ge [sflag:s18], $0x1400  }
0x87: {  	[sflag:s18] =	ssyncset.done $0x0  }
0x88: {  	[sflag:s18] =	ssyncadd.s32 $0xFFFFEC00  }
0x89: {  	[tilespmem:s17], [sflag:$0x1] =	stream.indirect.gather [hbm4b:s1+s21], $0x80, s4, s21, $0xb8;
	[tilespmem:$0x1E080] =	vst v63  }
0x8a: {  	_ =	swait.ge [sflag:s19], $0x3E80  }
0x8b: {  	[sflag:s19] =	ssyncset.done $0x0  }
0x8c: {  	[sflag:s19] =	ssyncadd.s32 $0xFFFFC180  }
0x8d: {  	[tilespmem:s23], [sflag:$0x2] =	stream.indirect.gather [hbm4b:s1+s21], $0x80, s22, s21, $0xb8;
	[tilespmem:$0x1E080] =	vst v63  }
0x8e: {  	_ = 	snop  }
0x8f: {  	[spmem:s2] =	stream.indirect.scatter.add.f32 [tilespmem:s17], [sflag:$0x3], $0x80, s20, s21, $0xb8;
	[tilespmem:$0x1E080] =	vst v63  }
0x90: {  	_ =	swait.ge [sflag:s24], $0x3E80  }
0x91: {  	[sflag:s24] =	ssyncset.done $0x0  }
0x92: {  	[sflag:s24] =	ssyncadd.s32 $0xFFFFC180  }
0x93: {  	[tilespmem:s17], [sflag:$0x1] =	stream.indirect.gather [hbm4b:s1+s21], $0x80, s25, s21, $0xb8;
	[tilespmem:$0x1E080] =	vst v63  }
0x94: {  	_ =	swait.ge [sflag:s26], $0x3E80  }
0x95: {  	[sflag:s26] =	ssyncset.done $0x0  }
0x96: {  	[sflag:s26] =	ssyncadd.s32 $0xFFFFC180  }
0x97: {  	[spmem:s2] =	stream.indirect.scatter.add.f32 [tilespmem:s23], [sflag:$0x4], $0x80, s28, s21, $0xb8;
	[tilespmem:$0x1E080] =	vst v63  }
0x98: {  	_ =	swait.ge [sflag:s29], $0x3E80  }
0x99: {  	[sflag:s29] =	ssyncset.done $0x0  }
0x9a: {  	[sflag:s29] =	ssyncadd.s32 $0xFFFFC180  }
0x9b: {  	_ =	swait.ge [sflag:s19], $0x3E80  }
0x9c: {  	[sflag:s19] =	ssyncset.done $0x0  }
0x9d: {  	s5 =	simm.s32 $0x180;
	[sflag:s19] =	ssyncadd.s32 $0xFFFFC180  }
0x9e: {  	[tilespmem:s23], [sflag:$0x2] =	stream.indirect.gather [hbm4b:s1+s21], $0x80, s5, s21, $0xb8;
	[tilespmem:$0x1E080] =	vst v63  }
0x9f: {  	s7 =	simm.s32 $0x1500  }
0xa0: {  	[spmem:s2] =	stream.indirect.scatter.add.f32 [tilespmem:s17], [sflag:$0x3], $0x80, s7, s21, $0xb8;
	[tilespmem:$0x1E080] =	vst v63  }
0xa1: {  	_ =	swait.ge [sflag:s24], $0x3E80  }
0xa2: {  	[sflag:s24] =	ssyncset.done $0x0  }
0xa3: {  	s8 =	simm.s32 $0x200;
	[sflag:s24] =	ssyncadd.s32 $0xFFFFC180  }
0xa4: {  	[tilespmem:s17], [sflag:$0x1] =	stream.indirect.gather [hbm4b:s1+s21], $0x80, s8, s21, $0xb8;
	[tilespmem:$0x1E080] =	vst v63  }
0xa5: {  	_ =	swait.ge [sflag:s26], $0x3E80  }
0xa6: {  	[sflag:s26] =	ssyncset.done $0x0  }
0xa7: {  	s5 =	simm.s32 $0xFFFFBC00;
	s7 =	simm.s32 $0x1580;
	[sflag:s26] =	ssyncadd.s32 $0xFFFFC180  }
.LBB2_4:
0xa8: {  	[spmem:s2] =	stream.indirect.scatter.add.f32 [tilespmem:s23], [sflag:$0x4], $0x80, s7, s21, $0xb8;
	[tilespmem:$0x1E080] =	vst v63  }
0xa9: {  	s7 =	smov.u32 s5  }
0xaa: {  	p0 =	sne.s32 s5, $0xFFFFFC00;
	s5 =	sadd.s32 $0x400, s5;
	_ =	swait.ge [sflag:s29], $0x3E80  }
0xab: {  	[sflag:s29] =	ssyncset.done $0x0  }
0xac: {  	[sflag:s29] =	ssyncadd.s32 $0xFFFFC180  }
0xad: {  	_ =	swait.ge [sflag:s19], $0x3E80  }
0xae: {  	s7 =	sshra.s32 s7, $0x2;
	[sflag:s19] =	ssyncset.done $0x0  }
0xaf: {  	s8 =	sadd.s32 $0x1380, s7;
	[sflag:s19] =	ssyncadd.s32 $0xFFFFC180  }
0xb0: {  	[tilespmem:s23], [sflag:$0x2] =	stream.indirect.gather [hbm4b:s1+s21], $0x80, s8, s21, $0xb8;
	[tilespmem:$0x1E080] =	vst v63  }
0xb1: {  	s8 =	sadd.s32 $0x2700, s7  }
0xb2: {  	[spmem:s2] =	stream.indirect.scatter.add.f32 [tilespmem:s17], [sflag:$0x3], $0x80, s8, s21, $0xb8;
	[tilespmem:$0x1E080] =	vst v63  }
0xb3: {  	_ =	swait.ge [sflag:s24], $0x3E80  }
0xb4: {  	[sflag:s24] =	ssyncset.done $0x0  }
.Ltmp1:
0xb5: {  	s8 =	sadd.s32 $0x1400, s7;
	[sflag:s24] =	ssyncadd.s32 $0xFFFFC180;
	(pc) =	sbr.rel @p0 .LBB2_4-.Ltmp1, $4  }
0xb6: {  	[tilespmem:s17], [sflag:$0x1] =	stream.indirect.gather [hbm4b:s1+s21], $0x80, s8, s21, $0xb8;
	[tilespmem:$0x1E080] =	vst v63  }
0xb7: {  	_ =	swait.ge [sflag:s26], $0x3E80  }
0xb8: {  	[sflag:s26] =	ssyncset.done $0x0  }
0xb9: {  	s7 =	sadd.s32 $0x2780, s7;
	[sflag:s26] =	ssyncadd.s32 $0xFFFFC180  }
0xba: {  	[spmem:s2] =	stream.indirect.scatter.add.f32 [tilespmem:s23], [sflag:$0x4], $0x80, s7, s21, $0xb8;
	[tilespmem:$0x1E080] =	vst v63  }
0xbb: {  	_ =	swait.ge [sflag:s29], $0x3E80  }
0xbc: {  	[sflag:s29] =	ssyncset.done $0x0  }
0xbd: {  	[sflag:s29] =	ssyncadd.s32 $0xFFFFC180  }
0xbe: {  	_ =	swait.ge [sflag:s19], $0x3E80  }
0xbf: {  	[sflag:s19] =	ssyncset.done $0x0  }
0xc0: {  	[sflag:s19] =	ssyncadd.s32 $0xFFFFC180  }
0xc1: {  	[tilespmem:s23], [sflag:$0x2] =	stream.indirect.gather [hbm4b:s1+s21], $0x80, s30, s21, $0xb8;
	[tilespmem:$0x1E080] =	vst v63  }
0xc2: {  	_ = 	snop  }
0xc3: {  	[spmem:s2] =	stream.indirect.scatter.add.f32 [tilespmem:s17], [sflag:$0x3], $0x80, s31, s21, $0xb8;
	[tilespmem:$0x1E080] =	vst v63  }
0xc4: {  	_ =	swait.ge [sflag:s26], $0x3E80  }
0xc5: {  	[sflag:s26] =	ssyncset.done $0x0  }
0xc6: {  	[sflag:s26] =	ssyncadd.s32 $0xFFFFC180  }
0xc7: {  	[spmem:s2] =	stream.indirect.scatter.add.f32 [tilespmem:s23], [sflag:$0x4], $0x80, s0, s21, $0xb8;
	[tilespmem:$0x1E080] =	vst v63  }
0xc8: {  	_ =	swait.ge [sflag:s24], $0x3E80  }
0xc9: {  	[sflag:s24] =	ssyncset.done $0x0  }
0xca: {  	[sflag:s24] =	ssyncadd.s32 $0xFFFFC180  }
0xcb: {  	s5 =	stileid.u32;
	_ =	swait.ge [sflag:s29], $0x3E80  }
0xcc: {  	s8 =	sshrl.u32 s6, $0x3;
	s3 =	sadd.s32 $0x1, s3;
	[sflag:s29] =	ssyncset.done $0x0  }
0xcd: {  	s5 =	sshll.u32 s5, $0x6;
	p0 =	sne.s32 s3, s16;
	[sflag:s29] =	ssyncadd.s32 $0xFFFFC180  }
.Ltmp2:
0xce: {  	s5 =	sor.u32 $0x1C05, s5;
	[bflag:$0x0] =	sbarrier.arrive $0xFFFF;
	(pc) =	sbr.rel @p0 .LBB2_1-.Ltmp2, $4  }
0xcf: {  	[hbm:s15], [sflag:s5] =	dma.local [spmem:s8], $0x2710  }
0xd0: {  	_ =	swait.ge [sflag:s18], $0x2710  }
0xd1: {  	[sflag:s18] =	ssyncset.done $0x0  }
0xd2: {  	[sflag:s18] =	ssyncadd.s32 $0xFFFFD8F0  }
0xd3: {  	_ =	sfence.sel $0x180000  }
0xd4: {  	[bflag:$0x0] =	sbarrier.arrive $0xFFFF  }
0xd5: {  	_ =	strace $0x9000004A  }
0xd6: {  	s0 =	stileid.u32;
	[bflag:$0x2] =	sbarrier.arrive $0xFFFF  }
0xd7: {  	p0 =	sne.s32 s0, $0x0;
	s0 =	rddreg [dreg:$0x3]  }
0xd8: {  	s0 =	sadd.s32 @!p0 $0x100000, s0  }
0xd9: {  	[sflag:s0] =	ssyncadd.tile.s32 @!p0 $0x1;
	_ =	shalt  }
.Lfunc_end2:
_tile_overlayer_lowered:
.L_overlay_start_2:
0xda: {  	(tag) =	ssettag $0x2  }
0xdb: {  	s0 =	rddreg [dreg:$0x0];
	s2 =	stileid.u32  }
0xdc: {  	s1 =	rddreg [dreg:$0x1];
	p0 =	sne.s32 s2, $0x0  }
0xdd: {  	s3 =	rddreg [dreg:$0x2];
	[bflag:$0x3] =	sbarrier.arrive $0xFFFF;
	s2 =	simm.s32 @!p0 $0x1C05  }
0xde: {  	[timem:s3], [sflag:s2] =	dma.local @!p0 [hbm:s0], s1  }
0xdf: {  	s0 =	simm.s32 @!p0 $0x5  }
0xe0: {  	_ =	swait.ge @!p0 [sflag:s0], s1  }
0xe1: {  	s1 =	ssub.s32 @!p0 $0x0, s1;
	[sflag:s0] =	ssyncset.done @!p0 $0x0  }
0xe2: {  	[sflag:s0] =	ssyncadd.s32 @!p0 s1  }
0xe3: {  	[bflag:$0x3] =	sbarrier.arrive $0xFFFF  }
0xe4: {  	_ =	shalt  }

// kernel: kernel.15.cloned.1.call-start
scs
__scs_entry_jumppad:
0x0: {  	(pc) =	sbr.rel $0x88, $3  }
0x1: {  	(tag) =	ssettag $0x0;
	lr =	simm.s32 $0x1  }
0x2: {  	[smem:$0x3F98] =	sst lr;
	_ =	strace $0xD0000000  }
0x3: {  	_ = 	snop  }
0x4: {  	_ = 	snop  }
0x5: {  	_ = 	snop  }
0x6: {  	_ = 	snop  }
0x7: {  	_ = 	snop  }
__scs_overlays_trampoline_lowered:
0x8: {  	[smem:$0x3FA7] =	sst s0  }
0x9: {  	[smem:$0x3FA8] =	sst s1  }
0xa: {  	[smem:$0x3FA9] =	sst s2  }
0xb: {  	[smem:$0x3FAA] =	sst s3  }
0xc: {  	[smem:$0x3FAB] =	sst s4  }
0xd: {  	[smem:$0x3FAC] =	sst s5  }
0xe: {  	[smem:$0x3FAD] =	sst s6  }
0xf: {  	[smem:$0x3FAE] =	sst s7  }
0x10: {  	[smem:$0x3FAF] =	sst s8  }
0x11: {  	[smem:$0x3FB0] =	sst s9;
	s0 =	simm.s32 @!p0 $0x0  }
0x12: {  	s1 =	sld [smem:$0x3F96];
	s0 =	simm.s32 @p0 $0x1  }
0x13: {  	[smem:$0x3FB1] =	sst s0;
	s0 =	simm.s32 @!p1 $0x0  }
0x14: {  	s2 =	sld [smem:$0x3F95];
	s0 =	simm.s32 @p1 $0x1  }
0x15: {  	[smem:$0x3FB2] =	sst s0;
	s0 =	simm.s32 @!p2 $0x0  }
0x16: {  	s3 =	sld [smem:$0x3FDB];
	s0 =	simm.s32 @p2 $0x1  }
0x17: {  	s4 =	simm.s32 $0x1BF5;
	[smem:$0x3FB4] =	sst s0  }
0x18: {  	s0 =	sld [smem:$0x3F97];
	_ =	swait.ge [sflag:s4], $0x0  }
0x19: {  	s7 =	sld [smem:$0x3F98]  }
0x1a: {  	s8 =	sadd.s32 $0xFFFFE003, lr  }
0x1b: {  	s9 =	sadd.s32 $0xFFFFFEF7, lr;
	s5 =	simm.s32 $0xFFFFFFFF;
	p2 =	slt.u32 s8, $0xFFFFF086  }
0x1c: {  	p1 =	slt.u32 s9, $0xF7A;
	s5 =	simm.s32 @!p2 $0x0  }
0x1d: {  	s5 =	simm.s32 @p1 $0x1;
	p0 =	seq.s32 s7, s2  }
0x1e: {  	s7 =	smul.u32 @!p0 $0xF7A, s2;
	p2 =	seq.s32 @!p0 s5, $0x0  }
0x1f: {  	s9 =	smul.u32 $0xF7A, s1;
	s8 =	simm.s32 @!p0 $0x1BF5;
	p2 =	por !p2, p0  }
0x20: {  	[sflag:s8] =	ssyncset.s32 @!p0 $0xFFFFF086;
	s6 =	sadd.s32 @!p0 s3, s7;
	s7 =	simm.s32 @!p0 $0x108  }
0x21: {  	s3 =	sadd.s32 s3, s9;
	s6 =	sadd.s32 @!p0 $0x88, s6;
	s7 =	simm.s32 @p2 $0x1082  }
0x22: {  	[simem:s7], [sflag:s8] =	dma.local @!p0 [hbm:s6], $0xF7A  }
0x23: {  	s9 =	sor.u32 $0xD0000000, s2;
	s6 =	simm.s32 $0x108;
	_ =	swait.ge @!p0 [sflag:s8], $0x0  }
0x24: {  	s3 =	sadd.s32 $0x88, s3;
	s6 =	simm.s32 @!p1 $0x1082;
	[sflag:s4] =	ssyncset.s32 $0xFFFFF086  }
0x25: {  	[simem:s6], [sflag:s4] =	dma.local [hbm:s3], $0xF7A  }
0x26: {  	[smem:$0x3F98] =	sst s1;
	(tag) =	ssettag s2;
	_ =	strace s9  }
0x27: {  	s1 =	sld [smem:$0x3FA8]  }
0x28: {  	s2 =	sld [smem:$0x3FA9]  }
0x29: {  	s4 =	sld [smem:$0x3FAB]  }
0x2a: {  	p0 =	seq.s32 s5, $0x0;
	s5 =	sld [smem:$0x3FAC]  }
0x2b: {  	s6 =	sld [smem:$0x3FAD]  }
0x2c: {  	s7 =	sld [smem:$0x3FAE]  }
0x2d: {  	s3 =	simm.s32 $0x108;
	s8 =	sld [smem:$0x3FAF]  }
0x2e: {  	s3 =	simm.s32 @!p0 $0x1082;
	s9 =	sld [smem:$0x3FB0]  }
0x2f: {  	lr =	sadd.s32 s0, s3;
	s0 =	sld [smem:$0x3FA7]  }
0x30: {  	s3 =	sld [smem:$0x3FAA]  }
0x31: {  	[smem:$0x3FB3] =	sst s10  }
0x32: {  	s10 =	sld [smem:$0x3FB1];
	_ =	sdelay $0x3  }
0x33: {  	p0 =	seq.s32 s10, $0x1;
	s10 =	sld [smem:$0x3FB3];
	_ =	sdelay $0x3  }
0x34: {  	[smem:$0x3FB3] =	sst s10  }
0x35: {  	s10 =	sld [smem:$0x3FB2];
	_ =	sdelay $0x3  }
0x36: {  	p1 =	seq.s32 s10, $0x1;
	s10 =	sld [smem:$0x3FB3];
	_ =	sdelay $0x3  }
0x37: {  	[smem:$0x3FB3] =	sst s10  }
0x38: {  	s10 =	sld [smem:$0x3FB4]  }
0x39: {  	_ = 	snop;
	(pc) =	sbr.ind lr, $3  }
0x3a: {  	_ = 	snop  }
0x3b: {  	_ = 	snop  }
0x3c: {  	p2 =	seq.s32 s10, $0x1;
	s10 =	sld [smem:$0x3FB3]  }
0x3d: {  	_ =	shalt  }
0x3e: {  	_ =	shalt  }
0x3f: {  	_ =	shalt  }
0x40: {  	_ =	shalt  }
0x41: {  	_ =	shalt  }
0x42: {  	_ =	shalt  }
0x43: {  	_ =	shalt  }
0x44: {  	_ =	shalt  }
0x45: {  	_ =	shalt  }
0x46: {  	_ =	shalt  }
0x47: {  	_ =	shalt  }
0x48: {  	_ =	shalt  }
0x49: {  	_ =	shalt  }
0x4a: {  	_ =	shalt  }
0x4b: {  	_ =	shalt  }
0x4c: {  	_ =	shalt  }
0x4d: {  	_ =	shalt  }
0x4e: {  	_ =	shalt  }
0x4f: {  	_ =	shalt  }
0x50: {  	_ =	shalt  }
0x51: {  	_ =	shalt  }
0x52: {  	_ =	shalt  }
0x53: {  	_ =	shalt  }
0x54: {  	_ =	shalt  }
0x55: {  	_ =	shalt  }
0x56: {  	_ =	shalt  }
0x57: {  	_ =	shalt  }
0x58: {  	_ =	shalt  }
0x59: {  	_ =	shalt  }
0x5a: {  	_ =	shalt  }
0x5b: {  	_ =	shalt  }
0x5c: {  	_ =	shalt  }
0x5d: {  	_ =	shalt  }
0x5e: {  	_ =	shalt  }
0x5f: {  	_ =	shalt  }
0x60: {  	_ =	shalt  }
0x61: {  	_ =	shalt  }
0x62: {  	_ =	shalt  }
0x63: {  	_ =	shalt  }
0x64: {  	_ =	shalt  }
0x65: {  	_ =	shalt  }
0x66: {  	_ =	shalt  }
0x67: {  	_ =	shalt  }
0x68: {  	_ =	shalt  }
0x69: {  	_ =	shalt  }
0x6a: {  	_ =	shalt  }
0x6b: {  	_ =	shalt  }
0x6c: {  	_ =	shalt  }
0x6d: {  	_ =	shalt  }
0x6e: {  	_ =	shalt  }
0x6f: {  	_ =	shalt  }
0x70: {  	_ =	shalt  }
0x71: {  	_ =	shalt  }
0x72: {  	_ =	shalt  }
0x73: {  	_ =	shalt  }
0x74: {  	_ =	shalt  }
0x75: {  	_ =	shalt  }
0x76: {  	_ =	shalt  }
0x77: {  	_ =	shalt  }
0x78: {  	_ =	shalt  }
0x79: {  	_ =	shalt  }
0x7a: {  	_ =	shalt  }
0x7b: {  	_ =	shalt  }
0x7c: {  	_ =	shalt  }
0x7d: {  	_ =	shalt  }
0x7e: {  	_ =	shalt  }
0x7f: {  	_ =	shalt  }
0x80: {  	_ =	shalt  }
0x81: {  	_ =	shalt  }
0x82: {  	_ =	shalt  }
0x83: {  	_ =	shalt  }
0x84: {  	_ =	shalt  }
0x85: {  	_ =	shalt  }
0x86: {  	_ =	shalt  }
0x87: {  	_ =	shalt  }
.Lfunc_end0:
.L_simem_size_0:
called_computation.2_lowered:
.L_overlay_start_0:
0x88: {  	s2 =	sld [smem:$0x3FD9]  }
0x89: {  	s3 =	sld [smem:$0x3FFE];
	_ =	sdelay $0x1  }
0x8a: {  	s1 =	srdreg.scid  }
0x8b: {  	s0 =	sand.u32 $0x1, s1  }
0x8c: {  	s17 =	sshll.u32 s0, $0xA;
	s2 =	sadd.s32 s3, s2  }
0x8d: {  	s2 =	sadd.s32 s2, s17  }
0x8e: {  	[smem:$0x3FBF] =	sst s2  }
0x8f: {  	_ = 	snop  }
0x90: {  	s2 =	sld [smem:$0x3FD0];
	(tm) =	ssettm $0x1  }
0x91: {  	s18 =	sld [smem:$0x3FFB];
	_ =	sdelay $0x3  }
0x92: {  	_ =	strace s18  }
0x93: {  	s3 =	sld [smem:$0x3FFC];
	_ =	sdelay $0x3  }
0x94: {  	_ =	strace s3  }
0x95: {  	s3 =	sld [smem:$0x3FFD];
	_ =	sdelay $0x3  }
0x96: {  	_ =	strace s3  }
0x97: {  	_ =	strace $0x8FFFFFFF  }
0x98: {  	s19 =	sld [smem:$0x3FDB];
	_ =	sdelay $0x1  }
0x99: {  	s4 =	simm.s32 $_scs_section_size  }
0x9a: {  	s5 =	simm.s32 $_size__tile_overlayer_lowered;
	s6 =	simm.s32 $_tile_overlayer_lowered  }
0x9b: {  	s22 =	simm.s32 $0x1BFF;
	s21 =	sshll.u32 s6, $0x1;
	s3 =	sadd.s32 s4, s19  }
0x9c: {  	s7 =	simm.s32 $0x0;
	s20 =	sshll.u32 s5, $0x1;
	s5 =	sadd.s32 s21, s3  }
0x9d: {  	[timem:s7], [sflag:s22] =	dma.local [hbm:s5], s20  }
0x9e: {  	_ =	swait.ge [sflag:s22], s20  }
0x9f: {  	s4 =	ssub.s32 $0x0, s20;
	[sflag:s22] =	ssyncset.done $0x0  }
0xa0: {  	[sflag:s22] =	ssyncadd.s32 s4;
	_ =	sdelay $0x1  }
0xa1: {  	s23 =	simm.s32 $0x1B8B  }
0xa2: {  	_ =	swait.ge [sflag:s23], $0x1  }
0xa3: {  	[sflag:s23] =	ssyncset.done $0x0  }
0xa4: {  	s25 =	simm.s32 $0x1B8E;
	s24 =	sld [smem:$0x3FFE];
	[sflag:s23] =	ssyncadd.s32 $0xFFFFFFFF  }
0xa5: {  	s26 =	simm.s32 $execute0_lowered;
	[smem:$0x3FD2] =	sst s25  }
0xa6: {  	s5 =	sshll.u32 s26, $0x1;
	_ =	strace $0x8000004C;
	[dreg:$0x1] =	wrdreg $0xFFFFFFFF  }
0xa7: {  	s28 =	simm.s32 $_size_execute0_lowered;
	s3 =	sadd.s32 s3, s5;
	[dreg:$0x0] =	wrdreg $0x0  }
0xa8: {  	s5 =	sshll.u32 s28, $0x1;
	[dreg:$0x2] =	wrdreg s3  }
0xa9: {  	[dreg:$0x3] =	wrdreg s5  }
0xaa: {  	[dreg:$0x4] =	wrdreg $0xC0  }
0xab: {  	_ =	task [dreg:s7], $0x5FFFF  }
0xac: {  	[dreg:$0x1] =	wrdreg $0xFFFFFFFF  }
0xad: {  	[dreg:$0x0] =	wrdreg $0x60  }
0xae: {  	[dreg:$0x2] =	wrdreg s2  }
0xaf: {  	[dreg:$0x3] =	wrdreg s24  }
0xb0: {  	[dreg:$0x4] =	wrdreg $0xA8000  }
0xb1: {  	[dreg:$0x5] =	wrdreg $0x9  }
0xb2: {  	_ =	task.clear_ibuf [dreg:s7], $0x6FFFF;
	_ =	strace $0x9000004C  }
0xb3: {  	s29 =	simm.s32 $0x9;
	_ =	strace $0x8000004E  }
0xb4: {  	_ =	swait.ge [sflag:s29], $0x1  }
0xb5: {  	[sflag:s29] =	ssyncadd.s32 $0xFFFFFFFF  }
0xb6: {  	_ =	strace $0x9000004E  }
0xb7: {  	_ =	sfence  }
0xb8: {  	s30 =	sld [smem:$0x0];
	_ =	sdelay $0x2  }
0xb9: {  	s31 =	sshll.u32 s1, $0xD;
	s1 =	sshrl.u32 s1, $0x2  }
0xba: {  	s3 =	sand.u32 $0x4000, s31;
	s1 =	sadd.s32 s1, s30  }
0xbb: {  	s0 =	sor.u32 s3, s0;
	s1 =	sshll.u32 s1, $0x11  }
0xbc: {  	s0 =	sor.u32 s1, s0  }
0xbd: {  	s0 =	sadd.s32 $0x8F2B, s0  }
0xbe: {  	[sflag:s0] =	ssyncadd.remote.s32 $0x1  }
0xbf: {  	_ =	sfence.sel $0xFFFF  }
0xc0: {  	[dreg:$0x0] =	wrdreg $0xFFFFFFFF;
	(pc) =	sbr.abs _section_cstart, $3  }
0xc1: {  	[dreg:$0x1] =	wrdreg $0xFFFFFFFF  }
0xc2: {  	_ =	task.clear_ibuf [dreg:s7], $0x2FFFF;
	_ =	strace $0x9FFFFFFF  }
0xc3: {  	(tm) =	ssettm $0x7FFFFFFF  }
tec
execute0_lowered:
.L_overlay_start_1:
0x0: {  	(tag) =	ssettag $0x1  }
0x1: {  	s1 =	rddreg [dreg:$0x0]  }
0x2: {  	s0 =	rddreg [dreg:$0x1]  }
0x3: {  	s2 =	rddreg [dreg:$0x2]  }
0x4: {  	s3 =	srdreg.scid;
	s4 =	simm.s32 $0x0;
	s9 =	stileid.u32  }
0x5: {  	s17 =	simm.s32 $0x2800;
	s18 =	simm.s32 $0x5;
	s19 =	simm.s32 $0x1  }
0x6: {  	s20 =	simm.s32 $0x1400;
	s28 =	simm.s32 $0x1480;
	s29 =	simm.s32 $0x4  }
0x7: {  	s30 =	simm.s32 $0x1380;
	s31 =	simm.s32 $0x2700;
	s3 =	sand.u32 $0x1, s3  }
0x8: {  	[smem:$0x7FF] =	sst s4;
	s6 =	smul.u32 $0x13C00, s9;
	s7 =	sadd.s32 $0xEA00, s0  }
0x9: {  	s14 =	sadd.s32 $0x4A00, s0;
	s21 =	smul.u32 $0x4E200, s9;
	s8 =	sadd.s32 $0x18A00, s0  }
0xa: {  	s5 =	smul.u32 $0x13C000, s3;
	_ =	strace $0x8000004D;
	s22 =	sshll.u32 s3, $0x4  }
0xb: {  	[dreg:$0x4] =	wrdreg s8;
	s3 =	ssub.s32 $0x2, s3;
	s8 =	sor.u32 s9, s22  }
0xc: {  	s23 =	sshrl.u32 s3, $0x1;
	s22 =	simm.s32 $0x80;
	s5 =	sadd.s32 s6, s5  }
0xd: {  	s6 =	sshrl.u32 s21, $0x2;
	s10 =	smul.u32 $0x2800, s8;
	s3 =	ssub.s32 s3, s23  }
0xe: {  	s21 =	simm.s32 $0x7D;
	s23 =	simm.s32 $0x6800;
	s5 =	sshrl.u32 s5, $0x3  }
0xf: {  	s6 =	sadd.s32 s6, s2;
	s16 =	smax.u32 s3, $0x1;
	s3 =	simm.s32 $0x0  }
0x10: {  	s0 =	sadd.s32 s5, s0;
	s24 =	sadd.s32 $0x3E80, s6;
	s25 =	sadd.s32 $0x7D00, s6  }
0x11: {  	s9 =	sadd.s32 $0xBB80, s6;
	s26 =	sshrl.u32 s10, $0x3;
	[dreg:$0x5] =	wrdreg s24  }
0x12: {  	s10 =	sadd.s32 $0xFA00, s6;
	[dreg:$0x6] =	wrdreg s25;
	s11 =	sadd.s32 s7, s26  }
0x13: {  	s15 =	sadd.s32 $0x280, s26;
	s12 =	sadd.s32 s14, s26;
	s24 =	simm.s32 $0x3  }
0x14: {  	s25 =	simm.s32 $0x100;
	s26 =	simm.s32 $0x2;
	s13 =	sadd.s32 s7, s15  }
0x15: {  	s14 =	sadd.s32 s14, s15;
	s15 =	sadd.s32 $0x19200, s0;
	s0 =	simm.s32 $0x2780  }
.LBB2_1:
0x16: {  	s5 =	rddreg [dreg:$0x4]  }
0x17: {  	[tilespmem:s17], [sflag:$0x5] =	stream.linear.gather [hbm4b:s5+s4], $0x3E80, $0x38;
	[tilespmem:$0x1E080] =	vst v63  }
0x18: {  	_ =	swait.ge [sflag:s18], $0x3E80  }
0x19: {  	[sflag:s18] =	ssyncset.done $0x0  }
0x1a: {  	[sflag:s18] =	ssyncadd.s32 $0xFFFFC180  }
0x1b: {  	[spmem:s6] =	stream.linear.scatter [tilespmem:s17], [sflag:$0x1], $0x3E80, $0x38;
	[tilespmem:$0x1E080] =	vst v63  }
0x1c: {  	s8 =	rddreg [dreg:$0x5]  }
0x1d: {  	[spmem:s8] =	stream.linear.scatter [tilespmem:s17], [sflag:$0x1], $0x3E80, $0x38;
	[tilespmem:$0x1E080] =	vst v63  }
0x1e: {  	s7 =	rddreg [dreg:$0x6]  }
0x1f: {  	[spmem:s7] =	stream.linear.scatter [tilespmem:s17], [sflag:$0x1], $0x3E80, $0x38;
	[tilespmem:$0x1E080] =	vst v63  }
0x20: {  	_ = 	snop  }
0x21: {  	[spmem:s9] =	stream.linear.scatter [tilespmem:s17], [sflag:$0x1], $0x3E80, $0x38;
	[tilespmem:$0x1E080] =	vst v63  }
0x22: {  	_ = 	snop  }
0x23: {  	[spmem:s10] =	stream.linear.scatter [tilespmem:s17], [sflag:$0x1], $0x3E80, $0x38;
	[tilespmem:$0x1E080] =	vst v63  }
0x24: {  	_ =	swait.ge [sflag:s19], $0x3E80  }
0x25: {  	[sflag:s19] =	ssyncset.done $0x0  }
0x26: {  	[sflag:s19] =	ssyncadd.s32 $0xFFFFC180  }
0x27: {  	_ =	swait.ge [sflag:s19], $0x3E80  }
0x28: {  	[sflag:s19] =	ssyncset.done $0x0  }
0x29: {  	[sflag:s19] =	ssyncadd.s32 $0xFFFFC180  }
0x2a: {  	_ =	swait.ge [sflag:s19], $0x3E80  }
0x2b: {  	[sflag:s19] =	ssyncset.done $0x0  }
0x2c: {  	[sflag:s19] =	ssyncadd.s32 $0xFFFFC180  }
0x2d: {  	_ =	swait.ge [sflag:s19], $0x3E80  }
0x2e: {  	[sflag:s19] =	ssyncset.done $0x0  }
0x2f: {  	[sflag:s19] =	ssyncadd.s32 $0xFFFFC180  }
0x30: {  	_ =	swait.ge [sflag:s19], $0x3E80  }
0x31: {  	[sflag:s19] =	ssyncset.done $0x0  }
0x32: {  	[sflag:s19] =	ssyncadd.s32 $0xFFFFC180  }
0x33: {  	[bflag:$0x0] =	sbarrier.arrive $0xFFFF  }
0x34: {  	[tilespmem:s4], [sflag:$0x5] =	stream.linear.gather [hbm4b:s11+s4], $0x1400, $0x38;
	[tilespmem:$0x1E080] =	vst v63  }
0x35: {  	_ =	swait.ge [sflag:s18], $0x1400  }
0x36: {  	[sflag:s18] =	ssyncset.done $0x0  }
0x37: {  	[sflag:s18] =	ssyncadd.s32 $0xFFFFEC00  }
0x38: {  	[tilespmem:s20], [sflag:$0x5] =	stream.linear.gather [hbm4b:s12+s4], $0x1400, $0x38;
	[tilespmem:$0x1E080] =	vst v63  }
0x39: {  	_ =	swait.ge [sflag:s18], $0x1400  }
0x3a: {  	[sflag:s18] =	ssyncset.done $0x0  }
0x3b: {  	[sflag:s18] =	ssyncadd.s32 $0xFFFFEC00  }
0x3c: {  	[tilespmem:s17], [sflag:$0x1] =	stream.indirect.gather [hbm4b:s1+s21], $0x80, s4, s21, $0xb8;
	[tilespmem:$0x1E080] =	vst v63  }
0x3d: {  	_ =	swait.ge [sflag:s19], $0x3E80  }
0x3e: {  	[sflag:s19] =	ssyncset.done $0x0  }
0x3f: {  	[sflag:s19] =	ssyncadd.s32 $0xFFFFC180  }
0x40: {  	[tilespmem:s23], [sflag:$0x2] =	stream.indirect.gather [hbm4b:s1+s21], $0x80, s22, s21, $0xb8;
	[tilespmem:$0x1E080] =	vst v63  }
0x41: {  	_ = 	snop  }
0x42: {  	[spmem:s2] =	stream.indirect.scatter.add.f32 [tilespmem:s17], [sflag:$0x3], $0x80, s20, s21, $0xb8;
	[tilespmem:$0x1E080] =	vst v63  }
0x43: {  	_ =	swait.ge [sflag:s24], $0x3E80  }
0x44: {  	[sflag:s24] =	ssyncset.done $0x0  }
0x45: {  	[sflag:s24] =	ssyncadd.s32 $0xFFFFC180  }
0x46: {  	[tilespmem:s17], [sflag:$0x1] =	stream.indirect.gather [hbm4b:s1+s21], $0x80, s25, s21, $0xb8;
	[tilespmem:$0x1E080] =	vst v63  }
0x47: {  	_ =	swait.ge [sflag:s26], $0x3E80  }
0x48: {  	[sflag:s26] =	ssyncset.done $0x0  }
0x49: {  	[sflag:s26] =	ssyncadd.s32 $0xFFFFC180  }
0x4a: {  	[spmem:s2] =	stream.indirect.scatter.add.f32 [tilespmem:s23], [sflag:$0x4], $0x80, s28, s21, $0xb8;
	[tilespmem:$0x1E080] =	vst v63  }
0x4b: {  	_ =	swait.ge [sflag:s29], $0x3E80  }
0x4c: {  	[sflag:s29] =	ssyncset.done $0x0  }
0x4d: {  	[sflag:s29] =	ssyncadd.s32 $0xFFFFC180  }
0x4e: {  	_ =	swait.ge [sflag:s19], $0x3E80  }
0x4f: {  	[sflag:s19] =	ssyncset.done $0x0  }
0x50: {  	s8 =	simm.s32 $0x180;
	[sflag:s19] =	ssyncadd.s32 $0xFFFFC180  }
0x51: {  	[tilespmem:s23], [sflag:$0x2] =	stream.indirect.gather [hbm4b:s1+s21], $0x80, s8, s21, $0xb8;
	[tilespmem:$0x1E080] =	vst v63  }
0x52: {  	s7 =	simm.s32 $0x1500  }
0x53: {  	[spmem:s2] =	stream.indirect.scatter.add.f32 [tilespmem:s17], [sflag:$0x3], $0x80, s7, s21, $0xb8;
	[tilespmem:$0x1E080] =	vst v63  }
0x54: {  	_ =	swait.ge [sflag:s24], $0x3E80  }
0x55: {  	[sflag:s24] =	ssyncset.done $0x0  }
0x56: {  	s8 =	simm.s32 $0x200;
	[sflag:s24] =	ssyncadd.s32 $0xFFFFC180  }
0x57: {  	[tilespmem:s17], [sflag:$0x1] =	stream.indirect.gather [hbm4b:s1+s21], $0x80, s8, s21, $0xb8;
	[tilespmem:$0x1E080] =	vst v63  }
0x58: {  	_ =	swait.ge [sflag:s26], $0x3E80  }
0x59: {  	[sflag:s26] =	ssyncset.done $0x0  }
0x5a: {  	s5 =	simm.s32 $0xFFFFBC00;
	s7 =	simm.s32 $0x1580;
	[sflag:s26] =	ssyncadd.s32 $0xFFFFC180  }
.LBB2_2:
0x5b: {  	[spmem:s2] =	stream.indirect.scatter.add.f32 [tilespmem:s23], [sflag:$0x4], $0x80, s7, s21, $0xb8;
	[tilespmem:$0x1E080] =	vst v63  }
0x5c: {  	s7 =	smov.u32 s5  }
0x5d: {  	p0 =	sne.s32 s5, $0xFFFFFC00;
	s5 =	sadd.s32 $0x400, s5;
	_ =	swait.ge [sflag:s29], $0x3E80  }
0x5e: {  	[sflag:s29] =	ssyncset.done $0x0  }
0x5f: {  	[sflag:s29] =	ssyncadd.s32 $0xFFFFC180  }
0x60: {  	_ =	swait.ge [sflag:s19], $0x3E80  }
0x61: {  	s7 =	sshra.s32 s7, $0x2;
	[sflag:s19] =	ssyncset.done $0x0  }
0x62: {  	s8 =	sadd.s32 $0x1380, s7;
	[sflag:s19] =	ssyncadd.s32 $0xFFFFC180  }
0x63: {  	[tilespmem:s23], [sflag:$0x2] =	stream.indirect.gather [hbm4b:s1+s21], $0x80, s8, s21, $0xb8;
	[tilespmem:$0x1E080] =	vst v63  }
0x64: {  	s8 =	sadd.s32 $0x2700, s7  }
0x65: {  	[spmem:s2] =	stream.indirect.scatter.add.f32 [tilespmem:s17], [sflag:$0x3], $0x80, s8, s21, $0xb8;
	[tilespmem:$0x1E080] =	vst v63  }
0x66: {  	_ =	swait.ge [sflag:s24], $0x3E80  }
0x67: {  	[sflag:s24] =	ssyncset.done $0x0  }
.Ltmp0:
0x68: {  	s8 =	sadd.s32 $0x1400, s7;
	[sflag:s24] =	ssyncadd.s32 $0xFFFFC180;
	(pc) =	sbr.rel @p0 .LBB2_2-.Ltmp0, $4  }
0x69: {  	[tilespmem:s17], [sflag:$0x1] =	stream.indirect.gather [hbm4b:s1+s21], $0x80, s8, s21, $0xb8;
	[tilespmem:$0x1E080] =	vst v63  }
0x6a: {  	_ =	swait.ge [sflag:s26], $0x3E80  }
0x6b: {  	[sflag:s26] =	ssyncset.done $0x0  }
0x6c: {  	s7 =	sadd.s32 $0x2780, s7;
	[sflag:s26] =	ssyncadd.s32 $0xFFFFC180  }
0x6d: {  	[spmem:s2] =	stream.indirect.scatter.add.f32 [tilespmem:s23], [sflag:$0x4], $0x80, s7, s21, $0xb8;
	[tilespmem:$0x1E080] =	vst v63  }
0x6e: {  	_ =	swait.ge [sflag:s29], $0x3E80  }
0x6f: {  	[sflag:s29] =	ssyncset.done $0x0  }
0x70: {  	[sflag:s29] =	ssyncadd.s32 $0xFFFFC180  }
0x71: {  	_ =	swait.ge [sflag:s19], $0x3E80  }
0x72: {  	[sflag:s19] =	ssyncset.done $0x0  }
0x73: {  	[sflag:s19] =	ssyncadd.s32 $0xFFFFC180  }
0x74: {  	[tilespmem:s23], [sflag:$0x2] =	stream.indirect.gather [hbm4b:s1+s21], $0x80, s30, s21, $0xb8;
	[tilespmem:$0x1E080] =	vst v63  }
0x75: {  	_ = 	snop  }
0x76: {  	[spmem:s2] =	stream.indirect.scatter.add.f32 [tilespmem:s17], [sflag:$0x3], $0x80, s31, s21, $0xb8;
	[tilespmem:$0x1E080] =	vst v63  }
0x77: {  	_ =	swait.ge [sflag:s26], $0x3E80  }
0x78: {  	[sflag:s26] =	ssyncset.done $0x0  }
0x79: {  	[sflag:s26] =	ssyncadd.s32 $0xFFFFC180  }
0x7a: {  	[spmem:s2] =	stream.indirect.scatter.add.f32 [tilespmem:s23], [sflag:$0x4], $0x80, s0, s21, $0xb8;
	[tilespmem:$0x1E080] =	vst v63  }
0x7b: {  	_ =	swait.ge [sflag:s24], $0x3E80  }
0x7c: {  	[sflag:s24] =	ssyncset.done $0x0  }
0x7d: {  	[sflag:s24] =	ssyncadd.s32 $0xFFFFC180  }
0x7e: {  	_ =	swait.ge [sflag:s29], $0x3E80  }
0x7f: {  	[sflag:s29] =	ssyncset.done $0x0  }
0x80: {  	[sflag:s29] =	ssyncadd.s32 $0xFFFFC180  }
0x81: {  	[tilespmem:s4], [sflag:$0x5] =	stream.linear.gather [hbm4b:s13+s4], $0x1400, $0x38;
	[tilespmem:$0x1E080] =	vst v63  }
0x82: {  	_ =	swait.ge [sflag:s18], $0x1400  }
0x83: {  	[sflag:s18] =	ssyncset.done $0x0  }
0x84: {  	[sflag:s18] =	ssyncadd.s32 $0xFFFFEC00  }
0x85: {  	[tilespmem:s20], [sflag:$0x5] =	stream.linear.gather [hbm4b:s14+s4], $0x1400, $0x38;
	[tilespmem:$0x1E080] =	vst v63  }
0x86: {  	_ =	swait.ge [sflag:s18], $0x1400  }
0x87: {  	[sflag:s18] =	ssyncset.done $0x0  }
0x88: {  	[sflag:s18] =	ssyncadd.s32 $0xFFFFEC00  }
0x89: {  	[tilespmem:s17], [sflag:$0x1] =	stream.indirect.gather [hbm4b:s1+s21], $0x80, s4, s21, $0xb8;
	[tilespmem:$0x1E080] =	vst v63  }
0x8a: {  	_ =	swait.ge [sflag:s19], $0x3E80  }
0x8b: {  	[sflag:s19] =	ssyncset.done $0x0  }
0x8c: {  	[sflag:s19] =	ssyncadd.s32 $0xFFFFC180  }
0x8d: {  	[tilespmem:s23], [sflag:$0x2] =	stream.indirect.gather [hbm4b:s1+s21], $0x80, s22, s21, $0xb8;
	[tilespmem:$0x1E080] =	vst v63  }
0x8e: {  	_ = 	snop  }
0x8f: {  	[spmem:s2] =	stream.indirect.scatter.add.f32 [tilespmem:s17], [sflag:$0x3], $0x80, s20, s21, $0xb8;
	[tilespmem:$0x1E080] =	vst v63  }
0x90: {  	_ =	swait.ge [sflag:s24], $0x3E80  }
0x91: {  	[sflag:s24] =	ssyncset.done $0x0  }
0x92: {  	[sflag:s24] =	ssyncadd.s32 $0xFFFFC180  }
0x93: {  	[tilespmem:s17], [sflag:$0x1] =	stream.indirect.gather [hbm4b:s1+s21], $0x80, s25, s21, $0xb8;
	[tilespmem:$0x1E080] =	vst v63  }
0x94: {  	_ =	swait.ge [sflag:s26], $0x3E80  }
0x95: {  	[sflag:s26] =	ssyncset.done $0x0  }
0x96: {  	[sflag:s26] =	ssyncadd.s32 $0xFFFFC180  }
0x97: {  	[spmem:s2] =	stream.indirect.scatter.add.f32 [tilespmem:s23], [sflag:$0x4], $0x80, s28, s21, $0xb8;
	[tilespmem:$0x1E080] =	vst v63  }
0x98: {  	_ =	swait.ge [sflag:s29], $0x3E80  }
0x99: {  	[sflag:s29] =	ssyncset.done $0x0  }
0x9a: {  	[sflag:s29] =	ssyncadd.s32 $0xFFFFC180  }
0x9b: {  	_ =	swait.ge [sflag:s19], $0x3E80  }
0x9c: {  	[sflag:s19] =	ssyncset.done $0x0  }
0x9d: {  	s5 =	simm.s32 $0x180;
	[sflag:s19] =	ssyncadd.s32 $0xFFFFC180  }
0x9e: {  	[tilespmem:s23], [sflag:$0x2] =	stream.indirect.gather [hbm4b:s1+s21], $0x80, s5, s21, $0xb8;
	[tilespmem:$0x1E080] =	vst v63  }
0x9f: {  	s7 =	simm.s32 $0x1500  }
0xa0: {  	[spmem:s2] =	stream.indirect.scatter.add.f32 [tilespmem:s17], [sflag:$0x3], $0x80, s7, s21, $0xb8;
	[tilespmem:$0x1E080] =	vst v63  }
0xa1: {  	_ =	swait.ge [sflag:s24], $0x3E80  }
0xa2: {  	[sflag:s24] =	ssyncset.done $0x0  }
0xa3: {  	s8 =	simm.s32 $0x200;
	[sflag:s24] =	ssyncadd.s32 $0xFFFFC180  }
0xa4: {  	[tilespmem:s17], [sflag:$0x1] =	stream.indirect.gather [hbm4b:s1+s21], $0x80, s8, s21, $0xb8;
	[tilespmem:$0x1E080] =	vst v63  }
0xa5: {  	_ =	swait.ge [sflag:s26], $0x3E80  }
0xa6: {  	[sflag:s26] =	ssyncset.done $0x0  }
0xa7: {  	s5 =	simm.s32 $0xFFFFBC00;
	s7 =	simm.s32 $0x1580;
	[sflag:s26] =	ssyncadd.s32 $0xFFFFC180  }
.LBB2_4:
0xa8: {  	[spmem:s2] =	stream.indirect.scatter.add.f32 [tilespmem:s23], [sflag:$0x4], $0x80, s7, s21, $0xb8;
	[tilespmem:$0x1E080] =	vst v63  }
0xa9: {  	s7 =	smov.u32 s5  }
0xaa: {  	p0 =	sne.s32 s5, $0xFFFFFC00;
	s5 =	sadd.s32 $0x400, s5;
	_ =	swait.ge [sflag:s29], $0x3E80  }
0xab: {  	[sflag:s29] =	ssyncset.done $0x0  }
0xac: {  	[sflag:s29] =	ssyncadd.s32 $0xFFFFC180  }
0xad: {  	_ =	swait.ge [sflag:s19], $0x3E80  }
0xae: {  	s7 =	sshra.s32 s7, $0x2;
	[sflag:s19] =	ssyncset.done $0x0  }
0xaf: {  	s8 =	sadd.s32 $0x1380, s7;
	[sflag:s19] =	ssyncadd.s32 $0xFFFFC180  }
0xb0: {  	[tilespmem:s23], [sflag:$0x2] =	stream.indirect.gather [hbm4b:s1+s21], $0x80, s8, s21, $0xb8;
	[tilespmem:$0x1E080] =	vst v63  }
0xb1: {  	s8 =	sadd.s32 $0x2700, s7  }
0xb2: {  	[spmem:s2] =	stream.indirect.scatter.add.f32 [tilespmem:s17], [sflag:$0x3], $0x80, s8, s21, $0xb8;
	[tilespmem:$0x1E080] =	vst v63  }
0xb3: {  	_ =	swait.ge [sflag:s24], $0x3E80  }
0xb4: {  	[sflag:s24] =	ssyncset.done $0x0  }
.Ltmp1:
0xb5: {  	s8 =	sadd.s32 $0x1400, s7;
	[sflag:s24] =	ssyncadd.s32 $0xFFFFC180;
	(pc) =	sbr.rel @p0 .LBB2_4-.Ltmp1, $4  }
0xb6: {  	[tilespmem:s17], [sflag:$0x1] =	stream.indirect.gather [hbm4b:s1+s21], $0x80, s8, s21, $0xb8;
	[tilespmem:$0x1E080] =	vst v63  }
0xb7: {  	_ =	swait.ge [sflag:s26], $0x3E80  }
0xb8: {  	[sflag:s26] =	ssyncset.done $0x0  }
0xb9: {  	s7 =	sadd.s32 $0x2780, s7;
	[sflag:s26] =	ssyncadd.s32 $0xFFFFC180  }
0xba: {  	[spmem:s2] =	stream.indirect.scatter.add.f32 [tilespmem:s23], [sflag:$0x4], $0x80, s7, s21, $0xb8;
	[tilespmem:$0x1E080] =	vst v63  }
0xbb: {  	_ =	swait.ge [sflag:s29], $0x3E80  }
0xbc: {  	[sflag:s29] =	ssyncset.done $0x0  }
0xbd: {  	[sflag:s29] =	ssyncadd.s32 $0xFFFFC180  }
0xbe: {  	_ =	swait.ge [sflag:s19], $0x3E80  }
0xbf: {  	[sflag:s19] =	ssyncset.done $0x0  }
0xc0: {  	[sflag:s19] =	ssyncadd.s32 $0xFFFFC180  }
0xc1: {  	[tilespmem:s23], [sflag:$0x2] =	stream.indirect.gather [hbm4b:s1+s21], $0x80, s30, s21, $0xb8;
	[tilespmem:$0x1E080] =	vst v63  }
0xc2: {  	_ = 	snop  }
0xc3: {  	[spmem:s2] =	stream.indirect.scatter.add.f32 [tilespmem:s17], [sflag:$0x3], $0x80, s31, s21, $0xb8;
	[tilespmem:$0x1E080] =	vst v63  }
0xc4: {  	_ =	swait.ge [sflag:s26], $0x3E80  }
0xc5: {  	[sflag:s26] =	ssyncset.done $0x0  }
0xc6: {  	[sflag:s26] =	ssyncadd.s32 $0xFFFFC180  }
0xc7: {  	[spmem:s2] =	stream.indirect.scatter.add.f32 [tilespmem:s23], [sflag:$0x4], $0x80, s0, s21, $0xb8;
	[tilespmem:$0x1E080] =	vst v63  }
0xc8: {  	_ =	swait.ge [sflag:s24], $0x3E80  }
0xc9: {  	[sflag:s24] =	ssyncset.done $0x0  }
0xca: {  	[sflag:s24] =	ssyncadd.s32 $0xFFFFC180  }
0xcb: {  	s5 =	stileid.u32;
	_ =	swait.ge [sflag:s29], $0x3E80  }
0xcc: {  	s8 =	sshrl.u32 s6, $0x3;
	s3 =	sadd.s32 $0x1, s3;
	[sflag:s29] =	ssyncset.done $0x0  }
0xcd: {  	s5 =	sshll.u32 s5, $0x6;
	p0 =	sne.s32 s3, s16;
	[sflag:s29] =	ssyncadd.s32 $0xFFFFC180  }
.Ltmp2:
0xce: {  	s5 =	sor.u32 $0x1C05, s5;
	[bflag:$0x0] =	sbarrier.arrive $0xFFFF;
	(pc) =	sbr.rel @p0 .LBB2_1-.Ltmp2, $4  }
0xcf: {  	[hbm:s15], [sflag:s5] =	dma.local [spmem:s8], $0x2710  }
0xd0: {  	_ =	swait.ge [sflag:s18], $0x2710  }
0xd1: {  	[sflag:s18] =	ssyncset.done $0x0  }
0xd2: {  	[sflag:s18] =	ssyncadd.s32 $0xFFFFD8F0  }
0xd3: {  	_ =	sfence.sel $0x180000  }
0xd4: {  	[bflag:$0x0] =	sbarrier.arrive $0xFFFF  }
0xd5: {  	_ =	strace $0x9000004D  }
0xd6: {  	s0 =	stileid.u32;
	[bflag:$0x2] =	sbarrier.arrive $0xFFFF  }
0xd7: {  	p0 =	sne.s32 s0, $0x0;
	s0 =	rddreg [dreg:$0x3]  }
0xd8: {  	s0 =	sadd.s32 @!p0 $0x100000, s0  }
0xd9: {  	[sflag:s0] =	ssyncadd.tile.s32 @!p0 $0x1;
	_ =	shalt  }
.Lfunc_end2:
_tile_overlayer_lowered:
.L_overlay_start_2:
0xda: {  	(tag) =	ssettag $0x2  }
0xdb: {  	s0 =	rddreg [dreg:$0x0];
	s2 =	stileid.u32  }
0xdc: {  	s1 =	rddreg [dreg:$0x1];
	p0 =	sne.s32 s2, $0x0  }
0xdd: {  	s3 =	rddreg [dreg:$0x2];
	[bflag:$0x3] =	sbarrier.arrive $0xFFFF;
	s2 =	simm.s32 @!p0 $0x1C05  }
0xde: {  	[timem:s3], [sflag:s2] =	dma.local @!p0 [hbm:s0], s1  }
0xdf: {  	s0 =	simm.s32 @!p0 $0x5  }
0xe0: {  	_ =	swait.ge @!p0 [sflag:s0], s1  }
0xe1: {  	s1 =	ssub.s32 @!p0 $0x0, s1;
	[sflag:s0] =	ssyncset.done @!p0 $0x0  }
0xe2: {  	[sflag:s0] =	ssyncadd.s32 @!p0 s1  }
0xe3: {  	[bflag:$0x3] =	sbarrier.arrive $0xFFFF  }
0xe4: {  	_ =	shalt  }

// kernel: kernel.18.cloned.1.call-start
scs
__scs_entry_jumppad:
0x0: {  	(pc) =	sbr.rel $0x88, $3  }
0x1: {  	(tag) =	ssettag $0x0;
	lr =	simm.s32 $0x1  }
0x2: {  	[smem:$0x3F98] =	sst lr;
	_ =	strace $0xD0000000  }
0x3: {  	_ = 	snop  }
0x4: {  	_ = 	snop  }
0x5: {  	_ = 	snop  }
0x6: {  	_ = 	snop  }
0x7: {  	_ = 	snop  }
__scs_overlays_trampoline_lowered:
0x8: {  	[smem:$0x3FA7] =	sst s0  }
0x9: {  	[smem:$0x3FA8] =	sst s1  }
0xa: {  	[smem:$0x3FA9] =	sst s2  }
0xb: {  	[smem:$0x3FAA] =	sst s3  }
0xc: {  	[smem:$0x3FAB] =	sst s4  }
0xd: {  	[smem:$0x3FAC] =	sst s5  }
0xe: {  	[smem:$0x3FAD] =	sst s6  }
0xf: {  	[smem:$0x3FAE] =	sst s7  }
0x10: {  	[smem:$0x3FAF] =	sst s8  }
0x11: {  	[smem:$0x3FB0] =	sst s9;
	s0 =	simm.s32 @!p0 $0x0  }
0x12: {  	s1 =	sld [smem:$0x3F96];
	s0 =	simm.s32 @p0 $0x1  }
0x13: {  	[smem:$0x3FB1] =	sst s0;
	s0 =	simm.s32 @!p1 $0x0  }
0x14: {  	s2 =	sld [smem:$0x3F95];
	s0 =	simm.s32 @p1 $0x1  }
0x15: {  	[smem:$0x3FB2] =	sst s0;
	s0 =	simm.s32 @!p2 $0x0  }
0x16: {  	s3 =	sld [smem:$0x3FDB];
	s0 =	simm.s32 @p2 $0x1  }
0x17: {  	s4 =	simm.s32 $0x1BF5;
	[smem:$0x3FB4] =	sst s0  }
0x18: {  	s0 =	sld [smem:$0x3F97];
	_ =	swait.ge [sflag:s4], $0x0  }
0x19: {  	s7 =	sld [smem:$0x3F98]  }
0x1a: {  	s8 =	sadd.s32 $0xFFFFE003, lr  }
0x1b: {  	s9 =	sadd.s32 $0xFFFFFEF7, lr;
	s5 =	simm.s32 $0xFFFFFFFF;
	p2 =	slt.u32 s8, $0xFFFFF086  }
0x1c: {  	p1 =	slt.u32 s9, $0xF7A;
	s5 =	simm.s32 @!p2 $0x0  }
0x1d: {  	s5 =	simm.s32 @p1 $0x1;
	p0 =	seq.s32 s7, s2  }
0x1e: {  	s7 =	smul.u32 @!p0 $0xF7A, s2;
	p2 =	seq.s32 @!p0 s5, $0x0  }
0x1f: {  	s9 =	smul.u32 $0xF7A, s1;
	s8 =	simm.s32 @!p0 $0x1BF5;
	p2 =	por !p2, p0  }
0x20: {  	[sflag:s8] =	ssyncset.s32 @!p0 $0xFFFFF086;
	s6 =	sadd.s32 @!p0 s3, s7;
	s7 =	simm.s32 @!p0 $0x108  }
0x21: {  	s3 =	sadd.s32 s3, s9;
	s6 =	sadd.s32 @!p0 $0x88, s6;
	s7 =	simm.s32 @p2 $0x1082  }
0x22: {  	[simem:s7], [sflag:s8] =	dma.local @!p0 [hbm:s6], $0xF7A  }
0x23: {  	s9 =	sor.u32 $0xD0000000, s2;
	s6 =	simm.s32 $0x108;
	_ =	swait.ge @!p0 [sflag:s8], $0x0  }
0x24: {  	s3 =	sadd.s32 $0x88, s3;
	s6 =	simm.s32 @!p1 $0x1082;
	[sflag:s4] =	ssyncset.s32 $0xFFFFF086  }
0x25: {  	[simem:s6], [sflag:s4] =	dma.local [hbm:s3], $0xF7A  }
0x26: {  	[smem:$0x3F98] =	sst s1;
	(tag) =	ssettag s2;
	_ =	strace s9  }
0x27: {  	s1 =	sld [smem:$0x3FA8]  }
0x28: {  	s2 =	sld [smem:$0x3FA9]  }
0x29: {  	s4 =	sld [smem:$0x3FAB]  }
0x2a: {  	p0 =	seq.s32 s5, $0x0;
	s5 =	sld [smem:$0x3FAC]  }
0x2b: {  	s6 =	sld [smem:$0x3FAD]  }
0x2c: {  	s7 =	sld [smem:$0x3FAE]  }
0x2d: {  	s3 =	simm.s32 $0x108;
	s8 =	sld [smem:$0x3FAF]  }
0x2e: {  	s3 =	simm.s32 @!p0 $0x1082;
	s9 =	sld [smem:$0x3FB0]  }
0x2f: {  	lr =	sadd.s32 s0, s3;
	s0 =	sld [smem:$0x3FA7]  }
0x30: {  	s3 =	sld [smem:$0x3FAA]  }
0x31: {  	[smem:$0x3FB3] =	sst s10  }
0x32: {  	s10 =	sld [smem:$0x3FB1];
	_ =	sdelay $0x3  }
0x33: {  	p0 =	seq.s32 s10, $0x1;
	s10 =	sld [smem:$0x3FB3];
	_ =	sdelay $0x3  }
0x34: {  	[smem:$0x3FB3] =	sst s10  }
0x35: {  	s10 =	sld [smem:$0x3FB2];
	_ =	sdelay $0x3  }
0x36: {  	p1 =	seq.s32 s10, $0x1;
	s10 =	sld [smem:$0x3FB3];
	_ =	sdelay $0x3  }
0x37: {  	[smem:$0x3FB3] =	sst s10  }
0x38: {  	s10 =	sld [smem:$0x3FB4]  }
0x39: {  	_ = 	snop;
	(pc) =	sbr.ind lr, $3  }
0x3a: {  	_ = 	snop  }
0x3b: {  	_ = 	snop  }
0x3c: {  	p2 =	seq.s32 s10, $0x1;
	s10 =	sld [smem:$0x3FB3]  }
0x3d: {  	_ =	shalt  }
0x3e: {  	_ =	shalt  }
0x3f: {  	_ =	shalt  }
0x40: {  	_ =	shalt  }
0x41: {  	_ =	shalt  }
0x42: {  	_ =	shalt  }
0x43: {  	_ =	shalt  }
0x44: {  	_ =	shalt  }
0x45: {  	_ =	shalt  }
0x46: {  	_ =	shalt  }
0x47: {  	_ =	shalt  }
0x48: {  	_ =	shalt  }
0x49: {  	_ =	shalt  }
0x4a: {  	_ =	shalt  }
0x4b: {  	_ =	shalt  }
0x4c: {  	_ =	shalt  }
0x4d: {  	_ =	shalt  }
0x4e: {  	_ =	shalt  }
0x4f: {  	_ =	shalt  }
0x50: {  	_ =	shalt  }
0x51: {  	_ =	shalt  }
0x52: {  	_ =	shalt  }
0x53: {  	_ =	shalt  }
0x54: {  	_ =	shalt  }
0x55: {  	_ =	shalt  }
0x56: {  	_ =	shalt  }
0x57: {  	_ =	shalt  }
0x58: {  	_ =	shalt  }
0x59: {  	_ =	shalt  }
0x5a: {  	_ =	shalt  }
0x5b: {  	_ =	shalt  }
0x5c: {  	_ =	shalt  }
0x5d: {  	_ =	shalt  }
0x5e: {  	_ =	shalt  }
0x5f: {  	_ =	shalt  }
0x60: {  	_ =	shalt  }
0x61: {  	_ =	shalt  }
0x62: {  	_ =	shalt  }
0x63: {  	_ =	shalt  }
0x64: {  	_ =	shalt  }
0x65: {  	_ =	shalt  }
0x66: {  	_ =	shalt  }
0x67: {  	_ =	shalt  }
0x68: {  	_ =	shalt  }
0x69: {  	_ =	shalt  }
0x6a: {  	_ =	shalt  }
0x6b: {  	_ =	shalt  }
0x6c: {  	_ =	shalt  }
0x6d: {  	_ =	shalt  }
0x6e: {  	_ =	shalt  }
0x6f: {  	_ =	shalt  }
0x70: {  	_ =	shalt  }
0x71: {  	_ =	shalt  }
0x72: {  	_ =	shalt  }
0x73: {  	_ =	shalt  }
0x74: {  	_ =	shalt  }
0x75: {  	_ =	shalt  }
0x76: {  	_ =	shalt  }
0x77: {  	_ =	shalt  }
0x78: {  	_ =	shalt  }
0x79: {  	_ =	shalt  }
0x7a: {  	_ =	shalt  }
0x7b: {  	_ =	shalt  }
0x7c: {  	_ =	shalt  }
0x7d: {  	_ =	shalt  }
0x7e: {  	_ =	shalt  }
0x7f: {  	_ =	shalt  }
0x80: {  	_ =	shalt  }
0x81: {  	_ =	shalt  }
0x82: {  	_ =	shalt  }
0x83: {  	_ =	shalt  }
0x84: {  	_ =	shalt  }
0x85: {  	_ =	shalt  }
0x86: {  	_ =	shalt  }
0x87: {  	_ =	shalt  }
.Lfunc_end0:
.L_simem_size_0:
called_computation.3_lowered:
.L_overlay_start_0:
0x88: {  	s2 =	sld [smem:$0x3FD9]  }
0x89: {  	s3 =	sld [smem:$0x3FFE];
	_ =	sdelay $0x1  }
0x8a: {  	s1 =	srdreg.scid  }
0x8b: {  	s0 =	sand.u32 $0x1, s1  }
0x8c: {  	s17 =	sshll.u32 s0, $0xA;
	s2 =	sadd.s32 s3, s2  }
0x8d: {  	s2 =	sadd.s32 s2, s17  }
0x8e: {  	[smem:$0x3FBF] =	sst s2  }
0x8f: {  	_ = 	snop  }
0x90: {  	s2 =	sld [smem:$0x3FD0];
	(tm) =	ssettm $0x1  }
0x91: {  	s18 =	sld [smem:$0x3FFB];
	_ =	sdelay $0x3  }
0x92: {  	_ =	strace s18  }
0x93: {  	s3 =	sld [smem:$0x3FFC];
	_ =	sdelay $0x3  }
0x94: {  	_ =	strace s3  }
0x95: {  	s3 =	sld [smem:$0x3FFD];
	_ =	sdelay $0x3  }
0x96: {  	_ =	strace s3  }
0x97: {  	_ =	strace $0x8FFFFFFF  }
0x98: {  	s19 =	sld [smem:$0x3FDB];
	_ =	sdelay $0x1  }
0x99: {  	s4 =	simm.s32 $_scs_section_size  }
0x9a: {  	s5 =	simm.s32 $_size__tile_overlayer_lowered;
	s6 =	simm.s32 $_tile_overlayer_lowered  }
0x9b: {  	s22 =	simm.s32 $0x1BFF;
	s21 =	sshll.u32 s6, $0x1;
	s3 =	sadd.s32 s4, s19  }
0x9c: {  	s7 =	simm.s32 $0x0;
	s20 =	sshll.u32 s5, $0x1;
	s5 =	sadd.s32 s21, s3  }
0x9d: {  	[timem:s7], [sflag:s22] =	dma.local [hbm:s5], s20  }
0x9e: {  	_ =	swait.ge [sflag:s22], s20  }
0x9f: {  	s4 =	ssub.s32 $0x0, s20;
	[sflag:s22] =	ssyncset.done $0x0  }
0xa0: {  	[sflag:s22] =	ssyncadd.s32 s4;
	_ =	sdelay $0x1  }
0xa1: {  	s23 =	simm.s32 $0x1B8B  }
0xa2: {  	_ =	swait.ge [sflag:s23], $0x1  }
0xa3: {  	[sflag:s23] =	ssyncset.done $0x0  }
0xa4: {  	s25 =	simm.s32 $0x1B8E;
	s24 =	sld [smem:$0x3FFE];
	[sflag:s23] =	ssyncadd.s32 $0xFFFFFFFF  }
0xa5: {  	s26 =	simm.s32 $execute0_lowered;
	[smem:$0x3FD2] =	sst s25  }
0xa6: {  	s5 =	sshll.u32 s26, $0x1;
	_ =	strace $0x8000004F;
	[dreg:$0x1] =	wrdreg $0xFFFFFFFF  }
0xa7: {  	s28 =	simm.s32 $_size_execute0_lowered;
	s3 =	sadd.s32 s3, s5;
	[dreg:$0x0] =	wrdreg $0x0  }
0xa8: {  	s5 =	sshll.u32 s28, $0x1;
	[dreg:$0x2] =	wrdreg s3  }
0xa9: {  	[dreg:$0x3] =	wrdreg s5  }
0xaa: {  	[dreg:$0x4] =	wrdreg $0xC0  }
0xab: {  	_ =	task [dreg:s7], $0x5FFFF  }
0xac: {  	[dreg:$0x1] =	wrdreg $0xFFFFFFFF  }
0xad: {  	[dreg:$0x0] =	wrdreg $0x60  }
0xae: {  	[dreg:$0x2] =	wrdreg s2  }
0xaf: {  	[dreg:$0x3] =	wrdreg s24  }
0xb0: {  	[dreg:$0x4] =	wrdreg $0xA8000  }
0xb1: {  	[dreg:$0x5] =	wrdreg $0x9  }
0xb2: {  	_ =	task.clear_ibuf [dreg:s7], $0x6FFFF;
	_ =	strace $0x9000004F  }
0xb3: {  	s29 =	simm.s32 $0x9;
	_ =	strace $0x80000051  }
0xb4: {  	_ =	swait.ge [sflag:s29], $0x1  }
0xb5: {  	[sflag:s29] =	ssyncadd.s32 $0xFFFFFFFF  }
0xb6: {  	_ =	strace $0x90000051  }
0xb7: {  	_ =	sfence  }
0xb8: {  	s30 =	sld [smem:$0x0];
	_ =	sdelay $0x2  }
0xb9: {  	s31 =	sshll.u32 s1, $0xD;
	s1 =	sshrl.u32 s1, $0x2  }
0xba: {  	s3 =	sand.u32 $0x4000, s31;
	s1 =	sadd.s32 s1, s30  }
0xbb: {  	s0 =	sor.u32 s3, s0;
	s1 =	sshll.u32 s1, $0x11  }
0xbc: {  	s0 =	sor.u32 s1, s0  }
0xbd: {  	s0 =	sadd.s32 $0x8F2B, s0  }
0xbe: {  	[sflag:s0] =	ssyncadd.remote.s32 $0x1  }
0xbf: {  	_ =	sfence.sel $0xFFFF  }
0xc0: {  	[dreg:$0x0] =	wrdreg $0xFFFFFFFF;
	(pc) =	sbr.abs _section_cstart, $3  }
0xc1: {  	[dreg:$0x1] =	wrdreg $0xFFFFFFFF  }
0xc2: {  	_ =	task.clear_ibuf [dreg:s7], $0x2FFFF;
	_ =	strace $0x9FFFFFFF  }
0xc3: {  	(tm) =	ssettm $0x7FFFFFFF  }
tec
execute0_lowered:
.L_overlay_start_1:
0x0: {  	(tag) =	ssettag $0x1  }
0x1: {  	s1 =	rddreg [dreg:$0x0]  }
0x2: {  	s0 =	rddreg [dreg:$0x1]  }
0x3: {  	s2 =	rddreg [dreg:$0x2]  }
0x4: {  	s3 =	srdreg.scid;
	s4 =	simm.s32 $0x0;
	s9 =	stileid.u32  }
0x5: {  	s17 =	simm.s32 $0x2800;
	s18 =	simm.s32 $0x5;
	s19 =	simm.s32 $0x1  }
0x6: {  	s20 =	simm.s32 $0x1400;
	s28 =	simm.s32 $0x1480;
	s29 =	simm.s32 $0x4  }
0x7: {  	s30 =	simm.s32 $0x1380;
	s31 =	simm.s32 $0x2700;
	s3 =	sand.u32 $0x1, s3  }
0x8: {  	[smem:$0x7FF] =	sst s4;
	s6 =	smul.u32 $0x13C00, s9;
	s7 =	sadd.s32 $0xEA00, s0  }
0x9: {  	s14 =	sadd.s32 $0x4A00, s0;
	s21 =	smul.u32 $0x4E200, s9;
	s8 =	sadd.s32 $0x18A00, s0  }
0xa: {  	s5 =	smul.u32 $0x13C000, s3;
	_ =	strace $0x80000050;
	s22 =	sshll.u32 s3, $0x4  }
0xb: {  	[dreg:$0x4] =	wrdreg s8;
	s3 =	ssub.s32 $0x2, s3;
	s8 =	sor.u32 s9, s22  }
0xc: {  	s23 =	sshrl.u32 s3, $0x1;
	s22 =	simm.s32 $0x80;
	s5 =	sadd.s32 s6, s5  }
0xd: {  	s6 =	sshrl.u32 s21, $0x2;
	s10 =	smul.u32 $0x2800, s8;
	s3 =	ssub.s32 s3, s23  }
0xe: {  	s21 =	simm.s32 $0x7D;
	s23 =	simm.s32 $0x6800;
	s5 =	sshrl.u32 s5, $0x3  }
0xf: {  	s6 =	sadd.s32 s6, s2;
	s16 =	smax.u32 s3, $0x1;
	s3 =	simm.s32 $0x0  }
0x10: {  	s0 =	sadd.s32 s5, s0;
	s24 =	sadd.s32 $0x3E80, s6;
	s25 =	sadd.s32 $0x7D00, s6  }
0x11: {  	s9 =	sadd.s32 $0xBB80, s6;
	s26 =	sshrl.u32 s10, $0x3;
	[dreg:$0x5] =	wrdreg s24  }
0x12: {  	s10 =	sadd.s32 $0xFA00, s6;
	[dreg:$0x6] =	wrdreg s25;
	s11 =	sadd.s32 s7, s26  }
0x13: {  	s15 =	sadd.s32 $0x280, s26;
	s12 =	sadd.s32 s14, s26;
	s24 =	simm.s32 $0x3  }
0x14: {  	s25 =	simm.s32 $0x100;
	s26 =	simm.s32 $0x2;
	s13 =	sadd.s32 s7, s15  }
0x15: {  	s14 =	sadd.s32 s14, s15;
	s15 =	sadd.s32 $0xDD600, s0;
	s0 =	simm.s32 $0x2780  }
.LBB2_1:
0x16: {  	s5 =	rddreg [dreg:$0x4]  }
0x17: {  	[tilespmem:s17], [sflag:$0x5] =	stream.linear.gather [hbm4b:s5+s4], $0x3E80, $0x38;
	[tilespmem:$0x1E080] =	vst v63  }
0x18: {  	_ =	swait.ge [sflag:s18], $0x3E80  }
0x19: {  	[sflag:s18] =	ssyncset.done $0x0  }
0x1a: {  	[sflag:s18] =	ssyncadd.s32 $0xFFFFC180  }
0x1b: {  	[spmem:s6] =	stream.linear.scatter [tilespmem:s17], [sflag:$0x1], $0x3E80, $0x38;
	[tilespmem:$0x1E080] =	vst v63  }
0x1c: {  	s8 =	rddreg [dreg:$0x5]  }
0x1d: {  	[spmem:s8] =	stream.linear.scatter [tilespmem:s17], [sflag:$0x1], $0x3E80, $0x38;
	[tilespmem:$0x1E080] =	vst v63  }
0x1e: {  	s7 =	rddreg [dreg:$0x6]  }
0x1f: {  	[spmem:s7] =	stream.linear.scatter [tilespmem:s17], [sflag:$0x1], $0x3E80, $0x38;
	[tilespmem:$0x1E080] =	vst v63  }
0x20: {  	_ = 	snop  }
0x21: {  	[spmem:s9] =	stream.linear.scatter [tilespmem:s17], [sflag:$0x1], $0x3E80, $0x38;
	[tilespmem:$0x1E080] =	vst v63  }
0x22: {  	_ = 	snop  }
0x23: {  	[spmem:s10] =	stream.linear.scatter [tilespmem:s17], [sflag:$0x1], $0x3E80, $0x38;
	[tilespmem:$0x1E080] =	vst v63  }
0x24: {  	_ =	swait.ge [sflag:s19], $0x3E80  }
0x25: {  	[sflag:s19] =	ssyncset.done $0x0  }
0x26: {  	[sflag:s19] =	ssyncadd.s32 $0xFFFFC180  }
0x27: {  	_ =	swait.ge [sflag:s19], $0x3E80  }
0x28: {  	[sflag:s19] =	ssyncset.done $0x0  }
0x29: {  	[sflag:s19] =	ssyncadd.s32 $0xFFFFC180  }
0x2a: {  	_ =	swait.ge [sflag:s19], $0x3E80  }
0x2b: {  	[sflag:s19] =	ssyncset.done $0x0  }
0x2c: {  	[sflag:s19] =	ssyncadd.s32 $0xFFFFC180  }
0x2d: {  	_ =	swait.ge [sflag:s19], $0x3E80  }
0x2e: {  	[sflag:s19] =	ssyncset.done $0x0  }
0x2f: {  	[sflag:s19] =	ssyncadd.s32 $0xFFFFC180  }
0x30: {  	_ =	swait.ge [sflag:s19], $0x3E80  }
0x31: {  	[sflag:s19] =	ssyncset.done $0x0  }
0x32: {  	[sflag:s19] =	ssyncadd.s32 $0xFFFFC180  }
0x33: {  	[bflag:$0x0] =	sbarrier.arrive $0xFFFF  }
0x34: {  	[tilespmem:s4], [sflag:$0x5] =	stream.linear.gather [hbm4b:s11+s4], $0x1400, $0x38;
	[tilespmem:$0x1E080] =	vst v63  }
0x35: {  	_ =	swait.ge [sflag:s18], $0x1400  }
0x36: {  	[sflag:s18] =	ssyncset.done $0x0  }
0x37: {  	[sflag:s18] =	ssyncadd.s32 $0xFFFFEC00  }
0x38: {  	[tilespmem:s20], [sflag:$0x5] =	stream.linear.gather [hbm4b:s12+s4], $0x1400, $0x38;
	[tilespmem:$0x1E080] =	vst v63  }
0x39: {  	_ =	swait.ge [sflag:s18], $0x1400  }
0x3a: {  	[sflag:s18] =	ssyncset.done $0x0  }
0x3b: {  	[sflag:s18] =	ssyncadd.s32 $0xFFFFEC00  }
0x3c: {  	[tilespmem:s17], [sflag:$0x1] =	stream.indirect.gather [hbm4b:s1+s21], $0x80, s4, s21, $0xb8;
	[tilespmem:$0x1E080] =	vst v63  }
0x3d: {  	_ =	swait.ge [sflag:s19], $0x3E80  }
0x3e: {  	[sflag:s19] =	ssyncset.done $0x0  }
0x3f: {  	[sflag:s19] =	ssyncadd.s32 $0xFFFFC180  }
0x40: {  	[tilespmem:s23], [sflag:$0x2] =	stream.indirect.gather [hbm4b:s1+s21], $0x80, s22, s21, $0xb8;
	[tilespmem:$0x1E080] =	vst v63  }
0x41: {  	_ = 	snop  }
0x42: {  	[spmem:s2] =	stream.indirect.scatter.add.f32 [tilespmem:s17], [sflag:$0x3], $0x80, s20, s21, $0xb8;
	[tilespmem:$0x1E080] =	vst v63  }
0x43: {  	_ =	swait.ge [sflag:s24], $0x3E80  }
0x44: {  	[sflag:s24] =	ssyncset.done $0x0  }
0x45: {  	[sflag:s24] =	ssyncadd.s32 $0xFFFFC180  }
0x46: {  	[tilespmem:s17], [sflag:$0x1] =	stream.indirect.gather [hbm4b:s1+s21], $0x80, s25, s21, $0xb8;
	[tilespmem:$0x1E080] =	vst v63  }
0x47: {  	_ =	swait.ge [sflag:s26], $0x3E80  }
0x48: {  	[sflag:s26] =	ssyncset.done $0x0  }
0x49: {  	[sflag:s26] =	ssyncadd.s32 $0xFFFFC180  }
0x4a: {  	[spmem:s2] =	stream.indirect.scatter.add.f32 [tilespmem:s23], [sflag:$0x4], $0x80, s28, s21, $0xb8;
	[tilespmem:$0x1E080] =	vst v63  }
0x4b: {  	_ =	swait.ge [sflag:s29], $0x3E80  }
0x4c: {  	[sflag:s29] =	ssyncset.done $0x0  }
0x4d: {  	[sflag:s29] =	ssyncadd.s32 $0xFFFFC180  }
0x4e: {  	_ =	swait.ge [sflag:s19], $0x3E80  }
0x4f: {  	[sflag:s19] =	ssyncset.done $0x0  }
0x50: {  	s8 =	simm.s32 $0x180;
	[sflag:s19] =	ssyncadd.s32 $0xFFFFC180  }
0x51: {  	[tilespmem:s23], [sflag:$0x2] =	stream.indirect.gather [hbm4b:s1+s21], $0x80, s8, s21, $0xb8;
	[tilespmem:$0x1E080] =	vst v63  }
0x52: {  	s7 =	simm.s32 $0x1500  }
0x53: {  	[spmem:s2] =	stream.indirect.scatter.add.f32 [tilespmem:s17], [sflag:$0x3], $0x80, s7, s21, $0xb8;
	[tilespmem:$0x1E080] =	vst v63  }
0x54: {  	_ =	swait.ge [sflag:s24], $0x3E80  }
0x55: {  	[sflag:s24] =	ssyncset.done $0x0  }
0x56: {  	s8 =	simm.s32 $0x200;
	[sflag:s24] =	ssyncadd.s32 $0xFFFFC180  }
0x57: {  	[tilespmem:s17], [sflag:$0x1] =	stream.indirect.gather [hbm4b:s1+s21], $0x80, s8, s21, $0xb8;
	[tilespmem:$0x1E080] =	vst v63  }
0x58: {  	_ =	swait.ge [sflag:s26], $0x3E80  }
0x59: {  	[sflag:s26] =	ssyncset.done $0x0  }
0x5a: {  	s5 =	simm.s32 $0xFFFFBC00;
	s7 =	simm.s32 $0x1580;
	[sflag:s26] =	ssyncadd.s32 $0xFFFFC180  }
.LBB2_2:
0x5b: {  	[spmem:s2] =	stream.indirect.scatter.add.f32 [tilespmem:s23], [sflag:$0x4], $0x80, s7, s21, $0xb8;
	[tilespmem:$0x1E080] =	vst v63  }
0x5c: {  	s7 =	smov.u32 s5  }
0x5d: {  	p0 =	sne.s32 s5, $0xFFFFFC00;
	s5 =	sadd.s32 $0x400, s5;
	_ =	swait.ge [sflag:s29], $0x3E80  }
0x5e: {  	[sflag:s29] =	ssyncset.done $0x0  }
0x5f: {  	[sflag:s29] =	ssyncadd.s32 $0xFFFFC180  }
0x60: {  	_ =	swait.ge [sflag:s19], $0x3E80  }
0x61: {  	s7 =	sshra.s32 s7, $0x2;
	[sflag:s19] =	ssyncset.done $0x0  }
0x62: {  	s8 =	sadd.s32 $0x1380, s7;
	[sflag:s19] =	ssyncadd.s32 $0xFFFFC180  }
0x63: {  	[tilespmem:s23], [sflag:$0x2] =	stream.indirect.gather [hbm4b:s1+s21], $0x80, s8, s21, $0xb8;
	[tilespmem:$0x1E080] =	vst v63  }
0x64: {  	s8 =	sadd.s32 $0x2700, s7  }
0x65: {  	[spmem:s2] =	stream.indirect.scatter.add.f32 [tilespmem:s17], [sflag:$0x3], $0x80, s8, s21, $0xb8;
	[tilespmem:$0x1E080] =	vst v63  }
0x66: {  	_ =	swait.ge [sflag:s24], $0x3E80  }
0x67: {  	[sflag:s24] =	ssyncset.done $0x0  }
.Ltmp0:
0x68: {  	s8 =	sadd.s32 $0x1400, s7;
	[sflag:s24] =	ssyncadd.s32 $0xFFFFC180;
	(pc) =	sbr.rel @p0 .LBB2_2-.Ltmp0, $4  }
0x69: {  	[tilespmem:s17], [sflag:$0x1] =	stream.indirect.gather [hbm4b:s1+s21], $0x80, s8, s21, $0xb8;
	[tilespmem:$0x1E080] =	vst v63  }
0x6a: {  	_ =	swait.ge [sflag:s26], $0x3E80  }
0x6b: {  	[sflag:s26] =	ssyncset.done $0x0  }
0x6c: {  	s7 =	sadd.s32 $0x2780, s7;
	[sflag:s26] =	ssyncadd.s32 $0xFFFFC180  }
0x6d: {  	[spmem:s2] =	stream.indirect.scatter.add.f32 [tilespmem:s23], [sflag:$0x4], $0x80, s7, s21, $0xb8;
	[tilespmem:$0x1E080] =	vst v63  }
0x6e: {  	_ =	swait.ge [sflag:s29], $0x3E80  }
0x6f: {  	[sflag:s29] =	ssyncset.done $0x0  }
0x70: {  	[sflag:s29] =	ssyncadd.s32 $0xFFFFC180  }
0x71: {  	_ =	swait.ge [sflag:s19], $0x3E80  }
0x72: {  	[sflag:s19] =	ssyncset.done $0x0  }
0x73: {  	[sflag:s19] =	ssyncadd.s32 $0xFFFFC180  }
0x74: {  	[tilespmem:s23], [sflag:$0x2] =	stream.indirect.gather [hbm4b:s1+s21], $0x80, s30, s21, $0xb8;
	[tilespmem:$0x1E080] =	vst v63  }
0x75: {  	_ = 	snop  }
0x76: {  	[spmem:s2] =	stream.indirect.scatter.add.f32 [tilespmem:s17], [sflag:$0x3], $0x80, s31, s21, $0xb8;
	[tilespmem:$0x1E080] =	vst v63  }
0x77: {  	_ =	swait.ge [sflag:s26], $0x3E80  }
0x78: {  	[sflag:s26] =	ssyncset.done $0x0  }
0x79: {  	[sflag:s26] =	ssyncadd.s32 $0xFFFFC180  }
0x7a: {  	[spmem:s2] =	stream.indirect.scatter.add.f32 [tilespmem:s23], [sflag:$0x4], $0x80, s0, s21, $0xb8;
	[tilespmem:$0x1E080] =	vst v63  }
0x7b: {  	_ =	swait.ge [sflag:s24], $0x3E80  }
0x7c: {  	[sflag:s24] =	ssyncset.done $0x0  }
0x7d: {  	[sflag:s24] =	ssyncadd.s32 $0xFFFFC180  }
0x7e: {  	_ =	swait.ge [sflag:s29], $0x3E80  }
0x7f: {  	[sflag:s29] =	ssyncset.done $0x0  }
0x80: {  	[sflag:s29] =	ssyncadd.s32 $0xFFFFC180  }
0x81: {  	[tilespmem:s4], [sflag:$0x5] =	stream.linear.gather [hbm4b:s13+s4], $0x1400, $0x38;
	[tilespmem:$0x1E080] =	vst v63  }
0x82: {  	_ =	swait.ge [sflag:s18], $0x1400  }
0x83: {  	[sflag:s18] =	ssyncset.done $0x0  }
0x84: {  	[sflag:s18] =	ssyncadd.s32 $0xFFFFEC00  }
0x85: {  	[tilespmem:s20], [sflag:$0x5] =	stream.linear.gather [hbm4b:s14+s4], $0x1400, $0x38;
	[tilespmem:$0x1E080] =	vst v63  }
0x86: {  	_ =	swait.ge [sflag:s18], $0x1400  }
0x87: {  	[sflag:s18] =	ssyncset.done $0x0  }
0x88: {  	[sflag:s18] =	ssyncadd.s32 $0xFFFFEC00  }
0x89: {  	[tilespmem:s17], [sflag:$0x1] =	stream.indirect.gather [hbm4b:s1+s21], $0x80, s4, s21, $0xb8;
	[tilespmem:$0x1E080] =	vst v63  }
0x8a: {  	_ =	swait.ge [sflag:s19], $0x3E80  }
0x8b: {  	[sflag:s19] =	ssyncset.done $0x0  }
0x8c: {  	[sflag:s19] =	ssyncadd.s32 $0xFFFFC180  }
0x8d: {  	[tilespmem:s23], [sflag:$0x2] =	stream.indirect.gather [hbm4b:s1+s21], $0x80, s22, s21, $0xb8;
	[tilespmem:$0x1E080] =	vst v63  }
0x8e: {  	_ = 	snop  }
0x8f: {  	[spmem:s2] =	stream.indirect.scatter.add.f32 [tilespmem:s17], [sflag:$0x3], $0x80, s20, s21, $0xb8;
	[tilespmem:$0x1E080] =	vst v63  }
0x90: {  	_ =	swait.ge [sflag:s24], $0x3E80  }
0x91: {  	[sflag:s24] =	ssyncset.done $0x0  }
0x92: {  	[sflag:s24] =	ssyncadd.s32 $0xFFFFC180  }
0x93: {  	[tilespmem:s17], [sflag:$0x1] =	stream.indirect.gather [hbm4b:s1+s21], $0x80, s25, s21, $0xb8;
	[tilespmem:$0x1E080] =	vst v63  }
0x94: {  	_ =	swait.ge [sflag:s26], $0x3E80  }
0x95: {  	[sflag:s26] =	ssyncset.done $0x0  }
0x96: {  	[sflag:s26] =	ssyncadd.s32 $0xFFFFC180  }
0x97: {  	[spmem:s2] =	stream.indirect.scatter.add.f32 [tilespmem:s23], [sflag:$0x4], $0x80, s28, s21, $0xb8;
	[tilespmem:$0x1E080] =	vst v63  }
0x98: {  	_ =	swait.ge [sflag:s29], $0x3E80  }
0x99: {  	[sflag:s29] =	ssyncset.done $0x0  }
0x9a: {  	[sflag:s29] =	ssyncadd.s32 $0xFFFFC180  }
0x9b: {  	_ =	swait.ge [sflag:s19], $0x3E80  }
0x9c: {  	[sflag:s19] =	ssyncset.done $0x0  }
0x9d: {  	s5 =	simm.s32 $0x180;
	[sflag:s19] =	ssyncadd.s32 $0xFFFFC180  }
0x9e: {  	[tilespmem:s23], [sflag:$0x2] =	stream.indirect.gather [hbm4b:s1+s21], $0x80, s5, s21, $0xb8;
	[tilespmem:$0x1E080] =	vst v63  }
0x9f: {  	s7 =	simm.s32 $0x1500  }
0xa0: {  	[spmem:s2] =	stream.indirect.scatter.add.f32 [tilespmem:s17], [sflag:$0x3], $0x80, s7, s21, $0xb8;
	[tilespmem:$0x1E080] =	vst v63  }
0xa1: {  	_ =	swait.ge [sflag:s24], $0x3E80  }
0xa2: {  	[sflag:s24] =	ssyncset.done $0x0  }
0xa3: {  	s8 =	simm.s32 $0x200;
	[sflag:s24] =	ssyncadd.s32 $0xFFFFC180  }
0xa4: {  	[tilespmem:s17], [sflag:$0x1] =	stream.indirect.gather [hbm4b:s1+s21], $0x80, s8, s21, $0xb8;
	[tilespmem:$0x1E080] =	vst v63  }
0xa5: {  	_ =	swait.ge [sflag:s26], $0x3E80  }
0xa6: {  	[sflag:s26] =	ssyncset.done $0x0  }
0xa7: {  	s5 =	simm.s32 $0xFFFFBC00;
	s7 =	simm.s32 $0x1580;
	[sflag:s26] =	ssyncadd.s32 $0xFFFFC180  }
.LBB2_4:
0xa8: {  	[spmem:s2] =	stream.indirect.scatter.add.f32 [tilespmem:s23], [sflag:$0x4], $0x80, s7, s21, $0xb8;
	[tilespmem:$0x1E080] =	vst v63  }
0xa9: {  	s7 =	smov.u32 s5  }
0xaa: {  	p0 =	sne.s32 s5, $0xFFFFFC00;
	s5 =	sadd.s32 $0x400, s5;
	_ =	swait.ge [sflag:s29], $0x3E80  }
0xab: {  	[sflag:s29] =	ssyncset.done $0x0  }
0xac: {  	[sflag:s29] =	ssyncadd.s32 $0xFFFFC180  }
0xad: {  	_ =	swait.ge [sflag:s19], $0x3E80  }
0xae: {  	s7 =	sshra.s32 s7, $0x2;
	[sflag:s19] =	ssyncset.done $0x0  }
0xaf: {  	s8 =	sadd.s32 $0x1380, s7;
	[sflag:s19] =	ssyncadd.s32 $0xFFFFC180  }
0xb0: {  	[tilespmem:s23], [sflag:$0x2] =	stream.indirect.gather [hbm4b:s1+s21], $0x80, s8, s21, $0xb8;
	[tilespmem:$0x1E080] =	vst v63  }
0xb1: {  	s8 =	sadd.s32 $0x2700, s7  }
0xb2: {  	[spmem:s2] =	stream.indirect.scatter.add.f32 [tilespmem:s17], [sflag:$0x3], $0x80, s8, s21, $0xb8;
	[tilespmem:$0x1E080] =	vst v63  }
0xb3: {  	_ =	swait.ge [sflag:s24], $0x3E80  }
0xb4: {  	[sflag:s24] =	ssyncset.done $0x0  }
.Ltmp1:
0xb5: {  	s8 =	sadd.s32 $0x1400, s7;
	[sflag:s24] =	ssyncadd.s32 $0xFFFFC180;
	(pc) =	sbr.rel @p0 .LBB2_4-.Ltmp1, $4  }
0xb6: {  	[tilespmem:s17], [sflag:$0x1] =	stream.indirect.gather [hbm4b:s1+s21], $0x80, s8, s21, $0xb8;
	[tilespmem:$0x1E080] =	vst v63  }
0xb7: {  	_ =	swait.ge [sflag:s26], $0x3E80  }
0xb8: {  	[sflag:s26] =	ssyncset.done $0x0  }
0xb9: {  	s7 =	sadd.s32 $0x2780, s7;
	[sflag:s26] =	ssyncadd.s32 $0xFFFFC180  }
0xba: {  	[spmem:s2] =	stream.indirect.scatter.add.f32 [tilespmem:s23], [sflag:$0x4], $0x80, s7, s21, $0xb8;
	[tilespmem:$0x1E080] =	vst v63  }
0xbb: {  	_ =	swait.ge [sflag:s29], $0x3E80  }
0xbc: {  	[sflag:s29] =	ssyncset.done $0x0  }
0xbd: {  	[sflag:s29] =	ssyncadd.s32 $0xFFFFC180  }
0xbe: {  	_ =	swait.ge [sflag:s19], $0x3E80  }
0xbf: {  	[sflag:s19] =	ssyncset.done $0x0  }
0xc0: {  	[sflag:s19] =	ssyncadd.s32 $0xFFFFC180  }
0xc1: {  	[tilespmem:s23], [sflag:$0x2] =	stream.indirect.gather [hbm4b:s1+s21], $0x80, s30, s21, $0xb8;
	[tilespmem:$0x1E080] =	vst v63  }
0xc2: {  	_ = 	snop  }
0xc3: {  	[spmem:s2] =	stream.indirect.scatter.add.f32 [tilespmem:s17], [sflag:$0x3], $0x80, s31, s21, $0xb8;
	[tilespmem:$0x1E080] =	vst v63  }
0xc4: {  	_ =	swait.ge [sflag:s26], $0x3E80  }
0xc5: {  	[sflag:s26] =	ssyncset.done $0x0  }
0xc6: {  	[sflag:s26] =	ssyncadd.s32 $0xFFFFC180  }
0xc7: {  	[spmem:s2] =	stream.indirect.scatter.add.f32 [tilespmem:s23], [sflag:$0x4], $0x80, s0, s21, $0xb8;
	[tilespmem:$0x1E080] =	vst v63  }
0xc8: {  	_ =	swait.ge [sflag:s24], $0x3E80  }
0xc9: {  	[sflag:s24] =	ssyncset.done $0x0  }
0xca: {  	[sflag:s24] =	ssyncadd.s32 $0xFFFFC180  }
0xcb: {  	s5 =	stileid.u32;
	_ =	swait.ge [sflag:s29], $0x3E80  }
0xcc: {  	s8 =	sshrl.u32 s6, $0x3;
	s3 =	sadd.s32 $0x1, s3;
	[sflag:s29] =	ssyncset.done $0x0  }
0xcd: {  	s5 =	sshll.u32 s5, $0x6;
	p0 =	sne.s32 s3, s16;
	[sflag:s29] =	ssyncadd.s32 $0xFFFFC180  }
.Ltmp2:
0xce: {  	s5 =	sor.u32 $0x1C05, s5;
	[bflag:$0x0] =	sbarrier.arrive $0xFFFF;
	(pc) =	sbr.rel @p0 .LBB2_1-.Ltmp2, $4  }
0xcf: {  	[hbm:s15], [sflag:s5] =	dma.local [spmem:s8], $0x2710  }
0xd0: {  	_ =	swait.ge [sflag:s18], $0x2710  }
0xd1: {  	[sflag:s18] =	ssyncset.done $0x0  }
0xd2: {  	[sflag:s18] =	ssyncadd.s32 $0xFFFFD8F0  }
0xd3: {  	_ =	sfence.sel $0x180000  }
0xd4: {  	[bflag:$0x0] =	sbarrier.arrive $0xFFFF  }
0xd5: {  	_ =	strace $0x90000050  }
0xd6: {  	s0 =	stileid.u32;
	[bflag:$0x2] =	sbarrier.arrive $0xFFFF  }
0xd7: {  	p0 =	sne.s32 s0, $0x0;
	s0 =	rddreg [dreg:$0x3]  }
0xd8: {  	s0 =	sadd.s32 @!p0 $0x100000, s0  }
0xd9: {  	[sflag:s0] =	ssyncadd.tile.s32 @!p0 $0x1;
	_ =	shalt  }
.Lfunc_end2:
_tile_overlayer_lowered:
.L_overlay_start_2:
0xda: {  	(tag) =	ssettag $0x2  }
0xdb: {  	s0 =	rddreg [dreg:$0x0];
	s2 =	stileid.u32  }
0xdc: {  	s1 =	rddreg [dreg:$0x1];
	p0 =	sne.s32 s2, $0x0  }
0xdd: {  	s3 =	rddreg [dreg:$0x2];
	[bflag:$0x3] =	sbarrier.arrive $0xFFFF;
	s2 =	simm.s32 @!p0 $0x1C05  }
0xde: {  	[timem:s3], [sflag:s2] =	dma.local @!p0 [hbm:s0], s1  }
0xdf: {  	s0 =	simm.s32 @!p0 $0x5  }
0xe0: {  	_ =	swait.ge @!p0 [sflag:s0], s1  }
0xe1: {  	s1 =	ssub.s32 @!p0 $0x0, s1;
	[sflag:s0] =	ssyncset.done @!p0 $0x0  }
0xe2: {  	[sflag:s0] =	ssyncadd.s32 @!p0 s1  }
0xe3: {  	[bflag:$0x3] =	sbarrier.arrive $0xFFFF  }
0xe4: {  	_ =	shalt  }

// kernel: kernel.21.cloned.1.call-start
scs
__scs_entry_jumppad:
0x0: {  	(pc) =	sbr.rel $0x88, $3  }
0x1: {  	(tag) =	ssettag $0x0;
	lr =	simm.s32 $0x1  }
0x2: {  	[smem:$0x3F98] =	sst lr;
	_ =	strace $0xD0000000  }
0x3: {  	_ = 	snop  }
0x4: {  	_ = 	snop  }
0x5: {  	_ = 	snop  }
0x6: {  	_ = 	snop  }
0x7: {  	_ = 	snop  }
__scs_overlays_trampoline_lowered:
0x8: {  	[smem:$0x3FA7] =	sst s0  }
0x9: {  	[smem:$0x3FA8] =	sst s1  }
0xa: {  	[smem:$0x3FA9] =	sst s2  }
0xb: {  	[smem:$0x3FAA] =	sst s3  }
0xc: {  	[smem:$0x3FAB] =	sst s4  }
0xd: {  	[smem:$0x3FAC] =	sst s5  }
0xe: {  	[smem:$0x3FAD] =	sst s6  }
0xf: {  	[smem:$0x3FAE] =	sst s7  }
0x10: {  	[smem:$0x3FAF] =	sst s8  }
0x11: {  	[smem:$0x3FB0] =	sst s9;
	s0 =	simm.s32 @!p0 $0x0  }
0x12: {  	s1 =	sld [smem:$0x3F96];
	s0 =	simm.s32 @p0 $0x1  }
0x13: {  	[smem:$0x3FB1] =	sst s0;
	s0 =	simm.s32 @!p1 $0x0  }
0x14: {  	s2 =	sld [smem:$0x3F95];
	s0 =	simm.s32 @p1 $0x1  }
0x15: {  	[smem:$0x3FB2] =	sst s0;
	s0 =	simm.s32 @!p2 $0x0  }
0x16: {  	s3 =	sld [smem:$0x3FDB];
	s0 =	simm.s32 @p2 $0x1  }
0x17: {  	s4 =	simm.s32 $0x1BF5;
	[smem:$0x3FB4] =	sst s0  }
0x18: {  	s0 =	sld [smem:$0x3F97];
	_ =	swait.ge [sflag:s4], $0x0  }
0x19: {  	s7 =	sld [smem:$0x3F98]  }
0x1a: {  	s8 =	sadd.s32 $0xFFFFE003, lr  }
0x1b: {  	s9 =	sadd.s32 $0xFFFFFEF7, lr;
	s5 =	simm.s32 $0xFFFFFFFF;
	p2 =	slt.u32 s8, $0xFFFFF086  }
0x1c: {  	p1 =	slt.u32 s9, $0xF7A;
	s5 =	simm.s32 @!p2 $0x0  }
0x1d: {  	s5 =	simm.s32 @p1 $0x1;
	p0 =	seq.s32 s7, s2  }
0x1e: {  	s7 =	smul.u32 @!p0 $0xF7A, s2;
	p2 =	seq.s32 @!p0 s5, $0x0  }
0x1f: {  	s9 =	smul.u32 $0xF7A, s1;
	s8 =	simm.s32 @!p0 $0x1BF5;
	p2 =	por !p2, p0  }
0x20: {  	[sflag:s8] =	ssyncset.s32 @!p0 $0xFFFFF086;
	s6 =	sadd.s32 @!p0 s3, s7;
	s7 =	simm.s32 @!p0 $0x108  }
0x21: {  	s3 =	sadd.s32 s3, s9;
	s6 =	sadd.s32 @!p0 $0x88, s6;
	s7 =	simm.s32 @p2 $0x1082  }
0x22: {  	[simem:s7], [sflag:s8] =	dma.local @!p0 [hbm:s6], $0xF7A  }
0x23: {  	s9 =	sor.u32 $0xD0000000, s2;
	s6 =	simm.s32 $0x108;
	_ =	swait.ge @!p0 [sflag:s8], $0x0  }
0x24: {  	s3 =	sadd.s32 $0x88, s3;
	s6 =	simm.s32 @!p1 $0x1082;
	[sflag:s4] =	ssyncset.s32 $0xFFFFF086  }
0x25: {  	[simem:s6], [sflag:s4] =	dma.local [hbm:s3], $0xF7A  }
0x26: {  	[smem:$0x3F98] =	sst s1;
	(tag) =	ssettag s2;
	_ =	strace s9  }
0x27: {  	s1 =	sld [smem:$0x3FA8]  }
0x28: {  	s2 =	sld [smem:$0x3FA9]  }
0x29: {  	s4 =	sld [smem:$0x3FAB]  }
0x2a: {  	p0 =	seq.s32 s5, $0x0;
	s5 =	sld [smem:$0x3FAC]  }
0x2b: {  	s6 =	sld [smem:$0x3FAD]  }
0x2c: {  	s7 =	sld [smem:$0x3FAE]  }
0x2d: {  	s3 =	simm.s32 $0x108;
	s8 =	sld [smem:$0x3FAF]  }
0x2e: {  	s3 =	simm.s32 @!p0 $0x1082;
	s9 =	sld [smem:$0x3FB0]  }
0x2f: {  	lr =	sadd.s32 s0, s3;
	s0 =	sld [smem:$0x3FA7]  }
0x30: {  	s3 =	sld [smem:$0x3FAA]  }
0x31: {  	[smem:$0x3FB3] =	sst s10  }
0x32: {  	s10 =	sld [smem:$0x3FB1];
	_ =	sdelay $0x3  }
0x33: {  	p0 =	seq.s32 s10, $0x1;
	s10 =	sld [smem:$0x3FB3];
	_ =	sdelay $0x3  }
0x34: {  	[smem:$0x3FB3] =	sst s10  }
0x35: {  	s10 =	sld [smem:$0x3FB2];
	_ =	sdelay $0x3  }
0x36: {  	p1 =	seq.s32 s10, $0x1;
	s10 =	sld [smem:$0x3FB3];
	_ =	sdelay $0x3  }
0x37: {  	[smem:$0x3FB3] =	sst s10  }
0x38: {  	s10 =	sld [smem:$0x3FB4]  }
0x39: {  	_ = 	snop;
	(pc) =	sbr.ind lr, $3  }
0x3a: {  	_ = 	snop  }
0x3b: {  	_ = 	snop  }
0x3c: {  	p2 =	seq.s32 s10, $0x1;
	s10 =	sld [smem:$0x3FB3]  }
0x3d: {  	_ =	shalt  }
0x3e: {  	_ =	shalt  }
0x3f: {  	_ =	shalt  }
0x40: {  	_ =	shalt  }
0x41: {  	_ =	shalt  }
0x42: {  	_ =	shalt  }
0x43: {  	_ =	shalt  }
0x44: {  	_ =	shalt  }
0x45: {  	_ =	shalt  }
0x46: {  	_ =	shalt  }
0x47: {  	_ =	shalt  }
0x48: {  	_ =	shalt  }
0x49: {  	_ =	shalt  }
0x4a: {  	_ =	shalt  }
0x4b: {  	_ =	shalt  }
0x4c: {  	_ =	shalt  }
0x4d: {  	_ =	shalt  }
0x4e: {  	_ =	shalt  }
0x4f: {  	_ =	shalt  }
0x50: {  	_ =	shalt  }
0x51: {  	_ =	shalt  }
0x52: {  	_ =	shalt  }
0x53: {  	_ =	shalt  }
0x54: {  	_ =	shalt  }
0x55: {  	_ =	shalt  }
0x56: {  	_ =	shalt  }
0x57: {  	_ =	shalt  }
0x58: {  	_ =	shalt  }
0x59: {  	_ =	shalt  }
0x5a: {  	_ =	shalt  }
0x5b: {  	_ =	shalt  }
0x5c: {  	_ =	shalt  }
0x5d: {  	_ =	shalt  }
0x5e: {  	_ =	shalt  }
0x5f: {  	_ =	shalt  }
0x60: {  	_ =	shalt  }
0x61: {  	_ =	shalt  }
0x62: {  	_ =	shalt  }
0x63: {  	_ =	shalt  }
0x64: {  	_ =	shalt  }
0x65: {  	_ =	shalt  }
0x66: {  	_ =	shalt  }
0x67: {  	_ =	shalt  }
0x68: {  	_ =	shalt  }
0x69: {  	_ =	shalt  }
0x6a: {  	_ =	shalt  }
0x6b: {  	_ =	shalt  }
0x6c: {  	_ =	shalt  }
0x6d: {  	_ =	shalt  }
0x6e: {  	_ =	shalt  }
0x6f: {  	_ =	shalt  }
0x70: {  	_ =	shalt  }
0x71: {  	_ =	shalt  }
0x72: {  	_ =	shalt  }
0x73: {  	_ =	shalt  }
0x74: {  	_ =	shalt  }
0x75: {  	_ =	shalt  }
0x76: {  	_ =	shalt  }
0x77: {  	_ =	shalt  }
0x78: {  	_ =	shalt  }
0x79: {  	_ =	shalt  }
0x7a: {  	_ =	shalt  }
0x7b: {  	_ =	shalt  }
0x7c: {  	_ =	shalt  }
0x7d: {  	_ =	shalt  }
0x7e: {  	_ =	shalt  }
0x7f: {  	_ =	shalt  }
0x80: {  	_ =	shalt  }
0x81: {  	_ =	shalt  }
0x82: {  	_ =	shalt  }
0x83: {  	_ =	shalt  }
0x84: {  	_ =	shalt  }
0x85: {  	_ =	shalt  }
0x86: {  	_ =	shalt  }
0x87: {  	_ =	shalt  }
.Lfunc_end0:
.L_simem_size_0:
called_computation.4_lowered:
.L_overlay_start_0:
0x88: {  	s2 =	sld [smem:$0x3FD9]  }
0x89: {  	s3 =	sld [smem:$0x3FFE];
	_ =	sdelay $0x1  }
0x8a: {  	s1 =	srdreg.scid  }
0x8b: {  	s0 =	sand.u32 $0x1, s1  }
0x8c: {  	s17 =	sshll.u32 s0, $0xA;
	s2 =	sadd.s32 s3, s2  }
0x8d: {  	s2 =	sadd.s32 s2, s17  }
0x8e: {  	[smem:$0x3FBF] =	sst s2  }
0x8f: {  	_ = 	snop  }
0x90: {  	s2 =	sld [smem:$0x3FD0];
	(tm) =	ssettm $0x1  }
0x91: {  	s18 =	sld [smem:$0x3FFB];
	_ =	sdelay $0x3  }
0x92: {  	_ =	strace s18  }
0x93: {  	s3 =	sld [smem:$0x3FFC];
	_ =	sdelay $0x3  }
0x94: {  	_ =	strace s3  }
0x95: {  	s3 =	sld [smem:$0x3FFD];
	_ =	sdelay $0x3  }
0x96: {  	_ =	strace s3  }
0x97: {  	_ =	strace $0x8FFFFFFF  }
0x98: {  	s19 =	sld [smem:$0x3FDB];
	_ =	sdelay $0x1  }
0x99: {  	s4 =	simm.s32 $_scs_section_size  }
0x9a: {  	s5 =	simm.s32 $_size__tile_overlayer_lowered;
	s6 =	simm.s32 $_tile_overlayer_lowered  }
0x9b: {  	s22 =	simm.s32 $0x1BFF;
	s21 =	sshll.u32 s6, $0x1;
	s3 =	sadd.s32 s4, s19  }
0x9c: {  	s7 =	simm.s32 $0x0;
	s20 =	sshll.u32 s5, $0x1;
	s5 =	sadd.s32 s21, s3  }
0x9d: {  	[timem:s7], [sflag:s22] =	dma.local [hbm:s5], s20  }
0x9e: {  	_ =	swait.ge [sflag:s22], s20  }
0x9f: {  	s4 =	ssub.s32 $0x0, s20;
	[sflag:s22] =	ssyncset.done $0x0  }
0xa0: {  	[sflag:s22] =	ssyncadd.s32 s4;
	_ =	sdelay $0x1  }
0xa1: {  	s23 =	simm.s32 $0x1B8B  }
0xa2: {  	_ =	swait.ge [sflag:s23], $0x1  }
0xa3: {  	[sflag:s23] =	ssyncset.done $0x0  }
0xa4: {  	s25 =	simm.s32 $0x1B8E;
	s24 =	sld [smem:$0x3FFE];
	[sflag:s23] =	ssyncadd.s32 $0xFFFFFFFF  }
0xa5: {  	s26 =	simm.s32 $execute0_lowered;
	[smem:$0x3FD2] =	sst s25  }
0xa6: {  	s5 =	sshll.u32 s26, $0x1;
	_ =	strace $0x80000052;
	[dreg:$0x1] =	wrdreg $0xFFFFFFFF  }
0xa7: {  	s28 =	simm.s32 $_size_execute0_lowered;
	s3 =	sadd.s32 s3, s5;
	[dreg:$0x0] =	wrdreg $0x0  }
0xa8: {  	s5 =	sshll.u32 s28, $0x1;
	[dreg:$0x2] =	wrdreg s3  }
0xa9: {  	[dreg:$0x3] =	wrdreg s5  }
0xaa: {  	[dreg:$0x4] =	wrdreg $0xC0  }
0xab: {  	_ =	task [dreg:s7], $0x5FFFF  }
0xac: {  	[dreg:$0x1] =	wrdreg $0xFFFFFFFF  }
0xad: {  	[dreg:$0x0] =	wrdreg $0x60  }
0xae: {  	[dreg:$0x2] =	wrdreg s2  }
0xaf: {  	[dreg:$0x3] =	wrdreg s24  }
0xb0: {  	[dreg:$0x4] =	wrdreg $0xA8000  }
0xb1: {  	[dreg:$0x5] =	wrdreg $0x9  }
0xb2: {  	_ =	task.clear_ibuf [dreg:s7], $0x6FFFF;
	_ =	strace $0x90000052  }
0xb3: {  	s29 =	simm.s32 $0x9;
	_ =	strace $0x80000054  }
0xb4: {  	_ =	swait.ge [sflag:s29], $0x1  }
0xb5: {  	[sflag:s29] =	ssyncadd.s32 $0xFFFFFFFF  }
0xb6: {  	_ =	strace $0x90000054  }
0xb7: {  	_ =	sfence  }
0xb8: {  	s30 =	sld [smem:$0x0];
	_ =	sdelay $0x2  }
0xb9: {  	s31 =	sshll.u32 s1, $0xD;
	s1 =	sshrl.u32 s1, $0x2  }
0xba: {  	s3 =	sand.u32 $0x4000, s31;
	s1 =	sadd.s32 s1, s30  }
0xbb: {  	s0 =	sor.u32 s3, s0;
	s1 =	sshll.u32 s1, $0x11  }
0xbc: {  	s0 =	sor.u32 s1, s0  }
0xbd: {  	s0 =	sadd.s32 $0x8F2B, s0  }
0xbe: {  	[sflag:s0] =	ssyncadd.remote.s32 $0x1  }
0xbf: {  	_ =	sfence.sel $0xFFFF  }
0xc0: {  	[dreg:$0x0] =	wrdreg $0xFFFFFFFF;
	(pc) =	sbr.abs _section_cstart, $3  }
0xc1: {  	[dreg:$0x1] =	wrdreg $0xFFFFFFFF  }
0xc2: {  	_ =	task.clear_ibuf [dreg:s7], $0x2FFFF;
	_ =	strace $0x9FFFFFFF  }
0xc3: {  	(tm) =	ssettm $0x7FFFFFFF  }
tec
execute0_lowered:
.L_overlay_start_1:
0x0: {  	(tag) =	ssettag $0x1  }
0x1: {  	s1 =	rddreg [dreg:$0x0]  }
0x2: {  	s0 =	rddreg [dreg:$0x1]  }
0x3: {  	s2 =	rddreg [dreg:$0x2]  }
0x4: {  	s3 =	srdreg.scid;
	s4 =	simm.s32 $0x0;
	s9 =	stileid.u32  }
0x5: {  	s17 =	simm.s32 $0x2800;
	s18 =	simm.s32 $0x5;
	s19 =	simm.s32 $0x1  }
0x6: {  	s20 =	simm.s32 $0x1400;
	s28 =	simm.s32 $0x1480;
	s29 =	simm.s32 $0x4  }
0x7: {  	s30 =	simm.s32 $0x1380;
	s31 =	simm.s32 $0x2700;
	s3 =	sand.u32 $0x1, s3  }
0x8: {  	[smem:$0x7FF] =	sst s4;
	s6 =	smul.u32 $0x13C00, s9;
	s7 =	sadd.s32 $0xEA00, s0  }
0x9: {  	s14 =	sadd.s32 $0x4A00, s0;
	s21 =	smul.u32 $0x4E200, s9;
	s8 =	sadd.s32 $0x18A00, s0  }
0xa: {  	s5 =	smul.u32 $0x13C000, s3;
	_ =	strace $0x80000053;
	s22 =	sshll.u32 s3, $0x4  }
0xb: {  	[dreg:$0x4] =	wrdreg s8;
	s3 =	ssub.s32 $0x2, s3;
	s8 =	sor.u32 s9, s22  }
0xc: {  	s23 =	sshrl.u32 s3, $0x1;
	s22 =	simm.s32 $0x80;
	s5 =	sadd.s32 s6, s5  }
0xd: {  	s6 =	sshrl.u32 s21, $0x2;
	s10 =	smul.u32 $0x2800, s8;
	s3 =	ssub.s32 s3, s23  }
0xe: {  	s21 =	simm.s32 $0x7D;
	s23 =	simm.s32 $0x6800;
	s5 =	sshrl.u32 s5, $0x3  }
0xf: {  	s6 =	sadd.s32 s6, s2;
	s16 =	smax.u32 s3, $0x1;
	s3 =	simm.s32 $0x0  }
0x10: {  	s0 =	sadd.s32 s5, s0;
	s24 =	sadd.s32 $0x3E80, s6;
	s25 =	sadd.s32 $0x7D00, s6  }
0x11: {  	s9 =	sadd.s32 $0xBB80, s6;
	s26 =	sshrl.u32 s10, $0x3;
	[dreg:$0x5] =	wrdreg s24  }
0x12: {  	s10 =	sadd.s32 $0xFA00, s6;
	[dreg:$0x6] =	wrdreg s25;
	s11 =	sadd.s32 s7, s26  }
0x13: {  	s15 =	sadd.s32 $0x280, s26;
	s12 =	sadd.s32 s14, s26;
	s24 =	simm.s32 $0x3  }
0x14: {  	s25 =	simm.s32 $0x100;
	s26 =	simm.s32 $0x2;
	s13 =	sadd.s32 s7, s15  }
0x15: {  	s14 =	sadd.s32 s14, s15;
	s15 =	sadd.s32 $0x19200, s0;
	s0 =	simm.s32 $0x2780  }
.LBB2_1:
0x16: {  	s5 =	rddreg [dreg:$0x4]  }
0x17: {  	[tilespmem:s17], [sflag:$0x5] =	stream.linear.gather [hbm4b:s5+s4], $0x3E80, $0x38;
	[tilespmem:$0x1E080] =	vst v63  }
0x18: {  	_ =	swait.ge [sflag:s18], $0x3E80  }
0x19: {  	[sflag:s18] =	ssyncset.done $0x0  }
0x1a: {  	[sflag:s18] =	ssyncadd.s32 $0xFFFFC180  }
0x1b: {  	[spmem:s6] =	stream.linear.scatter [tilespmem:s17], [sflag:$0x1], $0x3E80, $0x38;
	[tilespmem:$0x1E080] =	vst v63  }
0x1c: {  	s8 =	rddreg [dreg:$0x5]  }
0x1d: {  	[spmem:s8] =	stream.linear.scatter [tilespmem:s17], [sflag:$0x1], $0x3E80, $0x38;
	[tilespmem:$0x1E080] =	vst v63  }
0x1e: {  	s7 =	rddreg [dreg:$0x6]  }
0x1f: {  	[spmem:s7] =	stream.linear.scatter [tilespmem:s17], [sflag:$0x1], $0x3E80, $0x38;
	[tilespmem:$0x1E080] =	vst v63  }
0x20: {  	_ = 	snop  }
0x21: {  	[spmem:s9] =	stream.linear.scatter [tilespmem:s17], [sflag:$0x1], $0x3E80, $0x38;
	[tilespmem:$0x1E080] =	vst v63  }
0x22: {  	_ = 	snop  }
0x23: {  	[spmem:s10] =	stream.linear.scatter [tilespmem:s17], [sflag:$0x1], $0x3E80, $0x38;
	[tilespmem:$0x1E080] =	vst v63  }
0x24: {  	_ =	swait.ge [sflag:s19], $0x3E80  }
0x25: {  	[sflag:s19] =	ssyncset.done $0x0  }
0x26: {  	[sflag:s19] =	ssyncadd.s32 $0xFFFFC180  }
0x27: {  	_ =	swait.ge [sflag:s19], $0x3E80  }
0x28: {  	[sflag:s19] =	ssyncset.done $0x0  }
0x29: {  	[sflag:s19] =	ssyncadd.s32 $0xFFFFC180  }
0x2a: {  	_ =	swait.ge [sflag:s19], $0x3E80  }
0x2b: {  	[sflag:s19] =	ssyncset.done $0x0  }
0x2c: {  	[sflag:s19] =	ssyncadd.s32 $0xFFFFC180  }
0x2d: {  	_ =	swait.ge [sflag:s19], $0x3E80  }
0x2e: {  	[sflag:s19] =	ssyncset.done $0x0  }
0x2f: {  	[sflag:s19] =	ssyncadd.s32 $0xFFFFC180  }
0x30: {  	_ =	swait.ge [sflag:s19], $0x3E80  }
0x31: {  	[sflag:s19] =	ssyncset.done $0x0  }
0x32: {  	[sflag:s19] =	ssyncadd.s32 $0xFFFFC180  }
0x33: {  	[bflag:$0x0] =	sbarrier.arrive $0xFFFF  }
0x34: {  	[tilespmem:s4], [sflag:$0x5] =	stream.linear.gather [hbm4b:s11+s4], $0x1400, $0x38;
	[tilespmem:$0x1E080] =	vst v63  }
0x35: {  	_ =	swait.ge [sflag:s18], $0x1400  }
0x36: {  	[sflag:s18] =	ssyncset.done $0x0  }
0x37: {  	[sflag:s18] =	ssyncadd.s32 $0xFFFFEC00  }
0x38: {  	[tilespmem:s20], [sflag:$0x5] =	stream.linear.gather [hbm4b:s12+s4], $0x1400, $0x38;
	[tilespmem:$0x1E080] =	vst v63  }
0x39: {  	_ =	swait.ge [sflag:s18], $0x1400  }
0x3a: {  	[sflag:s18] =	ssyncset.done $0x0  }
0x3b: {  	[sflag:s18] =	ssyncadd.s32 $0xFFFFEC00  }
0x3c: {  	[tilespmem:s17], [sflag:$0x1] =	stream.indirect.gather [hbm4b:s1+s21], $0x80, s4, s21, $0xb8;
	[tilespmem:$0x1E080] =	vst v63  }
0x3d: {  	_ =	swait.ge [sflag:s19], $0x3E80  }
0x3e: {  	[sflag:s19] =	ssyncset.done $0x0  }
0x3f: {  	[sflag:s19] =	ssyncadd.s32 $0xFFFFC180  }
0x40: {  	[tilespmem:s23], [sflag:$0x2] =	stream.indirect.gather [hbm4b:s1+s21], $0x80, s22, s21, $0xb8;
	[tilespmem:$0x1E080] =	vst v63  }
0x41: {  	_ = 	snop  }
0x42: {  	[spmem:s2] =	stream.indirect.scatter.add.f32 [tilespmem:s17], [sflag:$0x3], $0x80, s20, s21, $0xb8;
	[tilespmem:$0x1E080] =	vst v63  }
0x43: {  	_ =	swait.ge [sflag:s24], $0x3E80  }
0x44: {  	[sflag:s24] =	ssyncset.done $0x0  }
0x45: {  	[sflag:s24] =	ssyncadd.s32 $0xFFFFC180  }
0x46: {  	[tilespmem:s17], [sflag:$0x1] =	stream.indirect.gather [hbm4b:s1+s21], $0x80, s25, s21, $0xb8;
	[tilespmem:$0x1E080] =	vst v63  }
0x47: {  	_ =	swait.ge [sflag:s26], $0x3E80  }
0x48: {  	[sflag:s26] =	ssyncset.done $0x0  }
0x49: {  	[sflag:s26] =	ssyncadd.s32 $0xFFFFC180  }
0x4a: {  	[spmem:s2] =	stream.indirect.scatter.add.f32 [tilespmem:s23], [sflag:$0x4], $0x80, s28, s21, $0xb8;
	[tilespmem:$0x1E080] =	vst v63  }
0x4b: {  	_ =	swait.ge [sflag:s29], $0x3E80  }
0x4c: {  	[sflag:s29] =	ssyncset.done $0x0  }
0x4d: {  	[sflag:s29] =	ssyncadd.s32 $0xFFFFC180  }
0x4e: {  	_ =	swait.ge [sflag:s19], $0x3E80  }
0x4f: {  	[sflag:s19] =	ssyncset.done $0x0  }
0x50: {  	s8 =	simm.s32 $0x180;
	[sflag:s19] =	ssyncadd.s32 $0xFFFFC180  }
0x51: {  	[tilespmem:s23], [sflag:$0x2] =	stream.indirect.gather [hbm4b:s1+s21], $0x80, s8, s21, $0xb8;
	[tilespmem:$0x1E080] =	vst v63  }
0x52: {  	s7 =	simm.s32 $0x1500  }
0x53: {  	[spmem:s2] =	stream.indirect.scatter.add.f32 [tilespmem:s17], [sflag:$0x3], $0x80, s7, s21, $0xb8;
	[tilespmem:$0x1E080] =	vst v63  }
0x54: {  	_ =	swait.ge [sflag:s24], $0x3E80  }
0x55: {  	[sflag:s24] =	ssyncset.done $0x0  }
0x56: {  	s8 =	simm.s32 $0x200;
	[sflag:s24] =	ssyncadd.s32 $0xFFFFC180  }
0x57: {  	[tilespmem:s17], [sflag:$0x1] =	stream.indirect.gather [hbm4b:s1+s21], $0x80, s8, s21, $0xb8;
	[tilespmem:$0x1E080] =	vst v63  }
0x58: {  	_ =	swait.ge [sflag:s26], $0x3E80  }
0x59: {  	[sflag:s26] =	ssyncset.done $0x0  }
0x5a: {  	s5 =	simm.s32 $0xFFFFBC00;
	s7 =	simm.s32 $0x1580;
	[sflag:s26] =	ssyncadd.s32 $0xFFFFC180  }
.LBB2_2:
0x5b: {  	[spmem:s2] =	stream.indirect.scatter.add.f32 [tilespmem:s23], [sflag:$0x4], $0x80, s7, s21, $0xb8;
	[tilespmem:$0x1E080] =	vst v63  }
0x5c: {  	s7 =	smov.u32 s5  }
0x5d: {  	p0 =	sne.s32 s5, $0xFFFFFC00;
	s5 =	sadd.s32 $0x400, s5;
	_ =	swait.ge [sflag:s29], $0x3E80  }
0x5e: {  	[sflag:s29] =	ssyncset.done $0x0  }
0x5f: {  	[sflag:s29] =	ssyncadd.s32 $0xFFFFC180  }
0x60: {  	_ =	swait.ge [sflag:s19], $0x3E80  }
0x61: {  	s7 =	sshra.s32 s7, $0x2;
	[sflag:s19] =	ssyncset.done $0x0  }
0x62: {  	s8 =	sadd.s32 $0x1380, s7;
	[sflag:s19] =	ssyncadd.s32 $0xFFFFC180  }
0x63: {  	[tilespmem:s23], [sflag:$0x2] =	stream.indirect.gather [hbm4b:s1+s21], $0x80, s8, s21, $0xb8;
	[tilespmem:$0x1E080] =	vst v63  }
0x64: {  	s8 =	sadd.s32 $0x2700, s7  }
0x65: {  	[spmem:s2] =	stream.indirect.scatter.add.f32 [tilespmem:s17], [sflag:$0x3], $0x80, s8, s21, $0xb8;
	[tilespmem:$0x1E080] =	vst v63  }
0x66: {  	_ =	swait.ge [sflag:s24], $0x3E80  }
0x67: {  	[sflag:s24] =	ssyncset.done $0x0  }
.Ltmp0:
0x68: {  	s8 =	sadd.s32 $0x1400, s7;
	[sflag:s24] =	ssyncadd.s32 $0xFFFFC180;
	(pc) =	sbr.rel @p0 .LBB2_2-.Ltmp0, $4  }
0x69: {  	[tilespmem:s17], [sflag:$0x1] =	stream.indirect.gather [hbm4b:s1+s21], $0x80, s8, s21, $0xb8;
	[tilespmem:$0x1E080] =	vst v63  }
0x6a: {  	_ =	swait.ge [sflag:s26], $0x3E80  }
0x6b: {  	[sflag:s26] =	ssyncset.done $0x0  }
0x6c: {  	s7 =	sadd.s32 $0x2780, s7;
	[sflag:s26] =	ssyncadd.s32 $0xFFFFC180  }
0x6d: {  	[spmem:s2] =	stream.indirect.scatter.add.f32 [tilespmem:s23], [sflag:$0x4], $0x80, s7, s21, $0xb8;
	[tilespmem:$0x1E080] =	vst v63  }
0x6e: {  	_ =	swait.ge [sflag:s29], $0x3E80  }
0x6f: {  	[sflag:s29] =	ssyncset.done $0x0  }
0x70: {  	[sflag:s29] =	ssyncadd.s32 $0xFFFFC180  }
0x71: {  	_ =	swait.ge [sflag:s19], $0x3E80  }
0x72: {  	[sflag:s19] =	ssyncset.done $0x0  }
0x73: {  	[sflag:s19] =	ssyncadd.s32 $0xFFFFC180  }
0x74: {  	[tilespmem:s23], [sflag:$0x2] =	stream.indirect.gather [hbm4b:s1+s21], $0x80, s30, s21, $0xb8;
	[tilespmem:$0x1E080] =	vst v63  }
0x75: {  	_ = 	snop  }
0x76: {  	[spmem:s2] =	stream.indirect.scatter.add.f32 [tilespmem:s17], [sflag:$0x3], $0x80, s31, s21, $0xb8;
	[tilespmem:$0x1E080] =	vst v63  }
0x77: {  	_ =	swait.ge [sflag:s26], $0x3E80  }
0x78: {  	[sflag:s26] =	ssyncset.done $0x0  }
0x79: {  	[sflag:s26] =	ssyncadd.s32 $0xFFFFC180  }
0x7a: {  	[spmem:s2] =	stream.indirect.scatter.add.f32 [tilespmem:s23], [sflag:$0x4], $0x80, s0, s21, $0xb8;
	[tilespmem:$0x1E080] =	vst v63  }
0x7b: {  	_ =	swait.ge [sflag:s24], $0x3E80  }
0x7c: {  	[sflag:s24] =	ssyncset.done $0x0  }
0x7d: {  	[sflag:s24] =	ssyncadd.s32 $0xFFFFC180  }
0x7e: {  	_ =	swait.ge [sflag:s29], $0x3E80  }
0x7f: {  	[sflag:s29] =	ssyncset.done $0x0  }
0x80: {  	[sflag:s29] =	ssyncadd.s32 $0xFFFFC180  }
0x81: {  	[tilespmem:s4], [sflag:$0x5] =	stream.linear.gather [hbm4b:s13+s4], $0x1400, $0x38;
	[tilespmem:$0x1E080] =	vst v63  }
0x82: {  	_ =	swait.ge [sflag:s18], $0x1400  }
0x83: {  	[sflag:s18] =	ssyncset.done $0x0  }
0x84: {  	[sflag:s18] =	ssyncadd.s32 $0xFFFFEC00  }
0x85: {  	[tilespmem:s20], [sflag:$0x5] =	stream.linear.gather [hbm4b:s14+s4], $0x1400, $0x38;
	[tilespmem:$0x1E080] =	vst v63  }
0x86: {  	_ =	swait.ge [sflag:s18], $0x1400  }
0x87: {  	[sflag:s18] =	ssyncset.done $0x0  }
0x88: {  	[sflag:s18] =	ssyncadd.s32 $0xFFFFEC00  }
0x89: {  	[tilespmem:s17], [sflag:$0x1] =	stream.indirect.gather [hbm4b:s1+s21], $0x80, s4, s21, $0xb8;
	[tilespmem:$0x1E080] =	vst v63  }
0x8a: {  	_ =	swait.ge [sflag:s19], $0x3E80  }
0x8b: {  	[sflag:s19] =	ssyncset.done $0x0  }
0x8c: {  	[sflag:s19] =	ssyncadd.s32 $0xFFFFC180  }
0x8d: {  	[tilespmem:s23], [sflag:$0x2] =	stream.indirect.gather [hbm4b:s1+s21], $0x80, s22, s21, $0xb8;
	[tilespmem:$0x1E080] =	vst v63  }
0x8e: {  	_ = 	snop  }
0x8f: {  	[spmem:s2] =	stream.indirect.scatter.add.f32 [tilespmem:s17], [sflag:$0x3], $0x80, s20, s21, $0xb8;
	[tilespmem:$0x1E080] =	vst v63  }
0x90: {  	_ =	swait.ge [sflag:s24], $0x3E80  }
0x91: {  	[sflag:s24] =	ssyncset.done $0x0  }
0x92: {  	[sflag:s24] =	ssyncadd.s32 $0xFFFFC180  }
0x93: {  	[tilespmem:s17], [sflag:$0x1] =	stream.indirect.gather [hbm4b:s1+s21], $0x80, s25, s21, $0xb8;
	[tilespmem:$0x1E080] =	vst v63  }
0x94: {  	_ =	swait.ge [sflag:s26], $0x3E80  }
0x95: {  	[sflag:s26] =	ssyncset.done $0x0  }
0x96: {  	[sflag:s26] =	ssyncadd.s32 $0xFFFFC180  }
0x97: {  	[spmem:s2] =	stream.indirect.scatter.add.f32 [tilespmem:s23], [sflag:$0x4], $0x80, s28, s21, $0xb8;
	[tilespmem:$0x1E080] =	vst v63  }
0x98: {  	_ =	swait.ge [sflag:s29], $0x3E80  }
0x99: {  	[sflag:s29] =	ssyncset.done $0x0  }
0x9a: {  	[sflag:s29] =	ssyncadd.s32 $0xFFFFC180  }
0x9b: {  	_ =	swait.ge [sflag:s19], $0x3E80  }
0x9c: {  	[sflag:s19] =	ssyncset.done $0x0  }
0x9d: {  	s5 =	simm.s32 $0x180;
	[sflag:s19] =	ssyncadd.s32 $0xFFFFC180  }
0x9e: {  	[tilespmem:s23], [sflag:$0x2] =	stream.indirect.gather [hbm4b:s1+s21], $0x80, s5, s21, $0xb8;
	[tilespmem:$0x1E080] =	vst v63  }
0x9f: {  	s7 =	simm.s32 $0x1500  }
0xa0: {  	[spmem:s2] =	stream.indirect.scatter.add.f32 [tilespmem:s17], [sflag:$0x3], $0x80, s7, s21, $0xb8;
	[tilespmem:$0x1E080] =	vst v63  }
0xa1: {  	_ =	swait.ge [sflag:s24], $0x3E80  }
0xa2: {  	[sflag:s24] =	ssyncset.done $0x0  }
0xa3: {  	s8 =	simm.s32 $0x200;
	[sflag:s24] =	ssyncadd.s32 $0xFFFFC180  }
0xa4: {  	[tilespmem:s17], [sflag:$0x1] =	stream.indirect.gather [hbm4b:s1+s21], $0x80, s8, s21, $0xb8;
	[tilespmem:$0x1E080] =	vst v63  }
0xa5: {  	_ =	swait.ge [sflag:s26], $0x3E80  }
0xa6: {  	[sflag:s26] =	ssyncset.done $0x0  }
0xa7: {  	s5 =	simm.s32 $0xFFFFBC00;
	s7 =	simm.s32 $0x1580;
	[sflag:s26] =	ssyncadd.s32 $0xFFFFC180  }
.LBB2_4:
0xa8: {  	[spmem:s2] =	stream.indirect.scatter.add.f32 [tilespmem:s23], [sflag:$0x4], $0x80, s7, s21, $0xb8;
	[tilespmem:$0x1E080] =	vst v63  }
0xa9: {  	s7 =	smov.u32 s5  }
0xaa: {  	p0 =	sne.s32 s5, $0xFFFFFC00;
	s5 =	sadd.s32 $0x400, s5;
	_ =	swait.ge [sflag:s29], $0x3E80  }
0xab: {  	[sflag:s29] =	ssyncset.done $0x0  }
0xac: {  	[sflag:s29] =	ssyncadd.s32 $0xFFFFC180  }
0xad: {  	_ =	swait.ge [sflag:s19], $0x3E80  }
0xae: {  	s7 =	sshra.s32 s7, $0x2;
	[sflag:s19] =	ssyncset.done $0x0  }
0xaf: {  	s8 =	sadd.s32 $0x1380, s7;
	[sflag:s19] =	ssyncadd.s32 $0xFFFFC180  }
0xb0: {  	[tilespmem:s23], [sflag:$0x2] =	stream.indirect.gather [hbm4b:s1+s21], $0x80, s8, s21, $0xb8;
	[tilespmem:$0x1E080] =	vst v63  }
0xb1: {  	s8 =	sadd.s32 $0x2700, s7  }
0xb2: {  	[spmem:s2] =	stream.indirect.scatter.add.f32 [tilespmem:s17], [sflag:$0x3], $0x80, s8, s21, $0xb8;
	[tilespmem:$0x1E080] =	vst v63  }
0xb3: {  	_ =	swait.ge [sflag:s24], $0x3E80  }
0xb4: {  	[sflag:s24] =	ssyncset.done $0x0  }
.Ltmp1:
0xb5: {  	s8 =	sadd.s32 $0x1400, s7;
	[sflag:s24] =	ssyncadd.s32 $0xFFFFC180;
	(pc) =	sbr.rel @p0 .LBB2_4-.Ltmp1, $4  }
0xb6: {  	[tilespmem:s17], [sflag:$0x1] =	stream.indirect.gather [hbm4b:s1+s21], $0x80, s8, s21, $0xb8;
	[tilespmem:$0x1E080] =	vst v63  }
0xb7: {  	_ =	swait.ge [sflag:s26], $0x3E80  }
0xb8: {  	[sflag:s26] =	ssyncset.done $0x0  }
0xb9: {  	s7 =	sadd.s32 $0x2780, s7;
	[sflag:s26] =	ssyncadd.s32 $0xFFFFC180  }
0xba: {  	[spmem:s2] =	stream.indirect.scatter.add.f32 [tilespmem:s23], [sflag:$0x4], $0x80, s7, s21, $0xb8;
	[tilespmem:$0x1E080] =	vst v63  }
0xbb: {  	_ =	swait.ge [sflag:s29], $0x3E80  }
0xbc: {  	[sflag:s29] =	ssyncset.done $0x0  }
0xbd: {  	[sflag:s29] =	ssyncadd.s32 $0xFFFFC180  }
0xbe: {  	_ =	swait.ge [sflag:s19], $0x3E80  }
0xbf: {  	[sflag:s19] =	ssyncset.done $0x0  }
0xc0: {  	[sflag:s19] =	ssyncadd.s32 $0xFFFFC180  }
0xc1: {  	[tilespmem:s23], [sflag:$0x2] =	stream.indirect.gather [hbm4b:s1+s21], $0x80, s30, s21, $0xb8;
	[tilespmem:$0x1E080] =	vst v63  }
0xc2: {  	_ = 	snop  }
0xc3: {  	[spmem:s2] =	stream.indirect.scatter.add.f32 [tilespmem:s17], [sflag:$0x3], $0x80, s31, s21, $0xb8;
	[tilespmem:$0x1E080] =	vst v63  }
0xc4: {  	_ =	swait.ge [sflag:s26], $0x3E80  }
0xc5: {  	[sflag:s26] =	ssyncset.done $0x0  }
0xc6: {  	[sflag:s26] =	ssyncadd.s32 $0xFFFFC180  }
0xc7: {  	[spmem:s2] =	stream.indirect.scatter.add.f32 [tilespmem:s23], [sflag:$0x4], $0x80, s0, s21, $0xb8;
	[tilespmem:$0x1E080] =	vst v63  }
0xc8: {  	_ =	swait.ge [sflag:s24], $0x3E80  }
0xc9: {  	[sflag:s24] =	ssyncset.done $0x0  }
0xca: {  	[sflag:s24] =	ssyncadd.s32 $0xFFFFC180  }
0xcb: {  	s5 =	stileid.u32;
	_ =	swait.ge [sflag:s29], $0x3E80  }
0xcc: {  	s8 =	sshrl.u32 s6, $0x3;
	s3 =	sadd.s32 $0x1, s3;
	[sflag:s29] =	ssyncset.done $0x0  }
0xcd: {  	s5 =	sshll.u32 s5, $0x6;
	p0 =	sne.s32 s3, s16;
	[sflag:s29] =	ssyncadd.s32 $0xFFFFC180  }
.Ltmp2:
0xce: {  	s5 =	sor.u32 $0x1C05, s5;
	[bflag:$0x0] =	sbarrier.arrive $0xFFFF;
	(pc) =	sbr.rel @p0 .LBB2_1-.Ltmp2, $4  }
0xcf: {  	[hbm:s15], [sflag:s5] =	dma.local [spmem:s8], $0x2710  }
0xd0: {  	_ =	swait.ge [sflag:s18], $0x2710  }
0xd1: {  	[sflag:s18] =	ssyncset.done $0x0  }
0xd2: {  	[sflag:s18] =	ssyncadd.s32 $0xFFFFD8F0  }
0xd3: {  	_ =	sfence.sel $0x180000  }
0xd4: {  	[bflag:$0x0] =	sbarrier.arrive $0xFFFF  }
0xd5: {  	_ =	strace $0x90000053  }
0xd6: {  	s0 =	stileid.u32;
	[bflag:$0x2] =	sbarrier.arrive $0xFFFF  }
0xd7: {  	p0 =	sne.s32 s0, $0x0;
	s0 =	rddreg [dreg:$0x3]  }
0xd8: {  	s0 =	sadd.s32 @!p0 $0x100000, s0  }
0xd9: {  	[sflag:s0] =	ssyncadd.tile.s32 @!p0 $0x1;
	_ =	shalt  }
.Lfunc_end2:
_tile_overlayer_lowered:
.L_overlay_start_2:
0xda: {  	(tag) =	ssettag $0x2  }
0xdb: {  	s0 =	rddreg [dreg:$0x0];
	s2 =	stileid.u32  }
0xdc: {  	s1 =	rddreg [dreg:$0x1];
	p0 =	sne.s32 s2, $0x0  }
0xdd: {  	s3 =	rddreg [dreg:$0x2];
	[bflag:$0x3] =	sbarrier.arrive $0xFFFF;
	s2 =	simm.s32 @!p0 $0x1C05  }
0xde: {  	[timem:s3], [sflag:s2] =	dma.local @!p0 [hbm:s0], s1  }
0xdf: {  	s0 =	simm.s32 @!p0 $0x5  }
0xe0: {  	_ =	swait.ge @!p0 [sflag:s0], s1  }
0xe1: {  	s1 =	ssub.s32 @!p0 $0x0, s1;
	[sflag:s0] =	ssyncset.done @!p0 $0x0  }
0xe2: {  	[sflag:s0] =	ssyncadd.s32 @!p0 s1  }
0xe3: {  	[bflag:$0x3] =	sbarrier.arrive $0xFFFF  }
0xe4: {  	_ =	shalt  }

// kernel: kernel.9.cloned.1.call-start
scs
__scs_entry_jumppad:
0x0: {  	(pc) =	sbr.rel $0x88, $3  }
0x1: {  	(tag) =	ssettag $0x0;
	lr =	simm.s32 $0x1  }
0x2: {  	[smem:$0x3F98] =	sst lr;
	_ =	strace $0xD0000000  }
0x3: {  	_ = 	snop  }
0x4: {  	_ = 	snop  }
0x5: {  	_ = 	snop  }
0x6: {  	_ = 	snop  }
0x7: {  	_ = 	snop  }
__scs_overlays_trampoline_lowered:
0x8: {  	[smem:$0x3FA7] =	sst s0  }
0x9: {  	[smem:$0x3FA8] =	sst s1  }
0xa: {  	[smem:$0x3FA9] =	sst s2  }
0xb: {  	[smem:$0x3FAA] =	sst s3  }
0xc: {  	[smem:$0x3FAB] =	sst s4  }
0xd: {  	[smem:$0x3FAC] =	sst s5  }
0xe: {  	[smem:$0x3FAD] =	sst s6  }
0xf: {  	[smem:$0x3FAE] =	sst s7  }
0x10: {  	[smem:$0x3FAF] =	sst s8  }
0x11: {  	[smem:$0x3FB0] =	sst s9;
	s0 =	simm.s32 @!p0 $0x0  }
0x12: {  	s1 =	sld [smem:$0x3F96];
	s0 =	simm.s32 @p0 $0x1  }
0x13: {  	[smem:$0x3FB1] =	sst s0;
	s0 =	simm.s32 @!p1 $0x0  }
0x14: {  	s2 =	sld [smem:$0x3F95];
	s0 =	simm.s32 @p1 $0x1  }
0x15: {  	[smem:$0x3FB2] =	sst s0;
	s0 =	simm.s32 @!p2 $0x0  }
0x16: {  	s3 =	sld [smem:$0x3FDB];
	s0 =	simm.s32 @p2 $0x1  }
0x17: {  	s4 =	simm.s32 $0x1BF5;
	[smem:$0x3FB4] =	sst s0  }
0x18: {  	s0 =	sld [smem:$0x3F97];
	_ =	swait.ge [sflag:s4], $0x0  }
0x19: {  	s7 =	sld [smem:$0x3F98]  }
0x1a: {  	s8 =	sadd.s32 $0xFFFFE003, lr  }
0x1b: {  	s9 =	sadd.s32 $0xFFFFFEF7, lr;
	s5 =	simm.s32 $0xFFFFFFFF;
	p2 =	slt.u32 s8, $0xFFFFF086  }
0x1c: {  	p1 =	slt.u32 s9, $0xF7A;
	s5 =	simm.s32 @!p2 $0x0  }
0x1d: {  	s5 =	simm.s32 @p1 $0x1;
	p0 =	seq.s32 s7, s2  }
0x1e: {  	s7 =	smul.u32 @!p0 $0xF7A, s2;
	p2 =	seq.s32 @!p0 s5, $0x0  }
0x1f: {  	s9 =	smul.u32 $0xF7A, s1;
	s8 =	simm.s32 @!p0 $0x1BF5;
	p2 =	por !p2, p0  }
0x20: {  	[sflag:s8] =	ssyncset.s32 @!p0 $0xFFFFF086;
	s6 =	sadd.s32 @!p0 s3, s7;
	s7 =	simm.s32 @!p0 $0x108  }
0x21: {  	s3 =	sadd.s32 s3, s9;
	s6 =	sadd.s32 @!p0 $0x88, s6;
	s7 =	simm.s32 @p2 $0x1082  }
0x22: {  	[simem:s7], [sflag:s8] =	dma.local @!p0 [hbm:s6], $0xF7A  }
0x23: {  	s9 =	sor.u32 $0xD0000000, s2;
	s6 =	simm.s32 $0x108;
	_ =	swait.ge @!p0 [sflag:s8], $0x0  }
0x24: {  	s3 =	sadd.s32 $0x88, s3;
	s6 =	simm.s32 @!p1 $0x1082;
	[sflag:s4] =	ssyncset.s32 $0xFFFFF086  }
0x25: {  	[simem:s6], [sflag:s4] =	dma.local [hbm:s3], $0xF7A  }
0x26: {  	[smem:$0x3F98] =	sst s1;
	(tag) =	ssettag s2;
	_ =	strace s9  }
0x27: {  	s1 =	sld [smem:$0x3FA8]  }
0x28: {  	s2 =	sld [smem:$0x3FA9]  }
0x29: {  	s4 =	sld [smem:$0x3FAB]  }
0x2a: {  	p0 =	seq.s32 s5, $0x0;
	s5 =	sld [smem:$0x3FAC]  }
0x2b: {  	s6 =	sld [smem:$0x3FAD]  }
0x2c: {  	s7 =	sld [smem:$0x3FAE]  }
0x2d: {  	s3 =	simm.s32 $0x108;
	s8 =	sld [smem:$0x3FAF]  }
0x2e: {  	s3 =	simm.s32 @!p0 $0x1082;
	s9 =	sld [smem:$0x3FB0]  }
0x2f: {  	lr =	sadd.s32 s0, s3;
	s0 =	sld [smem:$0x3FA7]  }
0x30: {  	s3 =	sld [smem:$0x3FAA]  }
0x31: {  	[smem:$0x3FB3] =	sst s10  }
0x32: {  	s10 =	sld [smem:$0x3FB1];
	_ =	sdelay $0x3  }
0x33: {  	p0 =	seq.s32 s10, $0x1;
	s10 =	sld [smem:$0x3FB3];
	_ =	sdelay $0x3  }
0x34: {  	[smem:$0x3FB3] =	sst s10  }
0x35: {  	s10 =	sld [smem:$0x3FB2];
	_ =	sdelay $0x3  }
0x36: {  	p1 =	seq.s32 s10, $0x1;
	s10 =	sld [smem:$0x3FB3];
	_ =	sdelay $0x3  }
0x37: {  	[smem:$0x3FB3] =	sst s10  }
0x38: {  	s10 =	sld [smem:$0x3FB4]  }
0x39: {  	_ = 	snop;
	(pc) =	sbr.ind lr, $3  }
0x3a: {  	_ = 	snop  }
0x3b: {  	_ = 	snop  }
0x3c: {  	p2 =	seq.s32 s10, $0x1;
	s10 =	sld [smem:$0x3FB3]  }
0x3d: {  	_ =	shalt  }
0x3e: {  	_ =	shalt  }
0x3f: {  	_ =	shalt  }
0x40: {  	_ =	shalt  }
0x41: {  	_ =	shalt  }
0x42: {  	_ =	shalt  }
0x43: {  	_ =	shalt  }
0x44: {  	_ =	shalt  }
0x45: {  	_ =	shalt  }
0x46: {  	_ =	shalt  }
0x47: {  	_ =	shalt  }
0x48: {  	_ =	shalt  }
0x49: {  	_ =	shalt  }
0x4a: {  	_ =	shalt  }
0x4b: {  	_ =	shalt  }
0x4c: {  	_ =	shalt  }
0x4d: {  	_ =	shalt  }
0x4e: {  	_ =	shalt  }
0x4f: {  	_ =	shalt  }
0x50: {  	_ =	shalt  }
0x51: {  	_ =	shalt  }
0x52: {  	_ =	shalt  }
0x53: {  	_ =	shalt  }
0x54: {  	_ =	shalt  }
0x55: {  	_ =	shalt  }
0x56: {  	_ =	shalt  }
0x57: {  	_ =	shalt  }
0x58: {  	_ =	shalt  }
0x59: {  	_ =	shalt  }
0x5a: {  	_ =	shalt  }
0x5b: {  	_ =	shalt  }
0x5c: {  	_ =	shalt  }
0x5d: {  	_ =	shalt  }
0x5e: {  	_ =	shalt  }
0x5f: {  	_ =	shalt  }
0x60: {  	_ =	shalt  }
0x61: {  	_ =	shalt  }
0x62: {  	_ =	shalt  }
0x63: {  	_ =	shalt  }
0x64: {  	_ =	shalt  }
0x65: {  	_ =	shalt  }
0x66: {  	_ =	shalt  }
0x67: {  	_ =	shalt  }
0x68: {  	_ =	shalt  }
0x69: {  	_ =	shalt  }
0x6a: {  	_ =	shalt  }
0x6b: {  	_ =	shalt  }
0x6c: {  	_ =	shalt  }
0x6d: {  	_ =	shalt  }
0x6e: {  	_ =	shalt  }
0x6f: {  	_ =	shalt  }
0x70: {  	_ =	shalt  }
0x71: {  	_ =	shalt  }
0x72: {  	_ =	shalt  }
0x73: {  	_ =	shalt  }
0x74: {  	_ =	shalt  }
0x75: {  	_ =	shalt  }
0x76: {  	_ =	shalt  }
0x77: {  	_ =	shalt  }
0x78: {  	_ =	shalt  }
0x79: {  	_ =	shalt  }
0x7a: {  	_ =	shalt  }
0x7b: {  	_ =	shalt  }
0x7c: {  	_ =	shalt  }
0x7d: {  	_ =	shalt  }
0x7e: {  	_ =	shalt  }
0x7f: {  	_ =	shalt  }
0x80: {  	_ =	shalt  }
0x81: {  	_ =	shalt  }
0x82: {  	_ =	shalt  }
0x83: {  	_ =	shalt  }
0x84: {  	_ =	shalt  }
0x85: {  	_ =	shalt  }
0x86: {  	_ =	shalt  }
0x87: {  	_ =	shalt  }
.Lfunc_end0:
.L_simem_size_0:
called_computation_lowered:
.L_overlay_start_0:
0x88: {  	s2 =	sld [smem:$0x3FD9]  }
0x89: {  	s3 =	sld [smem:$0x3FFE];
	_ =	sdelay $0x1  }
0x8a: {  	s1 =	srdreg.scid  }
0x8b: {  	s0 =	sand.u32 $0x1, s1  }
0x8c: {  	s17 =	sshll.u32 s0, $0xA;
	s2 =	sadd.s32 s3, s2  }
0x8d: {  	s2 =	sadd.s32 s2, s17  }
0x8e: {  	[smem:$0x3FBF] =	sst s2  }
0x8f: {  	_ = 	snop  }
0x90: {  	s2 =	sld [smem:$0x3FD0];
	(tm) =	ssettm $0x1  }
0x91: {  	s18 =	sld [smem:$0x3FFB];
	_ =	sdelay $0x3  }
0x92: {  	_ =	strace s18  }
0x93: {  	s3 =	sld [smem:$0x3FFC];
	_ =	sdelay $0x3  }
0x94: {  	_ =	strace s3  }
0x95: {  	s3 =	sld [smem:$0x3FFD];
	_ =	sdelay $0x3  }
0x96: {  	_ =	strace s3  }
0x97: {  	_ =	strace $0x8FFFFFFF  }
0x98: {  	s19 =	sld [smem:$0x3FDB];
	_ =	sdelay $0x1  }
0x99: {  	s4 =	simm.s32 $_scs_section_size  }
0x9a: {  	s5 =	simm.s32 $_size__tile_overlayer_lowered;
	s6 =	simm.s32 $_tile_overlayer_lowered  }
0x9b: {  	s22 =	simm.s32 $0x1BFF;
	s21 =	sshll.u32 s6, $0x1;
	s3 =	sadd.s32 s4, s19  }
0x9c: {  	s7 =	simm.s32 $0x0;
	s20 =	sshll.u32 s5, $0x1;
	s5 =	sadd.s32 s21, s3  }
0x9d: {  	[timem:s7], [sflag:s22] =	dma.local [hbm:s5], s20  }
0x9e: {  	_ =	swait.ge [sflag:s22], s20  }
0x9f: {  	s4 =	ssub.s32 $0x0, s20;
	[sflag:s22] =	ssyncset.done $0x0  }
0xa0: {  	[sflag:s22] =	ssyncadd.s32 s4;
	_ =	sdelay $0x1  }
0xa1: {  	s23 =	simm.s32 $0x1B8B  }
0xa2: {  	_ =	swait.ge [sflag:s23], $0x1  }
0xa3: {  	[sflag:s23] =	ssyncset.done $0x0  }
0xa4: {  	s25 =	simm.s32 $0x1B8E;
	s24 =	sld [smem:$0x3FFE];
	[sflag:s23] =	ssyncadd.s32 $0xFFFFFFFF  }
0xa5: {  	s26 =	simm.s32 $execute0_lowered;
	[smem:$0x3FD2] =	sst s25  }
0xa6: {  	s5 =	sshll.u32 s26, $0x1;
	_ =	strace $0x80000046;
	[dreg:$0x1] =	wrdreg $0xFFFFFFFF  }
0xa7: {  	s28 =	simm.s32 $_size_execute0_lowered;
	s3 =	sadd.s32 s3, s5;
	[dreg:$0x0] =	wrdreg $0x0  }
0xa8: {  	s5 =	sshll.u32 s28, $0x1;
	[dreg:$0x2] =	wrdreg s3  }
0xa9: {  	[dreg:$0x3] =	wrdreg s5  }
0xaa: {  	[dreg:$0x4] =	wrdreg $0xC0  }
0xab: {  	_ =	task [dreg:s7], $0x5FFFF  }
0xac: {  	[dreg:$0x1] =	wrdreg $0xFFFFFFFF  }
0xad: {  	[dreg:$0x0] =	wrdreg $0x60  }
0xae: {  	[dreg:$0x2] =	wrdreg s24  }
0xaf: {  	[dreg:$0x3] =	wrdreg s2  }
0xb0: {  	[dreg:$0x4] =	wrdreg $0x7B000  }
0xb1: {  	[dreg:$0x5] =	wrdreg $0x7D800  }
0xb2: {  	[dreg:$0x6] =	wrdreg $0x9  }
0xb3: {  	_ =	task.clear_ibuf [dreg:s7], $0x7FFFF;
	_ =	strace $0x90000046  }
0xb4: {  	s29 =	simm.s32 $0x9;
	_ =	strace $0x80000048  }
0xb5: {  	_ =	swait.ge [sflag:s29], $0x1  }
0xb6: {  	[sflag:s29] =	ssyncadd.s32 $0xFFFFFFFF  }
0xb7: {  	_ =	strace $0x90000048  }
0xb8: {  	_ =	sfence  }
0xb9: {  	s30 =	sld [smem:$0x0];
	_ =	sdelay $0x2  }
0xba: {  	s31 =	sshll.u32 s1, $0xD;
	s1 =	sshrl.u32 s1, $0x2  }
0xbb: {  	s3 =	sand.u32 $0x4000, s31;
	s1 =	sadd.s32 s1, s30  }
0xbc: {  	s0 =	sor.u32 s3, s0;
	s1 =	sshll.u32 s1, $0x11  }
0xbd: {  	s0 =	sor.u32 s1, s0  }
0xbe: {  	s0 =	sadd.s32 $0x8F2B, s0  }
0xbf: {  	[sflag:s0] =	ssyncadd.remote.s32 $0x1  }
0xc0: {  	_ =	sfence.sel $0xFFFF  }
0xc1: {  	[dreg:$0x0] =	wrdreg $0xFFFFFFFF;
	(pc) =	sbr.abs _section_cstart, $3  }
0xc2: {  	[dreg:$0x1] =	wrdreg $0xFFFFFFFF  }
0xc3: {  	_ =	task.clear_ibuf [dreg:s7], $0x2FFFF;
	_ =	strace $0x9FFFFFFF  }
0xc4: {  	(tm) =	ssettm $0x7FFFFFFF  }
0xc5: {  	_ =	shalt  }
tec
execute0_lowered:
.L_overlay_start_1:
0x0: {  	(tag) =	ssettag $0x1  }
0x1: {  	s7 =	rddreg [dreg:$0x0]  }
0x2: {  	s11 =	rddreg [dreg:$0x1]  }
0x3: {  	s2 =	rddreg [dreg:$0x2]  }
0x4: {  	s0 =	srdreg.scid;
	s3 =	rddreg [dreg:$0x3]  }
0x5: {  	s1 =	stileid.u32;
	s4 =	simm.s32 $0x0;
	s20 =	simm.s32 $0x7D  }
0x6: {  	s21 =	simm.s32 $0x1;
	s12 =	sand.u32 $0x1, s0;
	s0 =	rddreg [dreg:$0x4]  }
0x7: {  	s23 =	simm.s32 $0x0;
	[smem:$0x7FF] =	sst s4;
	s6 =	sadd.s32 $0x18A00, s7  }
0x8: {  	s14 =	sadd.s32 $0x18E00, s7;
	s15 =	smul.u32 $0x280, s1;
	s16 =	sadd.s32 $0x19400, s7  }
0x9: {  	s17 =	sadd.s32 $0x19A00, s7;
	s18 =	sadd.s32 $0x1A000, s7;
	s22 =	sshll.u32 s1, $0x6  }
0xa: {  	s5 =	sshll.u32 s12, $0x4;
	_ =	strace $0x80000047;
	s8 =	ssub.s32 $0x2, s12  }
0xb: {  	p0 =	seq.s32 s12, $0x1;
	s22 =	sor.u32 $0x1C02, s22;
	s5 =	sor.u32 s1, s5  }
0xc: {  	s9 =	sshrl.u32 s8, $0x1;
	s14 =	smov.u32 @p0 s17;
	s16 =	smov.u32 @p0 s18  }
0xd: {  	s17 =	simm.s32 $0x5000;
	s18 =	simm.s32 $0x2800;
	s13 =	smul.u32 $0x500, s5  }
0xe: {  	s5 =	sadd.s32 $0x18C00, s7;
	s19 =	ssub.s32 s8, s9;
	s8 =	sadd.s32 s15, s3  }
0xf: {  	s12 =	smax.u32 s19, $0x1;
	s19 =	simm.s32 $0x5080;
	s10 =	sadd.s32 s13, s7  }
0x10: {  	s7 =	sadd.s32 s15, s2;
	s11 =	sadd.s32 s11, s13;
	s15 =	sshrl.u32 s15, $0x3  }
0x11: {  	s9 =	sadd.s32 $0xEA00, s10;
	s10 =	sadd.s32 $0x4A00, s10;
	s13 =	sadd.s32 s14, s15  }
0x12: {  	s14 =	sadd.s32 s16, s15;
	s15 =	simm.s32 $0x7880;
	s16 =	simm.s32 $0x2  }
.LBB2_1:
0x13: {  	[tilespmem:s15], [sflag:$0x2] =	stream.linear.gather [hbm4b:s6+s4], $0x280, $0x38;
	[tilespmem:$0x8000] =	vst v63  }
0x14: {  	_ =	swait.ge [sflag:s16], $0x280  }
0x15: {  	[sflag:s16] =	ssyncset.done $0x0  }
0x16: {  	[sflag:s16] =	ssyncadd.s32 $0xFFFFFD80  }
0x17: {  	[tilespmem:s17], [sflag:$0x2] =	stream.linear.gather [hbm4b:s5+s4], $0x80, $0x38;
	[tilespmem:$0x8000] =	vst v63  }
0x18: {  	_ =	swait.ge [sflag:s16], $0x80  }
0x19: {  	[sflag:s16] =	ssyncset.done $0x0  }
0x1a: {  	[sflag:s16] =	ssyncadd.s32 $0xFFFFFF80  }
0x1b: {  	[spmem:s7] =	stream.linear.scatter [tilespmem:s15], [sflag:$0x2], $0x280, $0x38;
	[tilespmem:$0x8000] =	vst v63  }
0x1c: {  	_ =	swait.ge [sflag:s16], $0x280  }
0x1d: {  	[sflag:s16] =	ssyncset.done $0x0  }
0x1e: {  	[sflag:s16] =	ssyncadd.s32 $0xFFFFFD80  }
0x1f: {  	[spmem:s8] =	stream.linear.scatter [tilespmem:s15], [sflag:$0x2], $0x280, $0x38;
	[tilespmem:$0x8000] =	vst v63  }
0x20: {  	_ =	swait.ge [sflag:s16], $0x280  }
0x21: {  	[sflag:s16] =	ssyncset.done $0x0  }
0x22: {  	[sflag:s16] =	ssyncadd.s32 $0xFFFFFD80  }
0x23: {  	[tilespmem:s4], [sflag:$0x2] =	stream.linear.gather [hbm4b:s9+s4], $0x2800, $0x38;
	[tilespmem:$0x8000] =	vst v63  }
0x24: {  	_ =	swait.ge [sflag:s16], $0x2800  }
0x25: {  	[sflag:s16] =	ssyncset.done $0x0  }
0x26: {  	[sflag:s16] =	ssyncadd.s32 $0xFFFFD800  }
0x27: {  	[tilespmem:s18], [sflag:$0x2] =	stream.linear.gather [hbm4b:s10+s4], $0x2800, $0x38;
	[tilespmem:$0x8000] =	vst v63  }
0x28: {  	_ =	swait.ge [sflag:s16], $0x2800  }
0x29: {  	[sflag:s16] =	ssyncset.done $0x0  }
0x2a: {  	[sflag:s16] =	ssyncadd.s32 $0xFFFFD800  }
0x2b: {  	[tilespmem:s19], [sflag:$0x2] =	stream.linear.gather [hbm4b:s11+s4], $0x2800, $0x38;
	[tilespmem:$0x8000] =	vst v63  }
0x2c: {  	_ =	swait.ge [sflag:s16], $0x2800  }
0x2d: {  	[sflag:s16] =	ssyncset.done $0x0  }
0x2e: {  	[sflag:s16] =	ssyncadd.s32 $0xFFFFD800  }
0x2f: {  	s24 =	simm.s32 $0x0;
	[bflag:$0x0] =	sbarrier.arrive $0xFFFF  }
0x30: {  	[spmem:s2] =	stream.indirect.scatter.add.f32 [tilespmem:s17], [sflag:$0x1], $0x1, s24, s20, $0xb8;
	[tilespmem:$0x8000] =	vst v63  }
0x31: {  	s26 =	simm.s32 $0x5080;
	s25 =	simm.s32 $0x2800  }
0x32: {  	[spmem:s3] =	stream.indirect.scatter.add.f32 [tilespmem:s26], [sflag:$0x1], $0x1, s25, s20, $0xb8;
	[tilespmem:$0x8000] =	vst v63  }
0x33: {  	s29 =	simm.s32 $0x80  }
0x34: {  	[spmem:s2] =	stream.indirect.scatter.add.f32 [tilespmem:s17], [sflag:$0x1], $0x1, s29, s20, $0xb8;
	[tilespmem:$0x8000] =	vst v63  }
0x35: {  	s30 =	simm.s32 $0x5100;
	s31 =	simm.s32 $0x2880  }
0x36: {  	[spmem:s3] =	stream.indirect.scatter.add.f32 [tilespmem:s30], [sflag:$0x1], $0x1, s31, s20, $0xb8;
	[tilespmem:$0x8000] =	vst v63  }
0x37: {  	s26 =	simm.s32 $0x100  }
0x38: {  	[spmem:s2] =	stream.indirect.scatter.add.f32 [tilespmem:s17], [sflag:$0x1], $0x1, s26, s20, $0xb8;
	[tilespmem:$0x8000] =	vst v63  }
0x39: {  	s29 =	simm.s32 $0x5180;
	s30 =	simm.s32 $0x2900  }
0x3a: {  	[spmem:s3] =	stream.indirect.scatter.add.f32 [tilespmem:s29], [sflag:$0x1], $0x1, s30, s20, $0xb8;
	[tilespmem:$0x8000] =	vst v63  }
0x3b: {  	s31 =	simm.s32 $0x180  }
0x3c: {  	[spmem:s2] =	stream.indirect.scatter.add.f32 [tilespmem:s17], [sflag:$0x1], $0x1, s31, s20, $0xb8;
	[tilespmem:$0x8000] =	vst v63  }
0x3d: {  	s25 =	simm.s32 $0x5200;
	s26 =	simm.s32 $0x2980  }
0x3e: {  	[spmem:s3] =	stream.indirect.scatter.add.f32 [tilespmem:s25], [sflag:$0x1], $0x1, s26, s20, $0xb8;
	[tilespmem:$0x8000] =	vst v63  }
0x3f: {  	s29 =	simm.s32 $0x200  }
0x40: {  	[spmem:s2] =	stream.indirect.scatter.add.f32 [tilespmem:s17], [sflag:$0x1], $0x1, s29, s20, $0xb8;
	[tilespmem:$0x8000] =	vst v63  }
0x41: {  	s30 =	simm.s32 $0x5280;
	s31 =	simm.s32 $0x2A00  }
0x42: {  	[spmem:s3] =	stream.indirect.scatter.add.f32 [tilespmem:s30], [sflag:$0x1], $0x1, s31, s20, $0xb8;
	[tilespmem:$0x8000] =	vst v63  }
0x43: {  	s26 =	simm.s32 $0x280  }
0x44: {  	[spmem:s2] =	stream.indirect.scatter.add.f32 [tilespmem:s17], [sflag:$0x1], $0x1, s26, s20, $0xb8;
	[tilespmem:$0x8000] =	vst v63  }
0x45: {  	s29 =	simm.s32 $0x5300;
	s30 =	simm.s32 $0x2A80  }
0x46: {  	[spmem:s3] =	stream.indirect.scatter.add.f32 [tilespmem:s29], [sflag:$0x1], $0x1, s30, s20, $0xb8;
	[tilespmem:$0x8000] =	vst v63  }
0x47: {  	s31 =	simm.s32 $0x300  }
0x48: {  	[spmem:s2] =	stream.indirect.scatter.add.f32 [tilespmem:s17], [sflag:$0x1], $0x1, s31, s20, $0xb8;
	[tilespmem:$0x8000] =	vst v63  }
0x49: {  	s25 =	simm.s32 $0x5380;
	s26 =	simm.s32 $0x2B00  }
0x4a: {  	[spmem:s3] =	stream.indirect.scatter.add.f32 [tilespmem:s25], [sflag:$0x1], $0x1, s26, s20, $0xb8;
	[tilespmem:$0x8000] =	vst v63  }
0x4b: {  	s29 =	simm.s32 $0x380  }
0x4c: {  	[spmem:s2] =	stream.indirect.scatter.add.f32 [tilespmem:s17], [sflag:$0x1], $0x1, s29, s20, $0xb8;
	[tilespmem:$0x8000] =	vst v63  }
0x4d: {  	s30 =	simm.s32 $0x5400;
	s31 =	simm.s32 $0x2B80  }
0x4e: {  	[spmem:s3] =	stream.indirect.scatter.add.f32 [tilespmem:s30], [sflag:$0x1], $0x1, s31, s20, $0xb8;
	[tilespmem:$0x8000] =	vst v63  }
0x4f: {  	_ =	swait.ge [sflag:s21], $0x7D  }
0x50: {  	[sflag:s21] =	ssyncset.done $0x0  }
0x51: {  	[sflag:s21] =	ssyncadd.s32 $0xFFFFFF83  }
0x52: {  	_ =	swait.ge [sflag:s21], $0x7D  }
0x53: {  	[sflag:s21] =	ssyncset.done $0x0  }
0x54: {  	[sflag:s21] =	ssyncadd.s32 $0xFFFFFF83  }
0x55: {  	_ =	swait.ge [sflag:s21], $0x7D  }
0x56: {  	[sflag:s21] =	ssyncset.done $0x0  }
0x57: {  	[sflag:s21] =	ssyncadd.s32 $0xFFFFFF83  }
0x58: {  	_ =	swait.ge [sflag:s21], $0x7D  }
0x59: {  	[sflag:s21] =	ssyncset.done $0x0  }
0x5a: {  	[sflag:s21] =	ssyncadd.s32 $0xFFFFFF83  }
0x5b: {  	_ =	swait.ge [sflag:s21], $0x7D  }
0x5c: {  	[sflag:s21] =	ssyncset.done $0x0  }
0x5d: {  	[sflag:s21] =	ssyncadd.s32 $0xFFFFFF83  }
0x5e: {  	_ =	swait.ge [sflag:s21], $0x7D  }
0x5f: {  	[sflag:s21] =	ssyncset.done $0x0  }
0x60: {  	[sflag:s21] =	ssyncadd.s32 $0xFFFFFF83  }
0x61: {  	_ =	swait.ge [sflag:s21], $0x7D  }
0x62: {  	[sflag:s21] =	ssyncset.done $0x0  }
0x63: {  	[sflag:s21] =	ssyncadd.s32 $0xFFFFFF83  }
0x64: {  	_ =	swait.ge [sflag:s21], $0x7D  }
0x65: {  	[sflag:s21] =	ssyncset.done $0x0  }
0x66: {  	[sflag:s21] =	ssyncadd.s32 $0xFFFFFF83  }
0x67: {  	_ =	swait.ge [sflag:s21], $0x7D  }
0x68: {  	[sflag:s21] =	ssyncset.done $0x0  }
0x69: {  	[sflag:s21] =	ssyncadd.s32 $0xFFFFFF83  }
0x6a: {  	_ =	swait.ge [sflag:s21], $0x7D  }
0x6b: {  	[sflag:s21] =	ssyncset.done $0x0  }
0x6c: {  	[sflag:s21] =	ssyncadd.s32 $0xFFFFFF83  }
0x6d: {  	_ =	swait.ge [sflag:s21], $0x7D  }
0x6e: {  	[sflag:s21] =	ssyncset.done $0x0  }
0x6f: {  	[sflag:s21] =	ssyncadd.s32 $0xFFFFFF83  }
0x70: {  	_ =	swait.ge [sflag:s21], $0x7D  }
0x71: {  	[sflag:s21] =	ssyncset.done $0x0  }
0x72: {  	[sflag:s21] =	ssyncadd.s32 $0xFFFFFF83  }
0x73: {  	_ =	swait.ge [sflag:s21], $0x7D  }
0x74: {  	[sflag:s21] =	ssyncset.done $0x0  }
0x75: {  	[sflag:s21] =	ssyncadd.s32 $0xFFFFFF83  }
0x76: {  	_ =	swait.ge [sflag:s21], $0x7D  }
0x77: {  	[sflag:s21] =	ssyncset.done $0x0  }
0x78: {  	[sflag:s21] =	ssyncadd.s32 $0xFFFFFF83  }
0x79: {  	_ =	swait.ge [sflag:s21], $0x7D  }
0x7a: {  	[sflag:s21] =	ssyncset.done $0x0  }
0x7b: {  	[sflag:s21] =	ssyncadd.s32 $0xFFFFFF83  }
0x7c: {  	_ =	swait.ge [sflag:s21], $0x7D  }
0x7d: {  	s28 =	simm.s32 $0x2000;
	s24 =	simm.s32 $0x1000;
	[sflag:s21] =	ssyncset.done $0x0  }
.LBB2_2:
0x7e: {  	s26 =	sshra.s32 s24, $0x2  }
0x7f: {  	[sflag:s21] =	ssyncadd.s32 $0xFFFFFF83;
	s24 =	smov.u32 s28;
	s25 =	sadd.s32 $0x1000, s28  }
0x80: {  	[spmem:s2] =	stream.indirect.scatter.add.f32 [tilespmem:s17], [sflag:$0x1], $0x1, s26, s20, $0xb8;
	[tilespmem:$0x8000] =	vst v63  }
0x81: {  	p0 =	sne.s32 s28, $0x9000;
	s28 =	sadd.s32 $0x5080, s26;
	s29 =	sadd.s32 $0x2800, s26  }
0x82: {  	[spmem:s3] =	stream.indirect.scatter.add.f32 [tilespmem:s28], [sflag:$0x1], $0x1, s29, s20, $0xb8;
	[tilespmem:$0x8000] =	vst v63  }
0x83: {  	s28 =	sadd.s32 $0x80, s26  }
0x84: {  	[spmem:s2] =	stream.indirect.scatter.add.f32 [tilespmem:s17], [sflag:$0x1], $0x1, s28, s20, $0xb8;
	[tilespmem:$0x8000] =	vst v63  }
0x85: {  	s29 =	sadd.s32 $0x2880, s26;
	s28 =	sadd.s32 $0x5100, s26  }
0x86: {  	[spmem:s3] =	stream.indirect.scatter.add.f32 [tilespmem:s28], [sflag:$0x1], $0x1, s29, s20, $0xb8;
	[tilespmem:$0x8000] =	vst v63  }
0x87: {  	s28 =	sadd.s32 $0x100, s26  }
0x88: {  	[spmem:s2] =	stream.indirect.scatter.add.f32 [tilespmem:s17], [sflag:$0x1], $0x1, s28, s20, $0xb8;
	[tilespmem:$0x8000] =	vst v63  }
0x89: {  	s29 =	sadd.s32 $0x2900, s26;
	s28 =	sadd.s32 $0x5180, s26  }
0x8a: {  	[spmem:s3] =	stream.indirect.scatter.add.f32 [tilespmem:s28], [sflag:$0x1], $0x1, s29, s20, $0xb8;
	[tilespmem:$0x8000] =	vst v63  }
0x8b: {  	s28 =	sadd.s32 $0x180, s26  }
0x8c: {  	[spmem:s2] =	stream.indirect.scatter.add.f32 [tilespmem:s17], [sflag:$0x1], $0x1, s28, s20, $0xb8;
	[tilespmem:$0x8000] =	vst v63  }
0x8d: {  	s29 =	sadd.s32 $0x2980, s26;
	s28 =	sadd.s32 $0x5200, s26  }
0x8e: {  	[spmem:s3] =	stream.indirect.scatter.add.f32 [tilespmem:s28], [sflag:$0x1], $0x1, s29, s20, $0xb8;
	[tilespmem:$0x8000] =	vst v63  }
0x8f: {  	s28 =	sadd.s32 $0x200, s26  }
0x90: {  	[spmem:s2] =	stream.indirect.scatter.add.f32 [tilespmem:s17], [sflag:$0x1], $0x1, s28, s20, $0xb8;
	[tilespmem:$0x8000] =	vst v63  }
0x91: {  	s29 =	sadd.s32 $0x2A00, s26;
	s28 =	sadd.s32 $0x5280, s26  }
0x92: {  	[spmem:s3] =	stream.indirect.scatter.add.f32 [tilespmem:s28], [sflag:$0x1], $0x1, s29, s20, $0xb8;
	[tilespmem:$0x8000] =	vst v63  }
0x93: {  	s28 =	sadd.s32 $0x280, s26  }
0x94: {  	[spmem:s2] =	stream.indirect.scatter.add.f32 [tilespmem:s17], [sflag:$0x1], $0x1, s28, s20, $0xb8;
	[tilespmem:$0x8000] =	vst v63  }
0x95: {  	s29 =	sadd.s32 $0x2A80, s26;
	s28 =	sadd.s32 $0x5300, s26  }
0x96: {  	[spmem:s3] =	stream.indirect.scatter.add.f32 [tilespmem:s28], [sflag:$0x1], $0x1, s29, s20, $0xb8;
	[tilespmem:$0x8000] =	vst v63  }
0x97: {  	s28 =	sadd.s32 $0x300, s26  }
0x98: {  	[spmem:s2] =	stream.indirect.scatter.add.f32 [tilespmem:s17], [sflag:$0x1], $0x1, s28, s20, $0xb8;
	[tilespmem:$0x8000] =	vst v63  }
0x99: {  	s29 =	sadd.s32 $0x2B00, s26;
	s28 =	sadd.s32 $0x5380, s26  }
0x9a: {  	[spmem:s3] =	stream.indirect.scatter.add.f32 [tilespmem:s28], [sflag:$0x1], $0x1, s29, s20, $0xb8;
	[tilespmem:$0x8000] =	vst v63  }
0x9b: {  	s28 =	sadd.s32 $0x380, s26  }
0x9c: {  	[spmem:s2] =	stream.indirect.scatter.add.f32 [tilespmem:s17], [sflag:$0x1], $0x1, s28, s20, $0xb8;
	[tilespmem:$0x8000] =	vst v63  }
0x9d: {  	s28 =	sadd.s32 $0x5400, s26;
	s26 =	sadd.s32 $0x2B80, s26  }
0x9e: {  	[spmem:s3] =	stream.indirect.scatter.add.f32 [tilespmem:s28], [sflag:$0x1], $0x1, s26, s20, $0xb8;
	[tilespmem:$0x8000] =	vst v63  }
0x9f: {  	_ =	swait.ge [sflag:s21], $0x7D  }
0xa0: {  	[sflag:s21] =	ssyncset.done $0x0  }
0xa1: {  	[sflag:s21] =	ssyncadd.s32 $0xFFFFFF83  }
0xa2: {  	_ =	swait.ge [sflag:s21], $0x7D  }
0xa3: {  	[sflag:s21] =	ssyncset.done $0x0  }
0xa4: {  	[sflag:s21] =	ssyncadd.s32 $0xFFFFFF83  }
0xa5: {  	_ =	swait.ge [sflag:s21], $0x7D  }
0xa6: {  	[sflag:s21] =	ssyncset.done $0x0  }
0xa7: {  	[sflag:s21] =	ssyncadd.s32 $0xFFFFFF83  }
0xa8: {  	_ =	swait.ge [sflag:s21], $0x7D  }
0xa9: {  	[sflag:s21] =	ssyncset.done $0x0  }
0xaa: {  	[sflag:s21] =	ssyncadd.s32 $0xFFFFFF83  }
0xab: {  	_ =	swait.ge [sflag:s21], $0x7D  }
0xac: {  	[sflag:s21] =	ssyncset.done $0x0  }
0xad: {  	[sflag:s21] =	ssyncadd.s32 $0xFFFFFF83  }
0xae: {  	_ =	swait.ge [sflag:s21], $0x7D  }
0xaf: {  	[sflag:s21] =	ssyncset.done $0x0  }
0xb0: {  	[sflag:s21] =	ssyncadd.s32 $0xFFFFFF83  }
0xb1: {  	_ =	swait.ge [sflag:s21], $0x7D  }
0xb2: {  	[sflag:s21] =	ssyncset.done $0x0  }
0xb3: {  	[sflag:s21] =	ssyncadd.s32 $0xFFFFFF83  }
0xb4: {  	_ =	swait.ge [sflag:s21], $0x7D  }
0xb5: {  	[sflag:s21] =	ssyncset.done $0x0  }
0xb6: {  	[sflag:s21] =	ssyncadd.s32 $0xFFFFFF83  }
0xb7: {  	_ =	swait.ge [sflag:s21], $0x7D  }
0xb8: {  	[sflag:s21] =	ssyncset.done $0x0  }
0xb9: {  	[sflag:s21] =	ssyncadd.s32 $0xFFFFFF83  }
0xba: {  	_ =	swait.ge [sflag:s21], $0x7D  }
0xbb: {  	[sflag:s21] =	ssyncset.done $0x0  }
0xbc: {  	[sflag:s21] =	ssyncadd.s32 $0xFFFFFF83  }
0xbd: {  	_ =	swait.ge [sflag:s21], $0x7D  }
0xbe: {  	[sflag:s21] =	ssyncset.done $0x0  }
0xbf: {  	[sflag:s21] =	ssyncadd.s32 $0xFFFFFF83  }
0xc0: {  	_ =	swait.ge [sflag:s21], $0x7D  }
0xc1: {  	[sflag:s21] =	ssyncset.done $0x0  }
0xc2: {  	[sflag:s21] =	ssyncadd.s32 $0xFFFFFF83  }
0xc3: {  	_ =	swait.ge [sflag:s21], $0x7D  }
0xc4: {  	[sflag:s21] =	ssyncset.done $0x0  }
0xc5: {  	[sflag:s21] =	ssyncadd.s32 $0xFFFFFF83  }
0xc6: {  	_ =	swait.ge [sflag:s21], $0x7D  }
0xc7: {  	[sflag:s21] =	ssyncset.done $0x0  }
0xc8: {  	[sflag:s21] =	ssyncadd.s32 $0xFFFFFF83  }
.Ltmp0:
0xc9: {  	_ =	swait.ge [sflag:s21], $0x7D;
	(pc) =	sbr.rel @p0 .LBB2_2-.Ltmp0, $4  }
0xca: {  	[sflag:s21] =	ssyncset.done $0x0  }
0xcb: {  	[sflag:s21] =	ssyncadd.s32 $0xFFFFFF83  }
0xcc: {  	_ =	swait.ge [sflag:s21], $0x7D  }
0xcd: {  	s28 =	smov.u32 s25;
	[sflag:s21] =	ssyncset.done $0x0  }
0xce: {  	s24 =	sshra.s32 s24, $0x2;
	[sflag:s21] =	ssyncadd.s32 $0xFFFFFF83  }
0xcf: {  	[spmem:s2] =	stream.indirect.scatter.add.f32 [tilespmem:s17], [sflag:$0x1], $0x1, s24, s20, $0xb8;
	[tilespmem:$0x8000] =	vst v63  }
0xd0: {  	s25 =	sadd.s32 $0x5080, s24;
	s26 =	sadd.s32 $0x2800, s24  }
0xd1: {  	[spmem:s3] =	stream.indirect.scatter.add.f32 [tilespmem:s25], [sflag:$0x1], $0x1, s26, s20, $0xb8;
	[tilespmem:$0x8000] =	vst v63  }
0xd2: {  	s28 =	sadd.s32 $0x80, s24  }
0xd3: {  	[spmem:s2] =	stream.indirect.scatter.add.f32 [tilespmem:s17], [sflag:$0x1], $0x1, s28, s20, $0xb8;
	[tilespmem:$0x8000] =	vst v63  }
0xd4: {  	s29 =	sadd.s32 $0x5100, s24;
	s30 =	sadd.s32 $0x2880, s24  }
0xd5: {  	[spmem:s3] =	stream.indirect.scatter.add.f32 [tilespmem:s29], [sflag:$0x1], $0x1, s30, s20, $0xb8;
	[tilespmem:$0x8000] =	vst v63  }
0xd6: {  	s31 =	sadd.s32 $0x100, s24  }
0xd7: {  	[spmem:s2] =	stream.indirect.scatter.add.f32 [tilespmem:s17], [sflag:$0x1], $0x1, s31, s20, $0xb8;
	[tilespmem:$0x8000] =	vst v63  }
0xd8: {  	s26 =	sadd.s32 $0x5180, s24;
	s28 =	sadd.s32 $0x2900, s24  }
0xd9: {  	[spmem:s3] =	stream.indirect.scatter.add.f32 [tilespmem:s26], [sflag:$0x1], $0x1, s28, s20, $0xb8;
	[tilespmem:$0x8000] =	vst v63  }
0xda: {  	s29 =	sadd.s32 $0x180, s24  }
0xdb: {  	[spmem:s2] =	stream.indirect.scatter.add.f32 [tilespmem:s17], [sflag:$0x1], $0x1, s29, s20, $0xb8;
	[tilespmem:$0x8000] =	vst v63  }
0xdc: {  	s30 =	sadd.s32 $0x5200, s24;
	s31 =	sadd.s32 $0x2980, s24  }
0xdd: {  	[spmem:s3] =	stream.indirect.scatter.add.f32 [tilespmem:s30], [sflag:$0x1], $0x1, s31, s20, $0xb8;
	[tilespmem:$0x8000] =	vst v63  }
0xde: {  	s28 =	sadd.s32 $0x200, s24  }
0xdf: {  	[spmem:s2] =	stream.indirect.scatter.add.f32 [tilespmem:s17], [sflag:$0x1], $0x1, s28, s20, $0xb8;
	[tilespmem:$0x8000] =	vst v63  }
0xe0: {  	s29 =	sadd.s32 $0x5280, s24;
	s30 =	sadd.s32 $0x2A00, s24  }
0xe1: {  	[spmem:s3] =	stream.indirect.scatter.add.f32 [tilespmem:s29], [sflag:$0x1], $0x1, s30, s20, $0xb8;
	[tilespmem:$0x8000] =	vst v63  }
0xe2: {  	s31 =	sadd.s32 $0x280, s24  }
0xe3: {  	[spmem:s2] =	stream.indirect.scatter.add.f32 [tilespmem:s17], [sflag:$0x1], $0x1, s31, s20, $0xb8;
	[tilespmem:$0x8000] =	vst v63  }
0xe4: {  	s26 =	sadd.s32 $0x5300, s24;
	s28 =	sadd.s32 $0x2A80, s24  }
0xe5: {  	[spmem:s3] =	stream.indirect.scatter.add.f32 [tilespmem:s26], [sflag:$0x1], $0x1, s28, s20, $0xb8;
	[tilespmem:$0x8000] =	vst v63  }
0xe6: {  	s29 =	sadd.s32 $0x300, s24  }
0xe7: {  	[spmem:s2] =	stream.indirect.scatter.add.f32 [tilespmem:s17], [sflag:$0x1], $0x1, s29, s20, $0xb8;
	[tilespmem:$0x8000] =	vst v63  }
0xe8: {  	s30 =	sadd.s32 $0x5380, s24;
	s31 =	sadd.s32 $0x2B00, s24  }
0xe9: {  	[spmem:s3] =	stream.indirect.scatter.add.f32 [tilespmem:s30], [sflag:$0x1], $0x1, s31, s20, $0xb8;
	[tilespmem:$0x8000] =	vst v63  }
0xea: {  	s28 =	sadd.s32 $0x380, s24  }
0xeb: {  	[spmem:s2] =	stream.indirect.scatter.add.f32 [tilespmem:s17], [sflag:$0x1], $0x1, s28, s20, $0xb8;
	[tilespmem:$0x8000] =	vst v63  }
0xec: {  	s29 =	sadd.s32 $0x5400, s24;
	s24 =	sadd.s32 $0x2B80, s24  }
0xed: {  	[spmem:s3] =	stream.indirect.scatter.add.f32 [tilespmem:s29], [sflag:$0x1], $0x1, s24, s20, $0xb8;
	[tilespmem:$0x8000] =	vst v63  }
0xee: {  	_ =	swait.ge [sflag:s21], $0x7D  }
0xef: {  	[sflag:s21] =	ssyncset.done $0x0  }
0xf0: {  	[sflag:s21] =	ssyncadd.s32 $0xFFFFFF83  }
0xf1: {  	_ =	swait.ge [sflag:s21], $0x7D  }
0xf2: {  	[sflag:s21] =	ssyncset.done $0x0  }
0xf3: {  	[sflag:s21] =	ssyncadd.s32 $0xFFFFFF83  }
0xf4: {  	_ =	swait.ge [sflag:s21], $0x7D  }
0xf5: {  	[sflag:s21] =	ssyncset.done $0x0  }
0xf6: {  	[sflag:s21] =	ssyncadd.s32 $0xFFFFFF83  }
0xf7: {  	_ =	swait.ge [sflag:s21], $0x7D  }
0xf8: {  	[sflag:s21] =	ssyncset.done $0x0  }
0xf9: {  	[sflag:s21] =	ssyncadd.s32 $0xFFFFFF83  }
0xfa: {  	_ =	swait.ge [sflag:s21], $0x7D  }
0xfb: {  	[sflag:s21] =	ssyncset.done $0x0  }
0xfc: {  	[sflag:s21] =	ssyncadd.s32 $0xFFFFFF83  }
0xfd: {  	_ =	swait.ge [sflag:s21], $0x7D  }
0xfe: {  	[sflag:s21] =	ssyncset.done $0x0  }
0xff: {  	[sflag:s21] =	ssyncadd.s32 $0xFFFFFF83  }
0x100: {  	_ =	swait.ge [sflag:s21], $0x7D  }
0x101: {  	[sflag:s21] =	ssyncset.done $0x0  }
0x102: {  	[sflag:s21] =	ssyncadd.s32 $0xFFFFFF83  }
0x103: {  	_ =	swait.ge [sflag:s21], $0x7D  }
0x104: {  	[sflag:s21] =	ssyncset.done $0x0  }
0x105: {  	[sflag:s21] =	ssyncadd.s32 $0xFFFFFF83  }
0x106: {  	_ =	swait.ge [sflag:s21], $0x7D  }
0x107: {  	[sflag:s21] =	ssyncset.done $0x0  }
0x108: {  	[sflag:s21] =	ssyncadd.s32 $0xFFFFFF83  }
0x109: {  	_ =	swait.ge [sflag:s21], $0x7D  }
0x10a: {  	[sflag:s21] =	ssyncset.done $0x0  }
0x10b: {  	[sflag:s21] =	ssyncadd.s32 $0xFFFFFF83  }
0x10c: {  	_ =	swait.ge [sflag:s21], $0x7D  }
0x10d: {  	[sflag:s21] =	ssyncset.done $0x0  }
0x10e: {  	[sflag:s21] =	ssyncadd.s32 $0xFFFFFF83  }
0x10f: {  	_ =	swait.ge [sflag:s21], $0x7D  }
0x110: {  	[sflag:s21] =	ssyncset.done $0x0  }
0x111: {  	[sflag:s21] =	ssyncadd.s32 $0xFFFFFF83  }
0x112: {  	_ =	swait.ge [sflag:s21], $0x7D  }
0x113: {  	[sflag:s21] =	ssyncset.done $0x0  }
0x114: {  	[sflag:s21] =	ssyncadd.s32 $0xFFFFFF83  }
0x115: {  	_ =	swait.ge [sflag:s21], $0x7D  }
0x116: {  	[sflag:s21] =	ssyncset.done $0x0  }
0x117: {  	[sflag:s21] =	ssyncadd.s32 $0xFFFFFF83  }
0x118: {  	_ =	swait.ge [sflag:s21], $0x7D  }
0x119: {  	[sflag:s21] =	ssyncset.done $0x0  }
0x11a: {  	[sflag:s21] =	ssyncadd.s32 $0xFFFFFF83  }
0x11b: {  	_ =	swait.ge [sflag:s21], $0x7D  }
0x11c: {  	[sflag:s21] =	ssyncset.done $0x0  }
0x11d: {  	[sflag:s21] =	ssyncadd.s32 $0xFFFFFF83  }
0x11e: {  	s30 =	sshrl.u32 s7, $0x3;
	[bflag:$0x0] =	sbarrier.arrive $0xFFFF  }
0x11f: {  	[hbm:s13], [sflag:s22] =	dma.local [spmem:s30], $0x50  }
0x120: {  	s23 =	sadd.s32 $0x1, s23;
	_ =	swait.ge [sflag:s16], $0x50  }
0x121: {  	p0 =	sne.s32 s23, s12;
	[sflag:s16] =	ssyncset.done $0x0  }
.Ltmp1:
0x122: {  	s31 =	sshrl.u32 s8, $0x3;
	[sflag:s16] =	ssyncadd.s32 $0xFFFFFFB0;
	(pc) =	sbr.rel @p0 .LBB2_1-.Ltmp1, $4  }
0x123: {  	[hbm:s14], [sflag:s22] =	dma.local [spmem:s31], $0x50  }
0x124: {  	_ =	swait.ge [sflag:s16], $0x50  }
0x125: {  	[sflag:s16] =	ssyncset.done $0x0  }
0x126: {  	[sflag:s16] =	ssyncadd.s32 $0xFFFFFFB0  }
0x127: {  	_ =	sfence.sel $0x180000  }
0x128: {  	[bflag:$0x0] =	sbarrier.arrive $0xFFFF  }
0x129: {  	p0 =	sne.s32 s1, $0x0;
	_ =	strace $0x90000047  }
0x12a: {  	s0 =	sadd.s32 @!p0 $0x100000, s0;
	[bflag:$0x2] =	sbarrier.arrive $0xFFFF  }
0x12b: {  	[sflag:s0] =	ssyncadd.tile.s32 @!p0 $0x1;
	_ =	shalt  }
.Lfunc_end2:
_tile_overlayer_lowered:
.L_overlay_start_2:
0x12c: {  	(tag) =	ssettag $0x2  }
0x12d: {  	s0 =	rddreg [dreg:$0x0];
	s2 =	stileid.u32  }
0x12e: {  	s1 =	rddreg [dreg:$0x1];
	p0 =	sne.s32 s2, $0x0  }
0x12f: {  	s3 =	rddreg [dreg:$0x2];
	[bflag:$0x3] =	sbarrier.arrive $0xFFFF;
	s2 =	simm.s32 @!p0 $0x1C02  }
0x130: {  	[timem:s3], [sflag:s2] =	dma.local @!p0 [hbm:s0], s1  }
0x131: {  	s0 =	simm.s32 @!p0 $0x2  }
0x132: {  	_ =	swait.ge @!p0 [sflag:s0], s1  }
0x133: {  	s1 =	ssub.s32 @!p0 $0x0, s1;
	[sflag:s0] =	ssyncset.done @!p0 $0x0  }
0x134: {  	[sflag:s0] =	ssyncadd.s32 @!p0 s1  }
0x135: {  	[bflag:$0x3] =	sbarrier.arrive $0xFFFF  }
0x136: {  	_ =	shalt  }

</sc_bundles>
